<compile_context>
chip_gen: v7x
topology: tpu7x:2x2x1
jax: 0.10.2.dev20260603
libtpu: 0.0.44.dev20260713+nightly
codegen_flags: <defaults>
</compile_context>

<pallas_src>
import functools

import jax
import jax.numpy as jnp
from jax import lax
from jax.experimental import pallas as pl
from jax.experimental.pallas import tpu as pltpu
from jax.experimental.pallas import tpu_sc as plsc

N = 10000
E = 320000
H = 128
HH = 64
CH = 32
ROWS = E // CH
NC = 2
NS = 16
RPT = ROWS // NS
NPT = N // NS
NBLK = 400
EBLK = 2000

_f32 = jnp.float32



def _t1_body(xa_ref, wi_ref, bi_ref, wn_ref, bn_ref,
             h_ref, ah_ref, srct_ref, dstt_ref):
    h = jnp.dot(xa_ref[...], wi_ref[...], preferred_element_type=_f32) + bi_ref[...]
    hb = jnp.dot(h, wn_ref[...], preferred_element_type=_f32) + bn_ref[...]
    h_ref[...] = h
    ah_ref[...] = hb[:, 0:128]
    bh = hb[:, 128:256]
    dh = hb[:, 256:384]
    eh = hb[:, 384:512]
    srct_ref[...] = jnp.stack([
        jnp.concatenate([dh[:, 0:64], bh[:, 0:64]], axis=1),
        jnp.concatenate([dh[:, 64:128], bh[:, 64:128]], axis=1),
    ], axis=0)
    dstt_ref[...] = eh


def _t3_body(h_ref, ah_ref, acc_ref, wn_ref, bn_ref,
             h1_ref, ah_ref_o, srct_ref, dstt_ref):
    acc = acc_ref[...]
    num = jnp.concatenate([acc[0, :, 0:64], acc[1, :, 0:64]], axis=1)
    den = jnp.concatenate([acc[0, :, 64:128], acc[1, :, 64:128]], axis=1)
    h1 = h_ref[...] + jnp.maximum(ah_ref[...] + num / (den + 1e-6), 0.0)
    hb = jnp.dot(h1, wn_ref[...], preferred_element_type=_f32) + bn_ref[...]
    h1_ref[...] = h1
    ah_ref_o[...] = hb[:, 0:128]
    bh = hb[:, 128:256]
    dh = hb[:, 256:384]
    eh = hb[:, 384:512]
    srct_ref[...] = jnp.stack([
        jnp.concatenate([dh[:, 0:64], bh[:, 0:64]], axis=1),
        jnp.concatenate([dh[:, 64:128], bh[:, 64:128]], axis=1),
    ], axis=0)
    dstt_ref[...] = eh


def _node_layer(xa, wi, bi, wn, bn, first):
    n = xa.shape[0]
    grid = n // NBLK
    kdim = xa.shape[-1]
    if first:
        body = _t1_body
        in_specs = [
            pl.BlockSpec((NBLK, kdim), lambda i: (i, 0)),
            pl.BlockSpec((kdim, 128), lambda i: (0, 0)),
            pl.BlockSpec((1, 128), lambda i: (0, 0)),
            pl.BlockSpec((128, 512), lambda i: (0, 0)),
            pl.BlockSpec((1, 512), lambda i: (0, 0)),
        ]
        args = (xa, wi, bi.reshape(1, 128), wn, bn.reshape(1, 512))
    else:
        body = _t3_body
        in_specs = [
            pl.BlockSpec((NBLK, 128), lambda i: (i, 0)),
            pl.BlockSpec((NBLK, 128), lambda i: (i, 0)),
            pl.BlockSpec((2, NBLK, 128), lambda i: (0, i, 0)),
            pl.BlockSpec((128, 512), lambda i: (0, 0)),
            pl.BlockSpec((1, 512), lambda i: (0, 0)),
        ]
        args = (xa, wi, bi, wn, bn.reshape(1, 512))
    return pl.pallas_call(
        body,
        grid=(grid,),
        in_specs=in_specs,
        out_specs=[
            pl.BlockSpec((NBLK, 128), lambda i: (i, 0)),
            pl.BlockSpec((NBLK, 128), lambda i: (i, 0)),
            pl.BlockSpec((2, NBLK, 128), lambda i: (0, i, 0)),
            pl.BlockSpec((NBLK, 128), lambda i: (i, 0)),
        ],
        out_shape=[
            jax.ShapeDtypeStruct((n, 128), _f32),
            jax.ShapeDtypeStruct((n, 128), _f32),
            jax.ShapeDtypeStruct((2, n, 128), _f32),
            jax.ShapeDtypeStruct((n, 128), _f32),
        ],
    )(*args)


def _t2_body(ea_ref, we_ref, c_ref, be_ref, bc_ref, ce_ref):
    wef = jnp.dot(we_ref[...], c_ref[...], preferred_element_type=_f32)
    cf = jnp.dot(be_ref[...], c_ref[...], preferred_element_type=_f32) + bc_ref[...]
    ce = jnp.dot(ea_ref[...], wef, preferred_element_type=_f32) + cf
    ce_ref[...] = jnp.stack([ce[:, 0:64], ce[:, 64:128]], axis=0)


def _edge_mm0(ea, we, c0, be, bc0):
    grid = E // EBLK
    return pl.pallas_call(
        _t2_body,
        grid=(grid,),
        in_specs=[
            pl.BlockSpec((EBLK, 16), lambda i: (i, 0)),
            pl.BlockSpec((16, 128), lambda i: (0, 0)),
            pl.BlockSpec((128, 128), lambda i: (0, 0)),
            pl.BlockSpec((1, 128), lambda i: (0, 0)),
            pl.BlockSpec((1, 128), lambda i: (0, 0)),
        ],
        out_specs=pl.BlockSpec((2, EBLK, 64), lambda i: (0, i, 0)),
        out_shape=jax.ShapeDtypeStruct((2, E, 64), _f32),
    )(ea, we, c0, be.reshape(1, 128), bc0.reshape(1, 128))


def _t4_body(ea_ref, r_ref, we_ref, c_ref, be_ref, bc_ref, ce_ref):
    r = r_ref[...]
    e1 = (jnp.dot(ea_ref[...], we_ref[...], preferred_element_type=_f32)
          + be_ref[...]
          + jnp.concatenate([r[0], r[1]], axis=1))
    ce = jnp.dot(e1, c_ref[...], preferred_element_type=_f32) + bc_ref[...]
    ce_ref[...] = jnp.stack([ce[:, 0:64], ce[:, 64:128]], axis=0)


def _edge_mm1(ea, r0, we, c1, be, bc1):
    grid = E // EBLK
    return pl.pallas_call(
        _t4_body,
        grid=(grid,),
        in_specs=[
            pl.BlockSpec((EBLK, 16), lambda i: (i, 0)),
            pl.BlockSpec((2, EBLK, 64), lambda i: (0, i, 0)),
            pl.BlockSpec((16, 128), lambda i: (0, 0)),
            pl.BlockSpec((128, 128), lambda i: (0, 0)),
            pl.BlockSpec((1, 128), lambda i: (0, 0)),
            pl.BlockSpec((1, 128), lambda i: (0, 0)),
        ],
        out_specs=pl.BlockSpec((2, EBLK, 64), lambda i: (0, i, 0)),
        out_shape=jax.ShapeDtypeStruct((2, E, 64), _f32),
    )(ea, r0, we, c1, be.reshape(1, 128), bc1.reshape(1, 128))


def _t5_body(h_ref, ah_ref, acc_ref, wr_ref, br_ref, out_ref):
    acc = acc_ref[...]
    num = jnp.concatenate([acc[0, :, 0:64], acc[1, :, 0:64]], axis=1)
    den = jnp.concatenate([acc[0, :, 64:128], acc[1, :, 64:128]], axis=1)
    h2 = h_ref[...] + jnp.maximum(ah_ref[...] + num / (den + 1e-6), 0.0)
    out_ref[...] = jnp.dot(h2, wr_ref[...], preferred_element_type=_f32) + br_ref[...]


def _head(h1, ah1, acc1, wr, br):
    grid = N // NBLK
    return pl.pallas_call(
        _t5_body,
        grid=(grid,),
        in_specs=[
            pl.BlockSpec((NBLK, 128), lambda i: (i, 0)),
            pl.BlockSpec((NBLK, 128), lambda i: (i, 0)),
            pl.BlockSpec((2, NBLK, 128), lambda i: (0, i, 0)),
            pl.BlockSpec((128, 1), lambda i: (0, 0)),
            pl.BlockSpec((1, 1), lambda i: (0, 0)),
        ],
        out_specs=pl.BlockSpec((NBLK, 1), lambda i: (i, 0)),
        out_shape=jax.ShapeDtypeStruct((N, 1), _f32),
    )(h1, ah1, acc1, wr, br.reshape(1, 1))



NZB = 624
ZR = 48


def _sc_body(write_r, src1d, dst1d, ce, srct, dstt, *out_and_scratch):
    if write_r:
        (acc_out, r_out, srcb0, srcb1, dstb0, dstb1, sadj0, sadj1,
         srcrows0, srcrows1, dstrows0, dstrows1, cebuf0, cebuf1,
         zbuf, accsh, isem, gsem, ssem) = out_and_scratch
    else:
        (acc_out, srcb0, srcb1, dstb0, dstb1, sadj0, sadj1,
         srcrows0, srcrows1, dstrows0, dstrows1, cebuf0, cebuf1,
         zbuf, accsh, isem, gsem, ssem) = out_and_scratch
        r_out = None
    c = lax.axis_index("c")
    s = lax.axis_index("s")
    c_n = c * N
    bufs = ((srcb0, dstb0, sadj0, srcrows0, dstrows0, cebuf0),
            (srcb1, dstb1, sadj1, srcrows1, dstrows1, cebuf1))

    def zfill(i, carry):
        zbuf[i // 8, pl.ds((i % 8) * 16, 16)] = jnp.zeros((16,), _f32)
        return carry
    lax.fori_loop(0, ZR * 8, zfill, 0)
    zoff = pl.multiple_of(s * NZB, 8)
    for z in range(NZB // ZR):
        pltpu.sync_copy(zbuf, accsh.at[pl.ds(zoff + z * ZR, ZR)])

    @pl.when(s == NS - 1)
    def _zero_tail():
        pltpu.sync_copy(zbuf.at[pl.ds(0, N - NS * NZB)],
                        accsh.at[pl.ds(NS * NZB, N - NS * NZB)])

    plsc.subcore_barrier()

    eb = s * RPT * CH

    def eoff(j):
        return pl.multiple_of(eb + j * CH, CH)

    def fire_idx(j, b):
        srcb, dstb = bufs[b][0], bufs[b][1]
        d1 = pltpu.async_copy(src1d.at[pl.ds(eoff(j), CH)], srcb, isem)
        d2 = pltpu.async_copy(dst1d.at[pl.ds(eoff(j), CH)], dstb, isem)
        return (d1, d2)

    def adj(b):
        srcb, sadj = bufs[b][0], bufs[b][2]
        for i in range(CH // 16):
            sl = pl.ds(i * 16, 16)
            sadj[sl] = srcb[sl] + c_n

    def fire_g(j, b):
        _, dstb, sadj, srcrows, dstrows, cebuf = bufs[b]
        d1 = pltpu.async_copy(srct.at[sadj], srcrows, gsem)
        d2 = pltpu.async_copy(dstt.at[dstb], dstrows, gsem)
        d3 = pltpu.async_copy(ce.at[c, pl.ds(eoff(j), CH)], cebuf, gsem)
        return (d1, d2, d3)

    def store(j, b):
        _, dstb, _, srcrows, _, cebuf = bufs[b]
        if write_r:
            rd = pltpu.async_copy(cebuf, r_out.at[c, pl.ds(eoff(j), CH)], ssem)
        pltpu.sync_copy(srcrows, accsh.at[dstb], add=True)
        if write_r:
            rd.wait()

    def compute(b):
        _, _, _, srcrows, dstrows, cebuf = bufs[b]

        def rowfn(r, carry):
            for cc in range(HH // 16):
                o = cc * 16
                dh = srcrows[r, pl.ds(o, 16)]
                bh = srcrows[r, pl.ds(HH + o, 16)]
                eh = dstrows[r, pl.ds(c * HH + o, 16)]
                cv = cebuf[r, pl.ds(o, 16)]
                en = cv + dh + eh
                sg = 1.0 / (1.0 + jnp.exp(-en))
                srcrows[r, pl.ds(o, 16)] = sg * bh
                srcrows[r, pl.ds(HH + o, 16)] = sg
                if write_r:
                    cebuf[r, pl.ds(o, 16)] = jnp.maximum(en, 0.0)
            return carry
        lax.fori_loop(0, CH, rowfn, 0)

    for d in fire_idx(0, 0):
        d.wait()
    adj(0)
    for d in fire_g(0, 0):
        d.wait()
    compute(0)

    def pairloop(jo, carry):
        ja = 2 * jo + 1
        jb = 2 * jo + 2
        ia = fire_idx(ja, 1)
        store(2 * jo, 0)
        for d in ia:
            d.wait()
        adj(1)
        ga = fire_g(ja, 1)
        ib = fire_idx(jb, 0)
        for d in ga:
            d.wait()
        compute(1)
        for d in ib:
            d.wait()
        adj(0)
        gb = fire_g(jb, 0)
        store(ja, 1)
        for d in gb:
            d.wait()
        compute(0)
        return carry
    lax.fori_loop(0, (RPT - 1) // 2, pairloop, 0)

    store(RPT - 1, 0)

    plsc.subcore_barrier()
    pltpu.sync_copy(accsh.at[pl.ds(zoff, NZB)],
                    acc_out.at[c, pl.ds(zoff, NZB)])

    @pl.when(s == NS - 1)
    def _out_tail():
        pltpu.sync_copy(accsh.at[pl.ds(NS * NZB, N - NS * NZB)],
                        acc_out.at[c, pl.ds(NS * NZB, N - NS * NZB)])


def _sc_edge_layer(src1d, dst1d, ce, srct, dstt, write_r):
    mesh = plsc.VectorSubcoreMesh(core_axis_name="c", subcore_axis_name="s",
                                  num_cores=NC, num_subcores=NS)
    out_type = [jax.ShapeDtypeStruct((2, N, 128), _f32)]
    if write_r:
        out_type.append(jax.ShapeDtypeStruct((2, E, 64), _f32))
    scratch = [
        pltpu.VMEM((CH,), jnp.int32),
        pltpu.VMEM((CH,), jnp.int32),
        pltpu.VMEM((CH,), jnp.int32),
        pltpu.VMEM((CH,), jnp.int32),
        pltpu.VMEM((CH,), jnp.int32),
        pltpu.VMEM((CH,), jnp.int32),
        pltpu.VMEM((CH, 128), _f32),
        pltpu.VMEM((CH, 128), _f32),
        pltpu.VMEM((CH, 128), _f32),
        pltpu.VMEM((CH, 128), _f32),
        pltpu.VMEM((CH, 64), _f32),
        pltpu.VMEM((CH, 64), _f32),
        pltpu.VMEM((ZR, 128), _f32),
        pltpu.VMEM_SHARED((N, 128), _f32),
        pltpu.SemaphoreType.DMA,
        pltpu.SemaphoreType.DMA,
        pltpu.SemaphoreType.DMA,
    ]
    fn = pl.kernel(
        functools.partial(_sc_body, write_r),
        out_type=out_type,
        mesh=mesh,
        scratch_types=scratch,
    )
    return fn(src1d, dst1d, ce, srct, dstt)



def kernel(x, a, edge_index, edge_attr, W_in, b_in, W_e, b_e, A, B, C, Dm, Em,
           bA, bB, bC, bD, bE, Wr, br):
    xa = jnp.concatenate([x, a], axis=-1)
    src1d = edge_index[0].astype(jnp.int32)
    dst1d = edge_index[1].astype(jnp.int32)

    wn0 = jnp.concatenate([A[0], B[0], Dm[0], Em[0]], axis=1)
    bn0 = jnp.concatenate([bA[0], bB[0], bD[0], bE[0]], axis=0)
    wn1 = jnp.concatenate([A[1], B[1], Dm[1], Em[1]], axis=1)
    bn1 = jnp.concatenate([bA[1], bB[1], bD[1], bE[1]], axis=0)

    h0, ah0, srct0, dstt0 = _node_layer(xa, W_in, b_in, wn0, bn0, first=True)
    ce0 = _edge_mm0(edge_attr, W_e, C[0], b_e, bC[0])
    acc0, r0 = _sc_edge_layer(
        src1d, dst1d, ce0,
        srct0.reshape(2 * N, 128), dstt0, True)

    h1, ah1, srct1, dstt1 = _node_layer(h0, ah0, acc0, wn1, bn1, first=False)
    ce1 = _edge_mm1(edge_attr, r0, W_e, C[1], b_e, bC[1])
    (acc1,) = _sc_edge_layer(
        src1d, dst1d, ce1,
        srct1.reshape(2 * N, 128), dstt1, False)

    return _head(h1, ah1, acc1, Wr, br)

# --- scband reference (transcript-rebuilt; emitter-appended) ---
"""Pipeline reference for scband-critic-3100966388028 (READ-ONLY COPY).

The authoritative reference and input builder live on the scoring server;
editing this copy changes nothing except your own understanding.
"""

import jax, jax.numpy as jnp
import numpy as np

N = 10000
E = 320000
DN = 128
DA = 16
DE = 16
H = 128
L = 2

def setup_inputs(seed: int = 0) -> dict:
    key = jax.random.key(seed)
    ks = jax.random.split(key, 24)
    x = jax.random.normal(ks[0], (N, DN), dtype=jnp.float32)
    a = jax.random.normal(ks[1], (N, DA), dtype=jnp.float32)
    edge_index = jax.random.randint(ks[2], (2, E), 0, N)
    edge_attr = jax.random.normal(ks[3], (E, DE), dtype=jnp.float32)
    s = 0.05
    params = {
        'W_in': jax.random.normal(ks[4], (DN + DA, H)) * s,
        'b_in': jnp.zeros((H,), dtype=jnp.float32),
        'W_e': jax.random.normal(ks[5], (DE, H)) * s,
        'b_e': jnp.zeros((H,), dtype=jnp.float32),
        'A': jax.random.normal(ks[6], (L, H, H)) * s,
        'B': jax.random.normal(ks[7], (L, H, H)) * s,
        'C': jax.random.normal(ks[8], (L, H, H)) * s,
        'Dm': jax.random.normal(ks[9], (L, H, H)) * s,
        'Em': jax.random.normal(ks[10], (L, H, H)) * s,
        'bA': jnp.zeros((L, H), dtype=jnp.float32),
        'bB': jnp.zeros((L, H), dtype=jnp.float32),
        'bC': jnp.zeros((L, H), dtype=jnp.float32),
        'bD': jnp.zeros((L, H), dtype=jnp.float32),
        'bE': jnp.zeros((L, H), dtype=jnp.float32),
        'Wr': jax.random.normal(ks[11], (H, 1)) * s,
        'br': jnp.zeros((1,), dtype=jnp.float32),
    }
    return {'x': x, 'a': a, 'edge_index': edge_index, 'edge_attr': edge_attr, **params}


def reference(x, a, edge_index, edge_attr, W_in, b_in, W_e, b_e, A, B, C, Dm, Em, bA, bB, bC, bD, bE, Wr, br):
    src = edge_index[0]
    dst = edge_index[1]
    # Critic: concat node states with action, embed
    h = jnp.concatenate([x, a], axis=-1) @ W_in + b_in
    e = edge_attr @ W_e + b_e
    for l in range(L):
        h_in, e_in = h, e
        Ah = h @ A[l] + bA[l]
        Bh = h @ B[l] + bB[l]
        Ce = e @ C[l] + bC[l]
        Dh = h @ Dm[l] + bD[l]
        Eh = h @ Em[l] + bE[l]
        # gated edge features: e_ij = C e_ij + D h_i + E h_j
        e_new = Ce + Dh[src] + Eh[dst]
        sigma = jax.nn.sigmoid(e_new)
        # gated message aggregation (scatter-add over incoming edges)
        num = jnp.zeros((N, H), dtype=h.dtype).at[dst].add(sigma * Bh[src])
        den = jnp.zeros((N, H), dtype=h.dtype).at[dst].add(sigma) + 1e-6
        h_new = Ah + num / den
        h_new = jax.nn.relu(h_new)
        e_new = jax.nn.relu(e_new)
        h = h_in + h_new  # residual
        e = e_in + e_new
    out = h @ Wr + br  # per-node value, out_dim_node=1
    return out

if __name__ == "__main__":
    import jax
    _d = setup_inputs()
    print(jax.jit(kernel)(*tuple(_d.values())))

</pallas_src>

<mosaic_0001>
#map = affine_map<(d0, d1) -> (0)>
#map1 = affine_map<(d0, d1) -> (0, 0, 0)>
#map2 = affine_map<(d0, d1) -> (0, 0)>
module attributes {stable_mosaic.version = 14 : i64} {
  func.func @_sc_body(%arg0: i32, %arg1: i32, %arg2: memref<320000xi32, #tpu.memory_space<hbm>>, %arg3: memref<320000xi32, #tpu.memory_space<hbm>>, %arg4: memref<2x320000x64xf32, #tpu.memory_space<hbm>>, %arg5: memref<20000x128xf32, #tpu.memory_space<hbm>>, %arg6: memref<10000x128xf32, #tpu.memory_space<hbm>>, %arg7: memref<2x10000x128xf32, #tpu.memory_space<hbm>>, %arg8: memref<32xi32, #tpu.memory_space<vmem>>, %arg9: memref<32xi32, #tpu.memory_space<vmem>>, %arg10: memref<32xi32, #tpu.memory_space<vmem>>, %arg11: memref<32xi32, #tpu.memory_space<vmem>>, %arg12: memref<32xi32, #tpu.memory_space<vmem>>, %arg13: memref<32xi32, #tpu.memory_space<vmem>>, %arg14: memref<32x128xf32, #tpu.memory_space<vmem>>, %arg15: memref<32x128xf32, #tpu.memory_space<vmem>>, %arg16: memref<32x128xf32, #tpu.memory_space<vmem>>, %arg17: memref<32x128xf32, #tpu.memory_space<vmem>>, %arg18: memref<32x64xf32, #tpu.memory_space<vmem>>, %arg19: memref<32x64xf32, #tpu.memory_space<vmem>>, %arg20: memref<48x128xf32, #tpu.memory_space<vmem>>, %arg21: memref<10000x128xf32, #tpu.memory_space<vmem_shared>>, %arg22: memref<!tpu.dma_semaphore, #tpu.memory_space<semaphore_mem>>, %arg23: memref<!tpu.dma_semaphore, #tpu.memory_space<semaphore_mem>>, %arg24: memref<!tpu.dma_semaphore, #tpu.memory_space<semaphore_mem>>) attributes {dimension_semantics = [#tpu.dimension_semantics<core_parallel>, #tpu.dimension_semantics<subcore_parallel>], iteration_bounds = array<i64: 2, 16>, scalar_prefetch = 0 : i64, scratch_operands = 17 : i64, tpu.core_type = #tpu.core_type<sc_vector_subcore>, window_params = [{transform_indices = #map}, {transform_indices = #map}, {transform_indices = #map1}, {transform_indices = #map2}, {transform_indices = #map2}, {transform_indices = #map1}]} {
    %mul3A = arith.constant 10000 : i32
    %mul3A_0 = arith.muli %arg0, %mul3A : i32
    %scan3A = arith.constant 0 : i32
    %scan3A_1 = arith.constant 0 : i32
    %scan3A_2 = arith.constant 384 : i32
    %scan3A_3 = arith.addi %scan3A_1, %scan3A_2 : i32
    %scan3A_4 = arith.constant 1 : i32
    scf.for %scan3A_112 = %scan3A_1 to %scan3A_3 step %scan3A_4  : i32 {
      %broadcast_in_dim3A = arith.constant 0.000000e+00 : f32
      %broadcast_in_dim3A_113 = vector.broadcast %broadcast_in_dim3A : f32 to vector<16xf32>
      %jit3A = arith.constant 8 : i32
      %div3A = arith.divsi %scan3A_112, %jit3A : i32
      %sign3A = arith.constant 0 : i32
      %sign3A_114 = arith.cmpi sgt, %scan3A_112, %sign3A : i32
      %sign3A_115 = arith.extui %sign3A_114 : i1 to i32
      %sign3A_116 = arith.constant 0 : i32
      %sign3A_117 = arith.cmpi slt, %scan3A_112, %sign3A_116 : i32
      %sign3A_118 = arith.extui %sign3A_117 : i1 to i32
      %sign3A_119 = arith.subi %sign3A_115, %sign3A_118 : i32
      %sign3A_120 = arith.constant 0 : i32
      %sign3A_121 = arith.cmpi sgt, %jit3A, %sign3A_120 : i32
      %sign3A_122 = arith.extui %sign3A_121 : i1 to i32
      %sign3A_123 = arith.constant 0 : i32
      %sign3A_124 = arith.cmpi slt, %jit3A, %sign3A_123 : i32
      %sign3A_125 = arith.extui %sign3A_124 : i1 to i32
      %sign3A_126 = arith.subi %sign3A_122, %sign3A_125 : i32
      %ne3A = arith.cmpi ne, %sign3A_119, %sign3A_126 : i32
      %rem3A = arith.remsi %scan3A_112, %jit3A : i32
      %ne3A_127 = arith.constant 0 : i32
      %ne3A_128 = arith.cmpi ne, %rem3A, %ne3A_127 : i32
      %and3A = arith.andi %ne3A, %ne3A_128 : i1
      %sub3A = arith.constant 1 : i32
      %sub3A_129 = arith.subi %div3A, %sub3A : i32
      %select_n3A = arith.select %and3A, %sub3A_129, %div3A : i32
      %jit3A_130 = arith.constant 8 : i32
      %eq3A_131 = arith.constant 0 : i32
      %eq3A_132 = arith.cmpi eq, %jit3A_130, %eq3A_131 : i32
      %jit3A_133 = arith.constant 1 : i32
      %select_n3A_134 = arith.select %eq3A_132, %jit3A_133, %jit3A_130 : i32
      %rem3A_135 = arith.remsi %scan3A_112, %select_n3A_134 : i32
      %ne3A_136 = arith.constant 0 : i32
      %ne3A_137 = arith.cmpi ne, %rem3A_135, %ne3A_136 : i32
      %lt3A = arith.constant 0 : i32
      %lt3A_138 = arith.cmpi slt, %rem3A_135, %lt3A : i32
      %lt3A_139 = arith.constant 0 : i32
      %lt3A_140 = arith.cmpi slt, %select_n3A_134, %lt3A_139 : i32
      %ne3A_141 = arith.xori %lt3A_138, %lt3A_140 : i1
      %and3A_142 = arith.andi %ne3A_141, %ne3A_137 : i1
      %add3A_143 = arith.addi %rem3A_135, %select_n3A_134 : i32
      %select_n3A_144 = arith.select %and3A_142, %add3A_143, %rem3A_135 : i32
      %mul3A_145 = arith.constant 16 : i32
      %mul3A_146 = arith.muli %select_n3A_144, %mul3A_145 : i32
      %swap3A_147 = arith.index_cast %select_n3A : i32 to index
      %swap3A_148 = arith.index_cast %mul3A_146 : i32 to index
      %swap3A_149 = tpu.vector_load %arg20[%swap3A_147, %swap3A_148] {strides = array<i32>} : memref<48x128xf32, #tpu.memory_space<vmem>>, vector<1x16xf32>,
      %swap3A_150 = vector.shape_cast %swap3A_149 : vector<1x16xf32> to vector<16xf32>
      %swap3A_151 = vector.shape_cast %broadcast_in_dim3A_113 : vector<16xf32> to vector<1x16xf32>
      tpu.vector_store %arg20[%swap3A_147, %swap3A_148], %swap3A_151 {strides = array<i32>} : memref<48x128xf32, #tpu.memory_space<vmem>>, vector<1x16xf32>,
    }
    %scan3A_5 = arith.constant 384 : i32
    %mul3A_6 = arith.constant 624 : i32
    %mul3A_7 = arith.muli %arg1, %mul3A_6 : i32
    %multiple_of3A = tpu.assume_multiple %mul3A_7, 8 : i32
    %add3A = arith.constant 0 : i32
    %add3A_8 = arith.addi %multiple_of3A, %add3A : i32
    "tpu.region"() ({
      %run_scoped3A = tpu.sem_alloc : memref<!tpu.dma_semaphore, #tpu.memory_space<semaphore_mem>>
      %dma_start3A_112 = arith.constant 0 : i32
      %dma_start3A_113 = tpu.memref_slice %arg21[%add3A_8, %dma_start3A_112] : memref<10000x128xf32, #tpu.memory_space<vmem_shared>> -> memref<48x128xf32, #tpu.memory_space<vmem_shared>>
      %dma_start3A_114 = arith.constant 0 : i32
      %dma_start3A_115 = tpu.memref_slice %arg21[%add3A_8, %dma_start3A_114] : memref<10000x128xf32, #tpu.memory_space<vmem_shared>> -> memref<48x128xf32, #tpu.memory_space<vmem_shared>>
      tpu.enqueue_dma source(%arg20 : memref<48x128xf32, #tpu.memory_space<vmem>>) target(%dma_start3A_115 : memref<48x128xf32, #tpu.memory_space<vmem_shared>>) target_semaphore(%run_scoped3A : memref<!tpu.dma_semaphore, #tpu.memory_space<semaphore_mem>>)
      %dma_wait3A_116 = arith.constant 0 : i32
      %dma_wait3A_117 = tpu.memref_slice %arg21[%add3A_8, %dma_wait3A_116] : memref<10000x128xf32, #tpu.memory_space<vmem_shared>> -> memref<48x128xf32, #tpu.memory_space<vmem_shared>>
      %dma_wait3A_118 = arith.constant 0 : i32
      %dma_wait3A_119 = tpu.memref_slice %arg21[%add3A_8, %dma_wait3A_118] : memref<10000x128xf32, #tpu.memory_space<vmem_shared>> -> memref<48x128xf32, #tpu.memory_space<vmem_shared>>
      tpu.wait_dma2 semaphore(%run_scoped3A : memref<!tpu.dma_semaphore, #tpu.memory_space<semaphore_mem>>) src(%arg20 : memref<48x128xf32, #tpu.memory_space<vmem>>) dst(%dma_wait3A_119 : memref<48x128xf32, #tpu.memory_space<vmem_shared>>)
      tpu.yield
    }) : () -> ()
    %add3A_9 = arith.constant 48 : i32
    %add3A_10 = arith.addi %multiple_of3A, %add3A_9 : i32
    "tpu.region"() ({
      %run_scoped3A = tpu.sem_alloc : memref<!tpu.dma_semaphore, #tpu.memory_space<semaphore_mem>>
      %dma_start3A_112 = arith.constant 0 : i32
      %dma_start3A_113 = tpu.memref_slice %arg21[%add3A_10, %dma_start3A_112] : memref<10000x128xf32, #tpu.memory_space<vmem_shared>> -> memref<48x128xf32, #tpu.memory_space<vmem_shared>>
      %dma_start3A_114 = arith.constant 0 : i32
      %dma_start3A_115 = tpu.memref_slice %arg21[%add3A_10, %dma_start3A_114] : memref<10000x128xf32, #tpu.memory_space<vmem_shared>> -> memref<48x128xf32, #tpu.memory_space<vmem_shared>>
      tpu.enqueue_dma source(%arg20 : memref<48x128xf32, #tpu.memory_space<vmem>>) target(%dma_start3A_115 : memref<48x128xf32, #tpu.memory_space<vmem_shared>>) target_semaphore(%run_scoped3A : memref<!tpu.dma_semaphore, #tpu.memory_space<semaphore_mem>>)
      %dma_wait3A_116 = arith.constant 0 : i32
      %dma_wait3A_117 = tpu.memref_slice %arg21[%add3A_10, %dma_wait3A_116] : memref<10000x128xf32, #tpu.memory_space<vmem_shared>> -> memref<48x128xf32, #tpu.memory_space<vmem_shared>>
      %dma_wait3A_118 = arith.constant 0 : i32
      %dma_wait3A_119 = tpu.memref_slice %arg21[%add3A_10, %dma_wait3A_118] : memref<10000x128xf32, #tpu.memory_space<vmem_shared>> -> memref<48x128xf32, #tpu.memory_space<vmem_shared>>
      tpu.wait_dma2 semaphore(%run_scoped3A : memref<!tpu.dma_semaphore, #tpu.memory_space<semaphore_mem>>) src(%arg20 : memref<48x128xf32, #tpu.memory_space<vmem>>) dst(%dma_wait3A_119 : memref<48x128xf32, #tpu.memory_space<vmem_shared>>)
      tpu.yield
    }) : () -> ()
    %add3A_11 = arith.constant 96 : i32
    %add3A_12 = arith.addi %multiple_of3A, %add3A_11 : i32
    "tpu.region"() ({
      %run_scoped3A = tpu.sem_alloc : memref<!tpu.dma_semaphore, #tpu.memory_space<semaphore_mem>>
      %dma_start3A_112 = arith.constant 0 : i32
      %dma_start3A_113 = tpu.memref_slice %arg21[%add3A_12, %dma_start3A_112] : memref<10000x128xf32, #tpu.memory_space<vmem_shared>> -> memref<48x128xf32, #tpu.memory_space<vmem_shared>>
      %dma_start3A_114 = arith.constant 0 : i32
      %dma_start3A_115 = tpu.memref_slice %arg21[%add3A_12, %dma_start3A_114] : memref<10000x128xf32, #tpu.memory_space<vmem_shared>> -> memref<48x128xf32, #tpu.memory_space<vmem_shared>>
      tpu.enqueue_dma source(%arg20 : memref<48x128xf32, #tpu.memory_space<vmem>>) target(%dma_start3A_115 : memref<48x128xf32, #tpu.memory_space<vmem_shared>>) target_semaphore(%run_scoped3A : memref<!tpu.dma_semaphore, #tpu.memory_space<semaphore_mem>>)
      %dma_wait3A_116 = arith.constant 0 : i32
      %dma_wait3A_117 = tpu.memref_slice %arg21[%add3A_12, %dma_wait3A_116] : memref<10000x128xf32, #tpu.memory_space<vmem_shared>> -> memref<48x128xf32, #tpu.memory_space<vmem_shared>>
      %dma_wait3A_118 = arith.constant 0 : i32
      %dma_wait3A_119 = tpu.memref_slice %arg21[%add3A_12, %dma_wait3A_118] : memref<10000x128xf32, #tpu.memory_space<vmem_shared>> -> memref<48x128xf32, #tpu.memory_space<vmem_shared>>
      tpu.wait_dma2 semaphore(%run_scoped3A : memref<!tpu.dma_semaphore, #tpu.memory_space<semaphore_mem>>) src(%arg20 : memref<48x128xf32, #tpu.memory_space<vmem>>) dst(%dma_wait3A_119 : memref<48x128xf32, #tpu.memory_space<vmem_shared>>)
      tpu.yield
    }) : () -> ()
    %add3A_13 = arith.constant 144 : i32
    %add3A_14 = arith.addi %multiple_of3A, %add3A_13 : i32
    "tpu.region"() ({
      %run_scoped3A = tpu.sem_alloc : memref<!tpu.dma_semaphore, #tpu.memory_space<semaphore_mem>>
      %dma_start3A_112 = arith.constant 0 : i32
      %dma_start3A_113 = tpu.memref_slice %arg21[%add3A_14, %dma_start3A_112] : memref<10000x128xf32, #tpu.memory_space<vmem_shared>> -> memref<48x128xf32, #tpu.memory_space<vmem_shared>>
      %dma_start3A_114 = arith.constant 0 : i32
      %dma_start3A_115 = tpu.memref_slice %arg21[%add3A_14, %dma_start3A_114] : memref<10000x128xf32, #tpu.memory_space<vmem_shared>> -> memref<48x128xf32, #tpu.memory_space<vmem_shared>>
      tpu.enqueue_dma source(%arg20 : memref<48x128xf32, #tpu.memory_space<vmem>>) target(%dma_start3A_115 : memref<48x128xf32, #tpu.memory_space<vmem_shared>>) target_semaphore(%run_scoped3A : memref<!tpu.dma_semaphore, #tpu.memory_space<semaphore_mem>>)
      %dma_wait3A_116 = arith.constant 0 : i32
      %dma_wait3A_117 = tpu.memref_slice %arg21[%add3A_14, %dma_wait3A_116] : memref<10000x128xf32, #tpu.memory_space<vmem_shared>> -> memref<48x128xf32, #tpu.memory_space<vmem_shared>>
      %dma_wait3A_118 = arith.constant 0 : i32
      %dma_wait3A_119 = tpu.memref_slice %arg21[%add3A_14, %dma_wait3A_118] : memref<10000x128xf32, #tpu.memory_space<vmem_shared>> -> memref<48x128xf32, #tpu.memory_space<vmem_shared>>
      tpu.wait_dma2 semaphore(%run_scoped3A : memref<!tpu.dma_semaphore, #tpu.memory_space<semaphore_mem>>) src(%arg20 : memref<48x128xf32, #tpu.memory_space<vmem>>) dst(%dma_wait3A_119 : memref<48x128xf32, #tpu.memory_space<vmem_shared>>)
      tpu.yield
    }) : () -> ()
    %add3A_15 = arith.constant 192 : i32
    %add3A_16 = arith.addi %multiple_of3A, %add3A_15 : i32
    "tpu.region"() ({
      %run_scoped3A = tpu.sem_alloc : memref<!tpu.dma_semaphore, #tpu.memory_space<semaphore_mem>>
      %dma_start3A_112 = arith.constant 0 : i32
      %dma_start3A_113 = tpu.memref_slice %arg21[%add3A_16, %dma_start3A_112] : memref<10000x128xf32, #tpu.memory_space<vmem_shared>> -> memref<48x128xf32, #tpu.memory_space<vmem_shared>>
      %dma_start3A_114 = arith.constant 0 : i32
      %dma_start3A_115 = tpu.memref_slice %arg21[%add3A_16, %dma_start3A_114] : memref<10000x128xf32, #tpu.memory_space<vmem_shared>> -> memref<48x128xf32, #tpu.memory_space<vmem_shared>>
      tpu.enqueue_dma source(%arg20 : memref<48x128xf32, #tpu.memory_space<vmem>>) target(%dma_start3A_115 : memref<48x128xf32, #tpu.memory_space<vmem_shared>>) target_semaphore(%run_scoped3A : memref<!tpu.dma_semaphore, #tpu.memory_space<semaphore_mem>>)
      %dma_wait3A_116 = arith.constant 0 : i32
      %dma_wait3A_117 = tpu.memref_slice %arg21[%add3A_16, %dma_wait3A_116] : memref<10000x128xf32, #tpu.memory_space<vmem_shared>> -> memref<48x128xf32, #tpu.memory_space<vmem_shared>>
      %dma_wait3A_118 = arith.constant 0 : i32
      %dma_wait3A_119 = tpu.memref_slice %arg21[%add3A_16, %dma_wait3A_118] : memref<10000x128xf32, #tpu.memory_space<vmem_shared>> -> memref<48x128xf32, #tpu.memory_space<vmem_shared>>
      tpu.wait_dma2 semaphore(%run_scoped3A : memref<!tpu.dma_semaphore, #tpu.memory_space<semaphore_mem>>) src(%arg20 : memref<48x128xf32, #tpu.memory_space<vmem>>) dst(%dma_wait3A_119 : memref<48x128xf32, #tpu.memory_space<vmem_shared>>)
      tpu.yield
    }) : () -> ()
    %add3A_17 = arith.constant 240 : i32
    %add3A_18 = arith.addi %multiple_of3A, %add3A_17 : i32
    "tpu.region"() ({
      %run_scoped3A = tpu.sem_alloc : memref<!tpu.dma_semaphore, #tpu.memory_space<semaphore_mem>>
      %dma_start3A_112 = arith.constant 0 : i32
      %dma_start3A_113 = tpu.memref_slice %arg21[%add3A_18, %dma_start3A_112] : memref<10000x128xf32, #tpu.memory_space<vmem_shared>> -> memref<48x128xf32, #tpu.memory_space<vmem_shared>>
      %dma_start3A_114 = arith.constant 0 : i32
      %dma_start3A_115 = tpu.memref_slice %arg21[%add3A_18, %dma_start3A_114] : memref<10000x128xf32, #tpu.memory_space<vmem_shared>> -> memref<48x128xf32, #tpu.memory_space<vmem_shared>>
      tpu.enqueue_dma source(%arg20 : memref<48x128xf32, #tpu.memory_space<vmem>>) target(%dma_start3A_115 : memref<48x128xf32, #tpu.memory_space<vmem_shared>>) target_semaphore(%run_scoped3A : memref<!tpu.dma_semaphore, #tpu.memory_space<semaphore_mem>>)
      %dma_wait3A_116 = arith.constant 0 : i32
      %dma_wait3A_117 = tpu.memref_slice %arg21[%add3A_18, %dma_wait3A_116] : memref<10000x128xf32, #tpu.memory_space<vmem_shared>> -> memref<48x128xf32, #tpu.memory_space<vmem_shared>>
      %dma_wait3A_118 = arith.constant 0 : i32
      %dma_wait3A_119 = tpu.memref_slice %arg21[%add3A_18, %dma_wait3A_118] : memref<10000x128xf32, #tpu.memory_space<vmem_shared>> -> memref<48x128xf32, #tpu.memory_space<vmem_shared>>
      tpu.wait_dma2 semaphore(%run_scoped3A : memref<!tpu.dma_semaphore, #tpu.memory_space<semaphore_mem>>) src(%arg20 : memref<48x128xf32, #tpu.memory_space<vmem>>) dst(%dma_wait3A_119 : memref<48x128xf32, #tpu.memory_space<vmem_shared>>)
      tpu.yield
    }) : () -> ()
    %add3A_19 = arith.constant 288 : i32
    %add3A_20 = arith.addi %multiple_of3A, %add3A_19 : i32
    "tpu.region"() ({
      %run_scoped3A = tpu.sem_alloc : memref<!tpu.dma_semaphore, #tpu.memory_space<semaphore_mem>>
      %dma_start3A_112 = arith.constant 0 : i32
      %dma_start3A_113 = tpu.memref_slice %arg21[%add3A_20, %dma_start3A_112] : memref<10000x128xf32, #tpu.memory_space<vmem_shared>> -> memref<48x128xf32, #tpu.memory_space<vmem_shared>>
      %dma_start3A_114 = arith.constant 0 : i32
      %dma_start3A_115 = tpu.memref_slice %arg21[%add3A_20, %dma_start3A_114] : memref<10000x128xf32, #tpu.memory_space<vmem_shared>> -> memref<48x128xf32, #tpu.memory_space<vmem_shared>>
      tpu.enqueue_dma source(%arg20 : memref<48x128xf32, #tpu.memory_space<vmem>>) target(%dma_start3A_115 : memref<48x128xf32, #tpu.memory_space<vmem_shared>>) target_semaphore(%run_scoped3A : memref<!tpu.dma_semaphore, #tpu.memory_space<semaphore_mem>>)
      %dma_wait3A_116 = arith.constant 0 : i32
      %dma_wait3A_117 = tpu.memref_slice %arg21[%add3A_20, %dma_wait3A_116] : memref<10000x128xf32, #tpu.memory_space<vmem_shared>> -> memref<48x128xf32, #tpu.memory_space<vmem_shared>>
      %dma_wait3A_118 = arith.constant 0 : i32
      %dma_wait3A_119 = tpu.memref_slice %arg21[%add3A_20, %dma_wait3A_118] : memref<10000x128xf32, #tpu.memory_space<vmem_shared>> -> memref<48x128xf32, #tpu.memory_space<vmem_shared>>
      tpu.wait_dma2 semaphore(%run_scoped3A : memref<!tpu.dma_semaphore, #tpu.memory_space<semaphore_mem>>) src(%arg20 : memref<48x128xf32, #tpu.memory_space<vmem>>) dst(%dma_wait3A_119 : memref<48x128xf32, #tpu.memory_space<vmem_shared>>)
      tpu.yield
    }) : () -> ()
    %add3A_21 = arith.constant 336 : i32
    %add3A_22 = arith.addi %multiple_of3A, %add3A_21 : i32
    "tpu.region"() ({
      %run_scoped3A = tpu.sem_alloc : memref<!tpu.dma_semaphore, #tpu.memory_space<semaphore_mem>>
      %dma_start3A_112 = arith.constant 0 : i32
      %dma_start3A_113 = tpu.memref_slice %arg21[%add3A_22, %dma_start3A_112] : memref<10000x128xf32, #tpu.memory_space<vmem_shared>> -> memref<48x128xf32, #tpu.memory_space<vmem_shared>>
      %dma_start3A_114 = arith.constant 0 : i32
      %dma_start3A_115 = tpu.memref_slice %arg21[%add3A_22, %dma_start3A_114] : memref<10000x128xf32, #tpu.memory_space<vmem_shared>> -> memref<48x128xf32, #tpu.memory_space<vmem_shared>>
      tpu.enqueue_dma source(%arg20 : memref<48x128xf32, #tpu.memory_space<vmem>>) target(%dma_start3A_115 : memref<48x128xf32, #tpu.memory_space<vmem_shared>>) target_semaphore(%run_scoped3A : memref<!tpu.dma_semaphore, #tpu.memory_space<semaphore_mem>>)
      %dma_wait3A_116 = arith.constant 0 : i32
      %dma_wait3A_117 = tpu.memref_slice %arg21[%add3A_22, %dma_wait3A_116] : memref<10000x128xf32, #tpu.memory_space<vmem_shared>> -> memref<48x128xf32, #tpu.memory_space<vmem_shared>>
      %dma_wait3A_118 = arith.constant 0 : i32
      %dma_wait3A_119 = tpu.memref_slice %arg21[%add3A_22, %dma_wait3A_118] : memref<10000x128xf32, #tpu.memory_space<vmem_shared>> -> memref<48x128xf32, #tpu.memory_space<vmem_shared>>
      tpu.wait_dma2 semaphore(%run_scoped3A : memref<!tpu.dma_semaphore, #tpu.memory_space<semaphore_mem>>) src(%arg20 : memref<48x128xf32, #tpu.memory_space<vmem>>) dst(%dma_wait3A_119 : memref<48x128xf32, #tpu.memory_space<vmem_shared>>)
      tpu.yield
    }) : () -> ()
    %add3A_23 = arith.constant 384 : i32
    %add3A_24 = arith.addi %multiple_of3A, %add3A_23 : i32
    "tpu.region"() ({
      %run_scoped3A = tpu.sem_alloc : memref<!tpu.dma_semaphore, #tpu.memory_space<semaphore_mem>>
      %dma_start3A_112 = arith.constant 0 : i32
      %dma_start3A_113 = tpu.memref_slice %arg21[%add3A_24, %dma_start3A_112] : memref<10000x128xf32, #tpu.memory_space<vmem_shared>> -> memref<48x128xf32, #tpu.memory_space<vmem_shared>>
      %dma_start3A_114 = arith.constant 0 : i32
      %dma_start3A_115 = tpu.memref_slice %arg21[%add3A_24, %dma_start3A_114] : memref<10000x128xf32, #tpu.memory_space<vmem_shared>> -> memref<48x128xf32, #tpu.memory_space<vmem_shared>>
      tpu.enqueue_dma source(%arg20 : memref<48x128xf32, #tpu.memory_space<vmem>>) target(%dma_start3A_115 : memref<48x128xf32, #tpu.memory_space<vmem_shared>>) target_semaphore(%run_scoped3A : memref<!tpu.dma_semaphore, #tpu.memory_space<semaphore_mem>>)
      %dma_wait3A_116 = arith.constant 0 : i32
      %dma_wait3A_117 = tpu.memref_slice %arg21[%add3A_24, %dma_wait3A_116] : memref<10000x128xf32, #tpu.memory_space<vmem_shared>> -> memref<48x128xf32, #tpu.memory_space<vmem_shared>>
      %dma_wait3A_118 = arith.constant 0 : i32
      %dma_wait3A_119 = tpu.memref_slice %arg21[%add3A_24, %dma_wait3A_118] : memref<10000x128xf32, #tpu.memory_space<vmem_shared>> -> memref<48x128xf32, #tpu.memory_space<vmem_shared>>
      tpu.wait_dma2 semaphore(%run_scoped3A : memref<!tpu.dma_semaphore, #tpu.memory_space<semaphore_mem>>) src(%arg20 : memref<48x128xf32, #tpu.memory_space<vmem>>) dst(%dma_wait3A_119 : memref<48x128xf32, #tpu.memory_space<vmem_shared>>)
      tpu.yield
    }) : () -> ()
    %add3A_25 = arith.constant 432 : i32
    %add3A_26 = arith.addi %multiple_of3A, %add3A_25 : i32
    "tpu.region"() ({
      %run_scoped3A = tpu.sem_alloc : memref<!tpu.dma_semaphore, #tpu.memory_space<semaphore_mem>>
      %dma_start3A_112 = arith.constant 0 : i32
      %dma_start3A_113 = tpu.memref_slice %arg21[%add3A_26, %dma_start3A_112] : memref<10000x128xf32, #tpu.memory_space<vmem_shared>> -> memref<48x128xf32, #tpu.memory_space<vmem_shared>>
      %dma_start3A_114 = arith.constant 0 : i32
      %dma_start3A_115 = tpu.memref_slice %arg21[%add3A_26, %dma_start3A_114] : memref<10000x128xf32, #tpu.memory_space<vmem_shared>> -> memref<48x128xf32, #tpu.memory_space<vmem_shared>>
      tpu.enqueue_dma source(%arg20 : memref<48x128xf32, #tpu.memory_space<vmem>>) target(%dma_start3A_115 : memref<48x128xf32, #tpu.memory_space<vmem_shared>>) target_semaphore(%run_scoped3A : memref<!tpu.dma_semaphore, #tpu.memory_space<semaphore_mem>>)
      %dma_wait3A_116 = arith.constant 0 : i32
      %dma_wait3A_117 = tpu.memref_slice %arg21[%add3A_26, %dma_wait3A_116] : memref<10000x128xf32, #tpu.memory_space<vmem_shared>> -> memref<48x128xf32, #tpu.memory_space<vmem_shared>>
      %dma_wait3A_118 = arith.constant 0 : i32
      %dma_wait3A_119 = tpu.memref_slice %arg21[%add3A_26, %dma_wait3A_118] : memref<10000x128xf32, #tpu.memory_space<vmem_shared>> -> memref<48x128xf32, #tpu.memory_space<vmem_shared>>
      tpu.wait_dma2 semaphore(%run_scoped3A : memref<!tpu.dma_semaphore, #tpu.memory_space<semaphore_mem>>) src(%arg20 : memref<48x128xf32, #tpu.memory_space<vmem>>) dst(%dma_wait3A_119 : memref<48x128xf32, #tpu.memory_space<vmem_shared>>)
      tpu.yield
    }) : () -> ()
    %add3A_27 = arith.constant 480 : i32
    %add3A_28 = arith.addi %multiple_of3A, %add3A_27 : i32
    "tpu.region"() ({
      %run_scoped3A = tpu.sem_alloc : memref<!tpu.dma_semaphore, #tpu.memory_space<semaphore_mem>>
      %dma_start3A_112 = arith.constant 0 : i32
      %dma_start3A_113 = tpu.memref_slice %arg21[%add3A_28, %dma_start3A_112] : memref<10000x128xf32, #tpu.memory_space<vmem_shared>> -> memref<48x128xf32, #tpu.memory_space<vmem_shared>>
      %dma_start3A_114 = arith.constant 0 : i32
      %dma_start3A_115 = tpu.memref_slice %arg21[%add3A_28, %dma_start3A_114] : memref<10000x128xf32, #tpu.memory_space<vmem_shared>> -> memref<48x128xf32, #tpu.memory_space<vmem_shared>>
      tpu.enqueue_dma source(%arg20 : memref<48x128xf32, #tpu.memory_space<vmem>>) target(%dma_start3A_115 : memref<48x128xf32, #tpu.memory_space<vmem_shared>>) target_semaphore(%run_scoped3A : memref<!tpu.dma_semaphore, #tpu.memory_space<semaphore_mem>>)
      %dma_wait3A_116 = arith.constant 0 : i32
      %dma_wait3A_117 = tpu.memref_slice %arg21[%add3A_28, %dma_wait3A_116] : memref<10000x128xf32, #tpu.memory_space<vmem_shared>> -> memref<48x128xf32, #tpu.memory_space<vmem_shared>>
      %dma_wait3A_118 = arith.constant 0 : i32
      %dma_wait3A_119 = tpu.memref_slice %arg21[%add3A_28, %dma_wait3A_118] : memref<10000x128xf32, #tpu.memory_space<vmem_shared>> -> memref<48x128xf32, #tpu.memory_space<vmem_shared>>
      tpu.wait_dma2 semaphore(%run_scoped3A : memref<!tpu.dma_semaphore, #tpu.memory_space<semaphore_mem>>) src(%arg20 : memref<48x128xf32, #tpu.memory_space<vmem>>) dst(%dma_wait3A_119 : memref<48x128xf32, #tpu.memory_space<vmem_shared>>)
      tpu.yield
    }) : () -> ()
    %add3A_29 = arith.constant 528 : i32
    %add3A_30 = arith.addi %multiple_of3A, %add3A_29 : i32
    "tpu.region"() ({
      %run_scoped3A = tpu.sem_alloc : memref<!tpu.dma_semaphore, #tpu.memory_space<semaphore_mem>>
      %dma_start3A_112 = arith.constant 0 : i32
      %dma_start3A_113 = tpu.memref_slice %arg21[%add3A_30, %dma_start3A_112] : memref<10000x128xf32, #tpu.memory_space<vmem_shared>> -> memref<48x128xf32, #tpu.memory_space<vmem_shared>>
      %dma_start3A_114 = arith.constant 0 : i32
      %dma_start3A_115 = tpu.memref_slice %arg21[%add3A_30, %dma_start3A_114] : memref<10000x128xf32, #tpu.memory_space<vmem_shared>> -> memref<48x128xf32, #tpu.memory_space<vmem_shared>>
      tpu.enqueue_dma source(%arg20 : memref<48x128xf32, #tpu.memory_space<vmem>>) target(%dma_start3A_115 : memref<48x128xf32, #tpu.memory_space<vmem_shared>>) target_semaphore(%run_scoped3A : memref<!tpu.dma_semaphore, #tpu.memory_space<semaphore_mem>>)
      %dma_wait3A_116 = arith.constant 0 : i32
      %dma_wait3A_117 = tpu.memref_slice %arg21[%add3A_30, %dma_wait3A_116] : memref<10000x128xf32, #tpu.memory_space<vmem_shared>> -> memref<48x128xf32, #tpu.memory_space<vmem_shared>>
      %dma_wait3A_118 = arith.constant 0 : i32
      %dma_wait3A_119 = tpu.memref_slice %arg21[%add3A_30, %dma_wait3A_118] : memref<10000x128xf32, #tpu.memory_space<vmem_shared>> -> memref<48x128xf32, #tpu.memory_space<vmem_shared>>
      tpu.wait_dma2 semaphore(%run_scoped3A : memref<!tpu.dma_semaphore, #tpu.memory_space<semaphore_mem>>) src(%arg20 : memref<48x128xf32, #tpu.memory_space<vmem>>) dst(%dma_wait3A_119 : memref<48x128xf32, #tpu.memory_space<vmem_shared>>)
      tpu.yield
    }) : () -> ()
    %add3A_31 = arith.constant 576 : i32
    %add3A_32 = arith.addi %multiple_of3A, %add3A_31 : i32
    "tpu.region"() ({
      %run_scoped3A = tpu.sem_alloc : memref<!tpu.dma_semaphore, #tpu.memory_space<semaphore_mem>>
      %dma_start3A_112 = arith.constant 0 : i32
      %dma_start3A_113 = tpu.memref_slice %arg21[%add3A_32, %dma_start3A_112] : memref<10000x128xf32, #tpu.memory_space<vmem_shared>> -> memref<48x128xf32, #tpu.memory_space<vmem_shared>>
      %dma_start3A_114 = arith.constant 0 : i32
      %dma_start3A_115 = tpu.memref_slice %arg21[%add3A_32, %dma_start3A_114] : memref<10000x128xf32, #tpu.memory_space<vmem_shared>> -> memref<48x128xf32, #tpu.memory_space<vmem_shared>>
      tpu.enqueue_dma source(%arg20 : memref<48x128xf32, #tpu.memory_space<vmem>>) target(%dma_start3A_115 : memref<48x128xf32, #tpu.memory_space<vmem_shared>>) target_semaphore(%run_scoped3A : memref<!tpu.dma_semaphore, #tpu.memory_space<semaphore_mem>>)
      %dma_wait3A_116 = arith.constant 0 : i32
      %dma_wait3A_117 = tpu.memref_slice %arg21[%add3A_32, %dma_wait3A_116] : memref<10000x128xf32, #tpu.memory_space<vmem_shared>> -> memref<48x128xf32, #tpu.memory_space<vmem_shared>>
      %dma_wait3A_118 = arith.constant 0 : i32
      %dma_wait3A_119 = tpu.memref_slice %arg21[%add3A_32, %dma_wait3A_118] : memref<10000x128xf32, #tpu.memory_space<vmem_shared>> -> memref<48x128xf32, #tpu.memory_space<vmem_shared>>
      tpu.wait_dma2 semaphore(%run_scoped3A : memref<!tpu.dma_semaphore, #tpu.memory_space<semaphore_mem>>) src(%arg20 : memref<48x128xf32, #tpu.memory_space<vmem>>) dst(%dma_wait3A_119 : memref<48x128xf32, #tpu.memory_space<vmem_shared>>)
      tpu.yield
    }) : () -> ()
    %eq3A = arith.constant 15 : i32
    %eq3A_33 = arith.cmpi eq, %arg1, %eq3A : i32
    %convert_element_type3A = arith.extui %eq3A_33 : i1 to i32
    %cond3A = arith.constant 0 : i32
    %cond3A_34 = arith.cmpi ne, %convert_element_type3A, %cond3A : i32
    scf.if %cond3A_34 {
      "tpu.region"() ({
        %run_scoped3A = tpu.sem_alloc : memref<!tpu.dma_semaphore, #tpu.memory_space<semaphore_mem>>
        %dma_start3A_112 = arith.constant 0 : i32
        %dma_start3A_113 = arith.constant 0 : i32
        %dma_start3A_114 = tpu.memref_slice %arg20[%dma_start3A_112, %dma_start3A_113] : memref<48x128xf32, #tpu.memory_space<vmem>> -> memref<16x128xf32, #tpu.memory_space<vmem>>
        %dma_start3A_115 = arith.constant 9984 : i32
        %dma_start3A_116 = arith.constant 0 : i32
        %dma_start3A_117 = tpu.memref_slice %arg21[%dma_start3A_115, %dma_start3A_116] : memref<10000x128xf32, #tpu.memory_space<vmem_shared>> -> memref<16x128xf32, #tpu.memory_space<vmem_shared>>
        %dma_start3A_118 = arith.constant 9984 : i32
        %dma_start3A_119 = arith.constant 0 : i32
        %dma_start3A_120 = tpu.memref_slice %arg21[%dma_start3A_118, %dma_start3A_119] : memref<10000x128xf32, #tpu.memory_space<vmem_shared>> -> memref<16x128xf32, #tpu.memory_space<vmem_shared>>
        %dma_start3A_121 = arith.constant 0 : i32
        %dma_start3A_122 = arith.constant 0 : i32
        %dma_start3A_123 = tpu.memref_slice %arg20[%dma_start3A_121, %dma_start3A_122] : memref<48x128xf32, #tpu.memory_space<vmem>> -> memref<16x128xf32, #tpu.memory_space<vmem>>
        tpu.enqueue_dma source(%dma_start3A_123 : memref<16x128xf32, #tpu.memory_space<vmem>>) target(%dma_start3A_120 : memref<16x128xf32, #tpu.memory_space<vmem_shared>>) target_semaphore(%run_scoped3A : memref<!tpu.dma_semaphore, #tpu.memory_space<semaphore_mem>>)
        %dma_wait3A_124 = arith.constant 0 : i32
        %dma_wait3A_125 = arith.constant 0 : i32
        %dma_wait3A_126 = tpu.memref_slice %arg20[%dma_wait3A_124, %dma_wait3A_125] : memref<48x128xf32, #tpu.memory_space<vmem>> -> memref<16x128xf32, #tpu.memory_space<vmem>>
        %dma_wait3A_127 = arith.constant 9984 : i32
        %dma_wait3A_128 = arith.constant 0 : i32
        %dma_wait3A_129 = tpu.memref_slice %arg21[%dma_wait3A_127, %dma_wait3A_128] : memref<10000x128xf32, #tpu.memory_space<vmem_shared>> -> memref<16x128xf32, #tpu.memory_space<vmem_shared>>
        %dma_wait3A_130 = arith.constant 9984 : i32
        %dma_wait3A_131 = arith.constant 0 : i32
        %dma_wait3A_132 = tpu.memref_slice %arg21[%dma_wait3A_130, %dma_wait3A_131] : memref<10000x128xf32, #tpu.memory_space<vmem_shared>> -> memref<16x128xf32, #tpu.memory_space<vmem_shared>>
        %dma_wait3A_133 = arith.constant 0 : i32
        %dma_wait3A_134 = arith.constant 0 : i32
        %dma_wait3A_135 = tpu.memref_slice %arg20[%dma_wait3A_133, %dma_wait3A_134] : memref<48x128xf32, #tpu.memory_space<vmem>> -> memref<16x128xf32, #tpu.memory_space<vmem>>
        tpu.wait_dma2 semaphore(%run_scoped3A : memref<!tpu.dma_semaphore, #tpu.memory_space<semaphore_mem>>) src(%dma_wait3A_135 : memref<16x128xf32, #tpu.memory_space<vmem>>) dst(%dma_wait3A_132 : memref<16x128xf32, #tpu.memory_space<vmem_shared>>)
        tpu.yield
      }) : () -> ()
    } else {
    }
    %barrier3A = arith.constant 0 : index
    tpu.barrier barrier_id(%barrier3A)
    %mul3A_35 = arith.constant 625 : i32
    %mul3A_36 = arith.muli %arg1, %mul3A_35 : i32
    %mul3A_37 = arith.constant 32 : i32
    %mul3A_38 = arith.muli %mul3A_36, %mul3A_37 : i32
    %add3A_39 = arith.constant 0 : i32
    %add3A_40 = arith.addi %mul3A_38, %add3A_39 : i32
    %multiple_of3A_41 = tpu.assume_multiple %add3A_40, 32 : i32
    %dma_start3A = tpu.memref_slice %arg2[%multiple_of3A_41] : memref<320000xi32, #tpu.memory_space<hbm>> -> memref<32xi32, #tpu.memory_space<hbm>>
    %dma_start3A_42 = tpu.memref_slice %arg2[%multiple_of3A_41] : memref<320000xi32, #tpu.memory_space<hbm>> -> memref<32xi32, #tpu.memory_space<hbm>>
    tpu.enqueue_dma source(%dma_start3A_42 : memref<32xi32, #tpu.memory_space<hbm>>) target(%arg8 : memref<32xi32, #tpu.memory_space<vmem>>) target_semaphore(%arg22 : memref<!tpu.dma_semaphore, #tpu.memory_space<semaphore_mem>>)
    %add3A_43 = arith.constant 0 : i32
    %add3A_44 = arith.addi %mul3A_38, %add3A_43 : i32
    %multiple_of3A_45 = tpu.assume_multiple %add3A_44, 32 : i32
    %dma_start3A_46 = tpu.memref_slice %arg3[%multiple_of3A_45] : memref<320000xi32, #tpu.memory_space<hbm>> -> memref<32xi32, #tpu.memory_space<hbm>>
    %dma_start3A_47 = tpu.memref_slice %arg3[%multiple_of3A_45] : memref<320000xi32, #tpu.memory_space<hbm>> -> memref<32xi32, #tpu.memory_space<hbm>>
    tpu.enqueue_dma source(%dma_start3A_47 : memref<32xi32, #tpu.memory_space<hbm>>) target(%arg10 : memref<32xi32, #tpu.memory_space<vmem>>) target_semaphore(%arg22 : memref<!tpu.dma_semaphore, #tpu.memory_space<semaphore_mem>>)
    %dma_wait3A = tpu.memref_slice %arg2[%multiple_of3A_41] : memref<320000xi32, #tpu.memory_space<hbm>> -> memref<32xi32, #tpu.memory_space<hbm>>
    %dma_wait3A_48 = tpu.memref_slice %arg2[%multiple_of3A_41] : memref<320000xi32, #tpu.memory_space<hbm>> -> memref<32xi32, #tpu.memory_space<hbm>>
    tpu.wait_dma2 semaphore(%arg22 : memref<!tpu.dma_semaphore, #tpu.memory_space<semaphore_mem>>) src(%dma_wait3A_48 : memref<32xi32, #tpu.memory_space<hbm>>) dst(%arg8 : memref<32xi32, #tpu.memory_space<vmem>>)
    %dma_wait3A_49 = tpu.memref_slice %arg3[%multiple_of3A_45] : memref<320000xi32, #tpu.memory_space<hbm>> -> memref<32xi32, #tpu.memory_space<hbm>>
    %dma_wait3A_50 = tpu.memref_slice %arg3[%multiple_of3A_45] : memref<320000xi32, #tpu.memory_space<hbm>> -> memref<32xi32, #tpu.memory_space<hbm>>
    tpu.wait_dma2 semaphore(%arg22 : memref<!tpu.dma_semaphore, #tpu.memory_space<semaphore_mem>>) src(%dma_wait3A_50 : memref<32xi32, #tpu.memory_space<hbm>>) dst(%arg10 : memref<32xi32, #tpu.memory_space<vmem>>)
    %get3A = arith.constant 0 : index
    %get3A_51 = tpu.vector_load %arg8[%get3A] {strides = array<i32>} : memref<32xi32, #tpu.memory_space<vmem>>, vector<16xi32>,
    %get3A_52 = vector.shape_cast %get3A_51 : vector<16xi32> to vector<16xi32>
    %add3A_53 = vector.broadcast %mul3A_0 : i32 to vector<16xi32>
    %add3A_54 = arith.addi %get3A_52, %add3A_53 : vector<16xi32>
    %swap3A = arith.constant 0 : index
    %swap3A_55 = tpu.vector_load %arg12[%swap3A] {strides = array<i32>} : memref<32xi32, #tpu.memory_space<vmem>>, vector<16xi32>,
    %swap3A_56 = vector.shape_cast %swap3A_55 : vector<16xi32> to vector<16xi32>
    %swap3A_57 = vector.shape_cast %add3A_54 : vector<16xi32> to vector<16xi32>
    tpu.vector_store %arg12[%swap3A], %swap3A_57 {strides = array<i32>} : memref<32xi32, #tpu.memory_space<vmem>>, vector<16xi32>,
    %get3A_58 = arith.constant 16 : index
    %get3A_59 = tpu.vector_load %arg8[%get3A_58] {strides = array<i32>} : memref<32xi32, #tpu.memory_space<vmem>>, vector<16xi32>,
    %get3A_60 = vector.shape_cast %get3A_59 : vector<16xi32> to vector<16xi32>
    %add3A_61 = vector.broadcast %mul3A_0 : i32 to vector<16xi32>
    %add3A_62 = arith.addi %get3A_60, %add3A_61 : vector<16xi32>
    %swap3A_63 = arith.constant 16 : index
    %swap3A_64 = tpu.vector_load %arg12[%swap3A_63] {strides = array<i32>} : memref<32xi32, #tpu.memory_space<vmem>>, vector<16xi32>,
    %swap3A_65 = vector.shape_cast %swap3A_64 : vector<16xi32> to vector<16xi32>
    %swap3A_66 = vector.shape_cast %add3A_62 : vector<16xi32> to vector<16xi32>
    tpu.vector_store %arg12[%swap3A_63], %swap3A_66 {strides = array<i32>} : memref<32xi32, #tpu.memory_space<vmem>>, vector<16xi32>,
    %dma_start3A_67 = arith.constant 0 : i32
    %dma_start3A_68 = arith.constant 0 : i32
    %dma_start3A_69 = tpu.memref_slice %arg5[%dma_start3A_67, %dma_start3A_68] : memref<20000x128xf32, #tpu.memory_space<hbm>> -> memref<20000x128xf32, #tpu.memory_space<hbm>>
    tpu.enqueue_indirect_dma source(%dma_start3A_69 : memref<20000x128xf32, #tpu.memory_space<hbm>>) target(%arg14 : memref<32x128xf32, #tpu.memory_space<vmem>>) offsets(%arg12 : memref<32xi32, #tpu.memory_space<vmem>>) semaphore(%arg23 : memref<!tpu.dma_semaphore, #tpu.memory_space<semaphore_mem>>)
    %dma_start3A_70 = arith.constant 0 : i32
    %dma_start3A_71 = arith.constant 0 : i32
    %dma_start3A_72 = tpu.memref_slice %arg6[%dma_start3A_70, %dma_start3A_71] : memref<10000x128xf32, #tpu.memory_space<hbm>> -> memref<10000x128xf32, #tpu.memory_space<hbm>>
    tpu.enqueue_indirect_dma source(%dma_start3A_72 : memref<10000x128xf32, #tpu.memory_space<hbm>>) target(%arg16 : memref<32x128xf32, #tpu.memory_space<vmem>>) offsets(%arg10 : memref<32xi32, #tpu.memory_space<vmem>>) semaphore(%arg23 : memref<!tpu.dma_semaphore, #tpu.memory_space<semaphore_mem>>)
    %add3A_73 = arith.constant 0 : i32
    %add3A_74 = arith.addi %mul3A_38, %add3A_73 : i32
    %multiple_of3A_75 = tpu.assume_multiple %add3A_74, 32 : i32
    %dma_start3A_76 = arith.constant 0 : i32
    %dma_start3A_77 = tpu.memref_slice %arg4[%arg0, %multiple_of3A_75, %dma_start3A_76] : memref<2x320000x64xf32, #tpu.memory_space<hbm>> -> memref<1x32x64xf32, #tpu.memory_space<hbm>>
    %dma_start3A_78 = tpu.memref_squeeze %dma_start3A_77 : memref<1x32x64xf32, #tpu.memory_space<hbm>> -> memref<32x64xf32, #tpu.memory_space<hbm>>
    %dma_start3A_79 = arith.constant 0 : i32
    %dma_start3A_80 = tpu.memref_slice %arg4[%arg0, %multiple_of3A_75, %dma_start3A_79] : memref<2x320000x64xf32, #tpu.memory_space<hbm>> -> memref<1x32x64xf32, #tpu.memory_space<hbm>>
    %dma_start3A_81 = tpu.memref_squeeze %dma_start3A_80 : memref<1x32x64xf32, #tpu.memory_space<hbm>> -> memref<32x64xf32, #tpu.memory_space<hbm>>
    tpu.enqueue_dma source(%dma_start3A_81 : memref<32x64xf32, #tpu.memory_space<hbm>>) target(%arg18 : memref<32x64xf32, #tpu.memory_space<vmem>>) target_semaphore(%arg23 : memref<!tpu.dma_semaphore, #tpu.memory_space<semaphore_mem>>)
    %dma_wait3A_82 = arith.constant 0 : i32
    %dma_wait3A_83 = arith.constant 0 : i32
    %dma_wait3A_84 = tpu.memref_slice %arg5[%dma_wait3A_82, %dma_wait3A_83] : memref<20000x128xf32, #tpu.memory_space<hbm>> -> memref<20000x128xf32, #tpu.memory_space<hbm>>
    tpu.wait_indirect_dma semaphore(%arg23 : memref<!tpu.dma_semaphore, #tpu.memory_space<semaphore_mem>>) src(%dma_wait3A_84 : memref<20000x128xf32, #tpu.memory_space<hbm>>) dst(%arg14 : memref<32x128xf32, #tpu.memory_space<vmem>>)
    %dma_wait3A_85 = arith.constant 0 : i32
    %dma_wait3A_86 = arith.constant 0 : i32
    %dma_wait3A_87 = tpu.memref_slice %arg6[%dma_wait3A_85, %dma_wait3A_86] : memref<10000x128xf32, #tpu.memory_space<hbm>> -> memref<10000x128xf32, #tpu.memory_space<hbm>>
    tpu.wait_indirect_dma semaphore(%arg23 : memref<!tpu.dma_semaphore, #tpu.memory_space<semaphore_mem>>) src(%dma_wait3A_87 : memref<10000x128xf32, #tpu.memory_space<hbm>>) dst(%arg16 : memref<32x128xf32, #tpu.memory_space<vmem>>)
    %dma_wait3A_88 = arith.constant 0 : i32
    %dma_wait3A_89 = tpu.memref_slice %arg4[%arg0, %multiple_of3A_75, %dma_wait3A_88] : memref<2x320000x64xf32, #tpu.memory_space<hbm>> -> memref<1x32x64xf32, #tpu.memory_space<hbm>>
    %dma_wait3A_90 = tpu.memref_squeeze %dma_wait3A_89 : memref<1x32x64xf32, #tpu.memory_space<hbm>> -> memref<32x64xf32, #tpu.memory_space<hbm>>
    %dma_wait3A_91 = arith.constant 0 : i32
    %dma_wait3A_92 = tpu.memref_slice %arg4[%arg0, %multiple_of3A_75, %dma_wait3A_91] : memref<2x320000x64xf32, #tpu.memory_space<hbm>> -> memref<1x32x64xf32, #tpu.memory_space<hbm>>
    %dma_wait3A_93 = tpu.memref_squeeze %dma_wait3A_92 : memref<1x32x64xf32, #tpu.memory_space<hbm>> -> memref<32x64xf32, #tpu.memory_space<hbm>>
    tpu.wait_dma2 semaphore(%arg23 : memref<!tpu.dma_semaphore, #tpu.memory_space<semaphore_mem>>) src(%dma_wait3A_93 : memref<32x64xf32, #tpu.memory_space<hbm>>) dst(%arg18 : memref<32x64xf32, #tpu.memory_space<vmem>>)
    %scan3A_94 = arith.constant 0 : i32
    %scan3A_95 = arith.constant 0 : i32
    %scan3A_96 = arith.constant 32 : i32
    %scan3A_97 = arith.addi %scan3A_95, %scan3A_96 : i32
    %scan3A_98 = arith.constant 1 : i32
    scf.for %scan3A_112 = %scan3A_95 to %scan3A_97 step %scan3A_98  : i32 {
      %get3A_113 = arith.index_cast %scan3A_112 : i32 to index
      %get3A_114 = arith.constant 0 : index
      %get3A_115 = tpu.vector_load %arg14[%get3A_113, %get3A_114] {strides = array<i32>} : memref<32x128xf32, #tpu.memory_space<vmem>>, vector<1x16xf32>,
      %get3A_116 = vector.shape_cast %get3A_115 : vector<1x16xf32> to vector<16xf32>
      %get3A_117 = arith.index_cast %scan3A_112 : i32 to index
      %get3A_118 = arith.constant 64 : index
      %get3A_119 = tpu.vector_load %arg14[%get3A_117, %get3A_118] {strides = array<i32>} : memref<32x128xf32, #tpu.memory_space<vmem>>, vector<1x16xf32>,
      %get3A_120 = vector.shape_cast %get3A_119 : vector<1x16xf32> to vector<16xf32>
      %mul3A_121 = arith.constant 64 : i32
      %mul3A_122 = arith.muli %arg0, %mul3A_121 : i32
      %add3A_123 = arith.constant 0 : i32
      %add3A_124 = arith.addi %mul3A_122, %add3A_123 : i32
      %get3A_125 = arith.index_cast %scan3A_112 : i32 to index
      %get3A_126 = arith.index_cast %add3A_124 : i32 to index
      %get3A_127 = tpu.vector_load %arg16[%get3A_125, %get3A_126] {strides = array<i32>} : memref<32x128xf32, #tpu.memory_space<vmem>>, vector<1x16xf32>,
      %get3A_128 = vector.shape_cast %get3A_127 : vector<1x16xf32> to vector<16xf32>
      %get3A_129 = arith.index_cast %scan3A_112 : i32 to index
      %get3A_130 = arith.constant 0 : index
      %get3A_131 = tpu.vector_load %arg18[%get3A_129, %get3A_130] {strides = array<i32>} : memref<32x64xf32, #tpu.memory_space<vmem>>, vector<1x16xf32>,
      %get3A_132 = vector.shape_cast %get3A_131 : vector<1x16xf32> to vector<16xf32>
      %add3A_133 = arith.addf %get3A_132, %get3A_116 : vector<16xf32>
      %add3A_134 = arith.addf %add3A_133, %get3A_128 : vector<16xf32>
      %neg3A = arith.constant 0.000000e+00 : f32
      %neg3A_135 = vector.broadcast %neg3A : f32 to vector<16xf32>
      %neg3A_136 = arith.subf %neg3A_135, %add3A_134 : vector<16xf32>
      %exp3A = math.exp %neg3A_136 : vector<16xf32>
      %add3A_137 = arith.constant 1.000000e+00 : f32
      %add3A_138 = vector.broadcast %add3A_137 : f32 to vector<16xf32>
      %add3A_139 = arith.addf %add3A_138, %exp3A : vector<16xf32>
      %div3A = arith.constant 1.000000e+00 : f32
      %div3A_140 = vector.broadcast %div3A : f32 to vector<16xf32>
      %div3A_141 = arith.divf %div3A_140, %add3A_139 : vector<16xf32>
      %mul3A_142 = arith.mulf %div3A_141, %get3A_120 : vector<16xf32>
      %swap3A_143 = arith.index_cast %scan3A_112 : i32 to index
      %swap3A_144 = arith.constant 0 : index
      %swap3A_145 = tpu.vector_load %arg14[%swap3A_143, %swap3A_144] {strides = array<i32>} : memref<32x128xf32, #tpu.memory_space<vmem>>, vector<1x16xf32>,
      %swap3A_146 = vector.shape_cast %swap3A_145 : vector<1x16xf32> to vector<16xf32>
      %swap3A_147 = vector.shape_cast %mul3A_142 : vector<16xf32> to vector<1x16xf32>
      tpu.vector_store %arg14[%swap3A_143, %swap3A_144], %swap3A_147 {strides = array<i32>} : memref<32x128xf32, #tpu.memory_space<vmem>>, vector<1x16xf32>,
      %swap3A_148 = arith.index_cast %scan3A_112 : i32 to index
      %swap3A_149 = arith.constant 64 : index
      %swap3A_150 = tpu.vector_load %arg14[%swap3A_148, %swap3A_149] {strides = array<i32>} : memref<32x128xf32, #tpu.memory_space<vmem>>, vector<1x16xf32>,
      %swap3A_151 = vector.shape_cast %swap3A_150 : vector<1x16xf32> to vector<16xf32>
      %swap3A_152 = vector.shape_cast %div3A_141 : vector<16xf32> to vector<1x16xf32>
      tpu.vector_store %arg14[%swap3A_148, %swap3A_149], %swap3A_152 {strides = array<i32>} : memref<32x128xf32, #tpu.memory_space<vmem>>, vector<1x16xf32>,
      %get3A_153 = arith.index_cast %scan3A_112 : i32 to index
      %get3A_154 = arith.constant 16 : index
      %get3A_155 = tpu.vector_load %arg14[%get3A_153, %get3A_154] {strides = array<i32>} : memref<32x128xf32, #tpu.memory_space<vmem>>, vector<1x16xf32>,
      %get3A_156 = vector.shape_cast %get3A_155 : vector<1x16xf32> to vector<16xf32>
      %get3A_157 = arith.index_cast %scan3A_112 : i32 to index
      %get3A_158 = arith.constant 80 : index
      %get3A_159 = tpu.vector_load %arg14[%get3A_157, %get3A_158] {strides = array<i32>} : memref<32x128xf32, #tpu.memory_space<vmem>>, vector<1x16xf32>,
      %get3A_160 = vector.shape_cast %get3A_159 : vector<1x16xf32> to vector<16xf32>
      %mul3A_161 = arith.constant 64 : i32
      %mul3A_162 = arith.muli %arg0, %mul3A_161 : i32
      %add3A_163 = arith.constant 16 : i32
      %add3A_164 = arith.addi %mul3A_162, %add3A_163 : i32
      %get3A_165 = arith.index_cast %scan3A_112 : i32 to index
      %get3A_166 = arith.index_cast %add3A_164 : i32 to index
      %get3A_167 = tpu.vector_load %arg16[%get3A_165, %get3A_166] {strides = array<i32>} : memref<32x128xf32, #tpu.memory_space<vmem>>, vector<1x16xf32>,
      %get3A_168 = vector.shape_cast %get3A_167 : vector<1x16xf32> to vector<16xf32>
      %get3A_169 = arith.index_cast %scan3A_112 : i32 to index
      %get3A_170 = arith.constant 16 : index
      %get3A_171 = tpu.vector_load %arg18[%get3A_169, %get3A_170] {strides = array<i32>} : memref<32x64xf32, #tpu.memory_space<vmem>>, vector<1x16xf32>,
      %get3A_172 = vector.shape_cast %get3A_171 : vector<1x16xf32> to vector<16xf32>
      %add3A_173 = arith.addf %get3A_172, %get3A_156 : vector<16xf32>
      %add3A_174 = arith.addf %add3A_173, %get3A_168 : vector<16xf32>
      %neg3A_175 = arith.constant 0.000000e+00 : f32
      %neg3A_176 = vector.broadcast %neg3A_175 : f32 to vector<16xf32>
      %neg3A_177 = arith.subf %neg3A_176, %add3A_174 : vector<16xf32>
      %exp3A_178 = math.exp %neg3A_177 : vector<16xf32>
      %add3A_179 = arith.constant 1.000000e+00 : f32
      %add3A_180 = vector.broadcast %add3A_179 : f32 to vector<16xf32>
      %add3A_181 = arith.addf %add3A_180, %exp3A_178 : vector<16xf32>
      %div3A_182 = arith.constant 1.000000e+00 : f32
      %div3A_183 = vector.broadcast %div3A_182 : f32 to vector<16xf32>
      %div3A_184 = arith.divf %div3A_183, %add3A_181 : vector<16xf32>
      %mul3A_185 = arith.mulf %div3A_184, %get3A_160 : vector<16xf32>
      %swap3A_186 = arith.index_cast %scan3A_112 : i32 to index
      %swap3A_187 = arith.constant 16 : index
      %swap3A_188 = tpu.vector_load %arg14[%swap3A_186, %swap3A_187] {strides = array<i32>} : memref<32x128xf32, #tpu.memory_space<vmem>>, vector<1x16xf32>,
      %swap3A_189 = vector.shape_cast %swap3A_188 : vector<1x16xf32> to vector<16xf32>
      %swap3A_190 = vector.shape_cast %mul3A_185 : vector<16xf32> to vector<1x16xf32>
      tpu.vector_store %arg14[%swap3A_186, %swap3A_187], %swap3A_190 {strides = array<i32>} : memref<32x128xf32, #tpu.memory_space<vmem>>, vector<1x16xf32>,
      %swap3A_191 = arith.index_cast %scan3A_112 : i32 to index
      %swap3A_192 = arith.constant 80 : index
      %swap3A_193 = tpu.vector_load %arg14[%swap3A_191, %swap3A_192] {strides = array<i32>} : memref<32x128xf32, #tpu.memory_space<vmem>>, vector<1x16xf32>,
      %swap3A_194 = vector.shape_cast %swap3A_193 : vector<1x16xf32> to vector<16xf32>
      %swap3A_195 = vector.shape_cast %div3A_184 : vector<16xf32> to vector<1x16xf32>
      tpu.vector_store %arg14[%swap3A_191, %swap3A_192], %swap3A_195 {strides = array<i32>} : memref<32x128xf32, #tpu.memory_space<vmem>>, vector<1x16xf32>,
      %get3A_196 = arith.index_cast %scan3A_112 : i32 to index
      %get3A_197 = arith.constant 32 : index
      %get3A_198 = tpu.vector_load %arg14[%get3A_196, %get3A_197] {strides = array<i32>} : memref<32x128xf32, #tpu.memory_space<vmem>>, vector<1x16xf32>,
      %get3A_199 = vector.shape_cast %get3A_198 : vector<1x16xf32> to vector<16xf32>
      %get3A_200 = arith.index_cast %scan3A_112 : i32 to index
      %get3A_201 = arith.constant 96 : index
      %get3A_202 = tpu.vector_load %arg14[%get3A_200, %get3A_201] {strides = array<i32>} : memref<32x128xf32, #tpu.memory_space<vmem>>, vector<1x16xf32>,
      %get3A_203 = vector.shape_cast %get3A_202 : vector<1x16xf32> to vector<16xf32>
      %mul3A_204 = arith.constant 64 : i32
      %mul3A_205 = arith.muli %arg0, %mul3A_204 : i32
      %add3A_206 = arith.constant 32 : i32
      %add3A_207 = arith.addi %mul3A_205, %add3A_206 : i32
      %get3A_208 = arith.index_cast %scan3A_112 : i32 to index
      %get3A_209 = arith.index_cast %add3A_207 : i32 to index
      %get3A_210 = tpu.vector_load %arg16[%get3A_208, %get3A_209] {strides = array<i32>} : memref<32x128xf32, #tpu.memory_space<vmem>>, vector<1x16xf32>,
      %get3A_211 = vector.shape_cast %get3A_210 : vector<1x16xf32> to vector<16xf32>
      %get3A_212 = arith.index_cast %scan3A_112 : i32 to index
      %get3A_213 = arith.constant 32 : index
      %get3A_214 = tpu.vector_load %arg18[%get3A_212, %get3A_213] {strides = array<i32>} : memref<32x64xf32, #tpu.memory_space<vmem>>, vector<1x16xf32>,
      %get3A_215 = vector.shape_cast %get3A_214 : vector<1x16xf32> to vector<16xf32>
      %add3A_216 = arith.addf %get3A_215, %get3A_199 : vector<16xf32>
      %add3A_217 = arith.addf %add3A_216, %get3A_211 : vector<16xf32>
      %neg3A_218 = arith.constant 0.000000e+00 : f32
      %neg3A_219 = vector.broadcast %neg3A_218 : f32 to vector<16xf32>
      %neg3A_220 = arith.subf %neg3A_219, %add3A_217 : vector<16xf32>
      %exp3A_221 = math.exp %neg3A_220 : vector<16xf32>
      %add3A_222 = arith.constant 1.000000e+00 : f32
      %add3A_223 = vector.broadcast %add3A_222 : f32 to vector<16xf32>
      %add3A_224 = arith.addf %add3A_223, %exp3A_221 : vector<16xf32>
      %div3A_225 = arith.constant 1.000000e+00 : f32
      %div3A_226 = vector.broadcast %div3A_225 : f32 to vector<16xf32>
      %div3A_227 = arith.divf %div3A_226, %add3A_224 : vector<16xf32>
      %mul3A_228 = arith.mulf %div3A_227, %get3A_203 : vector<16xf32>
      %swap3A_229 = arith.index_cast %scan3A_112 : i32 to index
      %swap3A_230 = arith.constant 32 : index
      %swap3A_231 = tpu.vector_load %arg14[%swap3A_229, %swap3A_230] {strides = array<i32>} : memref<32x128xf32, #tpu.memory_space<vmem>>, vector<1x16xf32>,
      %swap3A_232 = vector.shape_cast %swap3A_231 : vector<1x16xf32> to vector<16xf32>
      %swap3A_233 = vector.shape_cast %mul3A_228 : vector<16xf32> to vector<1x16xf32>
      tpu.vector_store %arg14[%swap3A_229, %swap3A_230], %swap3A_233 {strides = array<i32>} : memref<32x128xf32, #tpu.memory_space<vmem>>, vector<1x16xf32>,
      %swap3A_234 = arith.index_cast %scan3A_112 : i32 to index
      %swap3A_235 = arith.constant 96 : index
      %swap3A_236 = tpu.vector_load %arg14[%swap3A_234, %swap3A_235] {strides = array<i32>} : memref<32x128xf32, #tpu.memory_space<vmem>>, vector<1x16xf32>,
      %swap3A_237 = vector.shape_cast %swap3A_236 : vector<1x16xf32> to vector<16xf32>
      %swap3A_238 = vector.shape_cast %div3A_227 : vector<16xf32> to vector<1x16xf32>
      tpu.vector_store %arg14[%swap3A_234, %swap3A_235], %swap3A_238 {strides = array<i32>} : memref<32x128xf32, #tpu.memory_space<vmem>>, vector<1x16xf32>,
      %get3A_239 = arith.index_cast %scan3A_112 : i32 to index
      %get3A_240 = arith.constant 48 : index
      %get3A_241 = tpu.vector_load %arg14[%get3A_239, %get3A_240] {strides = array<i32>} : memref<32x128xf32, #tpu.memory_space<vmem>>, vector<1x16xf32>,
      %get3A_242 = vector.shape_cast %get3A_241 : vector<1x16xf32> to vector<16xf32>
      %get3A_243 = arith.index_cast %scan3A_112 : i32 to index
      %get3A_244 = arith.constant 112 : index
      %get3A_245 = tpu.vector_load %arg14[%get3A_243, %get3A_244] {strides = array<i32>} : memref<32x128xf32, #tpu.memory_space<vmem>>, vector<1x16xf32>,
      %get3A_246 = vector.shape_cast %get3A_245 : vector<1x16xf32> to vector<16xf32>
      %mul3A_247 = arith.constant 64 : i32
      %mul3A_248 = arith.muli %arg0, %mul3A_247 : i32
      %add3A_249 = arith.constant 48 : i32
      %add3A_250 = arith.addi %mul3A_248, %add3A_249 : i32
      %get3A_251 = arith.index_cast %scan3A_112 : i32 to index
      %get3A_252 = arith.index_cast %add3A_250 : i32 to index
      %get3A_253 = tpu.vector_load %arg16[%get3A_251, %get3A_252] {strides = array<i32>} : memref<32x128xf32, #tpu.memory_space<vmem>>, vector<1x16xf32>,
      %get3A_254 = vector.shape_cast %get3A_253 : vector<1x16xf32> to vector<16xf32>
      %get3A_255 = arith.index_cast %scan3A_112 : i32 to index
      %get3A_256 = arith.constant 48 : index
      %get3A_257 = tpu.vector_load %arg18[%get3A_255, %get3A_256] {strides = array<i32>} : memref<32x64xf32, #tpu.memory_space<vmem>>, vector<1x16xf32>,
      %get3A_258 = vector.shape_cast %get3A_257 : vector<1x16xf32> to vector<16xf32>
      %add3A_259 = arith.addf %get3A_258, %get3A_242 : vector<16xf32>
      %add3A_260 = arith.addf %add3A_259, %get3A_254 : vector<16xf32>
      %neg3A_261 = arith.constant 0.000000e+00 : f32
      %neg3A_262 = vector.broadcast %neg3A_261 : f32 to vector<16xf32>
      %neg3A_263 = arith.subf %neg3A_262, %add3A_260 : vector<16xf32>
      %exp3A_264 = math.exp %neg3A_263 : vector<16xf32>
      %add3A_265 = arith.constant 1.000000e+00 : f32
      %add3A_266 = vector.broadcast %add3A_265 : f32 to vector<16xf32>
      %add3A_267 = arith.addf %add3A_266, %exp3A_264 : vector<16xf32>
      %div3A_268 = arith.constant 1.000000e+00 : f32
      %div3A_269 = vector.broadcast %div3A_268 : f32 to vector<16xf32>
      %div3A_270 = arith.divf %div3A_269, %add3A_267 : vector<16xf32>
      %mul3A_271 = arith.mulf %div3A_270, %get3A_246 : vector<16xf32>
      %swap3A_272 = arith.index_cast %scan3A_112 : i32 to index
      %swap3A_273 = arith.constant 48 : index
      %swap3A_274 = tpu.vector_load %arg14[%swap3A_272, %swap3A_273] {strides = array<i32>} : memref<32x128xf32, #tpu.memory_space<vmem>>, vector<1x16xf32>,
      %swap3A_275 = vector.shape_cast %swap3A_274 : vector<1x16xf32> to vector<16xf32>
      %swap3A_276 = vector.shape_cast %mul3A_271 : vector<16xf32> to vector<1x16xf32>
      tpu.vector_store %arg14[%swap3A_272, %swap3A_273], %swap3A_276 {strides = array<i32>} : memref<32x128xf32, #tpu.memory_space<vmem>>, vector<1x16xf32>,
      %swap3A_277 = arith.index_cast %scan3A_112 : i32 to index
      %swap3A_278 = arith.constant 112 : index
      %swap3A_279 = tpu.vector_load %arg14[%swap3A_277, %swap3A_278] {strides = array<i32>} : memref<32x128xf32, #tpu.memory_space<vmem>>, vector<1x16xf32>,
      %swap3A_280 = vector.shape_cast %swap3A_279 : vector<1x16xf32> to vector<16xf32>
      %swap3A_281 = vector.shape_cast %div3A_270 : vector<16xf32> to vector<1x16xf32>
      tpu.vector_store %arg14[%swap3A_277, %swap3A_278], %swap3A_281 {strides = array<i32>} : memref<32x128xf32, #tpu.memory_space<vmem>>, vector<1x16xf32>,
    }
    %scan3A_99 = arith.constant 32 : i32
    %scan3A_100 = arith.constant 0 : i32
    %scan3A_101 = arith.constant 0 : i32
    %scan3A_102 = arith.constant 312 : i32
    %scan3A_103 = arith.addi %scan3A_101, %scan3A_102 : i32
    %scan3A_104 = arith.constant 1 : i32
    scf.for %scan3A_112 = %scan3A_101 to %scan3A_103 step %scan3A_104  : i32 {
      %mul3A_113 = arith.constant 2 : i32
      %mul3A_114 = arith.muli %mul3A_113, %scan3A_112 : i32
      %add3A_115 = arith.constant 1 : i32
      %add3A_116 = arith.addi %mul3A_114, %add3A_115 : i32
      %mul3A_117 = arith.constant 2 : i32
      %mul3A_118 = arith.muli %mul3A_117, %scan3A_112 : i32
      %add3A_119 = arith.constant 2 : i32
      %add3A_120 = arith.addi %mul3A_118, %add3A_119 : i32
      %mul3A_121 = arith.constant 32 : i32
      %mul3A_122 = arith.muli %add3A_116, %mul3A_121 : i32
      %add3A_123 = arith.addi %mul3A_38, %mul3A_122 : i32
      %multiple_of3A_124 = tpu.assume_multiple %add3A_123, 32 : i32
      %dma_start3A_125 = tpu.memref_slice %arg2[%multiple_of3A_124] : memref<320000xi32, #tpu.memory_space<hbm>> -> memref<32xi32, #tpu.memory_space<hbm>>
      %dma_start3A_126 = tpu.memref_slice %arg2[%multiple_of3A_124] : memref<320000xi32, #tpu.memory_space<hbm>> -> memref<32xi32, #tpu.memory_space<hbm>>
      tpu.enqueue_dma source(%dma_start3A_126 : memref<32xi32, #tpu.memory_space<hbm>>) target(%arg9 : memref<32xi32, #tpu.memory_space<vmem>>) target_semaphore(%arg22 : memref<!tpu.dma_semaphore, #tpu.memory_space<semaphore_mem>>)
      %mul3A_127 = arith.constant 32 : i32
      %mul3A_128 = arith.muli %add3A_116, %mul3A_127 : i32
      %add3A_129 = arith.addi %mul3A_38, %mul3A_128 : i32
      %multiple_of3A_130 = tpu.assume_multiple %add3A_129, 32 : i32
      %dma_start3A_131 = tpu.memref_slice %arg3[%multiple_of3A_130] : memref<320000xi32, #tpu.memory_space<hbm>> -> memref<32xi32, #tpu.memory_space<hbm>>
      %dma_start3A_132 = tpu.memref_slice %arg3[%multiple_of3A_130] : memref<320000xi32, #tpu.memory_space<hbm>> -> memref<32xi32, #tpu.memory_space<hbm>>
      tpu.enqueue_dma source(%dma_start3A_132 : memref<32xi32, #tpu.memory_space<hbm>>) target(%arg11 : memref<32xi32, #tpu.memory_space<vmem>>) target_semaphore(%arg22 : memref<!tpu.dma_semaphore, #tpu.memory_space<semaphore_mem>>)
      %mul3A_133 = arith.constant 2 : i32
      %mul3A_134 = arith.muli %mul3A_133, %scan3A_112 : i32
      "tpu.region"() ({
        %run_scoped3A = tpu.sem_alloc : memref<!tpu.dma_semaphore, #tpu.memory_space<semaphore_mem>>
        %dma_start3A_259 = arith.constant 0 : i32
        %dma_start3A_260 = arith.constant 0 : i32
        %dma_start3A_261 = tpu.memref_slice %arg21[%dma_start3A_259, %dma_start3A_260] : memref<10000x128xf32, #tpu.memory_space<vmem_shared>> -> memref<10000x128xf32, #tpu.memory_space<vmem_shared>>
        tpu.enqueue_indirect_dma source(%arg14 : memref<32x128xf32, #tpu.memory_space<vmem>>) target(%dma_start3A_261 : memref<10000x128xf32, #tpu.memory_space<vmem_shared>>) offsets(%arg10 : memref<32xi32, #tpu.memory_space<vmem>>) semaphore(%run_scoped3A : memref<!tpu.dma_semaphore, #tpu.memory_space<semaphore_mem>>) {add = true}
        %dma_wait3A_262 = arith.constant 0 : i32
        %dma_wait3A_263 = arith.constant 0 : i32
        %dma_wait3A_264 = tpu.memref_slice %arg21[%dma_wait3A_262, %dma_wait3A_263] : memref<10000x128xf32, #tpu.memory_space<vmem_shared>> -> memref<10000x128xf32, #tpu.memory_space<vmem_shared>>
        tpu.wait_indirect_dma semaphore(%run_scoped3A : memref<!tpu.dma_semaphore, #tpu.memory_space<semaphore_mem>>) src(%arg14 : memref<32x128xf32, #tpu.memory_space<vmem>>) dst(%dma_wait3A_264 : memref<10000x128xf32, #tpu.memory_space<vmem_shared>>)
        tpu.yield
      }) : () -> ()
      %dma_wait3A_135 = tpu.memref_slice %arg2[%multiple_of3A_124] : memref<320000xi32, #tpu.memory_space<hbm>> -> memref<32xi32, #tpu.memory_space<hbm>>
      %dma_wait3A_136 = tpu.memref_slice %arg2[%multiple_of3A_124] : memref<320000xi32, #tpu.memory_space<hbm>> -> memref<32xi32, #tpu.memory_space<hbm>>
      tpu.wait_dma2 semaphore(%arg22 : memref<!tpu.dma_semaphore, #tpu.memory_space<semaphore_mem>>) src(%dma_wait3A_136 : memref<32xi32, #tpu.memory_space<hbm>>) dst(%arg9 : memref<32xi32, #tpu.memory_space<vmem>>)
      %dma_wait3A_137 = tpu.memref_slice %arg3[%multiple_of3A_130] : memref<320000xi32, #tpu.memory_space<hbm>> -> memref<32xi32, #tpu.memory_space<hbm>>
      %dma_wait3A_138 = tpu.memref_slice %arg3[%multiple_of3A_130] : memref<320000xi32, #tpu.memory_space<hbm>> -> memref<32xi32, #tpu.memory_space<hbm>>
      tpu.wait_dma2 semaphore(%arg22 : memref<!tpu.dma_semaphore, #tpu.memory_space<semaphore_mem>>) src(%dma_wait3A_138 : memref<32xi32, #tpu.memory_space<hbm>>) dst(%arg11 : memref<32xi32, #tpu.memory_space<vmem>>)
      %get3A_139 = arith.constant 0 : index
      %get3A_140 = tpu.vector_load %arg9[%get3A_139] {strides = array<i32>} : memref<32xi32, #tpu.memory_space<vmem>>, vector<16xi32>,
      %get3A_141 = vector.shape_cast %get3A_140 : vector<16xi32> to vector<16xi32>
      %add3A_142 = vector.broadcast %mul3A_0 : i32 to vector<16xi32>
      %add3A_143 = arith.addi %get3A_141, %add3A_142 : vector<16xi32>
      %swap3A_144 = arith.constant 0 : index
      %swap3A_145 = tpu.vector_load %arg13[%swap3A_144] {strides = array<i32>} : memref<32xi32, #tpu.memory_space<vmem>>, vector<16xi32>,
      %swap3A_146 = vector.shape_cast %swap3A_145 : vector<16xi32> to vector<16xi32>
      %swap3A_147 = vector.shape_cast %add3A_143 : vector<16xi32> to vector<16xi32>
      tpu.vector_store %arg13[%swap3A_144], %swap3A_147 {strides = array<i32>} : memref<32xi32, #tpu.memory_space<vmem>>, vector<16xi32>,
      %get3A_148 = arith.constant 16 : index
      %get3A_149 = tpu.vector_load %arg9[%get3A_148] {strides = array<i32>} : memref<32xi32, #tpu.memory_space<vmem>>, vector<16xi32>,
      %get3A_150 = vector.shape_cast %get3A_149 : vector<16xi32> to vector<16xi32>
      %add3A_151 = vector.broadcast %mul3A_0 : i32 to vector<16xi32>
      %add3A_152 = arith.addi %get3A_150, %add3A_151 : vector<16xi32>
      %swap3A_153 = arith.constant 16 : index
      %swap3A_154 = tpu.vector_load %arg13[%swap3A_153] {strides = array<i32>} : memref<32xi32, #tpu.memory_space<vmem>>, vector<16xi32>,
      %swap3A_155 = vector.shape_cast %swap3A_154 : vector<16xi32> to vector<16xi32>
      %swap3A_156 = vector.shape_cast %add3A_152 : vector<16xi32> to vector<16xi32>
      tpu.vector_store %arg13[%swap3A_153], %swap3A_156 {strides = array<i32>} : memref<32xi32, #tpu.memory_space<vmem>>, vector<16xi32>,
      %dma_start3A_157 = arith.constant 0 : i32
      %dma_start3A_158 = arith.constant 0 : i32
      %dma_start3A_159 = tpu.memref_slice %arg5[%dma_start3A_157, %dma_start3A_158] : memref<20000x128xf32, #tpu.memory_space<hbm>> -> memref<20000x128xf32, #tpu.memory_space<hbm>>
      tpu.enqueue_indirect_dma source(%dma_start3A_159 : memref<20000x128xf32, #tpu.memory_space<hbm>>) target(%arg15 : memref<32x128xf32, #tpu.memory_space<vmem>>) offsets(%arg13 : memref<32xi32, #tpu.memory_space<vmem>>) semaphore(%arg23 : memref<!tpu.dma_semaphore, #tpu.memory_space<semaphore_mem>>)
      %dma_start3A_160 = arith.constant 0 : i32
      %dma_start3A_161 = arith.constant 0 : i32
      %dma_start3A_162 = tpu.memref_slice %arg6[%dma_start3A_160, %dma_start3A_161] : memref<10000x128xf32, #tpu.memory_space<hbm>> -> memref<10000x128xf32, #tpu.memory_space<hbm>>
      tpu.enqueue_indirect_dma source(%dma_start3A_162 : memref<10000x128xf32, #tpu.memory_space<hbm>>) target(%arg17 : memref<32x128xf32, #tpu.memory_space<vmem>>) offsets(%arg11 : memref<32xi32, #tpu.memory_space<vmem>>) semaphore(%arg23 : memref<!tpu.dma_semaphore, #tpu.memory_space<semaphore_mem>>)
      %mul3A_163 = arith.constant 32 : i32
      %mul3A_164 = arith.muli %add3A_116, %mul3A_163 : i32
      %add3A_165 = arith.addi %mul3A_38, %mul3A_164 : i32
      %multiple_of3A_166 = tpu.assume_multiple %add3A_165, 32 : i32
      %dma_start3A_167 = arith.constant 0 : i32
      %dma_start3A_168 = tpu.memref_slice %arg4[%arg0, %multiple_of3A_166, %dma_start3A_167] : memref<2x320000x64xf32, #tpu.memory_space<hbm>> -> memref<1x32x64xf32, #tpu.memory_space<hbm>>
      %dma_start3A_169 = tpu.memref_squeeze %dma_start3A_168 : memref<1x32x64xf32, #tpu.memory_space<hbm>> -> memref<32x64xf32, #tpu.memory_space<hbm>>
      %dma_start3A_170 = arith.constant 0 : i32
      %dma_start3A_171 = tpu.memref_slice %arg4[%arg0, %multiple_of3A_166, %dma_start3A_170] : memref<2x320000x64xf32, #tpu.memory_space<hbm>> -> memref<1x32x64xf32, #tpu.memory_space<hbm>>
      %dma_start3A_172 = tpu.memref_squeeze %dma_start3A_171 : memref<1x32x64xf32, #tpu.memory_space<hbm>> -> memref<32x64xf32, #tpu.memory_space<hbm>>
      tpu.enqueue_dma source(%dma_start3A_172 : memref<32x64xf32, #tpu.memory_space<hbm>>) target(%arg19 : memref<32x64xf32, #tpu.memory_space<vmem>>) target_semaphore(%arg23 : memref<!tpu.dma_semaphore, #tpu.memory_space<semaphore_mem>>)
      %mul3A_173 = arith.constant 32 : i32
      %mul3A_174 = arith.muli %add3A_120, %mul3A_173 : i32
      %add3A_175 = arith.addi %mul3A_38, %mul3A_174 : i32
      %multiple_of3A_176 = tpu.assume_multiple %add3A_175, 32 : i32
      %dma_start3A_177 = tpu.memref_slice %arg2[%multiple_of3A_176] : memref<320000xi32, #tpu.memory_space<hbm>> -> memref<32xi32, #tpu.memory_space<hbm>>
      %dma_start3A_178 = tpu.memref_slice %arg2[%multiple_of3A_176] : memref<320000xi32, #tpu.memory_space<hbm>> -> memref<32xi32, #tpu.memory_space<hbm>>
      tpu.enqueue_dma source(%dma_start3A_178 : memref<32xi32, #tpu.memory_space<hbm>>) target(%arg8 : memref<32xi32, #tpu.memory_space<vmem>>) target_semaphore(%arg22 : memref<!tpu.dma_semaphore, #tpu.memory_space<semaphore_mem>>)
      %mul3A_179 = arith.constant 32 : i32
      %mul3A_180 = arith.muli %add3A_120, %mul3A_179 : i32
      %add3A_181 = arith.addi %mul3A_38, %mul3A_180 : i32
      %multiple_of3A_182 = tpu.assume_multiple %add3A_181, 32 : i32
      %dma_start3A_183 = tpu.memref_slice %arg3[%multiple_of3A_182] : memref<320000xi32, #tpu.memory_space<hbm>> -> memref<32xi32, #tpu.memory_space<hbm>>
      %dma_start3A_184 = tpu.memref_slice %arg3[%multiple_of3A_182] : memref<320000xi32, #tpu.memory_space<hbm>> -> memref<32xi32, #tpu.memory_space<hbm>>
      tpu.enqueue_dma source(%dma_start3A_184 : memref<32xi32, #tpu.memory_space<hbm>>) target(%arg10 : memref<32xi32, #tpu.memory_space<vmem>>) target_semaphore(%arg22 : memref<!tpu.dma_semaphore, #tpu.memory_space<semaphore_mem>>)
      %dma_wait3A_185 = arith.constant 0 : i32
      %dma_wait3A_186 = arith.constant 0 : i32
      %dma_wait3A_187 = tpu.memref_slice %arg5[%dma_wait3A_185, %dma_wait3A_186] : memref<20000x128xf32, #tpu.memory_space<hbm>> -> memref<20000x128xf32, #tpu.memory_space<hbm>>
      tpu.wait_indirect_dma semaphore(%arg23 : memref<!tpu.dma_semaphore, #tpu.memory_space<semaphore_mem>>) src(%dma_wait3A_187 : memref<20000x128xf32, #tpu.memory_space<hbm>>) dst(%arg15 : memref<32x128xf32, #tpu.memory_space<vmem>>)
      %dma_wait3A_188 = arith.constant 0 : i32
      %dma_wait3A_189 = arith.constant 0 : i32
      %dma_wait3A_190 = tpu.memref_slice %arg6[%dma_wait3A_188, %dma_wait3A_189] : memref<10000x128xf32, #tpu.memory_space<hbm>> -> memref<10000x128xf32, #tpu.memory_space<hbm>>
      tpu.wait_indirect_dma semaphore(%arg23 : memref<!tpu.dma_semaphore, #tpu.memory_space<semaphore_mem>>) src(%dma_wait3A_190 : memref<10000x128xf32, #tpu.memory_space<hbm>>) dst(%arg17 : memref<32x128xf32, #tpu.memory_space<vmem>>)
      %dma_wait3A_191 = arith.constant 0 : i32
      %dma_wait3A_192 = tpu.memref_slice %arg4[%arg0, %multiple_of3A_166, %dma_wait3A_191] : memref<2x320000x64xf32, #tpu.memory_space<hbm>> -> memref<1x32x64xf32, #tpu.memory_space<hbm>>
      %dma_wait3A_193 = tpu.memref_squeeze %dma_wait3A_192 : memref<1x32x64xf32, #tpu.memory_space<hbm>> -> memref<32x64xf32, #tpu.memory_space<hbm>>
      %dma_wait3A_194 = arith.constant 0 : i32
      %dma_wait3A_195 = tpu.memref_slice %arg4[%arg0, %multiple_of3A_166, %dma_wait3A_194] : memref<2x320000x64xf32, #tpu.memory_space<hbm>> -> memref<1x32x64xf32, #tpu.memory_space<hbm>>
      %dma_wait3A_196 = tpu.memref_squeeze %dma_wait3A_195 : memref<1x32x64xf32, #tpu.memory_space<hbm>> -> memref<32x64xf32, #tpu.memory_space<hbm>>
      tpu.wait_dma2 semaphore(%arg23 : memref<!tpu.dma_semaphore, #tpu.memory_space<semaphore_mem>>) src(%dma_wait3A_196 : memref<32x64xf32, #tpu.memory_space<hbm>>) dst(%arg19 : memref<32x64xf32, #tpu.memory_space<vmem>>)
      %scan3A_197 = arith.constant 0 : i32
      %scan3A_198 = arith.constant 0 : i32
      %scan3A_199 = arith.constant 32 : i32
      %scan3A_200 = arith.addi %scan3A_198, %scan3A_199 : i32
      %scan3A_201 = arith.constant 1 : i32
      scf.for %scan3A_259 = %scan3A_198 to %scan3A_200 step %scan3A_201  : i32 {
        %get3A_260 = arith.index_cast %scan3A_259 : i32 to index
        %get3A_261 = arith.constant 0 : index
        %get3A_262 = tpu.vector_load %arg15[%get3A_260, %get3A_261] {strides = array<i32>} : memref<32x128xf32, #tpu.memory_space<vmem>>, vector<1x16xf32>,
        %get3A_263 = vector.shape_cast %get3A_262 : vector<1x16xf32> to vector<16xf32>
        %get3A_264 = arith.index_cast %scan3A_259 : i32 to index
        %get3A_265 = arith.constant 64 : index
        %get3A_266 = tpu.vector_load %arg15[%get3A_264, %get3A_265] {strides = array<i32>} : memref<32x128xf32, #tpu.memory_space<vmem>>, vector<1x16xf32>,
        %get3A_267 = vector.shape_cast %get3A_266 : vector<1x16xf32> to vector<16xf32>
        %mul3A_268 = arith.constant 64 : i32
        %mul3A_269 = arith.muli %arg0, %mul3A_268 : i32
        %add3A_270 = arith.constant 0 : i32
        %add3A_271 = arith.addi %mul3A_269, %add3A_270 : i32
        %get3A_272 = arith.index_cast %scan3A_259 : i32 to index
        %get3A_273 = arith.index_cast %add3A_271 : i32 to index
        %get3A_274 = tpu.vector_load %arg17[%get3A_272, %get3A_273] {strides = array<i32>} : memref<32x128xf32, #tpu.memory_space<vmem>>, vector<1x16xf32>,
        %get3A_275 = vector.shape_cast %get3A_274 : vector<1x16xf32> to vector<16xf32>
        %get3A_276 = arith.index_cast %scan3A_259 : i32 to index
        %get3A_277 = arith.constant 0 : index
        %get3A_278 = tpu.vector_load %arg19[%get3A_276, %get3A_277] {strides = array<i32>} : memref<32x64xf32, #tpu.memory_space<vmem>>, vector<1x16xf32>,
        %get3A_279 = vector.shape_cast %get3A_278 : vector<1x16xf32> to vector<16xf32>
        %add3A_280 = arith.addf %get3A_279, %get3A_263 : vector<16xf32>
        %add3A_281 = arith.addf %add3A_280, %get3A_275 : vector<16xf32>
        %neg3A = arith.constant 0.000000e+00 : f32
        %neg3A_282 = vector.broadcast %neg3A : f32 to vector<16xf32>
        %neg3A_283 = arith.subf %neg3A_282, %add3A_281 : vector<16xf32>
        %exp3A = math.exp %neg3A_283 : vector<16xf32>
        %add3A_284 = arith.constant 1.000000e+00 : f32
        %add3A_285 = vector.broadcast %add3A_284 : f32 to vector<16xf32>
        %add3A_286 = arith.addf %add3A_285, %exp3A : vector<16xf32>
        %div3A = arith.constant 1.000000e+00 : f32
        %div3A_287 = vector.broadcast %div3A : f32 to vector<16xf32>
        %div3A_288 = arith.divf %div3A_287, %add3A_286 : vector<16xf32>
        %mul3A_289 = arith.mulf %div3A_288, %get3A_267 : vector<16xf32>
        %swap3A_290 = arith.index_cast %scan3A_259 : i32 to index
        %swap3A_291 = arith.constant 0 : index
        %swap3A_292 = tpu.vector_load %arg15[%swap3A_290, %swap3A_291] {strides = array<i32>} : memref<32x128xf32, #tpu.memory_space<vmem>>, vector<1x16xf32>,
        %swap3A_293 = vector.shape_cast %swap3A_292 : vector<1x16xf32> to vector<16xf32>
        %swap3A_294 = vector.shape_cast %mul3A_289 : vector<16xf32> to vector<1x16xf32>
        tpu.vector_store %arg15[%swap3A_290, %swap3A_291], %swap3A_294 {strides = array<i32>} : memref<32x128xf32, #tpu.memory_space<vmem>>, vector<1x16xf32>,
        %swap3A_295 = arith.index_cast %scan3A_259 : i32 to index
        %swap3A_296 = arith.constant 64 : index
        %swap3A_297 = tpu.vector_load %arg15[%swap3A_295, %swap3A_296] {strides = array<i32>} : memref<32x128xf32, #tpu.memory_space<vmem>>, vector<1x16xf32>,
        %swap3A_298 = vector.shape_cast %swap3A_297 : vector<1x16xf32> to vector<16xf32>
        %swap3A_299 = vector.shape_cast %div3A_288 : vector<16xf32> to vector<1x16xf32>
        tpu.vector_store %arg15[%swap3A_295, %swap3A_296], %swap3A_299 {strides = array<i32>} : memref<32x128xf32, #tpu.memory_space<vmem>>, vector<1x16xf32>,
        %get3A_300 = arith.index_cast %scan3A_259 : i32 to index
        %get3A_301 = arith.constant 16 : index
        %get3A_302 = tpu.vector_load %arg15[%get3A_300, %get3A_301] {strides = array<i32>} : memref<32x128xf32, #tpu.memory_space<vmem>>, vector<1x16xf32>,
        %get3A_303 = vector.shape_cast %get3A_302 : vector<1x16xf32> to vector<16xf32>
        %get3A_304 = arith.index_cast %scan3A_259 : i32 to index
        %get3A_305 = arith.constant 80 : index
        %get3A_306 = tpu.vector_load %arg15[%get3A_304, %get3A_305] {strides = array<i32>} : memref<32x128xf32, #tpu.memory_space<vmem>>, vector<1x16xf32>,
        %get3A_307 = vector.shape_cast %get3A_306 : vector<1x16xf32> to vector<16xf32>
        %mul3A_308 = arith.constant 64 : i32
        %mul3A_309 = arith.muli %arg0, %mul3A_308 : i32
        %add3A_310 = arith.constant 16 : i32
        %add3A_311 = arith.addi %mul3A_309, %add3A_310 : i32
        %get3A_312 = arith.index_cast %scan3A_259 : i32 to index
        %get3A_313 = arith.index_cast %add3A_311 : i32 to index
        %get3A_314 = tpu.vector_load %arg17[%get3A_312, %get3A_313] {strides = array<i32>} : memref<32x128xf32, #tpu.memory_space<vmem>>, vector<1x16xf32>,
        %get3A_315 = vector.shape_cast %get3A_314 : vector<1x16xf32> to vector<16xf32>
        %get3A_316 = arith.index_cast %scan3A_259 : i32 to index
        %get3A_317 = arith.constant 16 : index
        %get3A_318 = tpu.vector_load %arg19[%get3A_316, %get3A_317] {strides = array<i32>} : memref<32x64xf32, #tpu.memory_space<vmem>>, vector<1x16xf32>,
        %get3A_319 = vector.shape_cast %get3A_318 : vector<1x16xf32> to vector<16xf32>
        %add3A_320 = arith.addf %get3A_319, %get3A_303 : vector<16xf32>
        %add3A_321 = arith.addf %add3A_320, %get3A_315 : vector<16xf32>
        %neg3A_322 = arith.constant 0.000000e+00 : f32
        %neg3A_323 = vector.broadcast %neg3A_322 : f32 to vector<16xf32>
        %neg3A_324 = arith.subf %neg3A_323, %add3A_321 : vector<16xf32>
        %exp3A_325 = math.exp %neg3A_324 : vector<16xf32>
        %add3A_326 = arith.constant 1.000000e+00 : f32
        %add3A_327 = vector.broadcast %add3A_326 : f32 to vector<16xf32>
        %add3A_328 = arith.addf %add3A_327, %exp3A_325 : vector<16xf32>
        %div3A_329 = arith.constant 1.000000e+00 : f32
        %div3A_330 = vector.broadcast %div3A_329 : f32 to vector<16xf32>
        %div3A_331 = arith.divf %div3A_330, %add3A_328 : vector<16xf32>
        %mul3A_332 = arith.mulf %div3A_331, %get3A_307 : vector<16xf32>
        %swap3A_333 = arith.index_cast %scan3A_259 : i32 to index
        %swap3A_334 = arith.constant 16 : index
        %swap3A_335 = tpu.vector_load %arg15[%swap3A_333, %swap3A_334] {strides = array<i32>} : memref<32x128xf32, #tpu.memory_space<vmem>>, vector<1x16xf32>,
        %swap3A_336 = vector.shape_cast %swap3A_335 : vector<1x16xf32> to vector<16xf32>
        %swap3A_337 = vector.shape_cast %mul3A_332 : vector<16xf32> to vector<1x16xf32>
        tpu.vector_store %arg15[%swap3A_333, %swap3A_334], %swap3A_337 {strides = array<i32>} : memref<32x128xf32, #tpu.memory_space<vmem>>, vector<1x16xf32>,
        %swap3A_338 = arith.index_cast %scan3A_259 : i32 to index
        %swap3A_339 = arith.constant 80 : index
        %swap3A_340 = tpu.vector_load %arg15[%swap3A_338, %swap3A_339] {strides = array<i32>} : memref<32x128xf32, #tpu.memory_space<vmem>>, vector<1x16xf32>,
        %swap3A_341 = vector.shape_cast %swap3A_340 : vector<1x16xf32> to vector<16xf32>
        %swap3A_342 = vector.shape_cast %div3A_331 : vector<16xf32> to vector<1x16xf32>
        tpu.vector_store %arg15[%swap3A_338, %swap3A_339], %swap3A_342 {strides = array<i32>} : memref<32x128xf32, #tpu.memory_space<vmem>>, vector<1x16xf32>,
        %get3A_343 = arith.index_cast %scan3A_259 : i32 to index
        %get3A_344 = arith.constant 32 : index
        %get3A_345 = tpu.vector_load %arg15[%get3A_343, %get3A_344] {strides = array<i32>} : memref<32x128xf32, #tpu.memory_space<vmem>>, vector<1x16xf32>,
        %get3A_346 = vector.shape_cast %get3A_345 : vector<1x16xf32> to vector<16xf32>
        %get3A_347 = arith.index_cast %scan3A_259 : i32 to index
        %get3A_348 = arith.constant 96 : index
        %get3A_349 = tpu.vector_load %arg15[%get3A_347, %get3A_348] {strides = array<i32>} : memref<32x128xf32, #tpu.memory_space<vmem>>, vector<1x16xf32>,
        %get3A_350 = vector.shape_cast %get3A_349 : vector<1x16xf32> to vector<16xf32>
        %mul3A_351 = arith.constant 64 : i32
        %mul3A_352 = arith.muli %arg0, %mul3A_351 : i32
        %add3A_353 = arith.constant 32 : i32
        %add3A_354 = arith.addi %mul3A_352, %add3A_353 : i32
        %get3A_355 = arith.index_cast %scan3A_259 : i32 to index
        %get3A_356 = arith.index_cast %add3A_354 : i32 to index
        %get3A_357 = tpu.vector_load %arg17[%get3A_355, %get3A_356] {strides = array<i32>} : memref<32x128xf32, #tpu.memory_space<vmem>>, vector<1x16xf32>,
        %get3A_358 = vector.shape_cast %get3A_357 : vector<1x16xf32> to vector<16xf32>
        %get3A_359 = arith.index_cast %scan3A_259 : i32 to index
        %get3A_360 = arith.constant 32 : index
        %get3A_361 = tpu.vector_load %arg19[%get3A_359, %get3A_360] {strides = array<i32>} : memref<32x64xf32, #tpu.memory_space<vmem>>, vector<1x16xf32>,
        %get3A_362 = vector.shape_cast %get3A_361 : vector<1x16xf32> to vector<16xf32>
        %add3A_363 = arith.addf %get3A_362, %get3A_346 : vector<16xf32>
        %add3A_364 = arith.addf %add3A_363, %get3A_358 : vector<16xf32>
        %neg3A_365 = arith.constant 0.000000e+00 : f32
        %neg3A_366 = vector.broadcast %neg3A_365 : f32 to vector<16xf32>
        %neg3A_367 = arith.subf %neg3A_366, %add3A_364 : vector<16xf32>
        %exp3A_368 = math.exp %neg3A_367 : vector<16xf32>
        %add3A_369 = arith.constant 1.000000e+00 : f32
        %add3A_370 = vector.broadcast %add3A_369 : f32 to vector<16xf32>
        %add3A_371 = arith.addf %add3A_370, %exp3A_368 : vector<16xf32>
        %div3A_372 = arith.constant 1.000000e+00 : f32
        %div3A_373 = vector.broadcast %div3A_372 : f32 to vector<16xf32>
        %div3A_374 = arith.divf %div3A_373, %add3A_371 : vector<16xf32>
        %mul3A_375 = arith.mulf %div3A_374, %get3A_350 : vector<16xf32>
        %swap3A_376 = arith.index_cast %scan3A_259 : i32 to index
        %swap3A_377 = arith.constant 32 : index
        %swap3A_378 = tpu.vector_load %arg15[%swap3A_376, %swap3A_377] {strides = array<i32>} : memref<32x128xf32, #tpu.memory_space<vmem>>, vector<1x16xf32>,
        %swap3A_379 = vector.shape_cast %swap3A_378 : vector<1x16xf32> to vector<16xf32>
        %swap3A_380 = vector.shape_cast %mul3A_375 : vector<16xf32> to vector<1x16xf32>
        tpu.vector_store %arg15[%swap3A_376, %swap3A_377], %swap3A_380 {strides = array<i32>} : memref<32x128xf32, #tpu.memory_space<vmem>>, vector<1x16xf32>,
        %swap3A_381 = arith.index_cast %scan3A_259 : i32 to index
        %swap3A_382 = arith.constant 96 : index
        %swap3A_383 = tpu.vector_load %arg15[%swap3A_381, %swap3A_382] {strides = array<i32>} : memref<32x128xf32, #tpu.memory_space<vmem>>, vector<1x16xf32>,
        %swap3A_384 = vector.shape_cast %swap3A_383 : vector<1x16xf32> to vector<16xf32>
        %swap3A_385 = vector.shape_cast %div3A_374 : vector<16xf32> to vector<1x16xf32>
        tpu.vector_store %arg15[%swap3A_381, %swap3A_382], %swap3A_385 {strides = array<i32>} : memref<32x128xf32, #tpu.memory_space<vmem>>, vector<1x16xf32>,
        %get3A_386 = arith.index_cast %scan3A_259 : i32 to index
        %get3A_387 = arith.constant 48 : index
        %get3A_388 = tpu.vector_load %arg15[%get3A_386, %get3A_387] {strides = array<i32>} : memref<32x128xf32, #tpu.memory_space<vmem>>, vector<1x16xf32>,
        %get3A_389 = vector.shape_cast %get3A_388 : vector<1x16xf32> to vector<16xf32>
        %get3A_390 = arith.index_cast %scan3A_259 : i32 to index
        %get3A_391 = arith.constant 112 : index
        %get3A_392 = tpu.vector_load %arg15[%get3A_390, %get3A_391] {strides = array<i32>} : memref<32x128xf32, #tpu.memory_space<vmem>>, vector<1x16xf32>,
        %get3A_393 = vector.shape_cast %get3A_392 : vector<1x16xf32> to vector<16xf32>
        %mul3A_394 = arith.constant 64 : i32
        %mul3A_395 = arith.muli %arg0, %mul3A_394 : i32
        %add3A_396 = arith.constant 48 : i32
        %add3A_397 = arith.addi %mul3A_395, %add3A_396 : i32
        %get3A_398 = arith.index_cast %scan3A_259 : i32 to index
        %get3A_399 = arith.index_cast %add3A_397 : i32 to index
        %get3A_400 = tpu.vector_load %arg17[%get3A_398, %get3A_399] {strides = array<i32>} : memref<32x128xf32, #tpu.memory_space<vmem>>, vector<1x16xf32>,
        %get3A_401 = vector.shape_cast %get3A_400 : vector<1x16xf32> to vector<16xf32>
        %get3A_402 = arith.index_cast %scan3A_259 : i32 to index
        %get3A_403 = arith.constant 48 : index
        %get3A_404 = tpu.vector_load %arg19[%get3A_402, %get3A_403] {strides = array<i32>} : memref<32x64xf32, #tpu.memory_space<vmem>>, vector<1x16xf32>,
        %get3A_405 = vector.shape_cast %get3A_404 : vector<1x16xf32> to vector<16xf32>
        %add3A_406 = arith.addf %get3A_405, %get3A_389 : vector<16xf32>
        %add3A_407 = arith.addf %add3A_406, %get3A_401 : vector<16xf32>
        %neg3A_408 = arith.constant 0.000000e+00 : f32
        %neg3A_409 = vector.broadcast %neg3A_408 : f32 to vector<16xf32>
        %neg3A_410 = arith.subf %neg3A_409, %add3A_407 : vector<16xf32>
        %exp3A_411 = math.exp %neg3A_410 : vector<16xf32>
        %add3A_412 = arith.constant 1.000000e+00 : f32
        %add3A_413 = vector.broadcast %add3A_412 : f32 to vector<16xf32>
        %add3A_414 = arith.addf %add3A_413, %exp3A_411 : vector<16xf32>
        %div3A_415 = arith.constant 1.000000e+00 : f32
        %div3A_416 = vector.broadcast %div3A_415 : f32 to vector<16xf32>
        %div3A_417 = arith.divf %div3A_416, %add3A_414 : vector<16xf32>
        %mul3A_418 = arith.mulf %div3A_417, %get3A_393 : vector<16xf32>
        %swap3A_419 = arith.index_cast %scan3A_259 : i32 to index
        %swap3A_420 = arith.constant 48 : index
        %swap3A_421 = tpu.vector_load %arg15[%swap3A_419, %swap3A_420] {strides = array<i32>} : memref<32x128xf32, #tpu.memory_space<vmem>>, vector<1x16xf32>,
        %swap3A_422 = vector.shape_cast %swap3A_421 : vector<1x16xf32> to vector<16xf32>
        %swap3A_423 = vector.shape_cast %mul3A_418 : vector<16xf32> to vector<1x16xf32>
        tpu.vector_store %arg15[%swap3A_419, %swap3A_420], %swap3A_423 {strides = array<i32>} : memref<32x128xf32, #tpu.memory_space<vmem>>, vector<1x16xf32>,
        %swap3A_424 = arith.index_cast %scan3A_259 : i32 to index
        %swap3A_425 = arith.constant 112 : index
        %swap3A_426 = tpu.vector_load %arg15[%swap3A_424, %swap3A_425] {strides = array<i32>} : memref<32x128xf32, #tpu.memory_space<vmem>>, vector<1x16xf32>,
        %swap3A_427 = vector.shape_cast %swap3A_426 : vector<1x16xf32> to vector<16xf32>
        %swap3A_428 = vector.shape_cast %div3A_417 : vector<16xf32> to vector<1x16xf32>
        tpu.vector_store %arg15[%swap3A_424, %swap3A_425], %swap3A_428 {strides = array<i32>} : memref<32x128xf32, #tpu.memory_space<vmem>>, vector<1x16xf32>,
      }
      %scan3A_202 = arith.constant 32 : i32
      %dma_wait3A_203 = tpu.memref_slice %arg2[%multiple_of3A_176] : memref<320000xi32, #tpu.memory_space<hbm>> -> memref<32xi32, #tpu.memory_space<hbm>>
      %dma_wait3A_204 = tpu.memref_slice %arg2[%multiple_of3A_176] : memref<320000xi32, #tpu.memory_space<hbm>> -> memref<32xi32, #tpu.memory_space<hbm>>
      tpu.wait_dma2 semaphore(%arg22 : memref<!tpu.dma_semaphore, #tpu.memory_space<semaphore_mem>>) src(%dma_wait3A_204 : memref<32xi32, #tpu.memory_space<hbm>>) dst(%arg8 : memref<32xi32, #tpu.memory_space<vmem>>)
      %dma_wait3A_205 = tpu.memref_slice %arg3[%multiple_of3A_182] : memref<320000xi32, #tpu.memory_space<hbm>> -> memref<32xi32, #tpu.memory_space<hbm>>
      %dma_wait3A_206 = tpu.memref_slice %arg3[%multiple_of3A_182] : memref<320000xi32, #tpu.memory_space<hbm>> -> memref<32xi32, #tpu.memory_space<hbm>>
      tpu.wait_dma2 semaphore(%arg22 : memref<!tpu.dma_semaphore, #tpu.memory_space<semaphore_mem>>) src(%dma_wait3A_206 : memref<32xi32, #tpu.memory_space<hbm>>) dst(%arg10 : memref<32xi32, #tpu.memory_space<vmem>>)
      %get3A_207 = arith.constant 0 : index
      %get3A_208 = tpu.vector_load %arg8[%get3A_207] {strides = array<i32>} : memref<32xi32, #tpu.memory_space<vmem>>, vector<16xi32>,
      %get3A_209 = vector.shape_cast %get3A_208 : vector<16xi32> to vector<16xi32>
      %add3A_210 = vector.broadcast %mul3A_0 : i32 to vector<16xi32>
      %add3A_211 = arith.addi %get3A_209, %add3A_210 : vector<16xi32>
      %swap3A_212 = arith.constant 0 : index
      %swap3A_213 = tpu.vector_load %arg12[%swap3A_212] {strides = array<i32>} : memref<32xi32, #tpu.memory_space<vmem>>, vector<16xi32>,
      %swap3A_214 = vector.shape_cast %swap3A_213 : vector<16xi32> to vector<16xi32>
      %swap3A_215 = vector.shape_cast %add3A_211 : vector<16xi32> to vector<16xi32>
      tpu.vector_store %arg12[%swap3A_212], %swap3A_215 {strides = array<i32>} : memref<32xi32, #tpu.memory_space<vmem>>, vector<16xi32>,
      %get3A_216 = arith.constant 16 : index
      %get3A_217 = tpu.vector_load %arg8[%get3A_216] {strides = array<i32>} : memref<32xi32, #tpu.memory_space<vmem>>, vector<16xi32>,
      %get3A_218 = vector.shape_cast %get3A_217 : vector<16xi32> to vector<16xi32>
      %add3A_219 = vector.broadcast %mul3A_0 : i32 to vector<16xi32>
      %add3A_220 = arith.addi %get3A_218, %add3A_219 : vector<16xi32>
      %swap3A_221 = arith.constant 16 : index
      %swap3A_222 = tpu.vector_load %arg12[%swap3A_221] {strides = array<i32>} : memref<32xi32, #tpu.memory_space<vmem>>, vector<16xi32>,
      %swap3A_223 = vector.shape_cast %swap3A_222 : vector<16xi32> to vector<16xi32>
      %swap3A_224 = vector.shape_cast %add3A_220 : vector<16xi32> to vector<16xi32>
      tpu.vector_store %arg12[%swap3A_221], %swap3A_224 {strides = array<i32>} : memref<32xi32, #tpu.memory_space<vmem>>, vector<16xi32>,
      %dma_start3A_225 = arith.constant 0 : i32
      %dma_start3A_226 = arith.constant 0 : i32
      %dma_start3A_227 = tpu.memref_slice %arg5[%dma_start3A_225, %dma_start3A_226] : memref<20000x128xf32, #tpu.memory_space<hbm>> -> memref<20000x128xf32, #tpu.memory_space<hbm>>
      tpu.enqueue_indirect_dma source(%dma_start3A_227 : memref<20000x128xf32, #tpu.memory_space<hbm>>) target(%arg14 : memref<32x128xf32, #tpu.memory_space<vmem>>) offsets(%arg12 : memref<32xi32, #tpu.memory_space<vmem>>) semaphore(%arg23 : memref<!tpu.dma_semaphore, #tpu.memory_space<semaphore_mem>>)
      %dma_start3A_228 = arith.constant 0 : i32
      %dma_start3A_229 = arith.constant 0 : i32
      %dma_start3A_230 = tpu.memref_slice %arg6[%dma_start3A_228, %dma_start3A_229] : memref<10000x128xf32, #tpu.memory_space<hbm>> -> memref<10000x128xf32, #tpu.memory_space<hbm>>
      tpu.enqueue_indirect_dma source(%dma_start3A_230 : memref<10000x128xf32, #tpu.memory_space<hbm>>) target(%arg16 : memref<32x128xf32, #tpu.memory_space<vmem>>) offsets(%arg10 : memref<32xi32, #tpu.memory_space<vmem>>) semaphore(%arg23 : memref<!tpu.dma_semaphore, #tpu.memory_space<semaphore_mem>>)
      %mul3A_231 = arith.constant 32 : i32
      %mul3A_232 = arith.muli %add3A_120, %mul3A_231 : i32
      %add3A_233 = arith.addi %mul3A_38, %mul3A_232 : i32
      %multiple_of3A_234 = tpu.assume_multiple %add3A_233, 32 : i32
      %dma_start3A_235 = arith.constant 0 : i32
      %dma_start3A_236 = tpu.memref_slice %arg4[%arg0, %multiple_of3A_234, %dma_start3A_235] : memref<2x320000x64xf32, #tpu.memory_space<hbm>> -> memref<1x32x64xf32, #tpu.memory_space<hbm>>
      %dma_start3A_237 = tpu.memref_squeeze %dma_start3A_236 : memref<1x32x64xf32, #tpu.memory_space<hbm>> -> memref<32x64xf32, #tpu.memory_space<hbm>>
      %dma_start3A_238 = arith.constant 0 : i32
      %dma_start3A_239 = tpu.memref_slice %arg4[%arg0, %multiple_of3A_234, %dma_start3A_238] : memref<2x320000x64xf32, #tpu.memory_space<hbm>> -> memref<1x32x64xf32, #tpu.memory_space<hbm>>
      %dma_start3A_240 = tpu.memref_squeeze %dma_start3A_239 : memref<1x32x64xf32, #tpu.memory_space<hbm>> -> memref<32x64xf32, #tpu.memory_space<hbm>>
      tpu.enqueue_dma source(%dma_start3A_240 : memref<32x64xf32, #tpu.memory_space<hbm>>) target(%arg18 : memref<32x64xf32, #tpu.memory_space<vmem>>) target_semaphore(%arg23 : memref<!tpu.dma_semaphore, #tpu.memory_space<semaphore_mem>>)
      "tpu.region"() ({
        %run_scoped3A = tpu.sem_alloc : memref<!tpu.dma_semaphore, #tpu.memory_space<semaphore_mem>>
        %dma_start3A_259 = arith.constant 0 : i32
        %dma_start3A_260 = arith.constant 0 : i32
        %dma_start3A_261 = tpu.memref_slice %arg21[%dma_start3A_259, %dma_start3A_260] : memref<10000x128xf32, #tpu.memory_space<vmem_shared>> -> memref<10000x128xf32, #tpu.memory_space<vmem_shared>>
        tpu.enqueue_indirect_dma source(%arg15 : memref<32x128xf32, #tpu.memory_space<vmem>>) target(%dma_start3A_261 : memref<10000x128xf32, #tpu.memory_space<vmem_shared>>) offsets(%arg11 : memref<32xi32, #tpu.memory_space<vmem>>) semaphore(%run_scoped3A : memref<!tpu.dma_semaphore, #tpu.memory_space<semaphore_mem>>) {add = true}
        %dma_wait3A_262 = arith.constant 0 : i32
        %dma_wait3A_263 = arith.constant 0 : i32
        %dma_wait3A_264 = tpu.memref_slice %arg21[%dma_wait3A_262, %dma_wait3A_263] : memref<10000x128xf32, #tpu.memory_space<vmem_shared>> -> memref<10000x128xf32, #tpu.memory_space<vmem_shared>>
        tpu.wait_indirect_dma semaphore(%run_scoped3A : memref<!tpu.dma_semaphore, #tpu.memory_space<semaphore_mem>>) src(%arg15 : memref<32x128xf32, #tpu.memory_space<vmem>>) dst(%dma_wait3A_264 : memref<10000x128xf32, #tpu.memory_space<vmem_shared>>)
        tpu.yield
      }) : () -> ()
      %dma_wait3A_241 = arith.constant 0 : i32
      %dma_wait3A_242 = arith.constant 0 : i32
      %dma_wait3A_243 = tpu.memref_slice %arg5[%dma_wait3A_241, %dma_wait3A_242] : memref<20000x128xf32, #tpu.memory_space<hbm>> -> memref<20000x128xf32, #tpu.memory_space<hbm>>
      tpu.wait_indirect_dma semaphore(%arg23 : memref<!tpu.dma_semaphore, #tpu.memory_space<semaphore_mem>>) src(%dma_wait3A_243 : memref<20000x128xf32, #tpu.memory_space<hbm>>) dst(%arg14 : memref<32x128xf32, #tpu.memory_space<vmem>>)
      %dma_wait3A_244 = arith.constant 0 : i32
      %dma_wait3A_245 = arith.constant 0 : i32
      %dma_wait3A_246 = tpu.memref_slice %arg6[%dma_wait3A_244, %dma_wait3A_245] : memref<10000x128xf32, #tpu.memory_space<hbm>> -> memref<10000x128xf32, #tpu.memory_space<hbm>>
      tpu.wait_indirect_dma semaphore(%arg23 : memref<!tpu.dma_semaphore, #tpu.memory_space<semaphore_mem>>) src(%dma_wait3A_246 : memref<10000x128xf32, #tpu.memory_space<hbm>>) dst(%arg16 : memref<32x128xf32, #tpu.memory_space<vmem>>)
      %dma_wait3A_247 = arith.constant 0 : i32
      %dma_wait3A_248 = tpu.memref_slice %arg4[%arg0, %multiple_of3A_234, %dma_wait3A_247] : memref<2x320000x64xf32, #tpu.memory_space<hbm>> -> memref<1x32x64xf32, #tpu.memory_space<hbm>>
      %dma_wait3A_249 = tpu.memref_squeeze %dma_wait3A_248 : memref<1x32x64xf32, #tpu.memory_space<hbm>> -> memref<32x64xf32, #tpu.memory_space<hbm>>
      %dma_wait3A_250 = arith.constant 0 : i32
      %dma_wait3A_251 = tpu.memref_slice %arg4[%arg0, %multiple_of3A_234, %dma_wait3A_250] : memref<2x320000x64xf32, #tpu.memory_space<hbm>> -> memref<1x32x64xf32, #tpu.memory_space<hbm>>
      %dma_wait3A_252 = tpu.memref_squeeze %dma_wait3A_251 : memref<1x32x64xf32, #tpu.memory_space<hbm>> -> memref<32x64xf32, #tpu.memory_space<hbm>>
      tpu.wait_dma2 semaphore(%arg23 : memref<!tpu.dma_semaphore, #tpu.memory_space<semaphore_mem>>) src(%dma_wait3A_252 : memref<32x64xf32, #tpu.memory_space<hbm>>) dst(%arg18 : memref<32x64xf32, #tpu.memory_space<vmem>>)
      %scan3A_253 = arith.constant 0 : i32
      %scan3A_254 = arith.constant 0 : i32
      %scan3A_255 = arith.constant 32 : i32
      %scan3A_256 = arith.addi %scan3A_254, %scan3A_255 : i32
      %scan3A_257 = arith.constant 1 : i32
      scf.for %scan3A_259 = %scan3A_254 to %scan3A_256 step %scan3A_257  : i32 {
        %get3A_260 = arith.index_cast %scan3A_259 : i32 to index
        %get3A_261 = arith.constant 0 : index
        %get3A_262 = tpu.vector_load %arg14[%get3A_260, %get3A_261] {strides = array<i32>} : memref<32x128xf32, #tpu.memory_space<vmem>>, vector<1x16xf32>,
        %get3A_263 = vector.shape_cast %get3A_262 : vector<1x16xf32> to vector<16xf32>
        %get3A_264 = arith.index_cast %scan3A_259 : i32 to index
        %get3A_265 = arith.constant 64 : index
        %get3A_266 = tpu.vector_load %arg14[%get3A_264, %get3A_265] {strides = array<i32>} : memref<32x128xf32, #tpu.memory_space<vmem>>, vector<1x16xf32>,
        %get3A_267 = vector.shape_cast %get3A_266 : vector<1x16xf32> to vector<16xf32>
        %mul3A_268 = arith.constant 64 : i32
        %mul3A_269 = arith.muli %arg0, %mul3A_268 : i32
        %add3A_270 = arith.constant 0 : i32
        %add3A_271 = arith.addi %mul3A_269, %add3A_270 : i32
        %get3A_272 = arith.index_cast %scan3A_259 : i32 to index
        %get3A_273 = arith.index_cast %add3A_271 : i32 to index
        %get3A_274 = tpu.vector_load %arg16[%get3A_272, %get3A_273] {strides = array<i32>} : memref<32x128xf32, #tpu.memory_space<vmem>>, vector<1x16xf32>,
        %get3A_275 = vector.shape_cast %get3A_274 : vector<1x16xf32> to vector<16xf32>
        %get3A_276 = arith.index_cast %scan3A_259 : i32 to index
        %get3A_277 = arith.constant 0 : index
        %get3A_278 = tpu.vector_load %arg18[%get3A_276, %get3A_277] {strides = array<i32>} : memref<32x64xf32, #tpu.memory_space<vmem>>, vector<1x16xf32>,
        %get3A_279 = vector.shape_cast %get3A_278 : vector<1x16xf32> to vector<16xf32>
        %add3A_280 = arith.addf %get3A_279, %get3A_263 : vector<16xf32>
        %add3A_281 = arith.addf %add3A_280, %get3A_275 : vector<16xf32>
        %neg3A = arith.constant 0.000000e+00 : f32
        %neg3A_282 = vector.broadcast %neg3A : f32 to vector<16xf32>
        %neg3A_283 = arith.subf %neg3A_282, %add3A_281 : vector<16xf32>
        %exp3A = math.exp %neg3A_283 : vector<16xf32>
        %add3A_284 = arith.constant 1.000000e+00 : f32
        %add3A_285 = vector.broadcast %add3A_284 : f32 to vector<16xf32>
        %add3A_286 = arith.addf %add3A_285, %exp3A : vector<16xf32>
        %div3A = arith.constant 1.000000e+00 : f32
        %div3A_287 = vector.broadcast %div3A : f32 to vector<16xf32>
        %div3A_288 = arith.divf %div3A_287, %add3A_286 : vector<16xf32>
        %mul3A_289 = arith.mulf %div3A_288, %get3A_267 : vector<16xf32>
        %swap3A_290 = arith.index_cast %scan3A_259 : i32 to index
        %swap3A_291 = arith.constant 0 : index
        %swap3A_292 = tpu.vector_load %arg14[%swap3A_290, %swap3A_291] {strides = array<i32>} : memref<32x128xf32, #tpu.memory_space<vmem>>, vector<1x16xf32>,
        %swap3A_293 = vector.shape_cast %swap3A_292 : vector<1x16xf32> to vector<16xf32>
        %swap3A_294 = vector.shape_cast %mul3A_289 : vector<16xf32> to vector<1x16xf32>
        tpu.vector_store %arg14[%swap3A_290, %swap3A_291], %swap3A_294 {strides = array<i32>} : memref<32x128xf32, #tpu.memory_space<vmem>>, vector<1x16xf32>,
        %swap3A_295 = arith.index_cast %scan3A_259 : i32 to index
        %swap3A_296 = arith.constant 64 : index
        %swap3A_297 = tpu.vector_load %arg14[%swap3A_295, %swap3A_296] {strides = array<i32>} : memref<32x128xf32, #tpu.memory_space<vmem>>, vector<1x16xf32>,
        %swap3A_298 = vector.shape_cast %swap3A_297 : vector<1x16xf32> to vector<16xf32>
        %swap3A_299 = vector.shape_cast %div3A_288 : vector<16xf32> to vector<1x16xf32>
        tpu.vector_store %arg14[%swap3A_295, %swap3A_296], %swap3A_299 {strides = array<i32>} : memref<32x128xf32, #tpu.memory_space<vmem>>, vector<1x16xf32>,
        %get3A_300 = arith.index_cast %scan3A_259 : i32 to index
        %get3A_301 = arith.constant 16 : index
        %get3A_302 = tpu.vector_load %arg14[%get3A_300, %get3A_301] {strides = array<i32>} : memref<32x128xf32, #tpu.memory_space<vmem>>, vector<1x16xf32>,
        %get3A_303 = vector.shape_cast %get3A_302 : vector<1x16xf32> to vector<16xf32>
        %get3A_304 = arith.index_cast %scan3A_259 : i32 to index
        %get3A_305 = arith.constant 80 : index
        %get3A_306 = tpu.vector_load %arg14[%get3A_304, %get3A_305] {strides = array<i32>} : memref<32x128xf32, #tpu.memory_space<vmem>>, vector<1x16xf32>,
        %get3A_307 = vector.shape_cast %get3A_306 : vector<1x16xf32> to vector<16xf32>
        %mul3A_308 = arith.constant 64 : i32
        %mul3A_309 = arith.muli %arg0, %mul3A_308 : i32
        %add3A_310 = arith.constant 16 : i32
        %add3A_311 = arith.addi %mul3A_309, %add3A_310 : i32
        %get3A_312 = arith.index_cast %scan3A_259 : i32 to index
        %get3A_313 = arith.index_cast %add3A_311 : i32 to index
        %get3A_314 = tpu.vector_load %arg16[%get3A_312, %get3A_313] {strides = array<i32>} : memref<32x128xf32, #tpu.memory_space<vmem>>, vector<1x16xf32>,
        %get3A_315 = vector.shape_cast %get3A_314 : vector<1x16xf32> to vector<16xf32>
        %get3A_316 = arith.index_cast %scan3A_259 : i32 to index
        %get3A_317 = arith.constant 16 : index
        %get3A_318 = tpu.vector_load %arg18[%get3A_316, %get3A_317] {strides = array<i32>} : memref<32x64xf32, #tpu.memory_space<vmem>>, vector<1x16xf32>,
        %get3A_319 = vector.shape_cast %get3A_318 : vector<1x16xf32> to vector<16xf32>
        %add3A_320 = arith.addf %get3A_319, %get3A_303 : vector<16xf32>
        %add3A_321 = arith.addf %add3A_320, %get3A_315 : vector<16xf32>
        %neg3A_322 = arith.constant 0.000000e+00 : f32
        %neg3A_323 = vector.broadcast %neg3A_322 : f32 to vector<16xf32>
        %neg3A_324 = arith.subf %neg3A_323, %add3A_321 : vector<16xf32>
        %exp3A_325 = math.exp %neg3A_324 : vector<16xf32>
        %add3A_326 = arith.constant 1.000000e+00 : f32
        %add3A_327 = vector.broadcast %add3A_326 : f32 to vector<16xf32>
        %add3A_328 = arith.addf %add3A_327, %exp3A_325 : vector<16xf32>
        %div3A_329 = arith.constant 1.000000e+00 : f32
        %div3A_330 = vector.broadcast %div3A_329 : f32 to vector<16xf32>
        %div3A_331 = arith.divf %div3A_330, %add3A_328 : vector<16xf32>
        %mul3A_332 = arith.mulf %div3A_331, %get3A_307 : vector<16xf32>
        %swap3A_333 = arith.index_cast %scan3A_259 : i32 to index
        %swap3A_334 = arith.constant 16 : index
        %swap3A_335 = tpu.vector_load %arg14[%swap3A_333, %swap3A_334] {strides = array<i32>} : memref<32x128xf32, #tpu.memory_space<vmem>>, vector<1x16xf32>,
        %swap3A_336 = vector.shape_cast %swap3A_335 : vector<1x16xf32> to vector<16xf32>
        %swap3A_337 = vector.shape_cast %mul3A_332 : vector<16xf32> to vector<1x16xf32>
        tpu.vector_store %arg14[%swap3A_333, %swap3A_334], %swap3A_337 {strides = array<i32>} : memref<32x128xf32, #tpu.memory_space<vmem>>, vector<1x16xf32>,
        %swap3A_338 = arith.index_cast %scan3A_259 : i32 to index
        %swap3A_339 = arith.constant 80 : index
        %swap3A_340 = tpu.vector_load %arg14[%swap3A_338, %swap3A_339] {strides = array<i32>} : memref<32x128xf32, #tpu.memory_space<vmem>>, vector<1x16xf32>,
        %swap3A_341 = vector.shape_cast %swap3A_340 : vector<1x16xf32> to vector<16xf32>
        %swap3A_342 = vector.shape_cast %div3A_331 : vector<16xf32> to vector<1x16xf32>
        tpu.vector_store %arg14[%swap3A_338, %swap3A_339], %swap3A_342 {strides = array<i32>} : memref<32x128xf32, #tpu.memory_space<vmem>>, vector<1x16xf32>,
        %get3A_343 = arith.index_cast %scan3A_259 : i32 to index
        %get3A_344 = arith.constant 32 : index
        %get3A_345 = tpu.vector_load %arg14[%get3A_343, %get3A_344] {strides = array<i32>} : memref<32x128xf32, #tpu.memory_space<vmem>>, vector<1x16xf32>,
        %get3A_346 = vector.shape_cast %get3A_345 : vector<1x16xf32> to vector<16xf32>
        %get3A_347 = arith.index_cast %scan3A_259 : i32 to index
        %get3A_348 = arith.constant 96 : index
        %get3A_349 = tpu.vector_load %arg14[%get3A_347, %get3A_348] {strides = array<i32>} : memref<32x128xf32, #tpu.memory_space<vmem>>, vector<1x16xf32>,
        %get3A_350 = vector.shape_cast %get3A_349 : vector<1x16xf32> to vector<16xf32>
        %mul3A_351 = arith.constant 64 : i32
        %mul3A_352 = arith.muli %arg0, %mul3A_351 : i32
        %add3A_353 = arith.constant 32 : i32
        %add3A_354 = arith.addi %mul3A_352, %add3A_353 : i32
        %get3A_355 = arith.index_cast %scan3A_259 : i32 to index
        %get3A_356 = arith.index_cast %add3A_354 : i32 to index
        %get3A_357 = tpu.vector_load %arg16[%get3A_355, %get3A_356] {strides = array<i32>} : memref<32x128xf32, #tpu.memory_space<vmem>>, vector<1x16xf32>,
        %get3A_358 = vector.shape_cast %get3A_357 : vector<1x16xf32> to vector<16xf32>
        %get3A_359 = arith.index_cast %scan3A_259 : i32 to index
        %get3A_360 = arith.constant 32 : index
        %get3A_361 = tpu.vector_load %arg18[%get3A_359, %get3A_360] {strides = array<i32>} : memref<32x64xf32, #tpu.memory_space<vmem>>, vector<1x16xf32>,
        %get3A_362 = vector.shape_cast %get3A_361 : vector<1x16xf32> to vector<16xf32>
        %add3A_363 = arith.addf %get3A_362, %get3A_346 : vector<16xf32>
        %add3A_364 = arith.addf %add3A_363, %get3A_358 : vector<16xf32>
        %neg3A_365 = arith.constant 0.000000e+00 : f32
        %neg3A_366 = vector.broadcast %neg3A_365 : f32 to vector<16xf32>
        %neg3A_367 = arith.subf %neg3A_366, %add3A_364 : vector<16xf32>
        %exp3A_368 = math.exp %neg3A_367 : vector<16xf32>
        %add3A_369 = arith.constant 1.000000e+00 : f32
        %add3A_370 = vector.broadcast %add3A_369 : f32 to vector<16xf32>
        %add3A_371 = arith.addf %add3A_370, %exp3A_368 : vector<16xf32>
        %div3A_372 = arith.constant 1.000000e+00 : f32
        %div3A_373 = vector.broadcast %div3A_372 : f32 to vector<16xf32>
        %div3A_374 = arith.divf %div3A_373, %add3A_371 : vector<16xf32>
        %mul3A_375 = arith.mulf %div3A_374, %get3A_350 : vector<16xf32>
        %swap3A_376 = arith.index_cast %scan3A_259 : i32 to index
        %swap3A_377 = arith.constant 32 : index
        %swap3A_378 = tpu.vector_load %arg14[%swap3A_376, %swap3A_377] {strides = array<i32>} : memref<32x128xf32, #tpu.memory_space<vmem>>, vector<1x16xf32>,
        %swap3A_379 = vector.shape_cast %swap3A_378 : vector<1x16xf32> to vector<16xf32>
        %swap3A_380 = vector.shape_cast %mul3A_375 : vector<16xf32> to vector<1x16xf32>
        tpu.vector_store %arg14[%swap3A_376, %swap3A_377], %swap3A_380 {strides = array<i32>} : memref<32x128xf32, #tpu.memory_space<vmem>>, vector<1x16xf32>,
        %swap3A_381 = arith.index_cast %scan3A_259 : i32 to index
        %swap3A_382 = arith.constant 96 : index
        %swap3A_383 = tpu.vector_load %arg14[%swap3A_381, %swap3A_382] {strides = array<i32>} : memref<32x128xf32, #tpu.memory_space<vmem>>, vector<1x16xf32>,
        %swap3A_384 = vector.shape_cast %swap3A_383 : vector<1x16xf32> to vector<16xf32>
        %swap3A_385 = vector.shape_cast %div3A_374 : vector<16xf32> to vector<1x16xf32>
        tpu.vector_store %arg14[%swap3A_381, %swap3A_382], %swap3A_385 {strides = array<i32>} : memref<32x128xf32, #tpu.memory_space<vmem>>, vector<1x16xf32>,
        %get3A_386 = arith.index_cast %scan3A_259 : i32 to index
        %get3A_387 = arith.constant 48 : index
        %get3A_388 = tpu.vector_load %arg14[%get3A_386, %get3A_387] {strides = array<i32>} : memref<32x128xf32, #tpu.memory_space<vmem>>, vector<1x16xf32>,
        %get3A_389 = vector.shape_cast %get3A_388 : vector<1x16xf32> to vector<16xf32>
        %get3A_390 = arith.index_cast %scan3A_259 : i32 to index
        %get3A_391 = arith.constant 112 : index
        %get3A_392 = tpu.vector_load %arg14[%get3A_390, %get3A_391] {strides = array<i32>} : memref<32x128xf32, #tpu.memory_space<vmem>>, vector<1x16xf32>,
        %get3A_393 = vector.shape_cast %get3A_392 : vector<1x16xf32> to vector<16xf32>
        %mul3A_394 = arith.constant 64 : i32
        %mul3A_395 = arith.muli %arg0, %mul3A_394 : i32
        %add3A_396 = arith.constant 48 : i32
        %add3A_397 = arith.addi %mul3A_395, %add3A_396 : i32
        %get3A_398 = arith.index_cast %scan3A_259 : i32 to index
        %get3A_399 = arith.index_cast %add3A_397 : i32 to index
        %get3A_400 = tpu.vector_load %arg16[%get3A_398, %get3A_399] {strides = array<i32>} : memref<32x128xf32, #tpu.memory_space<vmem>>, vector<1x16xf32>,
        %get3A_401 = vector.shape_cast %get3A_400 : vector<1x16xf32> to vector<16xf32>
        %get3A_402 = arith.index_cast %scan3A_259 : i32 to index
        %get3A_403 = arith.constant 48 : index
        %get3A_404 = tpu.vector_load %arg18[%get3A_402, %get3A_403] {strides = array<i32>} : memref<32x64xf32, #tpu.memory_space<vmem>>, vector<1x16xf32>,
        %get3A_405 = vector.shape_cast %get3A_404 : vector<1x16xf32> to vector<16xf32>
        %add3A_406 = arith.addf %get3A_405, %get3A_389 : vector<16xf32>
        %add3A_407 = arith.addf %add3A_406, %get3A_401 : vector<16xf32>
        %neg3A_408 = arith.constant 0.000000e+00 : f32
        %neg3A_409 = vector.broadcast %neg3A_408 : f32 to vector<16xf32>
        %neg3A_410 = arith.subf %neg3A_409, %add3A_407 : vector<16xf32>
        %exp3A_411 = math.exp %neg3A_410 : vector<16xf32>
        %add3A_412 = arith.constant 1.000000e+00 : f32
        %add3A_413 = vector.broadcast %add3A_412 : f32 to vector<16xf32>
        %add3A_414 = arith.addf %add3A_413, %exp3A_411 : vector<16xf32>
        %div3A_415 = arith.constant 1.000000e+00 : f32
        %div3A_416 = vector.broadcast %div3A_415 : f32 to vector<16xf32>
        %div3A_417 = arith.divf %div3A_416, %add3A_414 : vector<16xf32>
        %mul3A_418 = arith.mulf %div3A_417, %get3A_393 : vector<16xf32>
        %swap3A_419 = arith.index_cast %scan3A_259 : i32 to index
        %swap3A_420 = arith.constant 48 : index
        %swap3A_421 = tpu.vector_load %arg14[%swap3A_419, %swap3A_420] {strides = array<i32>} : memref<32x128xf32, #tpu.memory_space<vmem>>, vector<1x16xf32>,
        %swap3A_422 = vector.shape_cast %swap3A_421 : vector<1x16xf32> to vector<16xf32>
        %swap3A_423 = vector.shape_cast %mul3A_418 : vector<16xf32> to vector<1x16xf32>
        tpu.vector_store %arg14[%swap3A_419, %swap3A_420], %swap3A_423 {strides = array<i32>} : memref<32x128xf32, #tpu.memory_space<vmem>>, vector<1x16xf32>,
        %swap3A_424 = arith.index_cast %scan3A_259 : i32 to index
        %swap3A_425 = arith.constant 112 : index
        %swap3A_426 = tpu.vector_load %arg14[%swap3A_424, %swap3A_425] {strides = array<i32>} : memref<32x128xf32, #tpu.memory_space<vmem>>, vector<1x16xf32>,
        %swap3A_427 = vector.shape_cast %swap3A_426 : vector<1x16xf32> to vector<16xf32>
        %swap3A_428 = vector.shape_cast %div3A_417 : vector<16xf32> to vector<1x16xf32>
        tpu.vector_store %arg14[%swap3A_424, %swap3A_425], %swap3A_428 {strides = array<i32>} : memref<32x128xf32, #tpu.memory_space<vmem>>, vector<1x16xf32>,
      }
      %scan3A_258 = arith.constant 32 : i32
    }
    %scan3A_105 = arith.constant 312 : i32
    "tpu.region"() ({
      %run_scoped3A = tpu.sem_alloc : memref<!tpu.dma_semaphore, #tpu.memory_space<semaphore_mem>>
      %dma_start3A_112 = arith.constant 0 : i32
      %dma_start3A_113 = arith.constant 0 : i32
      %dma_start3A_114 = tpu.memref_slice %arg21[%dma_start3A_112, %dma_start3A_113] : memref<10000x128xf32, #tpu.memory_space<vmem_shared>> -> memref<10000x128xf32, #tpu.memory_space<vmem_shared>>
      tpu.enqueue_indirect_dma source(%arg14 : memref<32x128xf32, #tpu.memory_space<vmem>>) target(%dma_start3A_114 : memref<10000x128xf32, #tpu.memory_space<vmem_shared>>) offsets(%arg10 : memref<32xi32, #tpu.memory_space<vmem>>) semaphore(%run_scoped3A : memref<!tpu.dma_semaphore, #tpu.memory_space<semaphore_mem>>) {add = true}
      %dma_wait3A_115 = arith.constant 0 : i32
      %dma_wait3A_116 = arith.constant 0 : i32
      %dma_wait3A_117 = tpu.memref_slice %arg21[%dma_wait3A_115, %dma_wait3A_116] : memref<10000x128xf32, #tpu.memory_space<vmem_shared>> -> memref<10000x128xf32, #tpu.memory_space<vmem_shared>>
      tpu.wait_indirect_dma semaphore(%run_scoped3A : memref<!tpu.dma_semaphore, #tpu.memory_space<semaphore_mem>>) src(%arg14 : memref<32x128xf32, #tpu.memory_space<vmem>>) dst(%dma_wait3A_117 : memref<10000x128xf32, #tpu.memory_space<vmem_shared>>)
      tpu.yield
    }) : () -> ()
    %barrier3A_106 = arith.constant 0 : index
    tpu.barrier barrier_id(%barrier3A_106)
    "tpu.region"() ({
      %run_scoped3A = tpu.sem_alloc : memref<!tpu.dma_semaphore, #tpu.memory_space<semaphore_mem>>
      %dma_start3A_112 = arith.constant 0 : i32
      %dma_start3A_113 = tpu.memref_slice %arg7[%arg0, %multiple_of3A, %dma_start3A_112] : memref<2x10000x128xf32, #tpu.memory_space<hbm>> -> memref<1x624x128xf32, #tpu.memory_space<hbm>>
      %dma_start3A_114 = tpu.memref_squeeze %dma_start3A_113 : memref<1x624x128xf32, #tpu.memory_space<hbm>> -> memref<624x128xf32, #tpu.memory_space<hbm>>
      %dma_start3A_115 = arith.constant 0 : i32
      %dma_start3A_116 = tpu.memref_slice %arg21[%multiple_of3A, %dma_start3A_115] : memref<10000x128xf32, #tpu.memory_space<vmem_shared>> -> memref<624x128xf32, #tpu.memory_space<vmem_shared>>
      tpu.enqueue_dma source(%dma_start3A_116 : memref<624x128xf32, #tpu.memory_space<vmem_shared>>) target(%dma_start3A_114 : memref<624x128xf32, #tpu.memory_space<hbm>>) target_semaphore(%run_scoped3A : memref<!tpu.dma_semaphore, #tpu.memory_space<semaphore_mem>>)
      %dma_wait3A_117 = arith.constant 0 : i32
      %dma_wait3A_118 = tpu.memref_slice %arg7[%arg0, %multiple_of3A, %dma_wait3A_117] : memref<2x10000x128xf32, #tpu.memory_space<hbm>> -> memref<1x624x128xf32, #tpu.memory_space<hbm>>
      %dma_wait3A_119 = tpu.memref_squeeze %dma_wait3A_118 : memref<1x624x128xf32, #tpu.memory_space<hbm>> -> memref<624x128xf32, #tpu.memory_space<hbm>>
      %dma_wait3A_120 = arith.constant 0 : i32
      %dma_wait3A_121 = tpu.memref_slice %arg21[%multiple_of3A, %dma_wait3A_120] : memref<10000x128xf32, #tpu.memory_space<vmem_shared>> -> memref<624x128xf32, #tpu.memory_space<vmem_shared>>
      tpu.wait_dma2 semaphore(%run_scoped3A : memref<!tpu.dma_semaphore, #tpu.memory_space<semaphore_mem>>) src(%dma_wait3A_121 : memref<624x128xf32, #tpu.memory_space<vmem_shared>>) dst(%dma_wait3A_119 : memref<624x128xf32, #tpu.memory_space<hbm>>)
      tpu.yield
    }) : () -> ()
    %eq3A_107 = arith.constant 15 : i32
    %eq3A_108 = arith.cmpi eq, %arg1, %eq3A_107 : i32
    %convert_element_type3A_109 = arith.extui %eq3A_108 : i1 to i32
    %cond3A_110 = arith.constant 0 : i32
    %cond3A_111 = arith.cmpi ne, %convert_element_type3A_109, %cond3A_110 : i32
    scf.if %cond3A_111 {
      "tpu.region"() ({
        %run_scoped3A = tpu.sem_alloc : memref<!tpu.dma_semaphore, #tpu.memory_space<semaphore_mem>>
        %dma_start3A_112 = arith.constant 9984 : i32
        %dma_start3A_113 = arith.constant 0 : i32
        %dma_start3A_114 = tpu.memref_slice %arg7[%arg0, %dma_start3A_112, %dma_start3A_113] : memref<2x10000x128xf32, #tpu.memory_space<hbm>> -> memref<1x16x128xf32, #tpu.memory_space<hbm>>
        %dma_start3A_115 = tpu.memref_squeeze %dma_start3A_114 : memref<1x16x128xf32, #tpu.memory_space<hbm>> -> memref<16x128xf32, #tpu.memory_space<hbm>>
        %dma_start3A_116 = arith.constant 9984 : i32
        %dma_start3A_117 = arith.constant 0 : i32
        %dma_start3A_118 = tpu.memref_slice %arg21[%dma_start3A_116, %dma_start3A_117] : memref<10000x128xf32, #tpu.memory_space<vmem_shared>> -> memref<16x128xf32, #tpu.memory_space<vmem_shared>>
        tpu.enqueue_dma source(%dma_start3A_118 : memref<16x128xf32, #tpu.memory_space<vmem_shared>>) target(%dma_start3A_115 : memref<16x128xf32, #tpu.memory_space<hbm>>) target_semaphore(%run_scoped3A : memref<!tpu.dma_semaphore, #tpu.memory_space<semaphore_mem>>)
        %dma_wait3A_119 = arith.constant 9984 : i32
        %dma_wait3A_120 = arith.constant 0 : i32
        %dma_wait3A_121 = tpu.memref_slice %arg7[%arg0, %dma_wait3A_119, %dma_wait3A_120] : memref<2x10000x128xf32, #tpu.memory_space<hbm>> -> memref<1x16x128xf32, #tpu.memory_space<hbm>>
        %dma_wait3A_122 = tpu.memref_squeeze %dma_wait3A_121 : memref<1x16x128xf32, #tpu.memory_space<hbm>> -> memref<16x128xf32, #tpu.memory_space<hbm>>
        %dma_wait3A_123 = arith.constant 9984 : i32
        %dma_wait3A_124 = arith.constant 0 : i32
        %dma_wait3A_125 = tpu.memref_slice %arg21[%dma_wait3A_123, %dma_wait3A_124] : memref<10000x128xf32, #tpu.memory_space<vmem_shared>> -> memref<16x128xf32, #tpu.memory_space<vmem_shared>>
        tpu.wait_dma2 semaphore(%run_scoped3A : memref<!tpu.dma_semaphore, #tpu.memory_space<semaphore_mem>>) src(%dma_wait3A_125 : memref<16x128xf32, #tpu.memory_space<vmem_shared>>) dst(%dma_wait3A_122 : memref<16x128xf32, #tpu.memory_space<hbm>>)
        tpu.yield
      }) : () -> ()
    } else {
    }
    return
  }
}

#map = affine_map<(d0, d1) -> (0)>
#map1 = affine_map<(d0, d1) -> (0, 0, 0)>
#map2 = affine_map<(d0, d1) -> (0, 0)>
module attributes {stable_mosaic.version = 14 : i64} {
  func.func @_sc_body(%arg0: i32, %arg1: i32, %arg2: memref<320000xi32, #tpu.memory_space<hbm>>, %arg3: memref<320000xi32, #tpu.memory_space<hbm>>, %arg4: memref<2x320000x64xf32, #tpu.memory_space<hbm>>, %arg5: memref<20000x128xf32, #tpu.memory_space<hbm>>, %arg6: memref<10000x128xf32, #tpu.memory_space<hbm>>, %arg7: memref<2x10000x128xf32, #tpu.memory_space<hbm>>, %arg8: memref<2x320000x64xf32, #tpu.memory_space<hbm>>, %arg9: memref<32xi32, #tpu.memory_space<vmem>>, %arg10: memref<32xi32, #tpu.memory_space<vmem>>, %arg11: memref<32xi32, #tpu.memory_space<vmem>>, %arg12: memref<32xi32, #tpu.memory_space<vmem>>, %arg13: memref<32xi32, #tpu.memory_space<vmem>>, %arg14: memref<32xi32, #tpu.memory_space<vmem>>, %arg15: memref<32x128xf32, #tpu.memory_space<vmem>>, %arg16: memref<32x128xf32, #tpu.memory_space<vmem>>, %arg17: memref<32x128xf32, #tpu.memory_space<vmem>>, %arg18: memref<32x128xf32, #tpu.memory_space<vmem>>, %arg19: memref<32x64xf32, #tpu.memory_space<vmem>>, %arg20: memref<32x64xf32, #tpu.memory_space<vmem>>, %arg21: memref<48x128xf32, #tpu.memory_space<vmem>>, %arg22: memref<10000x128xf32, #tpu.memory_space<vmem_shared>>, %arg23: memref<!tpu.dma_semaphore, #tpu.memory_space<semaphore_mem>>, %arg24: memref<!tpu.dma_semaphore, #tpu.memory_space<semaphore_mem>>, %arg25: memref<!tpu.dma_semaphore, #tpu.memory_space<semaphore_mem>>) attributes {dimension_semantics = [#tpu.dimension_semantics<core_parallel>, #tpu.dimension_semantics<subcore_parallel>], iteration_bounds = array<i64: 2, 16>, scalar_prefetch = 0 : i64, scratch_operands = 17 : i64, tpu.core_type = #tpu.core_type<sc_vector_subcore>, window_params = [{transform_indices = #map}, {transform_indices = #map}, {transform_indices = #map1}, {transform_indices = #map2}, {transform_indices = #map2}, {transform_indices = #map1}, {transform_indices = #map1}]} {
    %mul3A = arith.constant 10000 : i32
    %mul3A_0 = arith.muli %arg0, %mul3A : i32
    %scan3A = arith.constant 0 : i32
    %scan3A_1 = arith.constant 0 : i32
    %scan3A_2 = arith.constant 384 : i32
    %scan3A_3 = arith.addi %scan3A_1, %scan3A_2 : i32
    %scan3A_4 = arith.constant 1 : i32
    scf.for %scan3A_127 = %scan3A_1 to %scan3A_3 step %scan3A_4  : i32 {
      %broadcast_in_dim3A = arith.constant 0.000000e+00 : f32
      %broadcast_in_dim3A_128 = vector.broadcast %broadcast_in_dim3A : f32 to vector<16xf32>
      %jit3A = arith.constant 8 : i32
      %div3A = arith.divsi %scan3A_127, %jit3A : i32
      %sign3A = arith.constant 0 : i32
      %sign3A_129 = arith.cmpi sgt, %scan3A_127, %sign3A : i32
      %sign3A_130 = arith.extui %sign3A_129 : i1 to i32
      %sign3A_131 = arith.constant 0 : i32
      %sign3A_132 = arith.cmpi slt, %scan3A_127, %sign3A_131 : i32
      %sign3A_133 = arith.extui %sign3A_132 : i1 to i32
      %sign3A_134 = arith.subi %sign3A_130, %sign3A_133 : i32
      %sign3A_135 = arith.constant 0 : i32
      %sign3A_136 = arith.cmpi sgt, %jit3A, %sign3A_135 : i32
      %sign3A_137 = arith.extui %sign3A_136 : i1 to i32
      %sign3A_138 = arith.constant 0 : i32
      %sign3A_139 = arith.cmpi slt, %jit3A, %sign3A_138 : i32
      %sign3A_140 = arith.extui %sign3A_139 : i1 to i32
      %sign3A_141 = arith.subi %sign3A_137, %sign3A_140 : i32
      %ne3A = arith.cmpi ne, %sign3A_134, %sign3A_141 : i32
      %rem3A = arith.remsi %scan3A_127, %jit3A : i32
      %ne3A_142 = arith.constant 0 : i32
      %ne3A_143 = arith.cmpi ne, %rem3A, %ne3A_142 : i32
      %and3A = arith.andi %ne3A, %ne3A_143 : i1
      %sub3A = arith.constant 1 : i32
      %sub3A_144 = arith.subi %div3A, %sub3A : i32
      %select_n3A = arith.select %and3A, %sub3A_144, %div3A : i32
      %jit3A_145 = arith.constant 8 : i32
      %eq3A_146 = arith.constant 0 : i32
      %eq3A_147 = arith.cmpi eq, %jit3A_145, %eq3A_146 : i32
      %jit3A_148 = arith.constant 1 : i32
      %select_n3A_149 = arith.select %eq3A_147, %jit3A_148, %jit3A_145 : i32
      %rem3A_150 = arith.remsi %scan3A_127, %select_n3A_149 : i32
      %ne3A_151 = arith.constant 0 : i32
      %ne3A_152 = arith.cmpi ne, %rem3A_150, %ne3A_151 : i32
      %lt3A = arith.constant 0 : i32
      %lt3A_153 = arith.cmpi slt, %rem3A_150, %lt3A : i32
      %lt3A_154 = arith.constant 0 : i32
      %lt3A_155 = arith.cmpi slt, %select_n3A_149, %lt3A_154 : i32
      %ne3A_156 = arith.xori %lt3A_153, %lt3A_155 : i1
      %and3A_157 = arith.andi %ne3A_156, %ne3A_152 : i1
      %add3A_158 = arith.addi %rem3A_150, %select_n3A_149 : i32
      %select_n3A_159 = arith.select %and3A_157, %add3A_158, %rem3A_150 : i32
      %mul3A_160 = arith.constant 16 : i32
      %mul3A_161 = arith.muli %select_n3A_159, %mul3A_160 : i32
      %swap3A_162 = arith.index_cast %select_n3A : i32 to index
      %swap3A_163 = arith.index_cast %mul3A_161 : i32 to index
      %swap3A_164 = tpu.vector_load %arg21[%swap3A_162, %swap3A_163] {strides = array<i32>} : memref<48x128xf32, #tpu.memory_space<vmem>>, vector<1x16xf32>,
      %swap3A_165 = vector.shape_cast %swap3A_164 : vector<1x16xf32> to vector<16xf32>
      %swap3A_166 = vector.shape_cast %broadcast_in_dim3A_128 : vector<16xf32> to vector<1x16xf32>
      tpu.vector_store %arg21[%swap3A_162, %swap3A_163], %swap3A_166 {strides = array<i32>} : memref<48x128xf32, #tpu.memory_space<vmem>>, vector<1x16xf32>,
    }
    %scan3A_5 = arith.constant 384 : i32
    %mul3A_6 = arith.constant 624 : i32
    %mul3A_7 = arith.muli %arg1, %mul3A_6 : i32
    %multiple_of3A = tpu.assume_multiple %mul3A_7, 8 : i32
    %add3A = arith.constant 0 : i32
    %add3A_8 = arith.addi %multiple_of3A, %add3A : i32
    "tpu.region"() ({
      %run_scoped3A = tpu.sem_alloc : memref<!tpu.dma_semaphore, #tpu.memory_space<semaphore_mem>>
      %dma_start3A_127 = arith.constant 0 : i32
      %dma_start3A_128 = tpu.memref_slice %arg22[%add3A_8, %dma_start3A_127] : memref<10000x128xf32, #tpu.memory_space<vmem_shared>> -> memref<48x128xf32, #tpu.memory_space<vmem_shared>>
      %dma_start3A_129 = arith.constant 0 : i32
      %dma_start3A_130 = tpu.memref_slice %arg22[%add3A_8, %dma_start3A_129] : memref<10000x128xf32, #tpu.memory_space<vmem_shared>> -> memref<48x128xf32, #tpu.memory_space<vmem_shared>>
      tpu.enqueue_dma source(%arg21 : memref<48x128xf32, #tpu.memory_space<vmem>>) target(%dma_start3A_130 : memref<48x128xf32, #tpu.memory_space<vmem_shared>>) target_semaphore(%run_scoped3A : memref<!tpu.dma_semaphore, #tpu.memory_space<semaphore_mem>>)
      %dma_wait3A_131 = arith.constant 0 : i32
      %dma_wait3A_132 = tpu.memref_slice %arg22[%add3A_8, %dma_wait3A_131] : memref<10000x128xf32, #tpu.memory_space<vmem_shared>> -> memref<48x128xf32, #tpu.memory_space<vmem_shared>>
      %dma_wait3A_133 = arith.constant 0 : i32
      %dma_wait3A_134 = tpu.memref_slice %arg22[%add3A_8, %dma_wait3A_133] : memref<10000x128xf32, #tpu.memory_space<vmem_shared>> -> memref<48x128xf32, #tpu.memory_space<vmem_shared>>
      tpu.wait_dma2 semaphore(%run_scoped3A : memref<!tpu.dma_semaphore, #tpu.memory_space<semaphore_mem>>) src(%arg21 : memref<48x128xf32, #tpu.memory_space<vmem>>) dst(%dma_wait3A_134 : memref<48x128xf32, #tpu.memory_space<vmem_shared>>)
      tpu.yield
    }) : () -> ()
    %add3A_9 = arith.constant 48 : i32
    %add3A_10 = arith.addi %multiple_of3A, %add3A_9 : i32
    "tpu.region"() ({
      %run_scoped3A = tpu.sem_alloc : memref<!tpu.dma_semaphore, #tpu.memory_space<semaphore_mem>>
      %dma_start3A_127 = arith.constant 0 : i32
      %dma_start3A_128 = tpu.memref_slice %arg22[%add3A_10, %dma_start3A_127] : memref<10000x128xf32, #tpu.memory_space<vmem_shared>> -> memref<48x128xf32, #tpu.memory_space<vmem_shared>>
      %dma_start3A_129 = arith.constant 0 : i32
      %dma_start3A_130 = tpu.memref_slice %arg22[%add3A_10, %dma_start3A_129] : memref<10000x128xf32, #tpu.memory_space<vmem_shared>> -> memref<48x128xf32, #tpu.memory_space<vmem_shared>>
      tpu.enqueue_dma source(%arg21 : memref<48x128xf32, #tpu.memory_space<vmem>>) target(%dma_start3A_130 : memref<48x128xf32, #tpu.memory_space<vmem_shared>>) target_semaphore(%run_scoped3A : memref<!tpu.dma_semaphore, #tpu.memory_space<semaphore_mem>>)
      %dma_wait3A_131 = arith.constant 0 : i32
      %dma_wait3A_132 = tpu.memref_slice %arg22[%add3A_10, %dma_wait3A_131] : memref<10000x128xf32, #tpu.memory_space<vmem_shared>> -> memref<48x128xf32, #tpu.memory_space<vmem_shared>>
      %dma_wait3A_133 = arith.constant 0 : i32
      %dma_wait3A_134 = tpu.memref_slice %arg22[%add3A_10, %dma_wait3A_133] : memref<10000x128xf32, #tpu.memory_space<vmem_shared>> -> memref<48x128xf32, #tpu.memory_space<vmem_shared>>
      tpu.wait_dma2 semaphore(%run_scoped3A : memref<!tpu.dma_semaphore, #tpu.memory_space<semaphore_mem>>) src(%arg21 : memref<48x128xf32, #tpu.memory_space<vmem>>) dst(%dma_wait3A_134 : memref<48x128xf32, #tpu.memory_space<vmem_shared>>)
      tpu.yield
    }) : () -> ()
    %add3A_11 = arith.constant 96 : i32
    %add3A_12 = arith.addi %multiple_of3A, %add3A_11 : i32
    "tpu.region"() ({
      %run_scoped3A = tpu.sem_alloc : memref<!tpu.dma_semaphore, #tpu.memory_space<semaphore_mem>>
      %dma_start3A_127 = arith.constant 0 : i32
      %dma_start3A_128 = tpu.memref_slice %arg22[%add3A_12, %dma_start3A_127] : memref<10000x128xf32, #tpu.memory_space<vmem_shared>> -> memref<48x128xf32, #tpu.memory_space<vmem_shared>>
      %dma_start3A_129 = arith.constant 0 : i32
      %dma_start3A_130 = tpu.memref_slice %arg22[%add3A_12, %dma_start3A_129] : memref<10000x128xf32, #tpu.memory_space<vmem_shared>> -> memref<48x128xf32, #tpu.memory_space<vmem_shared>>
      tpu.enqueue_dma source(%arg21 : memref<48x128xf32, #tpu.memory_space<vmem>>) target(%dma_start3A_130 : memref<48x128xf32, #tpu.memory_space<vmem_shared>>) target_semaphore(%run_scoped3A : memref<!tpu.dma_semaphore, #tpu.memory_space<semaphore_mem>>)
      %dma_wait3A_131 = arith.constant 0 : i32
      %dma_wait3A_132 = tpu.memref_slice %arg22[%add3A_12, %dma_wait3A_131] : memref<10000x128xf32, #tpu.memory_space<vmem_shared>> -> memref<48x128xf32, #tpu.memory_space<vmem_shared>>
      %dma_wait3A_133 = arith.constant 0 : i32
      %dma_wait3A_134 = tpu.memref_slice %arg22[%add3A_12, %dma_wait3A_133] : memref<10000x128xf32, #tpu.memory_space<vmem_shared>> -> memref<48x128xf32, #tpu.memory_space<vmem_shared>>
      tpu.wait_dma2 semaphore(%run_scoped3A : memref<!tpu.dma_semaphore, #tpu.memory_space<semaphore_mem>>) src(%arg21 : memref<48x128xf32, #tpu.memory_space<vmem>>) dst(%dma_wait3A_134 : memref<48x128xf32, #tpu.memory_space<vmem_shared>>)
      tpu.yield
    }) : () -> ()
    %add3A_13 = arith.constant 144 : i32
    %add3A_14 = arith.addi %multiple_of3A, %add3A_13 : i32
    "tpu.region"() ({
      %run_scoped3A = tpu.sem_alloc : memref<!tpu.dma_semaphore, #tpu.memory_space<semaphore_mem>>
      %dma_start3A_127 = arith.constant 0 : i32
      %dma_start3A_128 = tpu.memref_slice %arg22[%add3A_14, %dma_start3A_127] : memref<10000x128xf32, #tpu.memory_space<vmem_shared>> -> memref<48x128xf32, #tpu.memory_space<vmem_shared>>
      %dma_start3A_129 = arith.constant 0 : i32
      %dma_start3A_130 = tpu.memref_slice %arg22[%add3A_14, %dma_start3A_129] : memref<10000x128xf32, #tpu.memory_space<vmem_shared>> -> memref<48x128xf32, #tpu.memory_space<vmem_shared>>
      tpu.enqueue_dma source(%arg21 : memref<48x128xf32, #tpu.memory_space<vmem>>) target(%dma_start3A_130 : memref<48x128xf32, #tpu.memory_space<vmem_shared>>) target_semaphore(%run_scoped3A : memref<!tpu.dma_semaphore, #tpu.memory_space<semaphore_mem>>)
      %dma_wait3A_131 = arith.constant 0 : i32
      %dma_wait3A_132 = tpu.memref_slice %arg22[%add3A_14, %dma_wait3A_131] : memref<10000x128xf32, #tpu.memory_space<vmem_shared>> -> memref<48x128xf32, #tpu.memory_space<vmem_shared>>
      %dma_wait3A_133 = arith.constant 0 : i32
      %dma_wait3A_134 = tpu.memref_slice %arg22[%add3A_14, %dma_wait3A_133] : memref<10000x128xf32, #tpu.memory_space<vmem_shared>> -> memref<48x128xf32, #tpu.memory_space<vmem_shared>>
      tpu.wait_dma2 semaphore(%run_scoped3A : memref<!tpu.dma_semaphore, #tpu.memory_space<semaphore_mem>>) src(%arg21 : memref<48x128xf32, #tpu.memory_space<vmem>>) dst(%dma_wait3A_134 : memref<48x128xf32, #tpu.memory_space<vmem_shared>>)
      tpu.yield
    }) : () -> ()
    %add3A_15 = arith.constant 192 : i32
    %add3A_16 = arith.addi %multiple_of3A, %add3A_15 : i32
    "tpu.region"() ({
      %run_scoped3A = tpu.sem_alloc : memref<!tpu.dma_semaphore, #tpu.memory_space<semaphore_mem>>
      %dma_start3A_127 = arith.constant 0 : i32
      %dma_start3A_128 = tpu.memref_slice %arg22[%add3A_16, %dma_start3A_127] : memref<10000x128xf32, #tpu.memory_space<vmem_shared>> -> memref<48x128xf32, #tpu.memory_space<vmem_shared>>
      %dma_start3A_129 = arith.constant 0 : i32
      %dma_start3A_130 = tpu.memref_slice %arg22[%add3A_16, %dma_start3A_129] : memref<10000x128xf32, #tpu.memory_space<vmem_shared>> -> memref<48x128xf32, #tpu.memory_space<vmem_shared>>
      tpu.enqueue_dma source(%arg21 : memref<48x128xf32, #tpu.memory_space<vmem>>) target(%dma_start3A_130 : memref<48x128xf32, #tpu.memory_space<vmem_shared>>) target_semaphore(%run_scoped3A : memref<!tpu.dma_semaphore, #tpu.memory_space<semaphore_mem>>)
      %dma_wait3A_131 = arith.constant 0 : i32
      %dma_wait3A_132 = tpu.memref_slice %arg22[%add3A_16, %dma_wait3A_131] : memref<10000x128xf32, #tpu.memory_space<vmem_shared>> -> memref<48x128xf32, #tpu.memory_space<vmem_shared>>
      %dma_wait3A_133 = arith.constant 0 : i32
      %dma_wait3A_134 = tpu.memref_slice %arg22[%add3A_16, %dma_wait3A_133] : memref<10000x128xf32, #tpu.memory_space<vmem_shared>> -> memref<48x128xf32, #tpu.memory_space<vmem_shared>>
      tpu.wait_dma2 semaphore(%run_scoped3A : memref<!tpu.dma_semaphore, #tpu.memory_space<semaphore_mem>>) src(%arg21 : memref<48x128xf32, #tpu.memory_space<vmem>>) dst(%dma_wait3A_134 : memref<48x128xf32, #tpu.memory_space<vmem_shared>>)
      tpu.yield
    }) : () -> ()
    %add3A_17 = arith.constant 240 : i32
    %add3A_18 = arith.addi %multiple_of3A, %add3A_17 : i32
    "tpu.region"() ({
      %run_scoped3A = tpu.sem_alloc : memref<!tpu.dma_semaphore, #tpu.memory_space<semaphore_mem>>
      %dma_start3A_127 = arith.constant 0 : i32
      %dma_start3A_128 = tpu.memref_slice %arg22[%add3A_18, %dma_start3A_127] : memref<10000x128xf32, #tpu.memory_space<vmem_shared>> -> memref<48x128xf32, #tpu.memory_space<vmem_shared>>
      %dma_start3A_129 = arith.constant 0 : i32
      %dma_start3A_130 = tpu.memref_slice %arg22[%add3A_18, %dma_start3A_129] : memref<10000x128xf32, #tpu.memory_space<vmem_shared>> -> memref<48x128xf32, #tpu.memory_space<vmem_shared>>
      tpu.enqueue_dma source(%arg21 : memref<48x128xf32, #tpu.memory_space<vmem>>) target(%dma_start3A_130 : memref<48x128xf32, #tpu.memory_space<vmem_shared>>) target_semaphore(%run_scoped3A : memref<!tpu.dma_semaphore, #tpu.memory_space<semaphore_mem>>)
      %dma_wait3A_131 = arith.constant 0 : i32
      %dma_wait3A_132 = tpu.memref_slice %arg22[%add3A_18, %dma_wait3A_131] : memref<10000x128xf32, #tpu.memory_space<vmem_shared>> -> memref<48x128xf32, #tpu.memory_space<vmem_shared>>
      %dma_wait3A_133 = arith.constant 0 : i32
      %dma_wait3A_134 = tpu.memref_slice %arg22[%add3A_18, %dma_wait3A_133] : memref<10000x128xf32, #tpu.memory_space<vmem_shared>> -> memref<48x128xf32, #tpu.memory_space<vmem_shared>>
      tpu.wait_dma2 semaphore(%run_scoped3A : memref<!tpu.dma_semaphore, #tpu.memory_space<semaphore_mem>>) src(%arg21 : memref<48x128xf32, #tpu.memory_space<vmem>>) dst(%dma_wait3A_134 : memref<48x128xf32, #tpu.memory_space<vmem_shared>>)
      tpu.yield
    }) : () -> ()
    %add3A_19 = arith.constant 288 : i32
    %add3A_20 = arith.addi %multiple_of3A, %add3A_19 : i32
    "tpu.region"() ({
      %run_scoped3A = tpu.sem_alloc : memref<!tpu.dma_semaphore, #tpu.memory_space<semaphore_mem>>
      %dma_start3A_127 = arith.constant 0 : i32
      %dma_start3A_128 = tpu.memref_slice %arg22[%add3A_20, %dma_start3A_127] : memref<10000x128xf32, #tpu.memory_space<vmem_shared>> -> memref<48x128xf32, #tpu.memory_space<vmem_shared>>
      %dma_start3A_129 = arith.constant 0 : i32
      %dma_start3A_130 = tpu.memref_slice %arg22[%add3A_20, %dma_start3A_129] : memref<10000x128xf32, #tpu.memory_space<vmem_shared>> -> memref<48x128xf32, #tpu.memory_space<vmem_shared>>
      tpu.enqueue_dma source(%arg21 : memref<48x128xf32, #tpu.memory_space<vmem>>) target(%dma_start3A_130 : memref<48x128xf32, #tpu.memory_space<vmem_shared>>) target_semaphore(%run_scoped3A : memref<!tpu.dma_semaphore, #tpu.memory_space<semaphore_mem>>)
      %dma_wait3A_131 = arith.constant 0 : i32
      %dma_wait3A_132 = tpu.memref_slice %arg22[%add3A_20, %dma_wait3A_131] : memref<10000x128xf32, #tpu.memory_space<vmem_shared>> -> memref<48x128xf32, #tpu.memory_space<vmem_shared>>
      %dma_wait3A_133 = arith.constant 0 : i32
      %dma_wait3A_134 = tpu.memref_slice %arg22[%add3A_20, %dma_wait3A_133] : memref<10000x128xf32, #tpu.memory_space<vmem_shared>> -> memref<48x128xf32, #tpu.memory_space<vmem_shared>>
      tpu.wait_dma2 semaphore(%run_scoped3A : memref<!tpu.dma_semaphore, #tpu.memory_space<semaphore_mem>>) src(%arg21 : memref<48x128xf32, #tpu.memory_space<vmem>>) dst(%dma_wait3A_134 : memref<48x128xf32, #tpu.memory_space<vmem_shared>>)
      tpu.yield
    }) : () -> ()
    %add3A_21 = arith.constant 336 : i32
    %add3A_22 = arith.addi %multiple_of3A, %add3A_21 : i32
    "tpu.region"() ({
      %run_scoped3A = tpu.sem_alloc : memref<!tpu.dma_semaphore, #tpu.memory_space<semaphore_mem>>
      %dma_start3A_127 = arith.constant 0 : i32
      %dma_start3A_128 = tpu.memref_slice %arg22[%add3A_22, %dma_start3A_127] : memref<10000x128xf32, #tpu.memory_space<vmem_shared>> -> memref<48x128xf32, #tpu.memory_space<vmem_shared>>
      %dma_start3A_129 = arith.constant 0 : i32
      %dma_start3A_130 = tpu.memref_slice %arg22[%add3A_22, %dma_start3A_129] : memref<10000x128xf32, #tpu.memory_space<vmem_shared>> -> memref<48x128xf32, #tpu.memory_space<vmem_shared>>
      tpu.enqueue_dma source(%arg21 : memref<48x128xf32, #tpu.memory_space<vmem>>) target(%dma_start3A_130 : memref<48x128xf32, #tpu.memory_space<vmem_shared>>) target_semaphore(%run_scoped3A : memref<!tpu.dma_semaphore, #tpu.memory_space<semaphore_mem>>)
      %dma_wait3A_131 = arith.constant 0 : i32
      %dma_wait3A_132 = tpu.memref_slice %arg22[%add3A_22, %dma_wait3A_131] : memref<10000x128xf32, #tpu.memory_space<vmem_shared>> -> memref<48x128xf32, #tpu.memory_space<vmem_shared>>
      %dma_wait3A_133 = arith.constant 0 : i32
      %dma_wait3A_134 = tpu.memref_slice %arg22[%add3A_22, %dma_wait3A_133] : memref<10000x128xf32, #tpu.memory_space<vmem_shared>> -> memref<48x128xf32, #tpu.memory_space<vmem_shared>>
      tpu.wait_dma2 semaphore(%run_scoped3A : memref<!tpu.dma_semaphore, #tpu.memory_space<semaphore_mem>>) src(%arg21 : memref<48x128xf32, #tpu.memory_space<vmem>>) dst(%dma_wait3A_134 : memref<48x128xf32, #tpu.memory_space<vmem_shared>>)
      tpu.yield
    }) : () -> ()
    %add3A_23 = arith.constant 384 : i32
    %add3A_24 = arith.addi %multiple_of3A, %add3A_23 : i32
    "tpu.region"() ({
      %run_scoped3A = tpu.sem_alloc : memref<!tpu.dma_semaphore, #tpu.memory_space<semaphore_mem>>
      %dma_start3A_127 = arith.constant 0 : i32
      %dma_start3A_128 = tpu.memref_slice %arg22[%add3A_24, %dma_start3A_127] : memref<10000x128xf32, #tpu.memory_space<vmem_shared>> -> memref<48x128xf32, #tpu.memory_space<vmem_shared>>
      %dma_start3A_129 = arith.constant 0 : i32
      %dma_start3A_130 = tpu.memref_slice %arg22[%add3A_24, %dma_start3A_129] : memref<10000x128xf32, #tpu.memory_space<vmem_shared>> -> memref<48x128xf32, #tpu.memory_space<vmem_shared>>
      tpu.enqueue_dma source(%arg21 : memref<48x128xf32, #tpu.memory_space<vmem>>) target(%dma_start3A_130 : memref<48x128xf32, #tpu.memory_space<vmem_shared>>) target_semaphore(%run_scoped3A : memref<!tpu.dma_semaphore, #tpu.memory_space<semaphore_mem>>)
      %dma_wait3A_131 = arith.constant 0 : i32
      %dma_wait3A_132 = tpu.memref_slice %arg22[%add3A_24, %dma_wait3A_131] : memref<10000x128xf32, #tpu.memory_space<vmem_shared>> -> memref<48x128xf32, #tpu.memory_space<vmem_shared>>
      %dma_wait3A_133 = arith.constant 0 : i32
      %dma_wait3A_134 = tpu.memref_slice %arg22[%add3A_24, %dma_wait3A_133] : memref<10000x128xf32, #tpu.memory_space<vmem_shared>> -> memref<48x128xf32, #tpu.memory_space<vmem_shared>>
      tpu.wait_dma2 semaphore(%run_scoped3A : memref<!tpu.dma_semaphore, #tpu.memory_space<semaphore_mem>>) src(%arg21 : memref<48x128xf32, #tpu.memory_space<vmem>>) dst(%dma_wait3A_134 : memref<48x128xf32, #tpu.memory_space<vmem_shared>>)
      tpu.yield
    }) : () -> ()
    %add3A_25 = arith.constant 432 : i32
    %add3A_26 = arith.addi %multiple_of3A, %add3A_25 : i32
    "tpu.region"() ({
      %run_scoped3A = tpu.sem_alloc : memref<!tpu.dma_semaphore, #tpu.memory_space<semaphore_mem>>
      %dma_start3A_127 = arith.constant 0 : i32
      %dma_start3A_128 = tpu.memref_slice %arg22[%add3A_26, %dma_start3A_127] : memref<10000x128xf32, #tpu.memory_space<vmem_shared>> -> memref<48x128xf32, #tpu.memory_space<vmem_shared>>
      %dma_start3A_129 = arith.constant 0 : i32
      %dma_start3A_130 = tpu.memref_slice %arg22[%add3A_26, %dma_start3A_129] : memref<10000x128xf32, #tpu.memory_space<vmem_shared>> -> memref<48x128xf32, #tpu.memory_space<vmem_shared>>
      tpu.enqueue_dma source(%arg21 : memref<48x128xf32, #tpu.memory_space<vmem>>) target(%dma_start3A_130 : memref<48x128xf32, #tpu.memory_space<vmem_shared>>) target_semaphore(%run_scoped3A : memref<!tpu.dma_semaphore, #tpu.memory_space<semaphore_mem>>)
      %dma_wait3A_131 = arith.constant 0 : i32
      %dma_wait3A_132 = tpu.memref_slice %arg22[%add3A_26, %dma_wait3A_131] : memref<10000x128xf32, #tpu.memory_space<vmem_shared>> -> memref<48x128xf32, #tpu.memory_space<vmem_shared>>
      %dma_wait3A_133 = arith.constant 0 : i32
      %dma_wait3A_134 = tpu.memref_slice %arg22[%add3A_26, %dma_wait3A_133] : memref<10000x128xf32, #tpu.memory_space<vmem_shared>> -> memref<48x128xf32, #tpu.memory_space<vmem_shared>>
      tpu.wait_dma2 semaphore(%run_scoped3A : memref<!tpu.dma_semaphore, #tpu.memory_space<semaphore_mem>>) src(%arg21 : memref<48x128xf32, #tpu.memory_space<vmem>>) dst(%dma_wait3A_134 : memref<48x128xf32, #tpu.memory_space<vmem_shared>>)
      tpu.yield
    }) : () -> ()
    %add3A_27 = arith.constant 480 : i32
    %add3A_28 = arith.addi %multiple_of3A, %add3A_27 : i32
    "tpu.region"() ({
      %run_scoped3A = tpu.sem_alloc : memref<!tpu.dma_semaphore, #tpu.memory_space<semaphore_mem>>
      %dma_start3A_127 = arith.constant 0 : i32
      %dma_start3A_128 = tpu.memref_slice %arg22[%add3A_28, %dma_start3A_127] : memref<10000x128xf32, #tpu.memory_space<vmem_shared>> -> memref<48x128xf32, #tpu.memory_space<vmem_shared>>
      %dma_start3A_129 = arith.constant 0 : i32
      %dma_start3A_130 = tpu.memref_slice %arg22[%add3A_28, %dma_start3A_129] : memref<10000x128xf32, #tpu.memory_space<vmem_shared>> -> memref<48x128xf32, #tpu.memory_space<vmem_shared>>
      tpu.enqueue_dma source(%arg21 : memref<48x128xf32, #tpu.memory_space<vmem>>) target(%dma_start3A_130 : memref<48x128xf32, #tpu.memory_space<vmem_shared>>) target_semaphore(%run_scoped3A : memref<!tpu.dma_semaphore, #tpu.memory_space<semaphore_mem>>)
      %dma_wait3A_131 = arith.constant 0 : i32
      %dma_wait3A_132 = tpu.memref_slice %arg22[%add3A_28, %dma_wait3A_131] : memref<10000x128xf32, #tpu.memory_space<vmem_shared>> -> memref<48x128xf32, #tpu.memory_space<vmem_shared>>
      %dma_wait3A_133 = arith.constant 0 : i32
      %dma_wait3A_134 = tpu.memref_slice %arg22[%add3A_28, %dma_wait3A_133] : memref<10000x128xf32, #tpu.memory_space<vmem_shared>> -> memref<48x128xf32, #tpu.memory_space<vmem_shared>>
      tpu.wait_dma2 semaphore(%run_scoped3A : memref<!tpu.dma_semaphore, #tpu.memory_space<semaphore_mem>>) src(%arg21 : memref<48x128xf32, #tpu.memory_space<vmem>>) dst(%dma_wait3A_134 : memref<48x128xf32, #tpu.memory_space<vmem_shared>>)
      tpu.yield
    }) : () -> ()
    %add3A_29 = arith.constant 528 : i32
    %add3A_30 = arith.addi %multiple_of3A, %add3A_29 : i32
    "tpu.region"() ({
      %run_scoped3A = tpu.sem_alloc : memref<!tpu.dma_semaphore, #tpu.memory_space<semaphore_mem>>
      %dma_start3A_127 = arith.constant 0 : i32
      %dma_start3A_128 = tpu.memref_slice %arg22[%add3A_30, %dma_start3A_127] : memref<10000x128xf32, #tpu.memory_space<vmem_shared>> -> memref<48x128xf32, #tpu.memory_space<vmem_shared>>
      %dma_start3A_129 = arith.constant 0 : i32
      %dma_start3A_130 = tpu.memref_slice %arg22[%add3A_30, %dma_start3A_129] : memref<10000x128xf32, #tpu.memory_space<vmem_shared>> -> memref<48x128xf32, #tpu.memory_space<vmem_shared>>
      tpu.enqueue_dma source(%arg21 : memref<48x128xf32, #tpu.memory_space<vmem>>) target(%dma_start3A_130 : memref<48x128xf32, #tpu.memory_space<vmem_shared>>) target_semaphore(%run_scoped3A : memref<!tpu.dma_semaphore, #tpu.memory_space<semaphore_mem>>)
      %dma_wait3A_131 = arith.constant 0 : i32
      %dma_wait3A_132 = tpu.memref_slice %arg22[%add3A_30, %dma_wait3A_131] : memref<10000x128xf32, #tpu.memory_space<vmem_shared>> -> memref<48x128xf32, #tpu.memory_space<vmem_shared>>
      %dma_wait3A_133 = arith.constant 0 : i32
      %dma_wait3A_134 = tpu.memref_slice %arg22[%add3A_30, %dma_wait3A_133] : memref<10000x128xf32, #tpu.memory_space<vmem_shared>> -> memref<48x128xf32, #tpu.memory_space<vmem_shared>>
      tpu.wait_dma2 semaphore(%run_scoped3A : memref<!tpu.dma_semaphore, #tpu.memory_space<semaphore_mem>>) src(%arg21 : memref<48x128xf32, #tpu.memory_space<vmem>>) dst(%dma_wait3A_134 : memref<48x128xf32, #tpu.memory_space<vmem_shared>>)
      tpu.yield
    }) : () -> ()
    %add3A_31 = arith.constant 576 : i32
    %add3A_32 = arith.addi %multiple_of3A, %add3A_31 : i32
    "tpu.region"() ({
      %run_scoped3A = tpu.sem_alloc : memref<!tpu.dma_semaphore, #tpu.memory_space<semaphore_mem>>
      %dma_start3A_127 = arith.constant 0 : i32
      %dma_start3A_128 = tpu.memref_slice %arg22[%add3A_32, %dma_start3A_127] : memref<10000x128xf32, #tpu.memory_space<vmem_shared>> -> memref<48x128xf32, #tpu.memory_space<vmem_shared>>
      %dma_start3A_129 = arith.constant 0 : i32
      %dma_start3A_130 = tpu.memref_slice %arg22[%add3A_32, %dma_start3A_129] : memref<10000x128xf32, #tpu.memory_space<vmem_shared>> -> memref<48x128xf32, #tpu.memory_space<vmem_shared>>
      tpu.enqueue_dma source(%arg21 : memref<48x128xf32, #tpu.memory_space<vmem>>) target(%dma_start3A_130 : memref<48x128xf32, #tpu.memory_space<vmem_shared>>) target_semaphore(%run_scoped3A : memref<!tpu.dma_semaphore, #tpu.memory_space<semaphore_mem>>)
      %dma_wait3A_131 = arith.constant 0 : i32
      %dma_wait3A_132 = tpu.memref_slice %arg22[%add3A_32, %dma_wait3A_131] : memref<10000x128xf32, #tpu.memory_space<vmem_shared>> -> memref<48x128xf32, #tpu.memory_space<vmem_shared>>
      %dma_wait3A_133 = arith.constant 0 : i32
      %dma_wait3A_134 = tpu.memref_slice %arg22[%add3A_32, %dma_wait3A_133] : memref<10000x128xf32, #tpu.memory_space<vmem_shared>> -> memref<48x128xf32, #tpu.memory_space<vmem_shared>>
      tpu.wait_dma2 semaphore(%run_scoped3A : memref<!tpu.dma_semaphore, #tpu.memory_space<semaphore_mem>>) src(%arg21 : memref<48x128xf32, #tpu.memory_space<vmem>>) dst(%dma_wait3A_134 : memref<48x128xf32, #tpu.memory_space<vmem_shared>>)
      tpu.yield
    }) : () -> ()
    %eq3A = arith.constant 15 : i32
    %eq3A_33 = arith.cmpi eq, %arg1, %eq3A : i32
    %convert_element_type3A = arith.extui %eq3A_33 : i1 to i32
    %cond3A = arith.constant 0 : i32
    %cond3A_34 = arith.cmpi ne, %convert_element_type3A, %cond3A : i32
    scf.if %cond3A_34 {
      "tpu.region"() ({
        %run_scoped3A = tpu.sem_alloc : memref<!tpu.dma_semaphore, #tpu.memory_space<semaphore_mem>>
        %dma_start3A_127 = arith.constant 0 : i32
        %dma_start3A_128 = arith.constant 0 : i32
        %dma_start3A_129 = tpu.memref_slice %arg21[%dma_start3A_127, %dma_start3A_128] : memref<48x128xf32, #tpu.memory_space<vmem>> -> memref<16x128xf32, #tpu.memory_space<vmem>>
        %dma_start3A_130 = arith.constant 9984 : i32
        %dma_start3A_131 = arith.constant 0 : i32
        %dma_start3A_132 = tpu.memref_slice %arg22[%dma_start3A_130, %dma_start3A_131] : memref<10000x128xf32, #tpu.memory_space<vmem_shared>> -> memref<16x128xf32, #tpu.memory_space<vmem_shared>>
        %dma_start3A_133 = arith.constant 9984 : i32
        %dma_start3A_134 = arith.constant 0 : i32
        %dma_start3A_135 = tpu.memref_slice %arg22[%dma_start3A_133, %dma_start3A_134] : memref<10000x128xf32, #tpu.memory_space<vmem_shared>> -> memref<16x128xf32, #tpu.memory_space<vmem_shared>>
        %dma_start3A_136 = arith.constant 0 : i32
        %dma_start3A_137 = arith.constant 0 : i32
        %dma_start3A_138 = tpu.memref_slice %arg21[%dma_start3A_136, %dma_start3A_137] : memref<48x128xf32, #tpu.memory_space<vmem>> -> memref<16x128xf32, #tpu.memory_space<vmem>>
        tpu.enqueue_dma source(%dma_start3A_138 : memref<16x128xf32, #tpu.memory_space<vmem>>) target(%dma_start3A_135 : memref<16x128xf32, #tpu.memory_space<vmem_shared>>) target_semaphore(%run_scoped3A : memref<!tpu.dma_semaphore, #tpu.memory_space<semaphore_mem>>)
        %dma_wait3A_139 = arith.constant 0 : i32
        %dma_wait3A_140 = arith.constant 0 : i32
        %dma_wait3A_141 = tpu.memref_slice %arg21[%dma_wait3A_139, %dma_wait3A_140] : memref<48x128xf32, #tpu.memory_space<vmem>> -> memref<16x128xf32, #tpu.memory_space<vmem>>
        %dma_wait3A_142 = arith.constant 9984 : i32
        %dma_wait3A_143 = arith.constant 0 : i32
        %dma_wait3A_144 = tpu.memref_slice %arg22[%dma_wait3A_142, %dma_wait3A_143] : memref<10000x128xf32, #tpu.memory_space<vmem_shared>> -> memref<16x128xf32, #tpu.memory_space<vmem_shared>>
        %dma_wait3A_145 = arith.constant 9984 : i32
        %dma_wait3A_146 = arith.constant 0 : i32
        %dma_wait3A_147 = tpu.memref_slice %arg22[%dma_wait3A_145, %dma_wait3A_146] : memref<10000x128xf32, #tpu.memory_space<vmem_shared>> -> memref<16x128xf32, #tpu.memory_space<vmem_shared>>
        %dma_wait3A_148 = arith.constant 0 : i32
        %dma_wait3A_149 = arith.constant 0 : i32
        %dma_wait3A_150 = tpu.memref_slice %arg21[%dma_wait3A_148, %dma_wait3A_149] : memref<48x128xf32, #tpu.memory_space<vmem>> -> memref<16x128xf32, #tpu.memory_space<vmem>>
        tpu.wait_dma2 semaphore(%run_scoped3A : memref<!tpu.dma_semaphore, #tpu.memory_space<semaphore_mem>>) src(%dma_wait3A_150 : memref<16x128xf32, #tpu.memory_space<vmem>>) dst(%dma_wait3A_147 : memref<16x128xf32, #tpu.memory_space<vmem_shared>>)
        tpu.yield
      }) : () -> ()
    } else {
    }
    %barrier3A = arith.constant 0 : index
    tpu.barrier barrier_id(%barrier3A)
    %mul3A_35 = arith.constant 625 : i32
    %mul3A_36 = arith.muli %arg1, %mul3A_35 : i32
    %mul3A_37 = arith.constant 32 : i32
    %mul3A_38 = arith.muli %mul3A_36, %mul3A_37 : i32
    %add3A_39 = arith.constant 0 : i32
    %add3A_40 = arith.addi %mul3A_38, %add3A_39 : i32
    %multiple_of3A_41 = tpu.assume_multiple %add3A_40, 32 : i32
    %dma_start3A = tpu.memref_slice %arg2[%multiple_of3A_41] : memref<320000xi32, #tpu.memory_space<hbm>> -> memref<32xi32, #tpu.memory_space<hbm>>
    %dma_start3A_42 = tpu.memref_slice %arg2[%multiple_of3A_41] : memref<320000xi32, #tpu.memory_space<hbm>> -> memref<32xi32, #tpu.memory_space<hbm>>
    tpu.enqueue_dma source(%dma_start3A_42 : memref<32xi32, #tpu.memory_space<hbm>>) target(%arg9 : memref<32xi32, #tpu.memory_space<vmem>>) target_semaphore(%arg23 : memref<!tpu.dma_semaphore, #tpu.memory_space<semaphore_mem>>)
    %add3A_43 = arith.constant 0 : i32
    %add3A_44 = arith.addi %mul3A_38, %add3A_43 : i32
    %multiple_of3A_45 = tpu.assume_multiple %add3A_44, 32 : i32
    %dma_start3A_46 = tpu.memref_slice %arg3[%multiple_of3A_45] : memref<320000xi32, #tpu.memory_space<hbm>> -> memref<32xi32, #tpu.memory_space<hbm>>
    %dma_start3A_47 = tpu.memref_slice %arg3[%multiple_of3A_45] : memref<320000xi32, #tpu.memory_space<hbm>> -> memref<32xi32, #tpu.memory_space<hbm>>
    tpu.enqueue_dma source(%dma_start3A_47 : memref<32xi32, #tpu.memory_space<hbm>>) target(%arg11 : memref<32xi32, #tpu.memory_space<vmem>>) target_semaphore(%arg23 : memref<!tpu.dma_semaphore, #tpu.memory_space<semaphore_mem>>)
    %dma_wait3A = tpu.memref_slice %arg2[%multiple_of3A_41] : memref<320000xi32, #tpu.memory_space<hbm>> -> memref<32xi32, #tpu.memory_space<hbm>>
    %dma_wait3A_48 = tpu.memref_slice %arg2[%multiple_of3A_41] : memref<320000xi32, #tpu.memory_space<hbm>> -> memref<32xi32, #tpu.memory_space<hbm>>
    tpu.wait_dma2 semaphore(%arg23 : memref<!tpu.dma_semaphore, #tpu.memory_space<semaphore_mem>>) src(%dma_wait3A_48 : memref<32xi32, #tpu.memory_space<hbm>>) dst(%arg9 : memref<32xi32, #tpu.memory_space<vmem>>)
    %dma_wait3A_49 = tpu.memref_slice %arg3[%multiple_of3A_45] : memref<320000xi32, #tpu.memory_space<hbm>> -> memref<32xi32, #tpu.memory_space<hbm>>
    %dma_wait3A_50 = tpu.memref_slice %arg3[%multiple_of3A_45] : memref<320000xi32, #tpu.memory_space<hbm>> -> memref<32xi32, #tpu.memory_space<hbm>>
    tpu.wait_dma2 semaphore(%arg23 : memref<!tpu.dma_semaphore, #tpu.memory_space<semaphore_mem>>) src(%dma_wait3A_50 : memref<32xi32, #tpu.memory_space<hbm>>) dst(%arg11 : memref<32xi32, #tpu.memory_space<vmem>>)
    %get3A = arith.constant 0 : index
    %get3A_51 = tpu.vector_load %arg9[%get3A] {strides = array<i32>} : memref<32xi32, #tpu.memory_space<vmem>>, vector<16xi32>,
    %get3A_52 = vector.shape_cast %get3A_51 : vector<16xi32> to vector<16xi32>
    %add3A_53 = vector.broadcast %mul3A_0 : i32 to vector<16xi32>
    %add3A_54 = arith.addi %get3A_52, %add3A_53 : vector<16xi32>
    %swap3A = arith.constant 0 : index
    %swap3A_55 = tpu.vector_load %arg13[%swap3A] {strides = array<i32>} : memref<32xi32, #tpu.memory_space<vmem>>, vector<16xi32>,
    %swap3A_56 = vector.shape_cast %swap3A_55 : vector<16xi32> to vector<16xi32>
    %swap3A_57 = vector.shape_cast %add3A_54 : vector<16xi32> to vector<16xi32>
    tpu.vector_store %arg13[%swap3A], %swap3A_57 {strides = array<i32>} : memref<32xi32, #tpu.memory_space<vmem>>, vector<16xi32>,
    %get3A_58 = arith.constant 16 : index
    %get3A_59 = tpu.vector_load %arg9[%get3A_58] {strides = array<i32>} : memref<32xi32, #tpu.memory_space<vmem>>, vector<16xi32>,
    %get3A_60 = vector.shape_cast %get3A_59 : vector<16xi32> to vector<16xi32>
    %add3A_61 = vector.broadcast %mul3A_0 : i32 to vector<16xi32>
    %add3A_62 = arith.addi %get3A_60, %add3A_61 : vector<16xi32>
    %swap3A_63 = arith.constant 16 : index
    %swap3A_64 = tpu.vector_load %arg13[%swap3A_63] {strides = array<i32>} : memref<32xi32, #tpu.memory_space<vmem>>, vector<16xi32>,
    %swap3A_65 = vector.shape_cast %swap3A_64 : vector<16xi32> to vector<16xi32>
    %swap3A_66 = vector.shape_cast %add3A_62 : vector<16xi32> to vector<16xi32>
    tpu.vector_store %arg13[%swap3A_63], %swap3A_66 {strides = array<i32>} : memref<32xi32, #tpu.memory_space<vmem>>, vector<16xi32>,
    %dma_start3A_67 = arith.constant 0 : i32
    %dma_start3A_68 = arith.constant 0 : i32
    %dma_start3A_69 = tpu.memref_slice %arg5[%dma_start3A_67, %dma_start3A_68] : memref<20000x128xf32, #tpu.memory_space<hbm>> -> memref<20000x128xf32, #tpu.memory_space<hbm>>
    tpu.enqueue_indirect_dma source(%dma_start3A_69 : memref<20000x128xf32, #tpu.memory_space<hbm>>) target(%arg15 : memref<32x128xf32, #tpu.memory_space<vmem>>) offsets(%arg13 : memref<32xi32, #tpu.memory_space<vmem>>) semaphore(%arg24 : memref<!tpu.dma_semaphore, #tpu.memory_space<semaphore_mem>>)
    %dma_start3A_70 = arith.constant 0 : i32
    %dma_start3A_71 = arith.constant 0 : i32
    %dma_start3A_72 = tpu.memref_slice %arg6[%dma_start3A_70, %dma_start3A_71] : memref<10000x128xf32, #tpu.memory_space<hbm>> -> memref<10000x128xf32, #tpu.memory_space<hbm>>
    tpu.enqueue_indirect_dma source(%dma_start3A_72 : memref<10000x128xf32, #tpu.memory_space<hbm>>) target(%arg17 : memref<32x128xf32, #tpu.memory_space<vmem>>) offsets(%arg11 : memref<32xi32, #tpu.memory_space<vmem>>) semaphore(%arg24 : memref<!tpu.dma_semaphore, #tpu.memory_space<semaphore_mem>>)
    %add3A_73 = arith.constant 0 : i32
    %add3A_74 = arith.addi %mul3A_38, %add3A_73 : i32
    %multiple_of3A_75 = tpu.assume_multiple %add3A_74, 32 : i32
    %dma_start3A_76 = arith.constant 0 : i32
    %dma_start3A_77 = tpu.memref_slice %arg4[%arg0, %multiple_of3A_75, %dma_start3A_76] : memref<2x320000x64xf32, #tpu.memory_space<hbm>> -> memref<1x32x64xf32, #tpu.memory_space<hbm>>
    %dma_start3A_78 = tpu.memref_squeeze %dma_start3A_77 : memref<1x32x64xf32, #tpu.memory_space<hbm>> -> memref<32x64xf32, #tpu.memory_space<hbm>>
    %dma_start3A_79 = arith.constant 0 : i32
    %dma_start3A_80 = tpu.memref_slice %arg4[%arg0, %multiple_of3A_75, %dma_start3A_79] : memref<2x320000x64xf32, #tpu.memory_space<hbm>> -> memref<1x32x64xf32, #tpu.memory_space<hbm>>
    %dma_start3A_81 = tpu.memref_squeeze %dma_start3A_80 : memref<1x32x64xf32, #tpu.memory_space<hbm>> -> memref<32x64xf32, #tpu.memory_space<hbm>>
    tpu.enqueue_dma source(%dma_start3A_81 : memref<32x64xf32, #tpu.memory_space<hbm>>) target(%arg19 : memref<32x64xf32, #tpu.memory_space<vmem>>) target_semaphore(%arg24 : memref<!tpu.dma_semaphore, #tpu.memory_space<semaphore_mem>>)
    %dma_wait3A_82 = arith.constant 0 : i32
    %dma_wait3A_83 = arith.constant 0 : i32
    %dma_wait3A_84 = tpu.memref_slice %arg5[%dma_wait3A_82, %dma_wait3A_83] : memref<20000x128xf32, #tpu.memory_space<hbm>> -> memref<20000x128xf32, #tpu.memory_space<hbm>>
    tpu.wait_indirect_dma semaphore(%arg24 : memref<!tpu.dma_semaphore, #tpu.memory_space<semaphore_mem>>) src(%dma_wait3A_84 : memref<20000x128xf32, #tpu.memory_space<hbm>>) dst(%arg15 : memref<32x128xf32, #tpu.memory_space<vmem>>)
    %dma_wait3A_85 = arith.constant 0 : i32
    %dma_wait3A_86 = arith.constant 0 : i32
    %dma_wait3A_87 = tpu.memref_slice %arg6[%dma_wait3A_85, %dma_wait3A_86] : memref<10000x128xf32, #tpu.memory_space<hbm>> -> memref<10000x128xf32, #tpu.memory_space<hbm>>
    tpu.wait_indirect_dma semaphore(%arg24 : memref<!tpu.dma_semaphore, #tpu.memory_space<semaphore_mem>>) src(%dma_wait3A_87 : memref<10000x128xf32, #tpu.memory_space<hbm>>) dst(%arg17 : memref<32x128xf32, #tpu.memory_space<vmem>>)
    %dma_wait3A_88 = arith.constant 0 : i32
    %dma_wait3A_89 = tpu.memref_slice %arg4[%arg0, %multiple_of3A_75, %dma_wait3A_88] : memref<2x320000x64xf32, #tpu.memory_space<hbm>> -> memref<1x32x64xf32, #tpu.memory_space<hbm>>
    %dma_wait3A_90 = tpu.memref_squeeze %dma_wait3A_89 : memref<1x32x64xf32, #tpu.memory_space<hbm>> -> memref<32x64xf32, #tpu.memory_space<hbm>>
    %dma_wait3A_91 = arith.constant 0 : i32
    %dma_wait3A_92 = tpu.memref_slice %arg4[%arg0, %multiple_of3A_75, %dma_wait3A_91] : memref<2x320000x64xf32, #tpu.memory_space<hbm>> -> memref<1x32x64xf32, #tpu.memory_space<hbm>>
    %dma_wait3A_93 = tpu.memref_squeeze %dma_wait3A_92 : memref<1x32x64xf32, #tpu.memory_space<hbm>> -> memref<32x64xf32, #tpu.memory_space<hbm>>
    tpu.wait_dma2 semaphore(%arg24 : memref<!tpu.dma_semaphore, #tpu.memory_space<semaphore_mem>>) src(%dma_wait3A_93 : memref<32x64xf32, #tpu.memory_space<hbm>>) dst(%arg19 : memref<32x64xf32, #tpu.memory_space<vmem>>)
    %scan3A_94 = arith.constant 0 : i32
    %scan3A_95 = arith.constant 0 : i32
    %scan3A_96 = arith.constant 32 : i32
    %scan3A_97 = arith.addi %scan3A_95, %scan3A_96 : i32
    %scan3A_98 = arith.constant 1 : i32
    scf.for %scan3A_127 = %scan3A_95 to %scan3A_97 step %scan3A_98  : i32 {
      %get3A_128 = arith.index_cast %scan3A_127 : i32 to index
      %get3A_129 = arith.constant 0 : index
      %get3A_130 = tpu.vector_load %arg15[%get3A_128, %get3A_129] {strides = array<i32>} : memref<32x128xf32, #tpu.memory_space<vmem>>, vector<1x16xf32>,
      %get3A_131 = vector.shape_cast %get3A_130 : vector<1x16xf32> to vector<16xf32>
      %get3A_132 = arith.index_cast %scan3A_127 : i32 to index
      %get3A_133 = arith.constant 64 : index
      %get3A_134 = tpu.vector_load %arg15[%get3A_132, %get3A_133] {strides = array<i32>} : memref<32x128xf32, #tpu.memory_space<vmem>>, vector<1x16xf32>,
      %get3A_135 = vector.shape_cast %get3A_134 : vector<1x16xf32> to vector<16xf32>
      %mul3A_136 = arith.constant 64 : i32
      %mul3A_137 = arith.muli %arg0, %mul3A_136 : i32
      %add3A_138 = arith.constant 0 : i32
      %add3A_139 = arith.addi %mul3A_137, %add3A_138 : i32
      %get3A_140 = arith.index_cast %scan3A_127 : i32 to index
      %get3A_141 = arith.index_cast %add3A_139 : i32 to index
      %get3A_142 = tpu.vector_load %arg17[%get3A_140, %get3A_141] {strides = array<i32>} : memref<32x128xf32, #tpu.memory_space<vmem>>, vector<1x16xf32>,
      %get3A_143 = vector.shape_cast %get3A_142 : vector<1x16xf32> to vector<16xf32>
      %get3A_144 = arith.index_cast %scan3A_127 : i32 to index
      %get3A_145 = arith.constant 0 : index
      %get3A_146 = tpu.vector_load %arg19[%get3A_144, %get3A_145] {strides = array<i32>} : memref<32x64xf32, #tpu.memory_space<vmem>>, vector<1x16xf32>,
      %get3A_147 = vector.shape_cast %get3A_146 : vector<1x16xf32> to vector<16xf32>
      %add3A_148 = arith.addf %get3A_147, %get3A_131 : vector<16xf32>
      %add3A_149 = arith.addf %add3A_148, %get3A_143 : vector<16xf32>
      %neg3A = arith.constant 0.000000e+00 : f32
      %neg3A_150 = vector.broadcast %neg3A : f32 to vector<16xf32>
      %neg3A_151 = arith.subf %neg3A_150, %add3A_149 : vector<16xf32>
      %exp3A = math.exp %neg3A_151 : vector<16xf32>
      %add3A_152 = arith.constant 1.000000e+00 : f32
      %add3A_153 = vector.broadcast %add3A_152 : f32 to vector<16xf32>
      %add3A_154 = arith.addf %add3A_153, %exp3A : vector<16xf32>
      %div3A = arith.constant 1.000000e+00 : f32
      %div3A_155 = vector.broadcast %div3A : f32 to vector<16xf32>
      %div3A_156 = arith.divf %div3A_155, %add3A_154 : vector<16xf32>
      %mul3A_157 = arith.mulf %div3A_156, %get3A_135 : vector<16xf32>
      %swap3A_158 = arith.index_cast %scan3A_127 : i32 to index
      %swap3A_159 = arith.constant 0 : index
      %swap3A_160 = tpu.vector_load %arg15[%swap3A_158, %swap3A_159] {strides = array<i32>} : memref<32x128xf32, #tpu.memory_space<vmem>>, vector<1x16xf32>,
      %swap3A_161 = vector.shape_cast %swap3A_160 : vector<1x16xf32> to vector<16xf32>
      %swap3A_162 = vector.shape_cast %mul3A_157 : vector<16xf32> to vector<1x16xf32>
      tpu.vector_store %arg15[%swap3A_158, %swap3A_159], %swap3A_162 {strides = array<i32>} : memref<32x128xf32, #tpu.memory_space<vmem>>, vector<1x16xf32>,
      %swap3A_163 = arith.index_cast %scan3A_127 : i32 to index
      %swap3A_164 = arith.constant 64 : index
      %swap3A_165 = tpu.vector_load %arg15[%swap3A_163, %swap3A_164] {strides = array<i32>} : memref<32x128xf32, #tpu.memory_space<vmem>>, vector<1x16xf32>,
      %swap3A_166 = vector.shape_cast %swap3A_165 : vector<1x16xf32> to vector<16xf32>
      %swap3A_167 = vector.shape_cast %div3A_156 : vector<16xf32> to vector<1x16xf32>
      tpu.vector_store %arg15[%swap3A_163, %swap3A_164], %swap3A_167 {strides = array<i32>} : memref<32x128xf32, #tpu.memory_space<vmem>>, vector<1x16xf32>,
      %max3A = arith.constant 0.000000e+00 : f32
      %max3A_168 = vector.broadcast %max3A : f32 to vector<16xf32>
      %max3A_169 = arith.maximumf %add3A_149, %max3A_168 : vector<16xf32>
      %swap3A_170 = arith.index_cast %scan3A_127 : i32 to index
      %swap3A_171 = arith.constant 0 : index
      %swap3A_172 = tpu.vector_load %arg19[%swap3A_170, %swap3A_171] {strides = array<i32>} : memref<32x64xf32, #tpu.memory_space<vmem>>, vector<1x16xf32>,
      %swap3A_173 = vector.shape_cast %swap3A_172 : vector<1x16xf32> to vector<16xf32>
      %swap3A_174 = vector.shape_cast %max3A_169 : vector<16xf32> to vector<1x16xf32>
      tpu.vector_store %arg19[%swap3A_170, %swap3A_171], %swap3A_174 {strides = array<i32>} : memref<32x64xf32, #tpu.memory_space<vmem>>, vector<1x16xf32>,
      %get3A_175 = arith.index_cast %scan3A_127 : i32 to index
      %get3A_176 = arith.constant 16 : index
      %get3A_177 = tpu.vector_load %arg15[%get3A_175, %get3A_176] {strides = array<i32>} : memref<32x128xf32, #tpu.memory_space<vmem>>, vector<1x16xf32>,
      %get3A_178 = vector.shape_cast %get3A_177 : vector<1x16xf32> to vector<16xf32>
      %get3A_179 = arith.index_cast %scan3A_127 : i32 to index
      %get3A_180 = arith.constant 80 : index
      %get3A_181 = tpu.vector_load %arg15[%get3A_179, %get3A_180] {strides = array<i32>} : memref<32x128xf32, #tpu.memory_space<vmem>>, vector<1x16xf32>,
      %get3A_182 = vector.shape_cast %get3A_181 : vector<1x16xf32> to vector<16xf32>
      %mul3A_183 = arith.constant 64 : i32
      %mul3A_184 = arith.muli %arg0, %mul3A_183 : i32
      %add3A_185 = arith.constant 16 : i32
      %add3A_186 = arith.addi %mul3A_184, %add3A_185 : i32
      %get3A_187 = arith.index_cast %scan3A_127 : i32 to index
      %get3A_188 = arith.index_cast %add3A_186 : i32 to index
      %get3A_189 = tpu.vector_load %arg17[%get3A_187, %get3A_188] {strides = array<i32>} : memref<32x128xf32, #tpu.memory_space<vmem>>, vector<1x16xf32>,
      %get3A_190 = vector.shape_cast %get3A_189 : vector<1x16xf32> to vector<16xf32>
      %get3A_191 = arith.index_cast %scan3A_127 : i32 to index
      %get3A_192 = arith.constant 16 : index
      %get3A_193 = tpu.vector_load %arg19[%get3A_191, %get3A_192] {strides = array<i32>} : memref<32x64xf32, #tpu.memory_space<vmem>>, vector<1x16xf32>,
      %get3A_194 = vector.shape_cast %get3A_193 : vector<1x16xf32> to vector<16xf32>
      %add3A_195 = arith.addf %get3A_194, %get3A_178 : vector<16xf32>
      %add3A_196 = arith.addf %add3A_195, %get3A_190 : vector<16xf32>
      %neg3A_197 = arith.constant 0.000000e+00 : f32
      %neg3A_198 = vector.broadcast %neg3A_197 : f32 to vector<16xf32>
      %neg3A_199 = arith.subf %neg3A_198, %add3A_196 : vector<16xf32>
      %exp3A_200 = math.exp %neg3A_199 : vector<16xf32>
      %add3A_201 = arith.constant 1.000000e+00 : f32
      %add3A_202 = vector.broadcast %add3A_201 : f32 to vector<16xf32>
      %add3A_203 = arith.addf %add3A_202, %exp3A_200 : vector<16xf32>
      %div3A_204 = arith.constant 1.000000e+00 : f32
      %div3A_205 = vector.broadcast %div3A_204 : f32 to vector<16xf32>
      %div3A_206 = arith.divf %div3A_205, %add3A_203 : vector<16xf32>
      %mul3A_207 = arith.mulf %div3A_206, %get3A_182 : vector<16xf32>
      %swap3A_208 = arith.index_cast %scan3A_127 : i32 to index
      %swap3A_209 = arith.constant 16 : index
      %swap3A_210 = tpu.vector_load %arg15[%swap3A_208, %swap3A_209] {strides = array<i32>} : memref<32x128xf32, #tpu.memory_space<vmem>>, vector<1x16xf32>,
      %swap3A_211 = vector.shape_cast %swap3A_210 : vector<1x16xf32> to vector<16xf32>
      %swap3A_212 = vector.shape_cast %mul3A_207 : vector<16xf32> to vector<1x16xf32>
      tpu.vector_store %arg15[%swap3A_208, %swap3A_209], %swap3A_212 {strides = array<i32>} : memref<32x128xf32, #tpu.memory_space<vmem>>, vector<1x16xf32>,
      %swap3A_213 = arith.index_cast %scan3A_127 : i32 to index
      %swap3A_214 = arith.constant 80 : index
      %swap3A_215 = tpu.vector_load %arg15[%swap3A_213, %swap3A_214] {strides = array<i32>} : memref<32x128xf32, #tpu.memory_space<vmem>>, vector<1x16xf32>,
      %swap3A_216 = vector.shape_cast %swap3A_215 : vector<1x16xf32> to vector<16xf32>
      %swap3A_217 = vector.shape_cast %div3A_206 : vector<16xf32> to vector<1x16xf32>
      tpu.vector_store %arg15[%swap3A_213, %swap3A_214], %swap3A_217 {strides = array<i32>} : memref<32x128xf32, #tpu.memory_space<vmem>>, vector<1x16xf32>,
      %max3A_218 = arith.constant 0.000000e+00 : f32
      %max3A_219 = vector.broadcast %max3A_218 : f32 to vector<16xf32>
      %max3A_220 = arith.maximumf %add3A_196, %max3A_219 : vector<16xf32>
      %swap3A_221 = arith.index_cast %scan3A_127 : i32 to index
      %swap3A_222 = arith.constant 16 : index
      %swap3A_223 = tpu.vector_load %arg19[%swap3A_221, %swap3A_222] {strides = array<i32>} : memref<32x64xf32, #tpu.memory_space<vmem>>, vector<1x16xf32>,
      %swap3A_224 = vector.shape_cast %swap3A_223 : vector<1x16xf32> to vector<16xf32>
      %swap3A_225 = vector.shape_cast %max3A_220 : vector<16xf32> to vector<1x16xf32>
      tpu.vector_store %arg19[%swap3A_221, %swap3A_222], %swap3A_225 {strides = array<i32>} : memref<32x64xf32, #tpu.memory_space<vmem>>, vector<1x16xf32>,
      %get3A_226 = arith.index_cast %scan3A_127 : i32 to index
      %get3A_227 = arith.constant 32 : index
      %get3A_228 = tpu.vector_load %arg15[%get3A_226, %get3A_227] {strides = array<i32>} : memref<32x128xf32, #tpu.memory_space<vmem>>, vector<1x16xf32>,
      %get3A_229 = vector.shape_cast %get3A_228 : vector<1x16xf32> to vector<16xf32>
      %get3A_230 = arith.index_cast %scan3A_127 : i32 to index
      %get3A_231 = arith.constant 96 : index
      %get3A_232 = tpu.vector_load %arg15[%get3A_230, %get3A_231] {strides = array<i32>} : memref<32x128xf32, #tpu.memory_space<vmem>>, vector<1x16xf32>,
      %get3A_233 = vector.shape_cast %get3A_232 : vector<1x16xf32> to vector<16xf32>
      %mul3A_234 = arith.constant 64 : i32
      %mul3A_235 = arith.muli %arg0, %mul3A_234 : i32
      %add3A_236 = arith.constant 32 : i32
      %add3A_237 = arith.addi %mul3A_235, %add3A_236 : i32
      %get3A_238 = arith.index_cast %scan3A_127 : i32 to index
      %get3A_239 = arith.index_cast %add3A_237 : i32 to index
      %get3A_240 = tpu.vector_load %arg17[%get3A_238, %get3A_239] {strides = array<i32>} : memref<32x128xf32, #tpu.memory_space<vmem>>, vector<1x16xf32>,
      %get3A_241 = vector.shape_cast %get3A_240 : vector<1x16xf32> to vector<16xf32>
      %get3A_242 = arith.index_cast %scan3A_127 : i32 to index
      %get3A_243 = arith.constant 32 : index
      %get3A_244 = tpu.vector_load %arg19[%get3A_242, %get3A_243] {strides = array<i32>} : memref<32x64xf32, #tpu.memory_space<vmem>>, vector<1x16xf32>,
      %get3A_245 = vector.shape_cast %get3A_244 : vector<1x16xf32> to vector<16xf32>
      %add3A_246 = arith.addf %get3A_245, %get3A_229 : vector<16xf32>
      %add3A_247 = arith.addf %add3A_246, %get3A_241 : vector<16xf32>
      %neg3A_248 = arith.constant 0.000000e+00 : f32
      %neg3A_249 = vector.broadcast %neg3A_248 : f32 to vector<16xf32>
      %neg3A_250 = arith.subf %neg3A_249, %add3A_247 : vector<16xf32>
      %exp3A_251 = math.exp %neg3A_250 : vector<16xf32>
      %add3A_252 = arith.constant 1.000000e+00 : f32
      %add3A_253 = vector.broadcast %add3A_252 : f32 to vector<16xf32>
      %add3A_254 = arith.addf %add3A_253, %exp3A_251 : vector<16xf32>
      %div3A_255 = arith.constant 1.000000e+00 : f32
      %div3A_256 = vector.broadcast %div3A_255 : f32 to vector<16xf32>
      %div3A_257 = arith.divf %div3A_256, %add3A_254 : vector<16xf32>
      %mul3A_258 = arith.mulf %div3A_257, %get3A_233 : vector<16xf32>
      %swap3A_259 = arith.index_cast %scan3A_127 : i32 to index
      %swap3A_260 = arith.constant 32 : index
      %swap3A_261 = tpu.vector_load %arg15[%swap3A_259, %swap3A_260] {strides = array<i32>} : memref<32x128xf32, #tpu.memory_space<vmem>>, vector<1x16xf32>,
      %swap3A_262 = vector.shape_cast %swap3A_261 : vector<1x16xf32> to vector<16xf32>
      %swap3A_263 = vector.shape_cast %mul3A_258 : vector<16xf32> to vector<1x16xf32>
      tpu.vector_store %arg15[%swap3A_259, %swap3A_260], %swap3A_263 {strides = array<i32>} : memref<32x128xf32, #tpu.memory_space<vmem>>, vector<1x16xf32>,
      %swap3A_264 = arith.index_cast %scan3A_127 : i32 to index
      %swap3A_265 = arith.constant 96 : index
      %swap3A_266 = tpu.vector_load %arg15[%swap3A_264, %swap3A_265] {strides = array<i32>} : memref<32x128xf32, #tpu.memory_space<vmem>>, vector<1x16xf32>,
      %swap3A_267 = vector.shape_cast %swap3A_266 : vector<1x16xf32> to vector<16xf32>
      %swap3A_268 = vector.shape_cast %div3A_257 : vector<16xf32> to vector<1x16xf32>
      tpu.vector_store %arg15[%swap3A_264, %swap3A_265], %swap3A_268 {strides = array<i32>} : memref<32x128xf32, #tpu.memory_space<vmem>>, vector<1x16xf32>,
      %max3A_269 = arith.constant 0.000000e+00 : f32
      %max3A_270 = vector.broadcast %max3A_269 : f32 to vector<16xf32>
      %max3A_271 = arith.maximumf %add3A_247, %max3A_270 : vector<16xf32>
      %swap3A_272 = arith.index_cast %scan3A_127 : i32 to index
      %swap3A_273 = arith.constant 32 : index
      %swap3A_274 = tpu.vector_load %arg19[%swap3A_272, %swap3A_273] {strides = array<i32>} : memref<32x64xf32, #tpu.memory_space<vmem>>, vector<1x16xf32>,
      %swap3A_275 = vector.shape_cast %swap3A_274 : vector<1x16xf32> to vector<16xf32>
      %swap3A_276 = vector.shape_cast %max3A_271 : vector<16xf32> to vector<1x16xf32>
      tpu.vector_store %arg19[%swap3A_272, %swap3A_273], %swap3A_276 {strides = array<i32>} : memref<32x64xf32, #tpu.memory_space<vmem>>, vector<1x16xf32>,
      %get3A_277 = arith.index_cast %scan3A_127 : i32 to index
      %get3A_278 = arith.constant 48 : index
      %get3A_279 = tpu.vector_load %arg15[%get3A_277, %get3A_278] {strides = array<i32>} : memref<32x128xf32, #tpu.memory_space<vmem>>, vector<1x16xf32>,
      %get3A_280 = vector.shape_cast %get3A_279 : vector<1x16xf32> to vector<16xf32>
      %get3A_281 = arith.index_cast %scan3A_127 : i32 to index
      %get3A_282 = arith.constant 112 : index
      %get3A_283 = tpu.vector_load %arg15[%get3A_281, %get3A_282] {strides = array<i32>} : memref<32x128xf32, #tpu.memory_space<vmem>>, vector<1x16xf32>,
      %get3A_284 = vector.shape_cast %get3A_283 : vector<1x16xf32> to vector<16xf32>
      %mul3A_285 = arith.constant 64 : i32
      %mul3A_286 = arith.muli %arg0, %mul3A_285 : i32
      %add3A_287 = arith.constant 48 : i32
      %add3A_288 = arith.addi %mul3A_286, %add3A_287 : i32
      %get3A_289 = arith.index_cast %scan3A_127 : i32 to index
      %get3A_290 = arith.index_cast %add3A_288 : i32 to index
      %get3A_291 = tpu.vector_load %arg17[%get3A_289, %get3A_290] {strides = array<i32>} : memref<32x128xf32, #tpu.memory_space<vmem>>, vector<1x16xf32>,
      %get3A_292 = vector.shape_cast %get3A_291 : vector<1x16xf32> to vector<16xf32>
      %get3A_293 = arith.index_cast %scan3A_127 : i32 to index
      %get3A_294 = arith.constant 48 : index
      %get3A_295 = tpu.vector_load %arg19[%get3A_293, %get3A_294] {strides = array<i32>} : memref<32x64xf32, #tpu.memory_space<vmem>>, vector<1x16xf32>,
      %get3A_296 = vector.shape_cast %get3A_295 : vector<1x16xf32> to vector<16xf32>
      %add3A_297 = arith.addf %get3A_296, %get3A_280 : vector<16xf32>
      %add3A_298 = arith.addf %add3A_297, %get3A_292 : vector<16xf32>
      %neg3A_299 = arith.constant 0.000000e+00 : f32
      %neg3A_300 = vector.broadcast %neg3A_299 : f32 to vector<16xf32>
      %neg3A_301 = arith.subf %neg3A_300, %add3A_298 : vector<16xf32>
      %exp3A_302 = math.exp %neg3A_301 : vector<16xf32>
      %add3A_303 = arith.constant 1.000000e+00 : f32
      %add3A_304 = vector.broadcast %add3A_303 : f32 to vector<16xf32>
      %add3A_305 = arith.addf %add3A_304, %exp3A_302 : vector<16xf32>
      %div3A_306 = arith.constant 1.000000e+00 : f32
      %div3A_307 = vector.broadcast %div3A_306 : f32 to vector<16xf32>
      %div3A_308 = arith.divf %div3A_307, %add3A_305 : vector<16xf32>
      %mul3A_309 = arith.mulf %div3A_308, %get3A_284 : vector<16xf32>
      %swap3A_310 = arith.index_cast %scan3A_127 : i32 to index
      %swap3A_311 = arith.constant 48 : index
      %swap3A_312 = tpu.vector_load %arg15[%swap3A_310, %swap3A_311] {strides = array<i32>} : memref<32x128xf32, #tpu.memory_space<vmem>>, vector<1x16xf32>,
      %swap3A_313 = vector.shape_cast %swap3A_312 : vector<1x16xf32> to vector<16xf32>
      %swap3A_314 = vector.shape_cast %mul3A_309 : vector<16xf32> to vector<1x16xf32>
      tpu.vector_store %arg15[%swap3A_310, %swap3A_311], %swap3A_314 {strides = array<i32>} : memref<32x128xf32, #tpu.memory_space<vmem>>, vector<1x16xf32>,
      %swap3A_315 = arith.index_cast %scan3A_127 : i32 to index
      %swap3A_316 = arith.constant 112 : index
      %swap3A_317 = tpu.vector_load %arg15[%swap3A_315, %swap3A_316] {strides = array<i32>} : memref<32x128xf32, #tpu.memory_space<vmem>>, vector<1x16xf32>,
      %swap3A_318 = vector.shape_cast %swap3A_317 : vector<1x16xf32> to vector<16xf32>
      %swap3A_319 = vector.shape_cast %div3A_308 : vector<16xf32> to vector<1x16xf32>
      tpu.vector_store %arg15[%swap3A_315, %swap3A_316], %swap3A_319 {strides = array<i32>} : memref<32x128xf32, #tpu.memory_space<vmem>>, vector<1x16xf32>,
      %max3A_320 = arith.constant 0.000000e+00 : f32
      %max3A_321 = vector.broadcast %max3A_320 : f32 to vector<16xf32>
      %max3A_322 = arith.maximumf %add3A_298, %max3A_321 : vector<16xf32>
      %swap3A_323 = arith.index_cast %scan3A_127 : i32 to index
      %swap3A_324 = arith.constant 48 : index
      %swap3A_325 = tpu.vector_load %arg19[%swap3A_323, %swap3A_324] {strides = array<i32>} : memref<32x64xf32, #tpu.memory_space<vmem>>, vector<1x16xf32>,
      %swap3A_326 = vector.shape_cast %swap3A_325 : vector<1x16xf32> to vector<16xf32>
      %swap3A_327 = vector.shape_cast %max3A_322 : vector<16xf32> to vector<1x16xf32>
      tpu.vector_store %arg19[%swap3A_323, %swap3A_324], %swap3A_327 {strides = array<i32>} : memref<32x64xf32, #tpu.memory_space<vmem>>, vector<1x16xf32>,
    }
    %scan3A_99 = arith.constant 32 : i32
    %scan3A_100 = arith.constant 0 : i32
    %scan3A_101 = arith.constant 0 : i32
    %scan3A_102 = arith.constant 312 : i32
    %scan3A_103 = arith.addi %scan3A_101, %scan3A_102 : i32
    %scan3A_104 = arith.constant 1 : i32
    scf.for %scan3A_127 = %scan3A_101 to %scan3A_103 step %scan3A_104  : i32 {
      %mul3A_128 = arith.constant 2 : i32
      %mul3A_129 = arith.muli %mul3A_128, %scan3A_127 : i32
      %add3A_130 = arith.constant 1 : i32
      %add3A_131 = arith.addi %mul3A_129, %add3A_130 : i32
      %mul3A_132 = arith.constant 2 : i32
      %mul3A_133 = arith.muli %mul3A_132, %scan3A_127 : i32
      %add3A_134 = arith.constant 2 : i32
      %add3A_135 = arith.addi %mul3A_133, %add3A_134 : i32
      %mul3A_136 = arith.constant 32 : i32
      %mul3A_137 = arith.muli %add3A_131, %mul3A_136 : i32
      %add3A_138 = arith.addi %mul3A_38, %mul3A_137 : i32
      %multiple_of3A_139 = tpu.assume_multiple %add3A_138, 32 : i32
      %dma_start3A_140 = tpu.memref_slice %arg2[%multiple_of3A_139] : memref<320000xi32, #tpu.memory_space<hbm>> -> memref<32xi32, #tpu.memory_space<hbm>>
      %dma_start3A_141 = tpu.memref_slice %arg2[%multiple_of3A_139] : memref<320000xi32, #tpu.memory_space<hbm>> -> memref<32xi32, #tpu.memory_space<hbm>>
      tpu.enqueue_dma source(%dma_start3A_141 : memref<32xi32, #tpu.memory_space<hbm>>) target(%arg10 : memref<32xi32, #tpu.memory_space<vmem>>) target_semaphore(%arg23 : memref<!tpu.dma_semaphore, #tpu.memory_space<semaphore_mem>>)
      %mul3A_142 = arith.constant 32 : i32
      %mul3A_143 = arith.muli %add3A_131, %mul3A_142 : i32
      %add3A_144 = arith.addi %mul3A_38, %mul3A_143 : i32
      %multiple_of3A_145 = tpu.assume_multiple %add3A_144, 32 : i32
      %dma_start3A_146 = tpu.memref_slice %arg3[%multiple_of3A_145] : memref<320000xi32, #tpu.memory_space<hbm>> -> memref<32xi32, #tpu.memory_space<hbm>>
      %dma_start3A_147 = tpu.memref_slice %arg3[%multiple_of3A_145] : memref<320000xi32, #tpu.memory_space<hbm>> -> memref<32xi32, #tpu.memory_space<hbm>>
      tpu.enqueue_dma source(%dma_start3A_147 : memref<32xi32, #tpu.memory_space<hbm>>) target(%arg12 : memref<32xi32, #tpu.memory_space<vmem>>) target_semaphore(%arg23 : memref<!tpu.dma_semaphore, #tpu.memory_space<semaphore_mem>>)
      %mul3A_148 = arith.constant 2 : i32
      %mul3A_149 = arith.muli %mul3A_148, %scan3A_127 : i32
      %mul3A_150 = arith.constant 32 : i32
      %mul3A_151 = arith.muli %mul3A_149, %mul3A_150 : i32
      %add3A_152 = arith.addi %mul3A_38, %mul3A_151 : i32
      %multiple_of3A_153 = tpu.assume_multiple %add3A_152, 32 : i32
      %dma_start3A_154 = arith.constant 0 : i32
      %dma_start3A_155 = tpu.memref_slice %arg8[%arg0, %multiple_of3A_153, %dma_start3A_154] : memref<2x320000x64xf32, #tpu.memory_space<hbm>> -> memref<1x32x64xf32, #tpu.memory_space<hbm>>
      %dma_start3A_156 = tpu.memref_squeeze %dma_start3A_155 : memref<1x32x64xf32, #tpu.memory_space<hbm>> -> memref<32x64xf32, #tpu.memory_space<hbm>>
      %dma_start3A_157 = arith.constant 0 : i32
      %dma_start3A_158 = tpu.memref_slice %arg8[%arg0, %multiple_of3A_153, %dma_start3A_157] : memref<2x320000x64xf32, #tpu.memory_space<hbm>> -> memref<1x32x64xf32, #tpu.memory_space<hbm>>
      %dma_start3A_159 = tpu.memref_squeeze %dma_start3A_158 : memref<1x32x64xf32, #tpu.memory_space<hbm>> -> memref<32x64xf32, #tpu.memory_space<hbm>>
      tpu.enqueue_dma source(%arg19 : memref<32x64xf32, #tpu.memory_space<vmem>>) target(%dma_start3A_159 : memref<32x64xf32, #tpu.memory_space<hbm>>) target_semaphore(%arg25 : memref<!tpu.dma_semaphore, #tpu.memory_space<semaphore_mem>>)
      "tpu.region"() ({
        %run_scoped3A = tpu.sem_alloc : memref<!tpu.dma_semaphore, #tpu.memory_space<semaphore_mem>>
        %dma_start3A_306 = arith.constant 0 : i32
        %dma_start3A_307 = arith.constant 0 : i32
        %dma_start3A_308 = tpu.memref_slice %arg22[%dma_start3A_306, %dma_start3A_307] : memref<10000x128xf32, #tpu.memory_space<vmem_shared>> -> memref<10000x128xf32, #tpu.memory_space<vmem_shared>>
        tpu.enqueue_indirect_dma source(%arg15 : memref<32x128xf32, #tpu.memory_space<vmem>>) target(%dma_start3A_308 : memref<10000x128xf32, #tpu.memory_space<vmem_shared>>) offsets(%arg11 : memref<32xi32, #tpu.memory_space<vmem>>) semaphore(%run_scoped3A : memref<!tpu.dma_semaphore, #tpu.memory_space<semaphore_mem>>) {add = true}
        %dma_wait3A_309 = arith.constant 0 : i32
        %dma_wait3A_310 = arith.constant 0 : i32
        %dma_wait3A_311 = tpu.memref_slice %arg22[%dma_wait3A_309, %dma_wait3A_310] : memref<10000x128xf32, #tpu.memory_space<vmem_shared>> -> memref<10000x128xf32, #tpu.memory_space<vmem_shared>>
        tpu.wait_indirect_dma semaphore(%run_scoped3A : memref<!tpu.dma_semaphore, #tpu.memory_space<semaphore_mem>>) src(%arg15 : memref<32x128xf32, #tpu.memory_space<vmem>>) dst(%dma_wait3A_311 : memref<10000x128xf32, #tpu.memory_space<vmem_shared>>)
        tpu.yield
      }) : () -> ()
      %dma_wait3A_160 = arith.constant 0 : i32
      %dma_wait3A_161 = tpu.memref_slice %arg8[%arg0, %multiple_of3A_153, %dma_wait3A_160] : memref<2x320000x64xf32, #tpu.memory_space<hbm>> -> memref<1x32x64xf32, #tpu.memory_space<hbm>>
      %dma_wait3A_162 = tpu.memref_squeeze %dma_wait3A_161 : memref<1x32x64xf32, #tpu.memory_space<hbm>> -> memref<32x64xf32, #tpu.memory_space<hbm>>
      %dma_wait3A_163 = arith.constant 0 : i32
      %dma_wait3A_164 = tpu.memref_slice %arg8[%arg0, %multiple_of3A_153, %dma_wait3A_163] : memref<2x320000x64xf32, #tpu.memory_space<hbm>> -> memref<1x32x64xf32, #tpu.memory_space<hbm>>
      %dma_wait3A_165 = tpu.memref_squeeze %dma_wait3A_164 : memref<1x32x64xf32, #tpu.memory_space<hbm>> -> memref<32x64xf32, #tpu.memory_space<hbm>>
      tpu.wait_dma2 semaphore(%arg25 : memref<!tpu.dma_semaphore, #tpu.memory_space<semaphore_mem>>) src(%arg19 : memref<32x64xf32, #tpu.memory_space<vmem>>) dst(%dma_wait3A_165 : memref<32x64xf32, #tpu.memory_space<hbm>>)
      %dma_wait3A_166 = tpu.memref_slice %arg2[%multiple_of3A_139] : memref<320000xi32, #tpu.memory_space<hbm>> -> memref<32xi32, #tpu.memory_space<hbm>>
      %dma_wait3A_167 = tpu.memref_slice %arg2[%multiple_of3A_139] : memref<320000xi32, #tpu.memory_space<hbm>> -> memref<32xi32, #tpu.memory_space<hbm>>
      tpu.wait_dma2 semaphore(%arg23 : memref<!tpu.dma_semaphore, #tpu.memory_space<semaphore_mem>>) src(%dma_wait3A_167 : memref<32xi32, #tpu.memory_space<hbm>>) dst(%arg10 : memref<32xi32, #tpu.memory_space<vmem>>)
      %dma_wait3A_168 = tpu.memref_slice %arg3[%multiple_of3A_145] : memref<320000xi32, #tpu.memory_space<hbm>> -> memref<32xi32, #tpu.memory_space<hbm>>
      %dma_wait3A_169 = tpu.memref_slice %arg3[%multiple_of3A_145] : memref<320000xi32, #tpu.memory_space<hbm>> -> memref<32xi32, #tpu.memory_space<hbm>>
      tpu.wait_dma2 semaphore(%arg23 : memref<!tpu.dma_semaphore, #tpu.memory_space<semaphore_mem>>) src(%dma_wait3A_169 : memref<32xi32, #tpu.memory_space<hbm>>) dst(%arg12 : memref<32xi32, #tpu.memory_space<vmem>>)
      %get3A_170 = arith.constant 0 : index
      %get3A_171 = tpu.vector_load %arg10[%get3A_170] {strides = array<i32>} : memref<32xi32, #tpu.memory_space<vmem>>, vector<16xi32>,
      %get3A_172 = vector.shape_cast %get3A_171 : vector<16xi32> to vector<16xi32>
      %add3A_173 = vector.broadcast %mul3A_0 : i32 to vector<16xi32>
      %add3A_174 = arith.addi %get3A_172, %add3A_173 : vector<16xi32>
      %swap3A_175 = arith.constant 0 : index
      %swap3A_176 = tpu.vector_load %arg14[%swap3A_175] {strides = array<i32>} : memref<32xi32, #tpu.memory_space<vmem>>, vector<16xi32>,
      %swap3A_177 = vector.shape_cast %swap3A_176 : vector<16xi32> to vector<16xi32>
      %swap3A_178 = vector.shape_cast %add3A_174 : vector<16xi32> to vector<16xi32>
      tpu.vector_store %arg14[%swap3A_175], %swap3A_178 {strides = array<i32>} : memref<32xi32, #tpu.memory_space<vmem>>, vector<16xi32>,
      %get3A_179 = arith.constant 16 : index
      %get3A_180 = tpu.vector_load %arg10[%get3A_179] {strides = array<i32>} : memref<32xi32, #tpu.memory_space<vmem>>, vector<16xi32>,
      %get3A_181 = vector.shape_cast %get3A_180 : vector<16xi32> to vector<16xi32>
      %add3A_182 = vector.broadcast %mul3A_0 : i32 to vector<16xi32>
      %add3A_183 = arith.addi %get3A_181, %add3A_182 : vector<16xi32>
      %swap3A_184 = arith.constant 16 : index
      %swap3A_185 = tpu.vector_load %arg14[%swap3A_184] {strides = array<i32>} : memref<32xi32, #tpu.memory_space<vmem>>, vector<16xi32>,
      %swap3A_186 = vector.shape_cast %swap3A_185 : vector<16xi32> to vector<16xi32>
      %swap3A_187 = vector.shape_cast %add3A_183 : vector<16xi32> to vector<16xi32>
      tpu.vector_store %arg14[%swap3A_184], %swap3A_187 {strides = array<i32>} : memref<32xi32, #tpu.memory_space<vmem>>, vector<16xi32>,
      %dma_start3A_188 = arith.constant 0 : i32
      %dma_start3A_189 = arith.constant 0 : i32
      %dma_start3A_190 = tpu.memref_slice %arg5[%dma_start3A_188, %dma_start3A_189] : memref<20000x128xf32, #tpu.memory_space<hbm>> -> memref<20000x128xf32, #tpu.memory_space<hbm>>
      tpu.enqueue_indirect_dma source(%dma_start3A_190 : memref<20000x128xf32, #tpu.memory_space<hbm>>) target(%arg16 : memref<32x128xf32, #tpu.memory_space<vmem>>) offsets(%arg14 : memref<32xi32, #tpu.memory_space<vmem>>) semaphore(%arg24 : memref<!tpu.dma_semaphore, #tpu.memory_space<semaphore_mem>>)
      %dma_start3A_191 = arith.constant 0 : i32
      %dma_start3A_192 = arith.constant 0 : i32
      %dma_start3A_193 = tpu.memref_slice %arg6[%dma_start3A_191, %dma_start3A_192] : memref<10000x128xf32, #tpu.memory_space<hbm>> -> memref<10000x128xf32, #tpu.memory_space<hbm>>
      tpu.enqueue_indirect_dma source(%dma_start3A_193 : memref<10000x128xf32, #tpu.memory_space<hbm>>) target(%arg18 : memref<32x128xf32, #tpu.memory_space<vmem>>) offsets(%arg12 : memref<32xi32, #tpu.memory_space<vmem>>) semaphore(%arg24 : memref<!tpu.dma_semaphore, #tpu.memory_space<semaphore_mem>>)
      %mul3A_194 = arith.constant 32 : i32
      %mul3A_195 = arith.muli %add3A_131, %mul3A_194 : i32
      %add3A_196 = arith.addi %mul3A_38, %mul3A_195 : i32
      %multiple_of3A_197 = tpu.assume_multiple %add3A_196, 32 : i32
      %dma_start3A_198 = arith.constant 0 : i32
      %dma_start3A_199 = tpu.memref_slice %arg4[%arg0, %multiple_of3A_197, %dma_start3A_198] : memref<2x320000x64xf32, #tpu.memory_space<hbm>> -> memref<1x32x64xf32, #tpu.memory_space<hbm>>
      %dma_start3A_200 = tpu.memref_squeeze %dma_start3A_199 : memref<1x32x64xf32, #tpu.memory_space<hbm>> -> memref<32x64xf32, #tpu.memory_space<hbm>>
      %dma_start3A_201 = arith.constant 0 : i32
      %dma_start3A_202 = tpu.memref_slice %arg4[%arg0, %multiple_of3A_197, %dma_start3A_201] : memref<2x320000x64xf32, #tpu.memory_space<hbm>> -> memref<1x32x64xf32, #tpu.memory_space<hbm>>
      %dma_start3A_203 = tpu.memref_squeeze %dma_start3A_202 : memref<1x32x64xf32, #tpu.memory_space<hbm>> -> memref<32x64xf32, #tpu.memory_space<hbm>>
      tpu.enqueue_dma source(%dma_start3A_203 : memref<32x64xf32, #tpu.memory_space<hbm>>) target(%arg20 : memref<32x64xf32, #tpu.memory_space<vmem>>) target_semaphore(%arg24 : memref<!tpu.dma_semaphore, #tpu.memory_space<semaphore_mem>>)
      %mul3A_204 = arith.constant 32 : i32
      %mul3A_205 = arith.muli %add3A_135, %mul3A_204 : i32
      %add3A_206 = arith.addi %mul3A_38, %mul3A_205 : i32
      %multiple_of3A_207 = tpu.assume_multiple %add3A_206, 32 : i32
      %dma_start3A_208 = tpu.memref_slice %arg2[%multiple_of3A_207] : memref<320000xi32, #tpu.memory_space<hbm>> -> memref<32xi32, #tpu.memory_space<hbm>>
      %dma_start3A_209 = tpu.memref_slice %arg2[%multiple_of3A_207] : memref<320000xi32, #tpu.memory_space<hbm>> -> memref<32xi32, #tpu.memory_space<hbm>>
      tpu.enqueue_dma source(%dma_start3A_209 : memref<32xi32, #tpu.memory_space<hbm>>) target(%arg9 : memref<32xi32, #tpu.memory_space<vmem>>) target_semaphore(%arg23 : memref<!tpu.dma_semaphore, #tpu.memory_space<semaphore_mem>>)
      %mul3A_210 = arith.constant 32 : i32
      %mul3A_211 = arith.muli %add3A_135, %mul3A_210 : i32
      %add3A_212 = arith.addi %mul3A_38, %mul3A_211 : i32
      %multiple_of3A_213 = tpu.assume_multiple %add3A_212, 32 : i32
      %dma_start3A_214 = tpu.memref_slice %arg3[%multiple_of3A_213] : memref<320000xi32, #tpu.memory_space<hbm>> -> memref<32xi32, #tpu.memory_space<hbm>>
      %dma_start3A_215 = tpu.memref_slice %arg3[%multiple_of3A_213] : memref<320000xi32, #tpu.memory_space<hbm>> -> memref<32xi32, #tpu.memory_space<hbm>>
      tpu.enqueue_dma source(%dma_start3A_215 : memref<32xi32, #tpu.memory_space<hbm>>) target(%arg11 : memref<32xi32, #tpu.memory_space<vmem>>) target_semaphore(%arg23 : memref<!tpu.dma_semaphore, #tpu.memory_space<semaphore_mem>>)
      %dma_wait3A_216 = arith.constant 0 : i32
      %dma_wait3A_217 = arith.constant 0 : i32
      %dma_wait3A_218 = tpu.memref_slice %arg5[%dma_wait3A_216, %dma_wait3A_217] : memref<20000x128xf32, #tpu.memory_space<hbm>> -> memref<20000x128xf32, #tpu.memory_space<hbm>>
      tpu.wait_indirect_dma semaphore(%arg24 : memref<!tpu.dma_semaphore, #tpu.memory_space<semaphore_mem>>) src(%dma_wait3A_218 : memref<20000x128xf32, #tpu.memory_space<hbm>>) dst(%arg16 : memref<32x128xf32, #tpu.memory_space<vmem>>)
      %dma_wait3A_219 = arith.constant 0 : i32
      %dma_wait3A_220 = arith.constant 0 : i32
      %dma_wait3A_221 = tpu.memref_slice %arg6[%dma_wait3A_219, %dma_wait3A_220] : memref<10000x128xf32, #tpu.memory_space<hbm>> -> memref<10000x128xf32, #tpu.memory_space<hbm>>
      tpu.wait_indirect_dma semaphore(%arg24 : memref<!tpu.dma_semaphore, #tpu.memory_space<semaphore_mem>>) src(%dma_wait3A_221 : memref<10000x128xf32, #tpu.memory_space<hbm>>) dst(%arg18 : memref<32x128xf32, #tpu.memory_space<vmem>>)
      %dma_wait3A_222 = arith.constant 0 : i32
      %dma_wait3A_223 = tpu.memref_slice %arg4[%arg0, %multiple_of3A_197, %dma_wait3A_222] : memref<2x320000x64xf32, #tpu.memory_space<hbm>> -> memref<1x32x64xf32, #tpu.memory_space<hbm>>
      %dma_wait3A_224 = tpu.memref_squeeze %dma_wait3A_223 : memref<1x32x64xf32, #tpu.memory_space<hbm>> -> memref<32x64xf32, #tpu.memory_space<hbm>>
      %dma_wait3A_225 = arith.constant 0 : i32
      %dma_wait3A_226 = tpu.memref_slice %arg4[%arg0, %multiple_of3A_197, %dma_wait3A_225] : memref<2x320000x64xf32, #tpu.memory_space<hbm>> -> memref<1x32x64xf32, #tpu.memory_space<hbm>>
      %dma_wait3A_227 = tpu.memref_squeeze %dma_wait3A_226 : memref<1x32x64xf32, #tpu.memory_space<hbm>> -> memref<32x64xf32, #tpu.memory_space<hbm>>
      tpu.wait_dma2 semaphore(%arg24 : memref<!tpu.dma_semaphore, #tpu.memory_space<semaphore_mem>>) src(%dma_wait3A_227 : memref<32x64xf32, #tpu.memory_space<hbm>>) dst(%arg20 : memref<32x64xf32, #tpu.memory_space<vmem>>)
      %scan3A_228 = arith.constant 0 : i32
      %scan3A_229 = arith.constant 0 : i32
      %scan3A_230 = arith.constant 32 : i32
      %scan3A_231 = arith.addi %scan3A_229, %scan3A_230 : i32
      %scan3A_232 = arith.constant 1 : i32
      scf.for %scan3A_306 = %scan3A_229 to %scan3A_231 step %scan3A_232  : i32 {
        %get3A_307 = arith.index_cast %scan3A_306 : i32 to index
        %get3A_308 = arith.constant 0 : index
        %get3A_309 = tpu.vector_load %arg16[%get3A_307, %get3A_308] {strides = array<i32>} : memref<32x128xf32, #tpu.memory_space<vmem>>, vector<1x16xf32>,
        %get3A_310 = vector.shape_cast %get3A_309 : vector<1x16xf32> to vector<16xf32>
        %get3A_311 = arith.index_cast %scan3A_306 : i32 to index
        %get3A_312 = arith.constant 64 : index
        %get3A_313 = tpu.vector_load %arg16[%get3A_311, %get3A_312] {strides = array<i32>} : memref<32x128xf32, #tpu.memory_space<vmem>>, vector<1x16xf32>,
        %get3A_314 = vector.shape_cast %get3A_313 : vector<1x16xf32> to vector<16xf32>
        %mul3A_315 = arith.constant 64 : i32
        %mul3A_316 = arith.muli %arg0, %mul3A_315 : i32
        %add3A_317 = arith.constant 0 : i32
        %add3A_318 = arith.addi %mul3A_316, %add3A_317 : i32
        %get3A_319 = arith.index_cast %scan3A_306 : i32 to index
        %get3A_320 = arith.index_cast %add3A_318 : i32 to index
        %get3A_321 = tpu.vector_load %arg18[%get3A_319, %get3A_320] {strides = array<i32>} : memref<32x128xf32, #tpu.memory_space<vmem>>, vector<1x16xf32>,
        %get3A_322 = vector.shape_cast %get3A_321 : vector<1x16xf32> to vector<16xf32>
        %get3A_323 = arith.index_cast %scan3A_306 : i32 to index
        %get3A_324 = arith.constant 0 : index
        %get3A_325 = tpu.vector_load %arg20[%get3A_323, %get3A_324] {strides = array<i32>} : memref<32x64xf32, #tpu.memory_space<vmem>>, vector<1x16xf32>,
        %get3A_326 = vector.shape_cast %get3A_325 : vector<1x16xf32> to vector<16xf32>
        %add3A_327 = arith.addf %get3A_326, %get3A_310 : vector<16xf32>
        %add3A_328 = arith.addf %add3A_327, %get3A_322 : vector<16xf32>
        %neg3A = arith.constant 0.000000e+00 : f32
        %neg3A_329 = vector.broadcast %neg3A : f32 to vector<16xf32>
        %neg3A_330 = arith.subf %neg3A_329, %add3A_328 : vector<16xf32>
        %exp3A = math.exp %neg3A_330 : vector<16xf32>
        %add3A_331 = arith.constant 1.000000e+00 : f32
        %add3A_332 = vector.broadcast %add3A_331 : f32 to vector<16xf32>
        %add3A_333 = arith.addf %add3A_332, %exp3A : vector<16xf32>
        %div3A = arith.constant 1.000000e+00 : f32
        %div3A_334 = vector.broadcast %div3A : f32 to vector<16xf32>
        %div3A_335 = arith.divf %div3A_334, %add3A_333 : vector<16xf32>
        %mul3A_336 = arith.mulf %div3A_335, %get3A_314 : vector<16xf32>
        %swap3A_337 = arith.index_cast %scan3A_306 : i32 to index
        %swap3A_338 = arith.constant 0 : index
        %swap3A_339 = tpu.vector_load %arg16[%swap3A_337, %swap3A_338] {strides = array<i32>} : memref<32x128xf32, #tpu.memory_space<vmem>>, vector<1x16xf32>,
        %swap3A_340 = vector.shape_cast %swap3A_339 : vector<1x16xf32> to vector<16xf32>
        %swap3A_341 = vector.shape_cast %mul3A_336 : vector<16xf32> to vector<1x16xf32>
        tpu.vector_store %arg16[%swap3A_337, %swap3A_338], %swap3A_341 {strides = array<i32>} : memref<32x128xf32, #tpu.memory_space<vmem>>, vector<1x16xf32>,
        %swap3A_342 = arith.index_cast %scan3A_306 : i32 to index
        %swap3A_343 = arith.constant 64 : index
        %swap3A_344 = tpu.vector_load %arg16[%swap3A_342, %swap3A_343] {strides = array<i32>} : memref<32x128xf32, #tpu.memory_space<vmem>>, vector<1x16xf32>,
        %swap3A_345 = vector.shape_cast %swap3A_344 : vector<1x16xf32> to vector<16xf32>
        %swap3A_346 = vector.shape_cast %div3A_335 : vector<16xf32> to vector<1x16xf32>
        tpu.vector_store %arg16[%swap3A_342, %swap3A_343], %swap3A_346 {strides = array<i32>} : memref<32x128xf32, #tpu.memory_space<vmem>>, vector<1x16xf32>,
        %max3A = arith.constant 0.000000e+00 : f32
        %max3A_347 = vector.broadcast %max3A : f32 to vector<16xf32>
        %max3A_348 = arith.maximumf %add3A_328, %max3A_347 : vector<16xf32>
        %swap3A_349 = arith.index_cast %scan3A_306 : i32 to index
        %swap3A_350 = arith.constant 0 : index
        %swap3A_351 = tpu.vector_load %arg20[%swap3A_349, %swap3A_350] {strides = array<i32>} : memref<32x64xf32, #tpu.memory_space<vmem>>, vector<1x16xf32>,
        %swap3A_352 = vector.shape_cast %swap3A_351 : vector<1x16xf32> to vector<16xf32>
        %swap3A_353 = vector.shape_cast %max3A_348 : vector<16xf32> to vector<1x16xf32>
        tpu.vector_store %arg20[%swap3A_349, %swap3A_350], %swap3A_353 {strides = array<i32>} : memref<32x64xf32, #tpu.memory_space<vmem>>, vector<1x16xf32>,
        %get3A_354 = arith.index_cast %scan3A_306 : i32 to index
        %get3A_355 = arith.constant 16 : index
        %get3A_356 = tpu.vector_load %arg16[%get3A_354, %get3A_355] {strides = array<i32>} : memref<32x128xf32, #tpu.memory_space<vmem>>, vector<1x16xf32>,
        %get3A_357 = vector.shape_cast %get3A_356 : vector<1x16xf32> to vector<16xf32>
        %get3A_358 = arith.index_cast %scan3A_306 : i32 to index
        %get3A_359 = arith.constant 80 : index
        %get3A_360 = tpu.vector_load %arg16[%get3A_358, %get3A_359] {strides = array<i32>} : memref<32x128xf32, #tpu.memory_space<vmem>>, vector<1x16xf32>,
        %get3A_361 = vector.shape_cast %get3A_360 : vector<1x16xf32> to vector<16xf32>
        %mul3A_362 = arith.constant 64 : i32
        %mul3A_363 = arith.muli %arg0, %mul3A_362 : i32
        %add3A_364 = arith.constant 16 : i32
        %add3A_365 = arith.addi %mul3A_363, %add3A_364 : i32
        %get3A_366 = arith.index_cast %scan3A_306 : i32 to index
        %get3A_367 = arith.index_cast %add3A_365 : i32 to index
        %get3A_368 = tpu.vector_load %arg18[%get3A_366, %get3A_367] {strides = array<i32>} : memref<32x128xf32, #tpu.memory_space<vmem>>, vector<1x16xf32>,
        %get3A_369 = vector.shape_cast %get3A_368 : vector<1x16xf32> to vector<16xf32>
        %get3A_370 = arith.index_cast %scan3A_306 : i32 to index
        %get3A_371 = arith.constant 16 : index
        %get3A_372 = tpu.vector_load %arg20[%get3A_370, %get3A_371] {strides = array<i32>} : memref<32x64xf32, #tpu.memory_space<vmem>>, vector<1x16xf32>,
        %get3A_373 = vector.shape_cast %get3A_372 : vector<1x16xf32> to vector<16xf32>
        %add3A_374 = arith.addf %get3A_373, %get3A_357 : vector<16xf32>
        %add3A_375 = arith.addf %add3A_374, %get3A_369 : vector<16xf32>
        %neg3A_376 = arith.constant 0.000000e+00 : f32
        %neg3A_377 = vector.broadcast %neg3A_376 : f32 to vector<16xf32>
        %neg3A_378 = arith.subf %neg3A_377, %add3A_375 : vector<16xf32>
        %exp3A_379 = math.exp %neg3A_378 : vector<16xf32>
        %add3A_380 = arith.constant 1.000000e+00 : f32
        %add3A_381 = vector.broadcast %add3A_380 : f32 to vector<16xf32>
        %add3A_382 = arith.addf %add3A_381, %exp3A_379 : vector<16xf32>
        %div3A_383 = arith.constant 1.000000e+00 : f32
        %div3A_384 = vector.broadcast %div3A_383 : f32 to vector<16xf32>
        %div3A_385 = arith.divf %div3A_384, %add3A_382 : vector<16xf32>
        %mul3A_386 = arith.mulf %div3A_385, %get3A_361 : vector<16xf32>
        %swap3A_387 = arith.index_cast %scan3A_306 : i32 to index
        %swap3A_388 = arith.constant 16 : index
        %swap3A_389 = tpu.vector_load %arg16[%swap3A_387, %swap3A_388] {strides = array<i32>} : memref<32x128xf32, #tpu.memory_space<vmem>>, vector<1x16xf32>,
        %swap3A_390 = vector.shape_cast %swap3A_389 : vector<1x16xf32> to vector<16xf32>
        %swap3A_391 = vector.shape_cast %mul3A_386 : vector<16xf32> to vector<1x16xf32>
        tpu.vector_store %arg16[%swap3A_387, %swap3A_388], %swap3A_391 {strides = array<i32>} : memref<32x128xf32, #tpu.memory_space<vmem>>, vector<1x16xf32>,
        %swap3A_392 = arith.index_cast %scan3A_306 : i32 to index
        %swap3A_393 = arith.constant 80 : index
        %swap3A_394 = tpu.vector_load %arg16[%swap3A_392, %swap3A_393] {strides = array<i32>} : memref<32x128xf32, #tpu.memory_space<vmem>>, vector<1x16xf32>,
        %swap3A_395 = vector.shape_cast %swap3A_394 : vector<1x16xf32> to vector<16xf32>
        %swap3A_396 = vector.shape_cast %div3A_385 : vector<16xf32> to vector<1x16xf32>
        tpu.vector_store %arg16[%swap3A_392, %swap3A_393], %swap3A_396 {strides = array<i32>} : memref<32x128xf32, #tpu.memory_space<vmem>>, vector<1x16xf32>,
        %max3A_397 = arith.constant 0.000000e+00 : f32
        %max3A_398 = vector.broadcast %max3A_397 : f32 to vector<16xf32>
        %max3A_399 = arith.maximumf %add3A_375, %max3A_398 : vector<16xf32>
        %swap3A_400 = arith.index_cast %scan3A_306 : i32 to index
        %swap3A_401 = arith.constant 16 : index
        %swap3A_402 = tpu.vector_load %arg20[%swap3A_400, %swap3A_401] {strides = array<i32>} : memref<32x64xf32, #tpu.memory_space<vmem>>, vector<1x16xf32>,
        %swap3A_403 = vector.shape_cast %swap3A_402 : vector<1x16xf32> to vector<16xf32>
        %swap3A_404 = vector.shape_cast %max3A_399 : vector<16xf32> to vector<1x16xf32>
        tpu.vector_store %arg20[%swap3A_400, %swap3A_401], %swap3A_404 {strides = array<i32>} : memref<32x64xf32, #tpu.memory_space<vmem>>, vector<1x16xf32>,
        %get3A_405 = arith.index_cast %scan3A_306 : i32 to index
        %get3A_406 = arith.constant 32 : index
        %get3A_407 = tpu.vector_load %arg16[%get3A_405, %get3A_406] {strides = array<i32>} : memref<32x128xf32, #tpu.memory_space<vmem>>, vector<1x16xf32>,
        %get3A_408 = vector.shape_cast %get3A_407 : vector<1x16xf32> to vector<16xf32>
        %get3A_409 = arith.index_cast %scan3A_306 : i32 to index
        %get3A_410 = arith.constant 96 : index
        %get3A_411 = tpu.vector_load %arg16[%get3A_409, %get3A_410] {strides = array<i32>} : memref<32x128xf32, #tpu.memory_space<vmem>>, vector<1x16xf32>,
        %get3A_412 = vector.shape_cast %get3A_411 : vector<1x16xf32> to vector<16xf32>
        %mul3A_413 = arith.constant 64 : i32
        %mul3A_414 = arith.muli %arg0, %mul3A_413 : i32
        %add3A_415 = arith.constant 32 : i32
        %add3A_416 = arith.addi %mul3A_414, %add3A_415 : i32
        %get3A_417 = arith.index_cast %scan3A_306 : i32 to index
        %get3A_418 = arith.index_cast %add3A_416 : i32 to index
        %get3A_419 = tpu.vector_load %arg18[%get3A_417, %get3A_418] {strides = array<i32>} : memref<32x128xf32, #tpu.memory_space<vmem>>, vector<1x16xf32>,
        %get3A_420 = vector.shape_cast %get3A_419 : vector<1x16xf32> to vector<16xf32>
        %get3A_421 = arith.index_cast %scan3A_306 : i32 to index
        %get3A_422 = arith.constant 32 : index
        %get3A_423 = tpu.vector_load %arg20[%get3A_421, %get3A_422] {strides = array<i32>} : memref<32x64xf32, #tpu.memory_space<vmem>>, vector<1x16xf32>,
        %get3A_424 = vector.shape_cast %get3A_423 : vector<1x16xf32> to vector<16xf32>
        %add3A_425 = arith.addf %get3A_424, %get3A_408 : vector<16xf32>
        %add3A_426 = arith.addf %add3A_425, %get3A_420 : vector<16xf32>
        %neg3A_427 = arith.constant 0.000000e+00 : f32
        %neg3A_428 = vector.broadcast %neg3A_427 : f32 to vector<16xf32>
        %neg3A_429 = arith.subf %neg3A_428, %add3A_426 : vector<16xf32>
        %exp3A_430 = math.exp %neg3A_429 : vector<16xf32>
        %add3A_431 = arith.constant 1.000000e+00 : f32
        %add3A_432 = vector.broadcast %add3A_431 : f32 to vector<16xf32>
        %add3A_433 = arith.addf %add3A_432, %exp3A_430 : vector<16xf32>
        %div3A_434 = arith.constant 1.000000e+00 : f32
        %div3A_435 = vector.broadcast %div3A_434 : f32 to vector<16xf32>
        %div3A_436 = arith.divf %div3A_435, %add3A_433 : vector<16xf32>
        %mul3A_437 = arith.mulf %div3A_436, %get3A_412 : vector<16xf32>
        %swap3A_438 = arith.index_cast %scan3A_306 : i32 to index
        %swap3A_439 = arith.constant 32 : index
        %swap3A_440 = tpu.vector_load %arg16[%swap3A_438, %swap3A_439] {strides = array<i32>} : memref<32x128xf32, #tpu.memory_space<vmem>>, vector<1x16xf32>,
        %swap3A_441 = vector.shape_cast %swap3A_440 : vector<1x16xf32> to vector<16xf32>
        %swap3A_442 = vector.shape_cast %mul3A_437 : vector<16xf32> to vector<1x16xf32>
        tpu.vector_store %arg16[%swap3A_438, %swap3A_439], %swap3A_442 {strides = array<i32>} : memref<32x128xf32, #tpu.memory_space<vmem>>, vector<1x16xf32>,
        %swap3A_443 = arith.index_cast %scan3A_306 : i32 to index
        %swap3A_444 = arith.constant 96 : index
        %swap3A_445 = tpu.vector_load %arg16[%swap3A_443, %swap3A_444] {strides = array<i32>} : memref<32x128xf32, #tpu.memory_space<vmem>>, vector<1x16xf32>,
        %swap3A_446 = vector.shape_cast %swap3A_445 : vector<1x16xf32> to vector<16xf32>
        %swap3A_447 = vector.shape_cast %div3A_436 : vector<16xf32> to vector<1x16xf32>
        tpu.vector_store %arg16[%swap3A_443, %swap3A_444], %swap3A_447 {strides = array<i32>} : memref<32x128xf32, #tpu.memory_space<vmem>>, vector<1x16xf32>,
        %max3A_448 = arith.constant 0.000000e+00 : f32
        %max3A_449 = vector.broadcast %max3A_448 : f32 to vector<16xf32>
        %max3A_450 = arith.maximumf %add3A_426, %max3A_449 : vector<16xf32>
        %swap3A_451 = arith.index_cast %scan3A_306 : i32 to index
        %swap3A_452 = arith.constant 32 : index
        %swap3A_453 = tpu.vector_load %arg20[%swap3A_451, %swap3A_452] {strides = array<i32>} : memref<32x64xf32, #tpu.memory_space<vmem>>, vector<1x16xf32>,
        %swap3A_454 = vector.shape_cast %swap3A_453 : vector<1x16xf32> to vector<16xf32>
        %swap3A_455 = vector.shape_cast %max3A_450 : vector<16xf32> to vector<1x16xf32>
        tpu.vector_store %arg20[%swap3A_451, %swap3A_452], %swap3A_455 {strides = array<i32>} : memref<32x64xf32, #tpu.memory_space<vmem>>, vector<1x16xf32>,
        %get3A_456 = arith.index_cast %scan3A_306 : i32 to index
        %get3A_457 = arith.constant 48 : index
        %get3A_458 = tpu.vector_load %arg16[%get3A_456, %get3A_457] {strides = array<i32>} : memref<32x128xf32, #tpu.memory_space<vmem>>, vector<1x16xf32>,
        %get3A_459 = vector.shape_cast %get3A_458 : vector<1x16xf32> to vector<16xf32>
        %get3A_460 = arith.index_cast %scan3A_306 : i32 to index
        %get3A_461 = arith.constant 112 : index
        %get3A_462 = tpu.vector_load %arg16[%get3A_460, %get3A_461] {strides = array<i32>} : memref<32x128xf32, #tpu.memory_space<vmem>>, vector<1x16xf32>,
        %get3A_463 = vector.shape_cast %get3A_462 : vector<1x16xf32> to vector<16xf32>
        %mul3A_464 = arith.constant 64 : i32
        %mul3A_465 = arith.muli %arg0, %mul3A_464 : i32
        %add3A_466 = arith.constant 48 : i32
        %add3A_467 = arith.addi %mul3A_465, %add3A_466 : i32
        %get3A_468 = arith.index_cast %scan3A_306 : i32 to index
        %get3A_469 = arith.index_cast %add3A_467 : i32 to index
        %get3A_470 = tpu.vector_load %arg18[%get3A_468, %get3A_469] {strides = array<i32>} : memref<32x128xf32, #tpu.memory_space<vmem>>, vector<1x16xf32>,
        %get3A_471 = vector.shape_cast %get3A_470 : vector<1x16xf32> to vector<16xf32>
        %get3A_472 = arith.index_cast %scan3A_306 : i32 to index
        %get3A_473 = arith.constant 48 : index
        %get3A_474 = tpu.vector_load %arg20[%get3A_472, %get3A_473] {strides = array<i32>} : memref<32x64xf32, #tpu.memory_space<vmem>>, vector<1x16xf32>,
        %get3A_475 = vector.shape_cast %get3A_474 : vector<1x16xf32> to vector<16xf32>
        %add3A_476 = arith.addf %get3A_475, %get3A_459 : vector<16xf32>
        %add3A_477 = arith.addf %add3A_476, %get3A_471 : vector<16xf32>
        %neg3A_478 = arith.constant 0.000000e+00 : f32
        %neg3A_479 = vector.broadcast %neg3A_478 : f32 to vector<16xf32>
        %neg3A_480 = arith.subf %neg3A_479, %add3A_477 : vector<16xf32>
        %exp3A_481 = math.exp %neg3A_480 : vector<16xf32>
        %add3A_482 = arith.constant 1.000000e+00 : f32
        %add3A_483 = vector.broadcast %add3A_482 : f32 to vector<16xf32>
        %add3A_484 = arith.addf %add3A_483, %exp3A_481 : vector<16xf32>
        %div3A_485 = arith.constant 1.000000e+00 : f32
        %div3A_486 = vector.broadcast %div3A_485 : f32 to vector<16xf32>
        %div3A_487 = arith.divf %div3A_486, %add3A_484 : vector<16xf32>
        %mul3A_488 = arith.mulf %div3A_487, %get3A_463 : vector<16xf32>
        %swap3A_489 = arith.index_cast %scan3A_306 : i32 to index
        %swap3A_490 = arith.constant 48 : index
        %swap3A_491 = tpu.vector_load %arg16[%swap3A_489, %swap3A_490] {strides = array<i32>} : memref<32x128xf32, #tpu.memory_space<vmem>>, vector<1x16xf32>,
        %swap3A_492 = vector.shape_cast %swap3A_491 : vector<1x16xf32> to vector<16xf32>
        %swap3A_493 = vector.shape_cast %mul3A_488 : vector<16xf32> to vector<1x16xf32>
        tpu.vector_store %arg16[%swap3A_489, %swap3A_490], %swap3A_493 {strides = array<i32>} : memref<32x128xf32, #tpu.memory_space<vmem>>, vector<1x16xf32>,
        %swap3A_494 = arith.index_cast %scan3A_306 : i32 to index
        %swap3A_495 = arith.constant 112 : index
        %swap3A_496 = tpu.vector_load %arg16[%swap3A_494, %swap3A_495] {strides = array<i32>} : memref<32x128xf32, #tpu.memory_space<vmem>>, vector<1x16xf32>,
        %swap3A_497 = vector.shape_cast %swap3A_496 : vector<1x16xf32> to vector<16xf32>
        %swap3A_498 = vector.shape_cast %div3A_487 : vector<16xf32> to vector<1x16xf32>
        tpu.vector_store %arg16[%swap3A_494, %swap3A_495], %swap3A_498 {strides = array<i32>} : memref<32x128xf32, #tpu.memory_space<vmem>>, vector<1x16xf32>,
        %max3A_499 = arith.constant 0.000000e+00 : f32
        %max3A_500 = vector.broadcast %max3A_499 : f32 to vector<16xf32>
        %max3A_501 = arith.maximumf %add3A_477, %max3A_500 : vector<16xf32>
        %swap3A_502 = arith.index_cast %scan3A_306 : i32 to index
        %swap3A_503 = arith.constant 48 : index
        %swap3A_504 = tpu.vector_load %arg20[%swap3A_502, %swap3A_503] {strides = array<i32>} : memref<32x64xf32, #tpu.memory_space<vmem>>, vector<1x16xf32>,
        %swap3A_505 = vector.shape_cast %swap3A_504 : vector<1x16xf32> to vector<16xf32>
        %swap3A_506 = vector.shape_cast %max3A_501 : vector<16xf32> to vector<1x16xf32>
        tpu.vector_store %arg20[%swap3A_502, %swap3A_503], %swap3A_506 {strides = array<i32>} : memref<32x64xf32, #tpu.memory_space<vmem>>, vector<1x16xf32>,
      }
      %scan3A_233 = arith.constant 32 : i32
      %dma_wait3A_234 = tpu.memref_slice %arg2[%multiple_of3A_207] : memref<320000xi32, #tpu.memory_space<hbm>> -> memref<32xi32, #tpu.memory_space<hbm>>
      %dma_wait3A_235 = tpu.memref_slice %arg2[%multiple_of3A_207] : memref<320000xi32, #tpu.memory_space<hbm>> -> memref<32xi32, #tpu.memory_space<hbm>>
      tpu.wait_dma2 semaphore(%arg23 : memref<!tpu.dma_semaphore, #tpu.memory_space<semaphore_mem>>) src(%dma_wait3A_235 : memref<32xi32, #tpu.memory_space<hbm>>) dst(%arg9 : memref<32xi32, #tpu.memory_space<vmem>>)
      %dma_wait3A_236 = tpu.memref_slice %arg3[%multiple_of3A_213] : memref<320000xi32, #tpu.memory_space<hbm>> -> memref<32xi32, #tpu.memory_space<hbm>>
      %dma_wait3A_237 = tpu.memref_slice %arg3[%multiple_of3A_213] : memref<320000xi32, #tpu.memory_space<hbm>> -> memref<32xi32, #tpu.memory_space<hbm>>
      tpu.wait_dma2 semaphore(%arg23 : memref<!tpu.dma_semaphore, #tpu.memory_space<semaphore_mem>>) src(%dma_wait3A_237 : memref<32xi32, #tpu.memory_space<hbm>>) dst(%arg11 : memref<32xi32, #tpu.memory_space<vmem>>)
      %get3A_238 = arith.constant 0 : index
      %get3A_239 = tpu.vector_load %arg9[%get3A_238] {strides = array<i32>} : memref<32xi32, #tpu.memory_space<vmem>>, vector<16xi32>,
      %get3A_240 = vector.shape_cast %get3A_239 : vector<16xi32> to vector<16xi32>
      %add3A_241 = vector.broadcast %mul3A_0 : i32 to vector<16xi32>
      %add3A_242 = arith.addi %get3A_240, %add3A_241 : vector<16xi32>
      %swap3A_243 = arith.constant 0 : index
      %swap3A_244 = tpu.vector_load %arg13[%swap3A_243] {strides = array<i32>} : memref<32xi32, #tpu.memory_space<vmem>>, vector<16xi32>,
      %swap3A_245 = vector.shape_cast %swap3A_244 : vector<16xi32> to vector<16xi32>
      %swap3A_246 = vector.shape_cast %add3A_242 : vector<16xi32> to vector<16xi32>
      tpu.vector_store %arg13[%swap3A_243], %swap3A_246 {strides = array<i32>} : memref<32xi32, #tpu.memory_space<vmem>>, vector<16xi32>,
      %get3A_247 = arith.constant 16 : index
      %get3A_248 = tpu.vector_load %arg9[%get3A_247] {strides = array<i32>} : memref<32xi32, #tpu.memory_space<vmem>>, vector<16xi32>,
      %get3A_249 = vector.shape_cast %get3A_248 : vector<16xi32> to vector<16xi32>
      %add3A_250 = vector.broadcast %mul3A_0 : i32 to vector<16xi32>
      %add3A_251 = arith.addi %get3A_249, %add3A_250 : vector<16xi32>
      %swap3A_252 = arith.constant 16 : index
      %swap3A_253 = tpu.vector_load %arg13[%swap3A_252] {strides = array<i32>} : memref<32xi32, #tpu.memory_space<vmem>>, vector<16xi32>,
      %swap3A_254 = vector.shape_cast %swap3A_253 : vector<16xi32> to vector<16xi32>
      %swap3A_255 = vector.shape_cast %add3A_251 : vector<16xi32> to vector<16xi32>
      tpu.vector_store %arg13[%swap3A_252], %swap3A_255 {strides = array<i32>} : memref<32xi32, #tpu.memory_space<vmem>>, vector<16xi32>,
      %dma_start3A_256 = arith.constant 0 : i32
      %dma_start3A_257 = arith.constant 0 : i32
      %dma_start3A_258 = tpu.memref_slice %arg5[%dma_start3A_256, %dma_start3A_257] : memref<20000x128xf32, #tpu.memory_space<hbm>> -> memref<20000x128xf32, #tpu.memory_space<hbm>>
      tpu.enqueue_indirect_dma source(%dma_start3A_258 : memref<20000x128xf32, #tpu.memory_space<hbm>>) target(%arg15 : memref<32x128xf32, #tpu.memory_space<vmem>>) offsets(%arg13 : memref<32xi32, #tpu.memory_space<vmem>>) semaphore(%arg24 : memref<!tpu.dma_semaphore, #tpu.memory_space<semaphore_mem>>)
      %dma_start3A_259 = arith.constant 0 : i32
      %dma_start3A_260 = arith.constant 0 : i32
      %dma_start3A_261 = tpu.memref_slice %arg6[%dma_start3A_259, %dma_start3A_260] : memref<10000x128xf32, #tpu.memory_space<hbm>> -> memref<10000x128xf32, #tpu.memory_space<hbm>>
      tpu.enqueue_indirect_dma source(%dma_start3A_261 : memref<10000x128xf32, #tpu.memory_space<hbm>>) target(%arg17 : memref<32x128xf32, #tpu.memory_space<vmem>>) offsets(%arg11 : memref<32xi32, #tpu.memory_space<vmem>>) semaphore(%arg24 : memref<!tpu.dma_semaphore, #tpu.memory_space<semaphore_mem>>)
      %mul3A_262 = arith.constant 32 : i32
      %mul3A_263 = arith.muli %add3A_135, %mul3A_262 : i32
      %add3A_264 = arith.addi %mul3A_38, %mul3A_263 : i32
      %multiple_of3A_265 = tpu.assume_multiple %add3A_264, 32 : i32
      %dma_start3A_266 = arith.constant 0 : i32
      %dma_start3A_267 = tpu.memref_slice %arg4[%arg0, %multiple_of3A_265, %dma_start3A_266] : memref<2x320000x64xf32, #tpu.memory_space<hbm>> -> memref<1x32x64xf32, #tpu.memory_space<hbm>>
      %dma_start3A_268 = tpu.memref_squeeze %dma_start3A_267 : memref<1x32x64xf32, #tpu.memory_space<hbm>> -> memref<32x64xf32, #tpu.memory_space<hbm>>
      %dma_start3A_269 = arith.constant 0 : i32
      %dma_start3A_270 = tpu.memref_slice %arg4[%arg0, %multiple_of3A_265, %dma_start3A_269] : memref<2x320000x64xf32, #tpu.memory_space<hbm>> -> memref<1x32x64xf32, #tpu.memory_space<hbm>>
      %dma_start3A_271 = tpu.memref_squeeze %dma_start3A_270 : memref<1x32x64xf32, #tpu.memory_space<hbm>> -> memref<32x64xf32, #tpu.memory_space<hbm>>
      tpu.enqueue_dma source(%dma_start3A_271 : memref<32x64xf32, #tpu.memory_space<hbm>>) target(%arg19 : memref<32x64xf32, #tpu.memory_space<vmem>>) target_semaphore(%arg24 : memref<!tpu.dma_semaphore, #tpu.memory_space<semaphore_mem>>)
      %mul3A_272 = arith.constant 32 : i32
      %mul3A_273 = arith.muli %add3A_131, %mul3A_272 : i32
      %add3A_274 = arith.addi %mul3A_38, %mul3A_273 : i32
      %multiple_of3A_275 = tpu.assume_multiple %add3A_274, 32 : i32
      %dma_start3A_276 = arith.constant 0 : i32
      %dma_start3A_277 = tpu.memref_slice %arg8[%arg0, %multiple_of3A_275, %dma_start3A_276] : memref<2x320000x64xf32, #tpu.memory_space<hbm>> -> memref<1x32x64xf32, #tpu.memory_space<hbm>>
      %dma_start3A_278 = tpu.memref_squeeze %dma_start3A_277 : memref<1x32x64xf32, #tpu.memory_space<hbm>> -> memref<32x64xf32, #tpu.memory_space<hbm>>
      %dma_start3A_279 = arith.constant 0 : i32
      %dma_start3A_280 = tpu.memref_slice %arg8[%arg0, %multiple_of3A_275, %dma_start3A_279] : memref<2x320000x64xf32, #tpu.memory_space<hbm>> -> memref<1x32x64xf32, #tpu.memory_space<hbm>>
      %dma_start3A_281 = tpu.memref_squeeze %dma_start3A_280 : memref<1x32x64xf32, #tpu.memory_space<hbm>> -> memref<32x64xf32, #tpu.memory_space<hbm>>
      tpu.enqueue_dma source(%arg20 : memref<32x64xf32, #tpu.memory_space<vmem>>) target(%dma_start3A_281 : memref<32x64xf32, #tpu.memory_space<hbm>>) target_semaphore(%arg25 : memref<!tpu.dma_semaphore, #tpu.memory_space<semaphore_mem>>)
      "tpu.region"() ({
        %run_scoped3A = tpu.sem_alloc : memref<!tpu.dma_semaphore, #tpu.memory_space<semaphore_mem>>
        %dma_start3A_306 = arith.constant 0 : i32
        %dma_start3A_307 = arith.constant 0 : i32
        %dma_start3A_308 = tpu.memref_slice %arg22[%dma_start3A_306, %dma_start3A_307] : memref<10000x128xf32, #tpu.memory_space<vmem_shared>> -> memref<10000x128xf32, #tpu.memory_space<vmem_shared>>
        tpu.enqueue_indirect_dma source(%arg16 : memref<32x128xf32, #tpu.memory_space<vmem>>) target(%dma_start3A_308 : memref<10000x128xf32, #tpu.memory_space<vmem_shared>>) offsets(%arg12 : memref<32xi32, #tpu.memory_space<vmem>>) semaphore(%run_scoped3A : memref<!tpu.dma_semaphore, #tpu.memory_space<semaphore_mem>>) {add = true}
        %dma_wait3A_309 = arith.constant 0 : i32
        %dma_wait3A_310 = arith.constant 0 : i32
        %dma_wait3A_311 = tpu.memref_slice %arg22[%dma_wait3A_309, %dma_wait3A_310] : memref<10000x128xf32, #tpu.memory_space<vmem_shared>> -> memref<10000x128xf32, #tpu.memory_space<vmem_shared>>
        tpu.wait_indirect_dma semaphore(%run_scoped3A : memref<!tpu.dma_semaphore, #tpu.memory_space<semaphore_mem>>) src(%arg16 : memref<32x128xf32, #tpu.memory_space<vmem>>) dst(%dma_wait3A_311 : memref<10000x128xf32, #tpu.memory_space<vmem_shared>>)
        tpu.yield
      }) : () -> ()
      %dma_wait3A_282 = arith.constant 0 : i32
      %dma_wait3A_283 = tpu.memref_slice %arg8[%arg0, %multiple_of3A_275, %dma_wait3A_282] : memref<2x320000x64xf32, #tpu.memory_space<hbm>> -> memref<1x32x64xf32, #tpu.memory_space<hbm>>
      %dma_wait3A_284 = tpu.memref_squeeze %dma_wait3A_283 : memref<1x32x64xf32, #tpu.memory_space<hbm>> -> memref<32x64xf32, #tpu.memory_space<hbm>>
      %dma_wait3A_285 = arith.constant 0 : i32
      %dma_wait3A_286 = tpu.memref_slice %arg8[%arg0, %multiple_of3A_275, %dma_wait3A_285] : memref<2x320000x64xf32, #tpu.memory_space<hbm>> -> memref<1x32x64xf32, #tpu.memory_space<hbm>>
      %dma_wait3A_287 = tpu.memref_squeeze %dma_wait3A_286 : memref<1x32x64xf32, #tpu.memory_space<hbm>> -> memref<32x64xf32, #tpu.memory_space<hbm>>
      tpu.wait_dma2 semaphore(%arg25 : memref<!tpu.dma_semaphore, #tpu.memory_space<semaphore_mem>>) src(%arg20 : memref<32x64xf32, #tpu.memory_space<vmem>>) dst(%dma_wait3A_287 : memref<32x64xf32, #tpu.memory_space<hbm>>)
      %dma_wait3A_288 = arith.constant 0 : i32
      %dma_wait3A_289 = arith.constant 0 : i32
      %dma_wait3A_290 = tpu.memref_slice %arg5[%dma_wait3A_288, %dma_wait3A_289] : memref<20000x128xf32, #tpu.memory_space<hbm>> -> memref<20000x128xf32, #tpu.memory_space<hbm>>
      tpu.wait_indirect_dma semaphore(%arg24 : memref<!tpu.dma_semaphore, #tpu.memory_space<semaphore_mem>>) src(%dma_wait3A_290 : memref<20000x128xf32, #tpu.memory_space<hbm>>) dst(%arg15 : memref<32x128xf32, #tpu.memory_space<vmem>>)
      %dma_wait3A_291 = arith.constant 0 : i32
      %dma_wait3A_292 = arith.constant 0 : i32
      %dma_wait3A_293 = tpu.memref_slice %arg6[%dma_wait3A_291, %dma_wait3A_292] : memref<10000x128xf32, #tpu.memory_space<hbm>> -> memref<10000x128xf32, #tpu.memory_space<hbm>>
      tpu.wait_indirect_dma semaphore(%arg24 : memref<!tpu.dma_semaphore, #tpu.memory_space<semaphore_mem>>) src(%dma_wait3A_293 : memref<10000x128xf32, #tpu.memory_space<hbm>>) dst(%arg17 : memref<32x128xf32, #tpu.memory_space<vmem>>)
      %dma_wait3A_294 = arith.constant 0 : i32
      %dma_wait3A_295 = tpu.memref_slice %arg4[%arg0, %multiple_of3A_265, %dma_wait3A_294] : memref<2x320000x64xf32, #tpu.memory_space<hbm>> -> memref<1x32x64xf32, #tpu.memory_space<hbm>>
      %dma_wait3A_296 = tpu.memref_squeeze %dma_wait3A_295 : memref<1x32x64xf32, #tpu.memory_space<hbm>> -> memref<32x64xf32, #tpu.memory_space<hbm>>
      %dma_wait3A_297 = arith.constant 0 : i32
      %dma_wait3A_298 = tpu.memref_slice %arg4[%arg0, %multiple_of3A_265, %dma_wait3A_297] : memref<2x320000x64xf32, #tpu.memory_space<hbm>> -> memref<1x32x64xf32, #tpu.memory_space<hbm>>
      %dma_wait3A_299 = tpu.memref_squeeze %dma_wait3A_298 : memref<1x32x64xf32, #tpu.memory_space<hbm>> -> memref<32x64xf32, #tpu.memory_space<hbm>>
      tpu.wait_dma2 semaphore(%arg24 : memref<!tpu.dma_semaphore, #tpu.memory_space<semaphore_mem>>) src(%dma_wait3A_299 : memref<32x64xf32, #tpu.memory_space<hbm>>) dst(%arg19 : memref<32x64xf32, #tpu.memory_space<vmem>>)
      %scan3A_300 = arith.constant 0 : i32
      %scan3A_301 = arith.constant 0 : i32
      %scan3A_302 = arith.constant 32 : i32
      %scan3A_303 = arith.addi %scan3A_301, %scan3A_302 : i32
      %scan3A_304 = arith.constant 1 : i32
      scf.for %scan3A_306 = %scan3A_301 to %scan3A_303 step %scan3A_304  : i32 {
        %get3A_307 = arith.index_cast %scan3A_306 : i32 to index
        %get3A_308 = arith.constant 0 : index
        %get3A_309 = tpu.vector_load %arg15[%get3A_307, %get3A_308] {strides = array<i32>} : memref<32x128xf32, #tpu.memory_space<vmem>>, vector<1x16xf32>,
        %get3A_310 = vector.shape_cast %get3A_309 : vector<1x16xf32> to vector<16xf32>
        %get3A_311 = arith.index_cast %scan3A_306 : i32 to index
        %get3A_312 = arith.constant 64 : index
        %get3A_313 = tpu.vector_load %arg15[%get3A_311, %get3A_312] {strides = array<i32>} : memref<32x128xf32, #tpu.memory_space<vmem>>, vector<1x16xf32>,
        %get3A_314 = vector.shape_cast %get3A_313 : vector<1x16xf32> to vector<16xf32>
        %mul3A_315 = arith.constant 64 : i32
        %mul3A_316 = arith.muli %arg0, %mul3A_315 : i32
        %add3A_317 = arith.constant 0 : i32
        %add3A_318 = arith.addi %mul3A_316, %add3A_317 : i32
        %get3A_319 = arith.index_cast %scan3A_306 : i32 to index
        %get3A_320 = arith.index_cast %add3A_318 : i32 to index
        %get3A_321 = tpu.vector_load %arg17[%get3A_319, %get3A_320] {strides = array<i32>} : memref<32x128xf32, #tpu.memory_space<vmem>>, vector<1x16xf32>,
        %get3A_322 = vector.shape_cast %get3A_321 : vector<1x16xf32> to vector<16xf32>
        %get3A_323 = arith.index_cast %scan3A_306 : i32 to index
        %get3A_324 = arith.constant 0 : index
        %get3A_325 = tpu.vector_load %arg19[%get3A_323, %get3A_324] {strides = array<i32>} : memref<32x64xf32, #tpu.memory_space<vmem>>, vector<1x16xf32>,
        %get3A_326 = vector.shape_cast %get3A_325 : vector<1x16xf32> to vector<16xf32>
        %add3A_327 = arith.addf %get3A_326, %get3A_310 : vector<16xf32>
        %add3A_328 = arith.addf %add3A_327, %get3A_322 : vector<16xf32>
        %neg3A = arith.constant 0.000000e+00 : f32
        %neg3A_329 = vector.broadcast %neg3A : f32 to vector<16xf32>
        %neg3A_330 = arith.subf %neg3A_329, %add3A_328 : vector<16xf32>
        %exp3A = math.exp %neg3A_330 : vector<16xf32>
        %add3A_331 = arith.constant 1.000000e+00 : f32
        %add3A_332 = vector.broadcast %add3A_331 : f32 to vector<16xf32>
        %add3A_333 = arith.addf %add3A_332, %exp3A : vector<16xf32>
        %div3A = arith.constant 1.000000e+00 : f32
        %div3A_334 = vector.broadcast %div3A : f32 to vector<16xf32>
        %div3A_335 = arith.divf %div3A_334, %add3A_333 : vector<16xf32>
        %mul3A_336 = arith.mulf %div3A_335, %get3A_314 : vector<16xf32>
        %swap3A_337 = arith.index_cast %scan3A_306 : i32 to index
        %swap3A_338 = arith.constant 0 : index
        %swap3A_339 = tpu.vector_load %arg15[%swap3A_337, %swap3A_338] {strides = array<i32>} : memref<32x128xf32, #tpu.memory_space<vmem>>, vector<1x16xf32>,
        %swap3A_340 = vector.shape_cast %swap3A_339 : vector<1x16xf32> to vector<16xf32>
        %swap3A_341 = vector.shape_cast %mul3A_336 : vector<16xf32> to vector<1x16xf32>
        tpu.vector_store %arg15[%swap3A_337, %swap3A_338], %swap3A_341 {strides = array<i32>} : memref<32x128xf32, #tpu.memory_space<vmem>>, vector<1x16xf32>,
        %swap3A_342 = arith.index_cast %scan3A_306 : i32 to index
        %swap3A_343 = arith.constant 64 : index
        %swap3A_344 = tpu.vector_load %arg15[%swap3A_342, %swap3A_343] {strides = array<i32>} : memref<32x128xf32, #tpu.memory_space<vmem>>, vector<1x16xf32>,
        %swap3A_345 = vector.shape_cast %swap3A_344 : vector<1x16xf32> to vector<16xf32>
        %swap3A_346 = vector.shape_cast %div3A_335 : vector<16xf32> to vector<1x16xf32>
        tpu.vector_store %arg15[%swap3A_342, %swap3A_343], %swap3A_346 {strides = array<i32>} : memref<32x128xf32, #tpu.memory_space<vmem>>, vector<1x16xf32>,
        %max3A = arith.constant 0.000000e+00 : f32
        %max3A_347 = vector.broadcast %max3A : f32 to vector<16xf32>
        %max3A_348 = arith.maximumf %add3A_328, %max3A_347 : vector<16xf32>
        %swap3A_349 = arith.index_cast %scan3A_306 : i32 to index
        %swap3A_350 = arith.constant 0 : index
        %swap3A_351 = tpu.vector_load %arg19[%swap3A_349, %swap3A_350] {strides = array<i32>} : memref<32x64xf32, #tpu.memory_space<vmem>>, vector<1x16xf32>,
        %swap3A_352 = vector.shape_cast %swap3A_351 : vector<1x16xf32> to vector<16xf32>
        %swap3A_353 = vector.shape_cast %max3A_348 : vector<16xf32> to vector<1x16xf32>
        tpu.vector_store %arg19[%swap3A_349, %swap3A_350], %swap3A_353 {strides = array<i32>} : memref<32x64xf32, #tpu.memory_space<vmem>>, vector<1x16xf32>,
        %get3A_354 = arith.index_cast %scan3A_306 : i32 to index
        %get3A_355 = arith.constant 16 : index
        %get3A_356 = tpu.vector_load %arg15[%get3A_354, %get3A_355] {strides = array<i32>} : memref<32x128xf32, #tpu.memory_space<vmem>>, vector<1x16xf32>,
        %get3A_357 = vector.shape_cast %get3A_356 : vector<1x16xf32> to vector<16xf32>
        %get3A_358 = arith.index_cast %scan3A_306 : i32 to index
        %get3A_359 = arith.constant 80 : index
        %get3A_360 = tpu.vector_load %arg15[%get3A_358, %get3A_359] {strides = array<i32>} : memref<32x128xf32, #tpu.memory_space<vmem>>, vector<1x16xf32>,
        %get3A_361 = vector.shape_cast %get3A_360 : vector<1x16xf32> to vector<16xf32>
        %mul3A_362 = arith.constant 64 : i32
        %mul3A_363 = arith.muli %arg0, %mul3A_362 : i32
        %add3A_364 = arith.constant 16 : i32
        %add3A_365 = arith.addi %mul3A_363, %add3A_364 : i32
        %get3A_366 = arith.index_cast %scan3A_306 : i32 to index
        %get3A_367 = arith.index_cast %add3A_365 : i32 to index
        %get3A_368 = tpu.vector_load %arg17[%get3A_366, %get3A_367] {strides = array<i32>} : memref<32x128xf32, #tpu.memory_space<vmem>>, vector<1x16xf32>,
        %get3A_369 = vector.shape_cast %get3A_368 : vector<1x16xf32> to vector<16xf32>
        %get3A_370 = arith.index_cast %scan3A_306 : i32 to index
        %get3A_371 = arith.constant 16 : index
        %get3A_372 = tpu.vector_load %arg19[%get3A_370, %get3A_371] {strides = array<i32>} : memref<32x64xf32, #tpu.memory_space<vmem>>, vector<1x16xf32>,
        %get3A_373 = vector.shape_cast %get3A_372 : vector<1x16xf32> to vector<16xf32>
        %add3A_374 = arith.addf %get3A_373, %get3A_357 : vector<16xf32>
        %add3A_375 = arith.addf %add3A_374, %get3A_369 : vector<16xf32>
        %neg3A_376 = arith.constant 0.000000e+00 : f32
        %neg3A_377 = vector.broadcast %neg3A_376 : f32 to vector<16xf32>
        %neg3A_378 = arith.subf %neg3A_377, %add3A_375 : vector<16xf32>
        %exp3A_379 = math.exp %neg3A_378 : vector<16xf32>
        %add3A_380 = arith.constant 1.000000e+00 : f32
        %add3A_381 = vector.broadcast %add3A_380 : f32 to vector<16xf32>
        %add3A_382 = arith.addf %add3A_381, %exp3A_379 : vector<16xf32>
        %div3A_383 = arith.constant 1.000000e+00 : f32
        %div3A_384 = vector.broadcast %div3A_383 : f32 to vector<16xf32>
        %div3A_385 = arith.divf %div3A_384, %add3A_382 : vector<16xf32>
        %mul3A_386 = arith.mulf %div3A_385, %get3A_361 : vector<16xf32>
        %swap3A_387 = arith.index_cast %scan3A_306 : i32 to index
        %swap3A_388 = arith.constant 16 : index
        %swap3A_389 = tpu.vector_load %arg15[%swap3A_387, %swap3A_388] {strides = array<i32>} : memref<32x128xf32, #tpu.memory_space<vmem>>, vector<1x16xf32>,
        %swap3A_390 = vector.shape_cast %swap3A_389 : vector<1x16xf32> to vector<16xf32>
        %swap3A_391 = vector.shape_cast %mul3A_386 : vector<16xf32> to vector<1x16xf32>
        tpu.vector_store %arg15[%swap3A_387, %swap3A_388], %swap3A_391 {strides = array<i32>} : memref<32x128xf32, #tpu.memory_space<vmem>>, vector<1x16xf32>,
        %swap3A_392 = arith.index_cast %scan3A_306 : i32 to index
        %swap3A_393 = arith.constant 80 : index
        %swap3A_394 = tpu.vector_load %arg15[%swap3A_392, %swap3A_393] {strides = array<i32>} : memref<32x128xf32, #tpu.memory_space<vmem>>, vector<1x16xf32>,
        %swap3A_395 = vector.shape_cast %swap3A_394 : vector<1x16xf32> to vector<16xf32>
        %swap3A_396 = vector.shape_cast %div3A_385 : vector<16xf32> to vector<1x16xf32>
        tpu.vector_store %arg15[%swap3A_392, %swap3A_393], %swap3A_396 {strides = array<i32>} : memref<32x128xf32, #tpu.memory_space<vmem>>, vector<1x16xf32>,
        %max3A_397 = arith.constant 0.000000e+00 : f32
        %max3A_398 = vector.broadcast %max3A_397 : f32 to vector<16xf32>
        %max3A_399 = arith.maximumf %add3A_375, %max3A_398 : vector<16xf32>
        %swap3A_400 = arith.index_cast %scan3A_306 : i32 to index
        %swap3A_401 = arith.constant 16 : index
        %swap3A_402 = tpu.vector_load %arg19[%swap3A_400, %swap3A_401] {strides = array<i32>} : memref<32x64xf32, #tpu.memory_space<vmem>>, vector<1x16xf32>,
        %swap3A_403 = vector.shape_cast %swap3A_402 : vector<1x16xf32> to vector<16xf32>
        %swap3A_404 = vector.shape_cast %max3A_399 : vector<16xf32> to vector<1x16xf32>
        tpu.vector_store %arg19[%swap3A_400, %swap3A_401], %swap3A_404 {strides = array<i32>} : memref<32x64xf32, #tpu.memory_space<vmem>>, vector<1x16xf32>,
        %get3A_405 = arith.index_cast %scan3A_306 : i32 to index
        %get3A_406 = arith.constant 32 : index
        %get3A_407 = tpu.vector_load %arg15[%get3A_405, %get3A_406] {strides = array<i32>} : memref<32x128xf32, #tpu.memory_space<vmem>>, vector<1x16xf32>,
        %get3A_408 = vector.shape_cast %get3A_407 : vector<1x16xf32> to vector<16xf32>
        %get3A_409 = arith.index_cast %scan3A_306 : i32 to index
        %get3A_410 = arith.constant 96 : index
        %get3A_411 = tpu.vector_load %arg15[%get3A_409, %get3A_410] {strides = array<i32>} : memref<32x128xf32, #tpu.memory_space<vmem>>, vector<1x16xf32>,
        %get3A_412 = vector.shape_cast %get3A_411 : vector<1x16xf32> to vector<16xf32>
        %mul3A_413 = arith.constant 64 : i32
        %mul3A_414 = arith.muli %arg0, %mul3A_413 : i32
        %add3A_415 = arith.constant 32 : i32
        %add3A_416 = arith.addi %mul3A_414, %add3A_415 : i32
        %get3A_417 = arith.index_cast %scan3A_306 : i32 to index
        %get3A_418 = arith.index_cast %add3A_416 : i32 to index
        %get3A_419 = tpu.vector_load %arg17[%get3A_417, %get3A_418] {strides = array<i32>} : memref<32x128xf32, #tpu.memory_space<vmem>>, vector<1x16xf32>,
        %get3A_420 = vector.shape_cast %get3A_419 : vector<1x16xf32> to vector<16xf32>
        %get3A_421 = arith.index_cast %scan3A_306 : i32 to index
        %get3A_422 = arith.constant 32 : index
        %get3A_423 = tpu.vector_load %arg19[%get3A_421, %get3A_422] {strides = array<i32>} : memref<32x64xf32, #tpu.memory_space<vmem>>, vector<1x16xf32>,
        %get3A_424 = vector.shape_cast %get3A_423 : vector<1x16xf32> to vector<16xf32>
        %add3A_425 = arith.addf %get3A_424, %get3A_408 : vector<16xf32>
        %add3A_426 = arith.addf %add3A_425, %get3A_420 : vector<16xf32>
        %neg3A_427 = arith.constant 0.000000e+00 : f32
        %neg3A_428 = vector.broadcast %neg3A_427 : f32 to vector<16xf32>
        %neg3A_429 = arith.subf %neg3A_428, %add3A_426 : vector<16xf32>
        %exp3A_430 = math.exp %neg3A_429 : vector<16xf32>
        %add3A_431 = arith.constant 1.000000e+00 : f32
        %add3A_432 = vector.broadcast %add3A_431 : f32 to vector<16xf32>
        %add3A_433 = arith.addf %add3A_432, %exp3A_430 : vector<16xf32>
        %div3A_434 = arith.constant 1.000000e+00 : f32
        %div3A_435 = vector.broadcast %div3A_434 : f32 to vector<16xf32>
        %div3A_436 = arith.divf %div3A_435, %add3A_433 : vector<16xf32>
        %mul3A_437 = arith.mulf %div3A_436, %get3A_412 : vector<16xf32>
        %swap3A_438 = arith.index_cast %scan3A_306 : i32 to index
        %swap3A_439 = arith.constant 32 : index
        %swap3A_440 = tpu.vector_load %arg15[%swap3A_438, %swap3A_439] {strides = array<i32>} : memref<32x128xf32, #tpu.memory_space<vmem>>, vector<1x16xf32>,
        %swap3A_441 = vector.shape_cast %swap3A_440 : vector<1x16xf32> to vector<16xf32>
        %swap3A_442 = vector.shape_cast %mul3A_437 : vector<16xf32> to vector<1x16xf32>
        tpu.vector_store %arg15[%swap3A_438, %swap3A_439], %swap3A_442 {strides = array<i32>} : memref<32x128xf32, #tpu.memory_space<vmem>>, vector<1x16xf32>,
        %swap3A_443 = arith.index_cast %scan3A_306 : i32 to index
        %swap3A_444 = arith.constant 96 : index
        %swap3A_445 = tpu.vector_load %arg15[%swap3A_443, %swap3A_444] {strides = array<i32>} : memref<32x128xf32, #tpu.memory_space<vmem>>, vector<1x16xf32>,
        %swap3A_446 = vector.shape_cast %swap3A_445 : vector<1x16xf32> to vector<16xf32>
        %swap3A_447 = vector.shape_cast %div3A_436 : vector<16xf32> to vector<1x16xf32>
        tpu.vector_store %arg15[%swap3A_443, %swap3A_444], %swap3A_447 {strides = array<i32>} : memref<32x128xf32, #tpu.memory_space<vmem>>, vector<1x16xf32>,
        %max3A_448 = arith.constant 0.000000e+00 : f32
        %max3A_449 = vector.broadcast %max3A_448 : f32 to vector<16xf32>
        %max3A_450 = arith.maximumf %add3A_426, %max3A_449 : vector<16xf32>
        %swap3A_451 = arith.index_cast %scan3A_306 : i32 to index
        %swap3A_452 = arith.constant 32 : index
        %swap3A_453 = tpu.vector_load %arg19[%swap3A_451, %swap3A_452] {strides = array<i32>} : memref<32x64xf32, #tpu.memory_space<vmem>>, vector<1x16xf32>,
        %swap3A_454 = vector.shape_cast %swap3A_453 : vector<1x16xf32> to vector<16xf32>
        %swap3A_455 = vector.shape_cast %max3A_450 : vector<16xf32> to vector<1x16xf32>
        tpu.vector_store %arg19[%swap3A_451, %swap3A_452], %swap3A_455 {strides = array<i32>} : memref<32x64xf32, #tpu.memory_space<vmem>>, vector<1x16xf32>,
        %get3A_456 = arith.index_cast %scan3A_306 : i32 to index
        %get3A_457 = arith.constant 48 : index
        %get3A_458 = tpu.vector_load %arg15[%get3A_456, %get3A_457] {strides = array<i32>} : memref<32x128xf32, #tpu.memory_space<vmem>>, vector<1x16xf32>,
        %get3A_459 = vector.shape_cast %get3A_458 : vector<1x16xf32> to vector<16xf32>
        %get3A_460 = arith.index_cast %scan3A_306 : i32 to index
        %get3A_461 = arith.constant 112 : index
        %get3A_462 = tpu.vector_load %arg15[%get3A_460, %get3A_461] {strides = array<i32>} : memref<32x128xf32, #tpu.memory_space<vmem>>, vector<1x16xf32>,
        %get3A_463 = vector.shape_cast %get3A_462 : vector<1x16xf32> to vector<16xf32>
        %mul3A_464 = arith.constant 64 : i32
        %mul3A_465 = arith.muli %arg0, %mul3A_464 : i32
        %add3A_466 = arith.constant 48 : i32
        %add3A_467 = arith.addi %mul3A_465, %add3A_466 : i32
        %get3A_468 = arith.index_cast %scan3A_306 : i32 to index
        %get3A_469 = arith.index_cast %add3A_467 : i32 to index
        %get3A_470 = tpu.vector_load %arg17[%get3A_468, %get3A_469] {strides = array<i32>} : memref<32x128xf32, #tpu.memory_space<vmem>>, vector<1x16xf32>,
        %get3A_471 = vector.shape_cast %get3A_470 : vector<1x16xf32> to vector<16xf32>
        %get3A_472 = arith.index_cast %scan3A_306 : i32 to index
        %get3A_473 = arith.constant 48 : index
        %get3A_474 = tpu.vector_load %arg19[%get3A_472, %get3A_473] {strides = array<i32>} : memref<32x64xf32, #tpu.memory_space<vmem>>, vector<1x16xf32>,
        %get3A_475 = vector.shape_cast %get3A_474 : vector<1x16xf32> to vector<16xf32>
        %add3A_476 = arith.addf %get3A_475, %get3A_459 : vector<16xf32>
        %add3A_477 = arith.addf %add3A_476, %get3A_471 : vector<16xf32>
        %neg3A_478 = arith.constant 0.000000e+00 : f32
        %neg3A_479 = vector.broadcast %neg3A_478 : f32 to vector<16xf32>
        %neg3A_480 = arith.subf %neg3A_479, %add3A_477 : vector<16xf32>
        %exp3A_481 = math.exp %neg3A_480 : vector<16xf32>
        %add3A_482 = arith.constant 1.000000e+00 : f32
        %add3A_483 = vector.broadcast %add3A_482 : f32 to vector<16xf32>
        %add3A_484 = arith.addf %add3A_483, %exp3A_481 : vector<16xf32>
        %div3A_485 = arith.constant 1.000000e+00 : f32
        %div3A_486 = vector.broadcast %div3A_485 : f32 to vector<16xf32>
        %div3A_487 = arith.divf %div3A_486, %add3A_484 : vector<16xf32>
        %mul3A_488 = arith.mulf %div3A_487, %get3A_463 : vector<16xf32>
        %swap3A_489 = arith.index_cast %scan3A_306 : i32 to index
        %swap3A_490 = arith.constant 48 : index
        %swap3A_491 = tpu.vector_load %arg15[%swap3A_489, %swap3A_490] {strides = array<i32>} : memref<32x128xf32, #tpu.memory_space<vmem>>, vector<1x16xf32>,
        %swap3A_492 = vector.shape_cast %swap3A_491 : vector<1x16xf32> to vector<16xf32>
        %swap3A_493 = vector.shape_cast %mul3A_488 : vector<16xf32> to vector<1x16xf32>
        tpu.vector_store %arg15[%swap3A_489, %swap3A_490], %swap3A_493 {strides = array<i32>} : memref<32x128xf32, #tpu.memory_space<vmem>>, vector<1x16xf32>,
        %swap3A_494 = arith.index_cast %scan3A_306 : i32 to index
        %swap3A_495 = arith.constant 112 : index
        %swap3A_496 = tpu.vector_load %arg15[%swap3A_494, %swap3A_495] {strides = array<i32>} : memref<32x128xf32, #tpu.memory_space<vmem>>, vector<1x16xf32>,
        %swap3A_497 = vector.shape_cast %swap3A_496 : vector<1x16xf32> to vector<16xf32>
        %swap3A_498 = vector.shape_cast %div3A_487 : vector<16xf32> to vector<1x16xf32>
        tpu.vector_store %arg15[%swap3A_494, %swap3A_495], %swap3A_498 {strides = array<i32>} : memref<32x128xf32, #tpu.memory_space<vmem>>, vector<1x16xf32>,
        %max3A_499 = arith.constant 0.000000e+00 : f32
        %max3A_500 = vector.broadcast %max3A_499 : f32 to vector<16xf32>
        %max3A_501 = arith.maximumf %add3A_477, %max3A_500 : vector<16xf32>
        %swap3A_502 = arith.index_cast %scan3A_306 : i32 to index
        %swap3A_503 = arith.constant 48 : index
        %swap3A_504 = tpu.vector_load %arg19[%swap3A_502, %swap3A_503] {strides = array<i32>} : memref<32x64xf32, #tpu.memory_space<vmem>>, vector<1x16xf32>,
        %swap3A_505 = vector.shape_cast %swap3A_504 : vector<1x16xf32> to vector<16xf32>
        %swap3A_506 = vector.shape_cast %max3A_501 : vector<16xf32> to vector<1x16xf32>
        tpu.vector_store %arg19[%swap3A_502, %swap3A_503], %swap3A_506 {strides = array<i32>} : memref<32x64xf32, #tpu.memory_space<vmem>>, vector<1x16xf32>,
      }
      %scan3A_305 = arith.constant 32 : i32
    }
    %scan3A_105 = arith.constant 312 : i32
    %add3A_106 = arith.constant 19968 : i32
    %add3A_107 = arith.addi %mul3A_38, %add3A_106 : i32
    %multiple_of3A_108 = tpu.assume_multiple %add3A_107, 32 : i32
    %dma_start3A_109 = arith.constant 0 : i32
    %dma_start3A_110 = tpu.memref_slice %arg8[%arg0, %multiple_of3A_108, %dma_start3A_109] : memref<2x320000x64xf32, #tpu.memory_space<hbm>> -> memref<1x32x64xf32, #tpu.memory_space<hbm>>
    %dma_start3A_111 = tpu.memref_squeeze %dma_start3A_110 : memref<1x32x64xf32, #tpu.memory_space<hbm>> -> memref<32x64xf32, #tpu.memory_space<hbm>>
    %dma_start3A_112 = arith.constant 0 : i32
    %dma_start3A_113 = tpu.memref_slice %arg8[%arg0, %multiple_of3A_108, %dma_start3A_112] : memref<2x320000x64xf32, #tpu.memory_space<hbm>> -> memref<1x32x64xf32, #tpu.memory_space<hbm>>
    %dma_start3A_114 = tpu.memref_squeeze %dma_start3A_113 : memref<1x32x64xf32, #tpu.memory_space<hbm>> -> memref<32x64xf32, #tpu.memory_space<hbm>>
    tpu.enqueue_dma source(%arg19 : memref<32x64xf32, #tpu.memory_space<vmem>>) target(%dma_start3A_114 : memref<32x64xf32, #tpu.memory_space<hbm>>) target_semaphore(%arg25 : memref<!tpu.dma_semaphore, #tpu.memory_space<semaphore_mem>>)
    "tpu.region"() ({
      %run_scoped3A = tpu.sem_alloc : memref<!tpu.dma_semaphore, #tpu.memory_space<semaphore_mem>>
      %dma_start3A_127 = arith.constant 0 : i32
      %dma_start3A_128 = arith.constant 0 : i32
      %dma_start3A_129 = tpu.memref_slice %arg22[%dma_start3A_127, %dma_start3A_128] : memref<10000x128xf32, #tpu.memory_space<vmem_shared>> -> memref<10000x128xf32, #tpu.memory_space<vmem_shared>>
      tpu.enqueue_indirect_dma source(%arg15 : memref<32x128xf32, #tpu.memory_space<vmem>>) target(%dma_start3A_129 : memref<10000x128xf32, #tpu.memory_space<vmem_shared>>) offsets(%arg11 : memref<32xi32, #tpu.memory_space<vmem>>) semaphore(%run_scoped3A : memref<!tpu.dma_semaphore, #tpu.memory_space<semaphore_mem>>) {add = true}
      %dma_wait3A_130 = arith.constant 0 : i32
      %dma_wait3A_131 = arith.constant 0 : i32
      %dma_wait3A_132 = tpu.memref_slice %arg22[%dma_wait3A_130, %dma_wait3A_131] : memref<10000x128xf32, #tpu.memory_space<vmem_shared>> -> memref<10000x128xf32, #tpu.memory_space<vmem_shared>>
      tpu.wait_indirect_dma semaphore(%run_scoped3A : memref<!tpu.dma_semaphore, #tpu.memory_space<semaphore_mem>>) src(%arg15 : memref<32x128xf32, #tpu.memory_space<vmem>>) dst(%dma_wait3A_132 : memref<10000x128xf32, #tpu.memory_space<vmem_shared>>)
      tpu.yield
    }) : () -> ()
    %dma_wait3A_115 = arith.constant 0 : i32
    %dma_wait3A_116 = tpu.memref_slice %arg8[%arg0, %multiple_of3A_108, %dma_wait3A_115] : memref<2x320000x64xf32, #tpu.memory_space<hbm>> -> memref<1x32x64xf32, #tpu.memory_space<hbm>>
    %dma_wait3A_117 = tpu.memref_squeeze %dma_wait3A_116 : memref<1x32x64xf32, #tpu.memory_space<hbm>> -> memref<32x64xf32, #tpu.memory_space<hbm>>
    %dma_wait3A_118 = arith.constant 0 : i32
    %dma_wait3A_119 = tpu.memref_slice %arg8[%arg0, %multiple_of3A_108, %dma_wait3A_118] : memref<2x320000x64xf32, #tpu.memory_space<hbm>> -> memref<1x32x64xf32, #tpu.memory_space<hbm>>
    %dma_wait3A_120 = tpu.memref_squeeze %dma_wait3A_119 : memref<1x32x64xf32, #tpu.memory_space<hbm>> -> memref<32x64xf32, #tpu.memory_space<hbm>>
    tpu.wait_dma2 semaphore(%arg25 : memref<!tpu.dma_semaphore, #tpu.memory_space<semaphore_mem>>) src(%arg19 : memref<32x64xf32, #tpu.memory_space<vmem>>) dst(%dma_wait3A_120 : memref<32x64xf32, #tpu.memory_space<hbm>>)
    %barrier3A_121 = arith.constant 0 : index
    tpu.barrier barrier_id(%barrier3A_121)
    "tpu.region"() ({
      %run_scoped3A = tpu.sem_alloc : memref<!tpu.dma_semaphore, #tpu.memory_space<semaphore_mem>>
      %dma_start3A_127 = arith.constant 0 : i32
      %dma_start3A_128 = tpu.memref_slice %arg7[%arg0, %multiple_of3A, %dma_start3A_127] : memref<2x10000x128xf32, #tpu.memory_space<hbm>> -> memref<1x624x128xf32, #tpu.memory_space<hbm>>
      %dma_start3A_129 = tpu.memref_squeeze %dma_start3A_128 : memref<1x624x128xf32, #tpu.memory_space<hbm>> -> memref<624x128xf32, #tpu.memory_space<hbm>>
      %dma_start3A_130 = arith.constant 0 : i32
      %dma_start3A_131 = tpu.memref_slice %arg22[%multiple_of3A, %dma_start3A_130] : memref<10000x128xf32, #tpu.memory_space<vmem_shared>> -> memref<624x128xf32, #tpu.memory_space<vmem_shared>>
      tpu.enqueue_dma source(%dma_start3A_131 : memref<624x128xf32, #tpu.memory_space<vmem_shared>>) target(%dma_start3A_129 : memref<624x128xf32, #tpu.memory_space<hbm>>) target_semaphore(%run_scoped3A : memref<!tpu.dma_semaphore, #tpu.memory_space<semaphore_mem>>)
      %dma_wait3A_132 = arith.constant 0 : i32
      %dma_wait3A_133 = tpu.memref_slice %arg7[%arg0, %multiple_of3A, %dma_wait3A_132] : memref<2x10000x128xf32, #tpu.memory_space<hbm>> -> memref<1x624x128xf32, #tpu.memory_space<hbm>>
      %dma_wait3A_134 = tpu.memref_squeeze %dma_wait3A_133 : memref<1x624x128xf32, #tpu.memory_space<hbm>> -> memref<624x128xf32, #tpu.memory_space<hbm>>
      %dma_wait3A_135 = arith.constant 0 : i32
      %dma_wait3A_136 = tpu.memref_slice %arg22[%multiple_of3A, %dma_wait3A_135] : memref<10000x128xf32, #tpu.memory_space<vmem_shared>> -> memref<624x128xf32, #tpu.memory_space<vmem_shared>>
      tpu.wait_dma2 semaphore(%run_scoped3A : memref<!tpu.dma_semaphore, #tpu.memory_space<semaphore_mem>>) src(%dma_wait3A_136 : memref<624x128xf32, #tpu.memory_space<vmem_shared>>) dst(%dma_wait3A_134 : memref<624x128xf32, #tpu.memory_space<hbm>>)
      tpu.yield
    }) : () -> ()
    %eq3A_122 = arith.constant 15 : i32
    %eq3A_123 = arith.cmpi eq, %arg1, %eq3A_122 : i32
    %convert_element_type3A_124 = arith.extui %eq3A_123 : i1 to i32
    %cond3A_125 = arith.constant 0 : i32
    %cond3A_126 = arith.cmpi ne, %convert_element_type3A_124, %cond3A_125 : i32
    scf.if %cond3A_126 {
      "tpu.region"() ({
        %run_scoped3A = tpu.sem_alloc : memref<!tpu.dma_semaphore, #tpu.memory_space<semaphore_mem>>
        %dma_start3A_127 = arith.constant 9984 : i32
        %dma_start3A_128 = arith.constant 0 : i32
        %dma_start3A_129 = tpu.memref_slice %arg7[%arg0, %dma_start3A_127, %dma_start3A_128] : memref<2x10000x128xf32, #tpu.memory_space<hbm>> -> memref<1x16x128xf32, #tpu.memory_space<hbm>>
        %dma_start3A_130 = tpu.memref_squeeze %dma_start3A_129 : memref<1x16x128xf32, #tpu.memory_space<hbm>> -> memref<16x128xf32, #tpu.memory_space<hbm>>
        %dma_start3A_131 = arith.constant 9984 : i32
        %dma_start3A_132 = arith.constant 0 : i32
        %dma_start3A_133 = tpu.memref_slice %arg22[%dma_start3A_131, %dma_start3A_132] : memref<10000x128xf32, #tpu.memory_space<vmem_shared>> -> memref<16x128xf32, #tpu.memory_space<vmem_shared>>
        tpu.enqueue_dma source(%dma_start3A_133 : memref<16x128xf32, #tpu.memory_space<vmem_shared>>) target(%dma_start3A_130 : memref<16x128xf32, #tpu.memory_space<hbm>>) target_semaphore(%run_scoped3A : memref<!tpu.dma_semaphore, #tpu.memory_space<semaphore_mem>>)
        %dma_wait3A_134 = arith.constant 9984 : i32
        %dma_wait3A_135 = arith.constant 0 : i32
        %dma_wait3A_136 = tpu.memref_slice %arg7[%arg0, %dma_wait3A_134, %dma_wait3A_135] : memref<2x10000x128xf32, #tpu.memory_space<hbm>> -> memref<1x16x128xf32, #tpu.memory_space<hbm>>
        %dma_wait3A_137 = tpu.memref_squeeze %dma_wait3A_136 : memref<1x16x128xf32, #tpu.memory_space<hbm>> -> memref<16x128xf32, #tpu.memory_space<hbm>>
        %dma_wait3A_138 = arith.constant 9984 : i32
        %dma_wait3A_139 = arith.constant 0 : i32
        %dma_wait3A_140 = tpu.memref_slice %arg22[%dma_wait3A_138, %dma_wait3A_139] : memref<10000x128xf32, #tpu.memory_space<vmem_shared>> -> memref<16x128xf32, #tpu.memory_space<vmem_shared>>
        tpu.wait_dma2 semaphore(%run_scoped3A : memref<!tpu.dma_semaphore, #tpu.memory_space<semaphore_mem>>) src(%dma_wait3A_140 : memref<16x128xf32, #tpu.memory_space<vmem_shared>>) dst(%dma_wait3A_137 : memref<16x128xf32, #tpu.memory_space<hbm>>)
        tpu.yield
      }) : () -> ()
    } else {
    }
    return
  }
}

module attributes {stable_mosaic.version = 14 : i64} {
  func.func @_t1_body(%arg0: i32, %arg1: memref<400x144xf32, #tpu.memory_space<vmem>>, %arg2: memref<144x128xf32, #tpu.memory_space<vmem>>, %arg3: memref<1x128xf32, #tpu.memory_space<vmem>>, %arg4: memref<128x512xf32, #tpu.memory_space<vmem>>, %arg5: memref<1x512xf32, #tpu.memory_space<vmem>>, %arg6: memref<400x128xf32, #tpu.memory_space<vmem>>, %arg7: memref<400x128xf32, #tpu.memory_space<vmem>>, %arg8: memref<2x400x128xf32, #tpu.memory_space<vmem>>, %arg9: memref<400x128xf32, #tpu.memory_space<vmem>>) attributes {dimension_semantics = [#tpu.dimension_semantics<arbitrary>], iteration_bounds = array<i64: 25>, scalar_prefetch = 0 : i64, scratch_operands = 0 : i64, tpu.core_type = #tpu.core_type<tc>, window_params = [{transform_indices = @transform_0, window_bounds = array<i64: 400, 144>}, {pipeline_mode = #tpu.pipeline_mode<synchronous>, transform_indices = @transform_1, window_bounds = array<i64: 144, 128>}, {pipeline_mode = #tpu.pipeline_mode<synchronous>, transform_indices = @transform_2, window_bounds = array<i64: 1, 128>}, {pipeline_mode = #tpu.pipeline_mode<synchronous>, transform_indices = @transform_3, window_bounds = array<i64: 128, 512>}, {pipeline_mode = #tpu.pipeline_mode<synchronous>, transform_indices = @transform_4, window_bounds = array<i64: 1, 512>}, {transform_indices = @transform_5, window_bounds = array<i64: 400, 128>}, {transform_indices = @transform_6, window_bounds = array<i64: 400, 128>}, {transform_indices = @transform_7, window_bounds = array<i64: 2, 400, 128>}, {transform_indices = @transform_8, window_bounds = array<i64: 400, 128>}]} {
    %get3A = arith.constant 0 : index
    %get3A_0 = arith.constant 0 : index
    %get3A_1 = vector.load %arg1[%get3A, %get3A_0] : memref<400x144xf32, #tpu.memory_space<vmem>>, vector<400x144xf32>
    %get3A_2 = arith.constant 0 : index
    %get3A_3 = arith.constant 0 : index
    %get3A_4 = vector.load %arg2[%get3A_2, %get3A_3] : memref<144x128xf32, #tpu.memory_space<vmem>>, vector<144x128xf32>
    %dot_general3A = arith.constant dense<0.000000e+00> : vector<400x128xf32>
    %dot_general3A_5 = tpu.matmul %get3A_1, %get3A_4, %dot_general3A {dimension_numbers = #tpu.dot_dimension_numbers<[1], [0], [0], [1], [0, 0, 1, 1], [], []>, transpose_lhs_hint = false} : vector<400x144xf32>, vector<144x128xf32>, vector<400x128xf32> -> vector<400x128xf32>
    %get3A_6 = arith.constant 0 : index
    %get3A_7 = arith.constant 0 : index
    %get3A_8 = vector.load %arg3[%get3A_6, %get3A_7] : memref<1x128xf32, #tpu.memory_space<vmem>>, vector<1x128xf32>
    %add3A = vector.broadcast %get3A_8 : vector<1x128xf32> to vector<400x128xf32>
    %add3A_9 = arith.addf %dot_general3A_5, %add3A : vector<400x128xf32>
    %get3A_10 = arith.constant 0 : index
    %get3A_11 = arith.constant 0 : index
    %get3A_12 = vector.load %arg4[%get3A_10, %get3A_11] : memref<128x512xf32, #tpu.memory_space<vmem>>, vector<128x512xf32>
    %dot_general3A_13 = arith.constant dense<0.000000e+00> : vector<400x512xf32>
    %dot_general3A_14 = tpu.matmul %add3A_9, %get3A_12, %dot_general3A_13 {dimension_numbers = #tpu.dot_dimension_numbers<[1], [0], [0], [1], [0, 0, 1, 1], [], []>, transpose_lhs_hint = false} : vector<400x128xf32>, vector<128x512xf32>, vector<400x512xf32> -> vector<400x512xf32>
    %get3A_15 = arith.constant 0 : index
    %get3A_16 = arith.constant 0 : index
    %get3A_17 = vector.load %arg5[%get3A_15, %get3A_16] : memref<1x512xf32, #tpu.memory_space<vmem>>, vector<1x512xf32>
    %add3A_18 = vector.broadcast %get3A_17 : vector<1x512xf32> to vector<400x512xf32>
    %add3A_19 = arith.addf %dot_general3A_14, %add3A_18 : vector<400x512xf32>
    %swap3A = arith.constant 0 : index
    %swap3A_20 = arith.constant 0 : index
    %swap3A_21 = vector.load %arg6[%swap3A, %swap3A_20] : memref<400x128xf32, #tpu.memory_space<vmem>>, vector<400x128xf32>
    tpu.vector_store %arg6[%swap3A, %swap3A_20], %add3A_9 {strides = array<i32>} : memref<400x128xf32, #tpu.memory_space<vmem>>, vector<400x128xf32>,
    %slice3A = vector.extract_strided_slice %add3A_19 {offsets = [0, 0], sizes = [400, 128], strides = [1, 1]} : vector<400x512xf32> to vector<400x128xf32>
    %swap3A_22 = arith.constant 0 : index
    %swap3A_23 = arith.constant 0 : index
    %swap3A_24 = vector.load %arg7[%swap3A_22, %swap3A_23] : memref<400x128xf32, #tpu.memory_space<vmem>>, vector<400x128xf32>
    tpu.vector_store %arg7[%swap3A_22, %swap3A_23], %slice3A {strides = array<i32>} : memref<400x128xf32, #tpu.memory_space<vmem>>, vector<400x128xf32>,
    %slice3A_25 = vector.extract_strided_slice %add3A_19 {offsets = [0, 128], sizes = [400, 128], strides = [1, 1]} : vector<400x512xf32> to vector<400x128xf32>
    %slice3A_26 = vector.extract_strided_slice %add3A_19 {offsets = [0, 256], sizes = [400, 128], strides = [1, 1]} : vector<400x512xf32> to vector<400x128xf32>
    %slice3A_27 = vector.extract_strided_slice %add3A_19 {offsets = [0, 384], sizes = [400, 128], strides = [1, 1]} : vector<400x512xf32> to vector<400x128xf32>
    %slice3A_28 = vector.extract_strided_slice %slice3A_26 {offsets = [0, 0], sizes = [400, 64], strides = [1, 1]} : vector<400x128xf32> to vector<400x64xf32>
    %slice3A_29 = vector.extract_strided_slice %slice3A_25 {offsets = [0, 0], sizes = [400, 64], strides = [1, 1]} : vector<400x128xf32> to vector<400x64xf32>
    %concatenate3A = tpu.concatenate %slice3A_28, %slice3A_29 in 1 : vector<400x64xf32>, vector<400x64xf32> -> vector<400x128xf32>
    %slice3A_30 = vector.extract_strided_slice %slice3A_26 {offsets = [0, 64], sizes = [400, 64], strides = [1, 1]} : vector<400x128xf32> to vector<400x64xf32>
    %slice3A_31 = vector.extract_strided_slice %slice3A_25 {offsets = [0, 64], sizes = [400, 64], strides = [1, 1]} : vector<400x128xf32> to vector<400x64xf32>
    %concatenate3A_32 = tpu.concatenate %slice3A_30, %slice3A_31 in 1 : vector<400x64xf32>, vector<400x64xf32> -> vector<400x128xf32>
    %stack3A = vector.shape_cast %concatenate3A : vector<400x128xf32> to vector<1x400x128xf32>
    %stack3A_33 = vector.shape_cast %concatenate3A_32 : vector<400x128xf32> to vector<1x400x128xf32>
    %stack3A_34 = tpu.concatenate %stack3A, %stack3A_33 in 0 : vector<1x400x128xf32>, vector<1x400x128xf32> -> vector<2x400x128xf32>
    %swap3A_35 = arith.constant 0 : index
    %swap3A_36 = arith.constant 0 : index
    %swap3A_37 = arith.constant 0 : index
    %swap3A_38 = vector.load %arg8[%swap3A_35, %swap3A_36, %swap3A_37] : memref<2x400x128xf32, #tpu.memory_space<vmem>>, vector<2x400x128xf32>
    tpu.vector_store %arg8[%swap3A_35, %swap3A_36, %swap3A_37], %stack3A_34 {strides = array<i32>} : memref<2x400x128xf32, #tpu.memory_space<vmem>>, vector<2x400x128xf32>,
    %swap3A_39 = arith.constant 0 : index
    %swap3A_40 = arith.constant 0 : index
    %swap3A_41 = vector.load %arg9[%swap3A_39, %swap3A_40] : memref<400x128xf32, #tpu.memory_space<vmem>>, vector<400x128xf32>
    tpu.vector_store %arg9[%swap3A_39, %swap3A_40], %slice3A_27 {strides = array<i32>} : memref<400x128xf32, #tpu.memory_space<vmem>>, vector<400x128xf32>,
    return
  }
  func.func @transform_0(%arg0: i32) -> (i32, i32) {
    %c0_i32 = arith.constant 0 : i32
    %c0_i32_0 = arith.constant 0 : i32
    return %arg0, %c0_i32 : i32, i32
  }
  func.func @transform_1(%arg0: i32) -> (i32, i32) {
    %c0_i32 = arith.constant 0 : i32
    %c0_i32_0 = arith.constant 0 : i32
    %c0_i32_1 = arith.constant 0 : i32
    return %c0_i32, %c0_i32_0 : i32, i32
  }
  func.func @transform_2(%arg0: i32) -> (i32, i32) {
    %c0_i32 = arith.constant 0 : i32
    %c0_i32_0 = arith.constant 0 : i32
    %c0_i32_1 = arith.constant 0 : i32
    return %c0_i32, %c0_i32_0 : i32, i32
  }
  func.func @transform_3(%arg0: i32) -> (i32, i32) {
    %c0_i32 = arith.constant 0 : i32
    %c0_i32_0 = arith.constant 0 : i32
    %c0_i32_1 = arith.constant 0 : i32
    return %c0_i32, %c0_i32_0 : i32, i32
  }
  func.func @transform_4(%arg0: i32) -> (i32, i32) {
    %c0_i32 = arith.constant 0 : i32
    %c0_i32_0 = arith.constant 0 : i32
    %c0_i32_1 = arith.constant 0 : i32
    return %c0_i32, %c0_i32_0 : i32, i32
  }
  func.func @transform_5(%arg0: i32) -> (i32, i32) {
    %c0_i32 = arith.constant 0 : i32
    %c0_i32_0 = arith.constant 0 : i32
    return %arg0, %c0_i32 : i32, i32
  }
  func.func @transform_6(%arg0: i32) -> (i32, i32) {
    %c0_i32 = arith.constant 0 : i32
    %c0_i32_0 = arith.constant 0 : i32
    return %arg0, %c0_i32 : i32, i32
  }
  func.func @transform_7(%arg0: i32) -> (i32, i32, i32) {
    %c0_i32 = arith.constant 0 : i32
    %c0_i32_0 = arith.constant 0 : i32
    %c0_i32_1 = arith.constant 0 : i32
    return %c0_i32, %arg0, %c0_i32_0 : i32, i32, i32
  }
  func.func @transform_8(%arg0: i32) -> (i32, i32) {
    %c0_i32 = arith.constant 0 : i32
    %c0_i32_0 = arith.constant 0 : i32
    return %arg0, %c0_i32 : i32, i32
  }
}

module attributes {stable_mosaic.version = 14 : i64} {
  func.func @_t2_body(%arg0: i32, %arg1: memref<2000x16xf32, #tpu.memory_space<vmem>>, %arg2: memref<16x128xf32, #tpu.memory_space<vmem>>, %arg3: memref<128x128xf32, #tpu.memory_space<vmem>>, %arg4: memref<1x128xf32, #tpu.memory_space<vmem>>, %arg5: memref<1x128xf32, #tpu.memory_space<vmem>>, %arg6: memref<2x2000x64xf32, #tpu.memory_space<vmem>>) attributes {dimension_semantics = [#tpu.dimension_semantics<arbitrary>], iteration_bounds = array<i64: 160>, scalar_prefetch = 0 : i64, scratch_operands = 0 : i64, tpu.core_type = #tpu.core_type<tc>, window_params = [{transform_indices = @transform_0, window_bounds = array<i64: 2000, 16>}, {pipeline_mode = #tpu.pipeline_mode<synchronous>, transform_indices = @transform_1, window_bounds = array<i64: 16, 128>}, {pipeline_mode = #tpu.pipeline_mode<synchronous>, transform_indices = @transform_2, window_bounds = array<i64: 128, 128>}, {pipeline_mode = #tpu.pipeline_mode<synchronous>, transform_indices = @transform_3, window_bounds = array<i64: 1, 128>}, {pipeline_mode = #tpu.pipeline_mode<synchronous>, transform_indices = @transform_4, window_bounds = array<i64: 1, 128>}, {transform_indices = @transform_5, window_bounds = array<i64: 2, 2000, 64>}]} {
    %get3A = arith.constant 0 : index
    %get3A_0 = arith.constant 0 : index
    %get3A_1 = vector.load %arg2[%get3A, %get3A_0] : memref<16x128xf32, #tpu.memory_space<vmem>>, vector<16x128xf32>
    %get3A_2 = arith.constant 0 : index
    %get3A_3 = arith.constant 0 : index
    %get3A_4 = vector.load %arg3[%get3A_2, %get3A_3] : memref<128x128xf32, #tpu.memory_space<vmem>>, vector<128x128xf32>
    %dot_general3A = arith.constant dense<0.000000e+00> : vector<16x128xf32>
    %dot_general3A_5 = tpu.matmul %get3A_1, %get3A_4, %dot_general3A {dimension_numbers = #tpu.dot_dimension_numbers<[1], [0], [0], [1], [0, 0, 1, 1], [], []>, transpose_lhs_hint = false} : vector<16x128xf32>, vector<128x128xf32>, vector<16x128xf32> -> vector<16x128xf32>
    %get3A_6 = arith.constant 0 : index
    %get3A_7 = arith.constant 0 : index
    %get3A_8 = vector.load %arg4[%get3A_6, %get3A_7] : memref<1x128xf32, #tpu.memory_space<vmem>>, vector<1x128xf32>
    %get3A_9 = arith.constant 0 : index
    %get3A_10 = arith.constant 0 : index
    %get3A_11 = vector.load %arg3[%get3A_9, %get3A_10] : memref<128x128xf32, #tpu.memory_space<vmem>>, vector<128x128xf32>
    %dot_general3A_12 = arith.constant dense<0.000000e+00> : vector<1x128xf32>
    %dot_general3A_13 = tpu.matmul %get3A_8, %get3A_11, %dot_general3A_12 {dimension_numbers = #tpu.dot_dimension_numbers<[1], [0], [0], [1], [0, 0, 1, 1], [], []>, transpose_lhs_hint = false} : vector<1x128xf32>, vector<128x128xf32>, vector<1x128xf32> -> vector<1x128xf32>
    %get3A_14 = arith.constant 0 : index
    %get3A_15 = arith.constant 0 : index
    %get3A_16 = vector.load %arg5[%get3A_14, %get3A_15] : memref<1x128xf32, #tpu.memory_space<vmem>>, vector<1x128xf32>
    %add3A = arith.addf %dot_general3A_13, %get3A_16 : vector<1x128xf32>
    %get3A_17 = arith.constant 0 : index
    %get3A_18 = arith.constant 0 : index
    %get3A_19 = vector.load %arg1[%get3A_17, %get3A_18] : memref<2000x16xf32, #tpu.memory_space<vmem>>, vector<2000x16xf32>
    %dot_general3A_20 = arith.constant dense<0.000000e+00> : vector<2000x128xf32>
    %dot_general3A_21 = tpu.matmul %get3A_19, %dot_general3A_5, %dot_general3A_20 {dimension_numbers = #tpu.dot_dimension_numbers<[1], [0], [0], [1], [0, 0, 1, 1], [], []>, transpose_lhs_hint = false} : vector<2000x16xf32>, vector<16x128xf32>, vector<2000x128xf32> -> vector<2000x128xf32>
    %add3A_22 = vector.broadcast %add3A : vector<1x128xf32> to vector<2000x128xf32>
    %add3A_23 = arith.addf %dot_general3A_21, %add3A_22 : vector<2000x128xf32>
    %slice3A = vector.extract_strided_slice %add3A_23 {offsets = [0, 0], sizes = [2000, 64], strides = [1, 1]} : vector<2000x128xf32> to vector<2000x64xf32>
    %slice3A_24 = vector.extract_strided_slice %add3A_23 {offsets = [0, 64], sizes = [2000, 64], strides = [1, 1]} : vector<2000x128xf32> to vector<2000x64xf32>
    %stack3A = vector.shape_cast %slice3A : vector<2000x64xf32> to vector<1x2000x64xf32>
    %stack3A_25 = vector.shape_cast %slice3A_24 : vector<2000x64xf32> to vector<1x2000x64xf32>
    %stack3A_26 = tpu.concatenate %stack3A, %stack3A_25 in 0 : vector<1x2000x64xf32>, vector<1x2000x64xf32> -> vector<2x2000x64xf32>
    %swap3A = arith.constant 0 : index
    %swap3A_27 = arith.constant 0 : index
    %swap3A_28 = arith.constant 0 : index
    %swap3A_29 = vector.load %arg6[%swap3A, %swap3A_27, %swap3A_28] : memref<2x2000x64xf32, #tpu.memory_space<vmem>>, vector<2x2000x64xf32>
    tpu.vector_store %arg6[%swap3A, %swap3A_27, %swap3A_28], %stack3A_26 {strides = array<i32>} : memref<2x2000x64xf32, #tpu.memory_space<vmem>>, vector<2x2000x64xf32>,
    return
  }
  func.func @transform_0(%arg0: i32) -> (i32, i32) {
    %c0_i32 = arith.constant 0 : i32
    %c0_i32_0 = arith.constant 0 : i32
    return %arg0, %c0_i32 : i32, i32
  }
  func.func @transform_1(%arg0: i32) -> (i32, i32) {
    %c0_i32 = arith.constant 0 : i32
    %c0_i32_0 = arith.constant 0 : i32
    %c0_i32_1 = arith.constant 0 : i32
    return %c0_i32, %c0_i32_0 : i32, i32
  }
  func.func @transform_2(%arg0: i32) -> (i32, i32) {
    %c0_i32 = arith.constant 0 : i32
    %c0_i32_0 = arith.constant 0 : i32
    %c0_i32_1 = arith.constant 0 : i32
    return %c0_i32, %c0_i32_0 : i32, i32
  }
  func.func @transform_3(%arg0: i32) -> (i32, i32) {
    %c0_i32 = arith.constant 0 : i32
    %c0_i32_0 = arith.constant 0 : i32
    %c0_i32_1 = arith.constant 0 : i32
    return %c0_i32, %c0_i32_0 : i32, i32
  }
  func.func @transform_4(%arg0: i32) -> (i32, i32) {
    %c0_i32 = arith.constant 0 : i32
    %c0_i32_0 = arith.constant 0 : i32
    %c0_i32_1 = arith.constant 0 : i32
    return %c0_i32, %c0_i32_0 : i32, i32
  }
  func.func @transform_5(%arg0: i32) -> (i32, i32, i32) {
    %c0_i32 = arith.constant 0 : i32
    %c0_i32_0 = arith.constant 0 : i32
    %c0_i32_1 = arith.constant 0 : i32
    return %c0_i32, %arg0, %c0_i32_0 : i32, i32, i32
  }
}

module attributes {stable_mosaic.version = 14 : i64} {
  func.func @_t4_body(%arg0: i32, %arg1: memref<2000x16xf32, #tpu.memory_space<vmem>>, %arg2: memref<2x2000x64xf32, #tpu.memory_space<vmem>>, %arg3: memref<16x128xf32, #tpu.memory_space<vmem>>, %arg4: memref<128x128xf32, #tpu.memory_space<vmem>>, %arg5: memref<1x128xf32, #tpu.memory_space<vmem>>, %arg6: memref<1x128xf32, #tpu.memory_space<vmem>>, %arg7: memref<2x2000x64xf32, #tpu.memory_space<vmem>>) attributes {dimension_semantics = [#tpu.dimension_semantics<arbitrary>], iteration_bounds = array<i64: 160>, scalar_prefetch = 0 : i64, scratch_operands = 0 : i64, tpu.core_type = #tpu.core_type<tc>, window_params = [{transform_indices = @transform_0, window_bounds = array<i64: 2000, 16>}, {transform_indices = @transform_1, window_bounds = array<i64: 2, 2000, 64>}, {pipeline_mode = #tpu.pipeline_mode<synchronous>, transform_indices = @transform_2, window_bounds = array<i64: 16, 128>}, {pipeline_mode = #tpu.pipeline_mode<synchronous>, transform_indices = @transform_3, window_bounds = array<i64: 128, 128>}, {pipeline_mode = #tpu.pipeline_mode<synchronous>, transform_indices = @transform_4, window_bounds = array<i64: 1, 128>}, {pipeline_mode = #tpu.pipeline_mode<synchronous>, transform_indices = @transform_5, window_bounds = array<i64: 1, 128>}, {transform_indices = @transform_6, window_bounds = array<i64: 2, 2000, 64>}]} {
    %get3A = arith.constant 0 : index
    %get3A_0 = arith.constant 0 : index
    %get3A_1 = arith.constant 0 : index
    %get3A_2 = vector.load %arg2[%get3A, %get3A_0, %get3A_1] : memref<2x2000x64xf32, #tpu.memory_space<vmem>>, vector<2x2000x64xf32>
    %get3A_3 = arith.constant 0 : index
    %get3A_4 = arith.constant 0 : index
    %get3A_5 = vector.load %arg1[%get3A_3, %get3A_4] : memref<2000x16xf32, #tpu.memory_space<vmem>>, vector<2000x16xf32>
    %get3A_6 = arith.constant 0 : index
    %get3A_7 = arith.constant 0 : index
    %get3A_8 = vector.load %arg3[%get3A_6, %get3A_7] : memref<16x128xf32, #tpu.memory_space<vmem>>, vector<16x128xf32>
    %dot_general3A = arith.constant dense<0.000000e+00> : vector<2000x128xf32>
    %dot_general3A_9 = tpu.matmul %get3A_5, %get3A_8, %dot_general3A {dimension_numbers = #tpu.dot_dimension_numbers<[1], [0], [0], [1], [0, 0, 1, 1], [], []>, transpose_lhs_hint = false} : vector<2000x16xf32>, vector<16x128xf32>, vector<2000x128xf32> -> vector<2000x128xf32>
    %get3A_10 = arith.constant 0 : index
    %get3A_11 = arith.constant 0 : index
    %get3A_12 = vector.load %arg5[%get3A_10, %get3A_11] : memref<1x128xf32, #tpu.memory_space<vmem>>, vector<1x128xf32>
    %add3A = vector.broadcast %get3A_12 : vector<1x128xf32> to vector<2000x128xf32>
    %add3A_13 = arith.addf %dot_general3A_9, %add3A : vector<2000x128xf32>
    %slice3A = vector.extract_strided_slice %get3A_2 {offsets = [0, 0, 0], sizes = [1, 2000, 64], strides = [1, 1, 1]} : vector<2x2000x64xf32> to vector<1x2000x64xf32>
    %squeeze3A = vector.shape_cast %slice3A : vector<1x2000x64xf32> to vector<2000x64xf32>
    %slice3A_14 = vector.extract_strided_slice %get3A_2 {offsets = [1, 0, 0], sizes = [1, 2000, 64], strides = [1, 1, 1]} : vector<2x2000x64xf32> to vector<1x2000x64xf32>
    %squeeze3A_15 = vector.shape_cast %slice3A_14 : vector<1x2000x64xf32> to vector<2000x64xf32>
    %concatenate3A = tpu.concatenate %squeeze3A, %squeeze3A_15 in 1 : vector<2000x64xf32>, vector<2000x64xf32> -> vector<2000x128xf32>
    %add3A_16 = arith.addf %add3A_13, %concatenate3A : vector<2000x128xf32>
    %get3A_17 = arith.constant 0 : index
    %get3A_18 = arith.constant 0 : index
    %get3A_19 = vector.load %arg4[%get3A_17, %get3A_18] : memref<128x128xf32, #tpu.memory_space<vmem>>, vector<128x128xf32>
    %dot_general3A_20 = arith.constant dense<0.000000e+00> : vector<2000x128xf32>
    %dot_general3A_21 = tpu.matmul %add3A_16, %get3A_19, %dot_general3A_20 {dimension_numbers = #tpu.dot_dimension_numbers<[1], [0], [0], [1], [0, 0, 1, 1], [], []>, transpose_lhs_hint = false} : vector<2000x128xf32>, vector<128x128xf32>, vector<2000x128xf32> -> vector<2000x128xf32>
    %get3A_22 = arith.constant 0 : index
    %get3A_23 = arith.constant 0 : index
    %get3A_24 = vector.load %arg6[%get3A_22, %get3A_23] : memref<1x128xf32, #tpu.memory_space<vmem>>, vector<1x128xf32>
    %add3A_25 = vector.broadcast %get3A_24 : vector<1x128xf32> to vector<2000x128xf32>
    %add3A_26 = arith.addf %dot_general3A_21, %add3A_25 : vector<2000x128xf32>
    %slice3A_27 = vector.extract_strided_slice %add3A_26 {offsets = [0, 0], sizes = [2000, 64], strides = [1, 1]} : vector<2000x128xf32> to vector<2000x64xf32>
    %slice3A_28 = vector.extract_strided_slice %add3A_26 {offsets = [0, 64], sizes = [2000, 64], strides = [1, 1]} : vector<2000x128xf32> to vector<2000x64xf32>
    %stack3A = vector.shape_cast %slice3A_27 : vector<2000x64xf32> to vector<1x2000x64xf32>
    %stack3A_29 = vector.shape_cast %slice3A_28 : vector<2000x64xf32> to vector<1x2000x64xf32>
    %stack3A_30 = tpu.concatenate %stack3A, %stack3A_29 in 0 : vector<1x2000x64xf32>, vector<1x2000x64xf32> -> vector<2x2000x64xf32>
    %swap3A = arith.constant 0 : index
    %swap3A_31 = arith.constant 0 : index
    %swap3A_32 = arith.constant 0 : index
    %swap3A_33 = vector.load %arg7[%swap3A, %swap3A_31, %swap3A_32] : memref<2x2000x64xf32, #tpu.memory_space<vmem>>, vector<2x2000x64xf32>
    tpu.vector_store %arg7[%swap3A, %swap3A_31, %swap3A_32], %stack3A_30 {strides = array<i32>} : memref<2x2000x64xf32, #tpu.memory_space<vmem>>, vector<2x2000x64xf32>,
    return
  }
  func.func @transform_0(%arg0: i32) -> (i32, i32) {
    %c0_i32 = arith.constant 0 : i32
    %c0_i32_0 = arith.constant 0 : i32
    return %arg0, %c0_i32 : i32, i32
  }
  func.func @transform_1(%arg0: i32) -> (i32, i32, i32) {
    %c0_i32 = arith.constant 0 : i32
    %c0_i32_0 = arith.constant 0 : i32
    %c0_i32_1 = arith.constant 0 : i32
    return %c0_i32, %arg0, %c0_i32_0 : i32, i32, i32
  }
  func.func @transform_2(%arg0: i32) -> (i32, i32) {
    %c0_i32 = arith.constant 0 : i32
    %c0_i32_0 = arith.constant 0 : i32
    %c0_i32_1 = arith.constant 0 : i32
    return %c0_i32, %c0_i32_0 : i32, i32
  }
  func.func @transform_3(%arg0: i32) -> (i32, i32) {
    %c0_i32 = arith.constant 0 : i32
    %c0_i32_0 = arith.constant 0 : i32
    %c0_i32_1 = arith.constant 0 : i32
    return %c0_i32, %c0_i32_0 : i32, i32
  }
  func.func @transform_4(%arg0: i32) -> (i32, i32) {
    %c0_i32 = arith.constant 0 : i32
    %c0_i32_0 = arith.constant 0 : i32
    %c0_i32_1 = arith.constant 0 : i32
    return %c0_i32, %c0_i32_0 : i32, i32
  }
  func.func @transform_5(%arg0: i32) -> (i32, i32) {
    %c0_i32 = arith.constant 0 : i32
    %c0_i32_0 = arith.constant 0 : i32
    %c0_i32_1 = arith.constant 0 : i32
    return %c0_i32, %c0_i32_0 : i32, i32
  }
  func.func @transform_6(%arg0: i32) -> (i32, i32, i32) {
    %c0_i32 = arith.constant 0 : i32
    %c0_i32_0 = arith.constant 0 : i32
    %c0_i32_1 = arith.constant 0 : i32
    return %c0_i32, %arg0, %c0_i32_0 : i32, i32, i32
  }
}

module attributes {stable_mosaic.version = 14 : i64} {
  func.func @_t3_body(%arg0: i32, %arg1: memref<400x128xf32, #tpu.memory_space<vmem>>, %arg2: memref<400x128xf32, #tpu.memory_space<vmem>>, %arg3: memref<2x400x128xf32, #tpu.memory_space<vmem>>, %arg4: memref<128x512xf32, #tpu.memory_space<vmem>>, %arg5: memref<1x512xf32, #tpu.memory_space<vmem>>, %arg6: memref<400x128xf32, #tpu.memory_space<vmem>>, %arg7: memref<400x128xf32, #tpu.memory_space<vmem>>, %arg8: memref<2x400x128xf32, #tpu.memory_space<vmem>>, %arg9: memref<400x128xf32, #tpu.memory_space<vmem>>) attributes {dimension_semantics = [#tpu.dimension_semantics<arbitrary>], iteration_bounds = array<i64: 25>, scalar_prefetch = 0 : i64, scratch_operands = 0 : i64, tpu.core_type = #tpu.core_type<tc>, window_params = [{transform_indices = @transform_0, window_bounds = array<i64: 400, 128>}, {transform_indices = @transform_1, window_bounds = array<i64: 400, 128>}, {transform_indices = @transform_2, window_bounds = array<i64: 2, 400, 128>}, {pipeline_mode = #tpu.pipeline_mode<synchronous>, transform_indices = @transform_3, window_bounds = array<i64: 128, 512>}, {pipeline_mode = #tpu.pipeline_mode<synchronous>, transform_indices = @transform_4, window_bounds = array<i64: 1, 512>}, {transform_indices = @transform_5, window_bounds = array<i64: 400, 128>}, {transform_indices = @transform_6, window_bounds = array<i64: 400, 128>}, {transform_indices = @transform_7, window_bounds = array<i64: 2, 400, 128>}, {transform_indices = @transform_8, window_bounds = array<i64: 400, 128>}]} {
    %get3A = arith.constant 0 : index
    %get3A_0 = arith.constant 0 : index
    %get3A_1 = arith.constant 0 : index
    %get3A_2 = vector.load %arg3[%get3A, %get3A_0, %get3A_1] : memref<2x400x128xf32, #tpu.memory_space<vmem>>, vector<2x400x128xf32>
    %slice3A = vector.extract_strided_slice %get3A_2 {offsets = [0, 0, 0], sizes = [1, 400, 64], strides = [1, 1, 1]} : vector<2x400x128xf32> to vector<1x400x64xf32>
    %squeeze3A = vector.shape_cast %slice3A : vector<1x400x64xf32> to vector<400x64xf32>
    %slice3A_3 = vector.extract_strided_slice %get3A_2 {offsets = [1, 0, 0], sizes = [1, 400, 64], strides = [1, 1, 1]} : vector<2x400x128xf32> to vector<1x400x64xf32>
    %squeeze3A_4 = vector.shape_cast %slice3A_3 : vector<1x400x64xf32> to vector<400x64xf32>
    %concatenate3A = tpu.concatenate %squeeze3A, %squeeze3A_4 in 1 : vector<400x64xf32>, vector<400x64xf32> -> vector<400x128xf32>
    %slice3A_5 = vector.extract_strided_slice %get3A_2 {offsets = [0, 0, 64], sizes = [1, 400, 64], strides = [1, 1, 1]} : vector<2x400x128xf32> to vector<1x400x64xf32>
    %squeeze3A_6 = vector.shape_cast %slice3A_5 : vector<1x400x64xf32> to vector<400x64xf32>
    %slice3A_7 = vector.extract_strided_slice %get3A_2 {offsets = [1, 0, 64], sizes = [1, 400, 64], strides = [1, 1, 1]} : vector<2x400x128xf32> to vector<1x400x64xf32>
    %squeeze3A_8 = vector.shape_cast %slice3A_7 : vector<1x400x64xf32> to vector<400x64xf32>
    %concatenate3A_9 = tpu.concatenate %squeeze3A_6, %squeeze3A_8 in 1 : vector<400x64xf32>, vector<400x64xf32> -> vector<400x128xf32>
    %get3A_10 = arith.constant 0 : index
    %get3A_11 = arith.constant 0 : index
    %get3A_12 = vector.load %arg1[%get3A_10, %get3A_11] : memref<400x128xf32, #tpu.memory_space<vmem>>, vector<400x128xf32>
    %get3A_13 = arith.constant 0 : index
    %get3A_14 = arith.constant 0 : index
    %get3A_15 = vector.load %arg2[%get3A_13, %get3A_14] : memref<400x128xf32, #tpu.memory_space<vmem>>, vector<400x128xf32>
    %add3A = arith.constant 9.99999997E-7 : f32
    %add3A_16 = vector.broadcast %add3A : f32 to vector<400x128xf32>
    %add3A_17 = arith.addf %concatenate3A_9, %add3A_16 : vector<400x128xf32>
    %div3A = arith.divf %concatenate3A, %add3A_17 : vector<400x128xf32>
    %add3A_18 = arith.addf %get3A_15, %div3A : vector<400x128xf32>
    %max3A = arith.constant 0.000000e+00 : f32
    %max3A_19 = vector.broadcast %max3A : f32 to vector<400x128xf32>
    %max3A_20 = arith.maximumf %add3A_18, %max3A_19 : vector<400x128xf32>
    %add3A_21 = arith.addf %get3A_12, %max3A_20 : vector<400x128xf32>
    %get3A_22 = arith.constant 0 : index
    %get3A_23 = arith.constant 0 : index
    %get3A_24 = vector.load %arg4[%get3A_22, %get3A_23] : memref<128x512xf32, #tpu.memory_space<vmem>>, vector<128x512xf32>
    %dot_general3A = arith.constant dense<0.000000e+00> : vector<400x512xf32>
    %dot_general3A_25 = tpu.matmul %add3A_21, %get3A_24, %dot_general3A {dimension_numbers = #tpu.dot_dimension_numbers<[1], [0], [0], [1], [0, 0, 1, 1], [], []>, transpose_lhs_hint = false} : vector<400x128xf32>, vector<128x512xf32>, vector<400x512xf32> -> vector<400x512xf32>
    %get3A_26 = arith.constant 0 : index
    %get3A_27 = arith.constant 0 : index
    %get3A_28 = vector.load %arg5[%get3A_26, %get3A_27] : memref<1x512xf32, #tpu.memory_space<vmem>>, vector<1x512xf32>
    %add3A_29 = vector.broadcast %get3A_28 : vector<1x512xf32> to vector<400x512xf32>
    %add3A_30 = arith.addf %dot_general3A_25, %add3A_29 : vector<400x512xf32>
    %swap3A = arith.constant 0 : index
    %swap3A_31 = arith.constant 0 : index
    %swap3A_32 = vector.load %arg6[%swap3A, %swap3A_31] : memref<400x128xf32, #tpu.memory_space<vmem>>, vector<400x128xf32>
    tpu.vector_store %arg6[%swap3A, %swap3A_31], %add3A_21 {strides = array<i32>} : memref<400x128xf32, #tpu.memory_space<vmem>>, vector<400x128xf32>,
    %slice3A_33 = vector.extract_strided_slice %add3A_30 {offsets = [0, 0], sizes = [400, 128], strides = [1, 1]} : vector<400x512xf32> to vector<400x128xf32>
    %swap3A_34 = arith.constant 0 : index
    %swap3A_35 = arith.constant 0 : index
    %swap3A_36 = vector.load %arg7[%swap3A_34, %swap3A_35] : memref<400x128xf32, #tpu.memory_space<vmem>>, vector<400x128xf32>
    tpu.vector_store %arg7[%swap3A_34, %swap3A_35], %slice3A_33 {strides = array<i32>} : memref<400x128xf32, #tpu.memory_space<vmem>>, vector<400x128xf32>,
    %slice3A_37 = vector.extract_strided_slice %add3A_30 {offsets = [0, 128], sizes = [400, 128], strides = [1, 1]} : vector<400x512xf32> to vector<400x128xf32>
    %slice3A_38 = vector.extract_strided_slice %add3A_30 {offsets = [0, 256], sizes = [400, 128], strides = [1, 1]} : vector<400x512xf32> to vector<400x128xf32>
    %slice3A_39 = vector.extract_strided_slice %add3A_30 {offsets = [0, 384], sizes = [400, 128], strides = [1, 1]} : vector<400x512xf32> to vector<400x128xf32>
    %slice3A_40 = vector.extract_strided_slice %slice3A_38 {offsets = [0, 0], sizes = [400, 64], strides = [1, 1]} : vector<400x128xf32> to vector<400x64xf32>
    %slice3A_41 = vector.extract_strided_slice %slice3A_37 {offsets = [0, 0], sizes = [400, 64], strides = [1, 1]} : vector<400x128xf32> to vector<400x64xf32>
    %concatenate3A_42 = tpu.concatenate %slice3A_40, %slice3A_41 in 1 : vector<400x64xf32>, vector<400x64xf32> -> vector<400x128xf32>
    %slice3A_43 = vector.extract_strided_slice %slice3A_38 {offsets = [0, 64], sizes = [400, 64], strides = [1, 1]} : vector<400x128xf32> to vector<400x64xf32>
    %slice3A_44 = vector.extract_strided_slice %slice3A_37 {offsets = [0, 64], sizes = [400, 64], strides = [1, 1]} : vector<400x128xf32> to vector<400x64xf32>
    %concatenate3A_45 = tpu.concatenate %slice3A_43, %slice3A_44 in 1 : vector<400x64xf32>, vector<400x64xf32> -> vector<400x128xf32>
    %stack3A = vector.shape_cast %concatenate3A_42 : vector<400x128xf32> to vector<1x400x128xf32>
    %stack3A_46 = vector.shape_cast %concatenate3A_45 : vector<400x128xf32> to vector<1x400x128xf32>
    %stack3A_47 = tpu.concatenate %stack3A, %stack3A_46 in 0 : vector<1x400x128xf32>, vector<1x400x128xf32> -> vector<2x400x128xf32>
    %swap3A_48 = arith.constant 0 : index
    %swap3A_49 = arith.constant 0 : index
    %swap3A_50 = arith.constant 0 : index
    %swap3A_51 = vector.load %arg8[%swap3A_48, %swap3A_49, %swap3A_50] : memref<2x400x128xf32, #tpu.memory_space<vmem>>, vector<2x400x128xf32>
    tpu.vector_store %arg8[%swap3A_48, %swap3A_49, %swap3A_50], %stack3A_47 {strides = array<i32>} : memref<2x400x128xf32, #tpu.memory_space<vmem>>, vector<2x400x128xf32>,
    %swap3A_52 = arith.constant 0 : index
    %swap3A_53 = arith.constant 0 : index
    %swap3A_54 = vector.load %arg9[%swap3A_52, %swap3A_53] : memref<400x128xf32, #tpu.memory_space<vmem>>, vector<400x128xf32>
    tpu.vector_store %arg9[%swap3A_52, %swap3A_53], %slice3A_39 {strides = array<i32>} : memref<400x128xf32, #tpu.memory_space<vmem>>, vector<400x128xf32>,
    return
  }
  func.func @transform_0(%arg0: i32) -> (i32, i32) {
    %c0_i32 = arith.constant 0 : i32
    %c0_i32_0 = arith.constant 0 : i32
    return %arg0, %c0_i32 : i32, i32
  }
  func.func @transform_1(%arg0: i32) -> (i32, i32) {
    %c0_i32 = arith.constant 0 : i32
    %c0_i32_0 = arith.constant 0 : i32
    return %arg0, %c0_i32 : i32, i32
  }
  func.func @transform_2(%arg0: i32) -> (i32, i32, i32) {
    %c0_i32 = arith.constant 0 : i32
    %c0_i32_0 = arith.constant 0 : i32
    %c0_i32_1 = arith.constant 0 : i32
    return %c0_i32, %arg0, %c0_i32_0 : i32, i32, i32
  }
  func.func @transform_3(%arg0: i32) -> (i32, i32) {
    %c0_i32 = arith.constant 0 : i32
    %c0_i32_0 = arith.constant 0 : i32
    %c0_i32_1 = arith.constant 0 : i32
    return %c0_i32, %c0_i32_0 : i32, i32
  }
  func.func @transform_4(%arg0: i32) -> (i32, i32) {
    %c0_i32 = arith.constant 0 : i32
    %c0_i32_0 = arith.constant 0 : i32
    %c0_i32_1 = arith.constant 0 : i32
    return %c0_i32, %c0_i32_0 : i32, i32
  }
  func.func @transform_5(%arg0: i32) -> (i32, i32) {
    %c0_i32 = arith.constant 0 : i32
    %c0_i32_0 = arith.constant 0 : i32
    return %arg0, %c0_i32 : i32, i32
  }
  func.func @transform_6(%arg0: i32) -> (i32, i32) {
    %c0_i32 = arith.constant 0 : i32
    %c0_i32_0 = arith.constant 0 : i32
    return %arg0, %c0_i32 : i32, i32
  }
  func.func @transform_7(%arg0: i32) -> (i32, i32, i32) {
    %c0_i32 = arith.constant 0 : i32
    %c0_i32_0 = arith.constant 0 : i32
    %c0_i32_1 = arith.constant 0 : i32
    return %c0_i32, %arg0, %c0_i32_0 : i32, i32, i32
  }
  func.func @transform_8(%arg0: i32) -> (i32, i32) {
    %c0_i32 = arith.constant 0 : i32
    %c0_i32_0 = arith.constant 0 : i32
    return %arg0, %c0_i32 : i32, i32
  }
}

module attributes {stable_mosaic.version = 14 : i64} {
  func.func @_t5_body(%arg0: i32, %arg1: memref<400x128xf32, #tpu.memory_space<vmem>>, %arg2: memref<400x128xf32, #tpu.memory_space<vmem>>, %arg3: memref<2x400x128xf32, #tpu.memory_space<vmem>>, %arg4: memref<128x1xf32, #tpu.memory_space<vmem>>, %arg5: memref<1x1xf32, #tpu.memory_space<vmem>>, %arg6: memref<400x1xf32, #tpu.memory_space<vmem>>) attributes {dimension_semantics = [#tpu.dimension_semantics<arbitrary>], iteration_bounds = array<i64: 25>, scalar_prefetch = 0 : i64, scratch_operands = 0 : i64, tpu.core_type = #tpu.core_type<tc>, window_params = [{transform_indices = @transform_0, window_bounds = array<i64: 400, 128>}, {transform_indices = @transform_1, window_bounds = array<i64: 400, 128>}, {transform_indices = @transform_2, window_bounds = array<i64: 2, 400, 128>}, {pipeline_mode = #tpu.pipeline_mode<synchronous>, transform_indices = @transform_3, window_bounds = array<i64: 128, 1>}, {pipeline_mode = #tpu.pipeline_mode<synchronous>, transform_indices = @transform_4, window_bounds = array<i64: 1, 1>}, {transform_indices = @transform_5, window_bounds = array<i64: 400, 1>}]} {
    %get3A = arith.constant 0 : index
    %get3A_0 = arith.constant 0 : index
    %get3A_1 = arith.constant 0 : index
    %get3A_2 = vector.load %arg3[%get3A, %get3A_0, %get3A_1] : memref<2x400x128xf32, #tpu.memory_space<vmem>>, vector<2x400x128xf32>
    %slice3A = vector.extract_strided_slice %get3A_2 {offsets = [0, 0, 0], sizes = [1, 400, 64], strides = [1, 1, 1]} : vector<2x400x128xf32> to vector<1x400x64xf32>
    %squeeze3A = vector.shape_cast %slice3A : vector<1x400x64xf32> to vector<400x64xf32>
    %slice3A_3 = vector.extract_strided_slice %get3A_2 {offsets = [1, 0, 0], sizes = [1, 400, 64], strides = [1, 1, 1]} : vector<2x400x128xf32> to vector<1x400x64xf32>
    %squeeze3A_4 = vector.shape_cast %slice3A_3 : vector<1x400x64xf32> to vector<400x64xf32>
    %concatenate3A = tpu.concatenate %squeeze3A, %squeeze3A_4 in 1 : vector<400x64xf32>, vector<400x64xf32> -> vector<400x128xf32>
    %slice3A_5 = vector.extract_strided_slice %get3A_2 {offsets = [0, 0, 64], sizes = [1, 400, 64], strides = [1, 1, 1]} : vector<2x400x128xf32> to vector<1x400x64xf32>
    %squeeze3A_6 = vector.shape_cast %slice3A_5 : vector<1x400x64xf32> to vector<400x64xf32>
    %slice3A_7 = vector.extract_strided_slice %get3A_2 {offsets = [1, 0, 64], sizes = [1, 400, 64], strides = [1, 1, 1]} : vector<2x400x128xf32> to vector<1x400x64xf32>
    %squeeze3A_8 = vector.shape_cast %slice3A_7 : vector<1x400x64xf32> to vector<400x64xf32>
    %concatenate3A_9 = tpu.concatenate %squeeze3A_6, %squeeze3A_8 in 1 : vector<400x64xf32>, vector<400x64xf32> -> vector<400x128xf32>
    %get3A_10 = arith.constant 0 : index
    %get3A_11 = arith.constant 0 : index
    %get3A_12 = vector.load %arg1[%get3A_10, %get3A_11] : memref<400x128xf32, #tpu.memory_space<vmem>>, vector<400x128xf32>
    %get3A_13 = arith.constant 0 : index
    %get3A_14 = arith.constant 0 : index
    %get3A_15 = vector.load %arg2[%get3A_13, %get3A_14] : memref<400x128xf32, #tpu.memory_space<vmem>>, vector<400x128xf32>
    %add3A = arith.constant 9.99999997E-7 : f32
    %add3A_16 = vector.broadcast %add3A : f32 to vector<400x128xf32>
    %add3A_17 = arith.addf %concatenate3A_9, %add3A_16 : vector<400x128xf32>
    %div3A = arith.divf %concatenate3A, %add3A_17 : vector<400x128xf32>
    %add3A_18 = arith.addf %get3A_15, %div3A : vector<400x128xf32>
    %max3A = arith.constant 0.000000e+00 : f32
    %max3A_19 = vector.broadcast %max3A : f32 to vector<400x128xf32>
    %max3A_20 = arith.maximumf %add3A_18, %max3A_19 : vector<400x128xf32>
    %add3A_21 = arith.addf %get3A_12, %max3A_20 : vector<400x128xf32>
    %get3A_22 = arith.constant 0 : index
    %get3A_23 = arith.constant 0 : index
    %get3A_24 = vector.load %arg4[%get3A_22, %get3A_23] : memref<128x1xf32, #tpu.memory_space<vmem>>, vector<128x1xf32>
    %dot_general3A = arith.constant dense<0.000000e+00> : vector<400x1xf32>
    %dot_general3A_25 = tpu.matmul %add3A_21, %get3A_24, %dot_general3A {dimension_numbers = #tpu.dot_dimension_numbers<[1], [0], [0], [1], [0, 0, 1, 1], [], []>, transpose_lhs_hint = false} : vector<400x128xf32>, vector<128x1xf32>, vector<400x1xf32> -> vector<400x1xf32>
    %get3A_26 = arith.constant 0 : index
    %get3A_27 = arith.constant 0 : index
    %get3A_28 = vector.load %arg5[%get3A_26, %get3A_27] : memref<1x1xf32, #tpu.memory_space<vmem>>, vector<1x1xf32>
    %add3A_29 = vector.broadcast %get3A_28 : vector<1x1xf32> to vector<400x1xf32>
    %add3A_30 = arith.addf %dot_general3A_25, %add3A_29 : vector<400x1xf32>
    %swap3A = arith.constant 0 : index
    %swap3A_31 = arith.constant 0 : index
    %swap3A_32 = vector.load %arg6[%swap3A, %swap3A_31] : memref<400x1xf32, #tpu.memory_space<vmem>>, vector<400x1xf32>
    tpu.vector_store %arg6[%swap3A, %swap3A_31], %add3A_30 {strides = array<i32>} : memref<400x1xf32, #tpu.memory_space<vmem>>, vector<400x1xf32>,
    return
  }
  func.func @transform_0(%arg0: i32) -> (i32, i32) {
    %c0_i32 = arith.constant 0 : i32
    %c0_i32_0 = arith.constant 0 : i32
    return %arg0, %c0_i32 : i32, i32
  }
  func.func @transform_1(%arg0: i32) -> (i32, i32) {
    %c0_i32 = arith.constant 0 : i32
    %c0_i32_0 = arith.constant 0 : i32
    return %arg0, %c0_i32 : i32, i32
  }
  func.func @transform_2(%arg0: i32) -> (i32, i32, i32) {
    %c0_i32 = arith.constant 0 : i32
    %c0_i32_0 = arith.constant 0 : i32
    %c0_i32_1 = arith.constant 0 : i32
    return %c0_i32, %arg0, %c0_i32_0 : i32, i32, i32
  }
  func.func @transform_3(%arg0: i32) -> (i32, i32) {
    %c0_i32 = arith.constant 0 : i32
    %c0_i32_0 = arith.constant 0 : i32
    %c0_i32_1 = arith.constant 0 : i32
    return %c0_i32, %c0_i32_0 : i32, i32
  }
  func.func @transform_4(%arg0: i32) -> (i32, i32) {
    %c0_i32 = arith.constant 0 : i32
    %c0_i32_0 = arith.constant 0 : i32
    %c0_i32_1 = arith.constant 0 : i32
    return %c0_i32, %c0_i32_0 : i32, i32
  }
  func.func @transform_5(%arg0: i32) -> (i32, i32) {
    %c0_i32 = arith.constant 0 : i32
    %c0_i32_0 = arith.constant 0 : i32
    return %arg0, %c0_i32 : i32, i32
  }
}

</mosaic_0001>

<sc_bundles>
// kernel: kernel.12.cloned.1.call-start
scs
__scs_entry_jumppad:
0x0: {  	(pc) =	sbr.rel $0x88, $3  }
0x1: {  	(tag) =	ssettag $0x0;
	lr =	simm.s32 $0x1  }
0x2: {  	[smem:$0x3F8D] =	sst lr;
	_ =	strace $0xD0000000  }
0x3: {  	_ = 	snop  }
0x4: {  	_ = 	snop  }
0x5: {  	_ = 	snop  }
0x6: {  	_ = 	snop  }
0x7: {  	_ = 	snop  }
__scs_overlays_trampoline_lowered:
0x8: {  	[smem:$0x3F9C] =	sst s0  }
0x9: {  	[smem:$0x3F9D] =	sst s1  }
0xa: {  	[smem:$0x3F9E] =	sst s2  }
0xb: {  	[smem:$0x3F9F] =	sst s3  }
0xc: {  	[smem:$0x3FA0] =	sst s4  }
0xd: {  	[smem:$0x3FA1] =	sst s5  }
0xe: {  	[smem:$0x3FA2] =	sst s6  }
0xf: {  	[smem:$0x3FA3] =	sst s7  }
0x10: {  	[smem:$0x3FA4] =	sst s8  }
0x11: {  	[smem:$0x3FA5] =	sst s9;
	s0 =	simm.s32 @!p0 $0x0  }
0x12: {  	s1 =	sld [smem:$0x3F8B];
	s0 =	simm.s32 @p0 $0x1  }
0x13: {  	[smem:$0x3FA6] =	sst s0;
	s0 =	simm.s32 @!p1 $0x0  }
0x14: {  	s2 =	sld [smem:$0x3F8A];
	s0 =	simm.s32 @p1 $0x1  }
0x15: {  	[smem:$0x3FA7] =	sst s0;
	s0 =	simm.s32 @!p2 $0x0  }
0x16: {  	s3 =	sld [smem:$0x3FDB];
	s0 =	simm.s32 @p2 $0x1  }
0x17: {  	s4 =	simm.s32 $0x1BF5;
	[smem:$0x3FA9] =	sst s0  }
0x18: {  	s0 =	sld [smem:$0x3F8C];
	_ =	swait.ge [sflag:s4], $0x0  }
0x19: {  	s7 =	sld [smem:$0x3F8D]  }
0x1a: {  	s8 =	sadd.s32 $0xFFFFE003, lr  }
0x1b: {  	s9 =	sadd.s32 $0xFFFFFEF7, lr;
	s5 =	simm.s32 $0xFFFFFFFF;
	p2 =	slt.u32 s8, $0xFFFFF086  }
0x1c: {  	p1 =	slt.u32 s9, $0xF7A;
	s5 =	simm.s32 @!p2 $0x0  }
0x1d: {  	s5 =	simm.s32 @p1 $0x1;
	p0 =	seq.s32 s7, s2  }
0x1e: {  	s7 =	smul.u32 @!p0 $0xF7A, s2;
	p2 =	seq.s32 @!p0 s5, $0x0  }
0x1f: {  	s9 =	smul.u32 $0xF7A, s1;
	s8 =	simm.s32 @!p0 $0x1BF5;
	p2 =	por !p2, p0  }
0x20: {  	[sflag:s8] =	ssyncset.s32 @!p0 $0xFFFFF086;
	s6 =	sadd.s32 @!p0 s3, s7;
	s7 =	simm.s32 @!p0 $0x108  }
0x21: {  	s3 =	sadd.s32 s3, s9;
	s6 =	sadd.s32 @!p0 $0x88, s6;
	s7 =	simm.s32 @p2 $0x1082  }
0x22: {  	[simem:s7], [sflag:s8] =	dma.local @!p0 [hbm:s6], $0xF7A  }
0x23: {  	s9 =	sor.u32 $0xD0000000, s2;
	s6 =	simm.s32 $0x108;
	_ =	swait.ge @!p0 [sflag:s8], $0x0  }
0x24: {  	s3 =	sadd.s32 $0x88, s3;
	s6 =	simm.s32 @!p1 $0x1082;
	[sflag:s4] =	ssyncset.s32 $0xFFFFF086  }
0x25: {  	[simem:s6], [sflag:s4] =	dma.local [hbm:s3], $0xF7A  }
0x26: {  	[smem:$0x3F8D] =	sst s1;
	(tag) =	ssettag s2;
	_ =	strace s9  }
0x27: {  	s1 =	sld [smem:$0x3F9D]  }
0x28: {  	s2 =	sld [smem:$0x3F9E]  }
0x29: {  	s4 =	sld [smem:$0x3FA0]  }
0x2a: {  	p0 =	seq.s32 s5, $0x0;
	s5 =	sld [smem:$0x3FA1]  }
0x2b: {  	s6 =	sld [smem:$0x3FA2]  }
0x2c: {  	s7 =	sld [smem:$0x3FA3]  }
0x2d: {  	s3 =	simm.s32 $0x108;
	s8 =	sld [smem:$0x3FA4]  }
0x2e: {  	s3 =	simm.s32 @!p0 $0x1082;
	s9 =	sld [smem:$0x3FA5]  }
0x2f: {  	lr =	sadd.s32 s0, s3;
	s0 =	sld [smem:$0x3F9C]  }
0x30: {  	s3 =	sld [smem:$0x3F9F]  }
0x31: {  	[smem:$0x3FA8] =	sst s10  }
0x32: {  	s10 =	sld [smem:$0x3FA6];
	_ =	sdelay $0x3  }
0x33: {  	p0 =	seq.s32 s10, $0x1;
	s10 =	sld [smem:$0x3FA8];
	_ =	sdelay $0x3  }
0x34: {  	[smem:$0x3FA8] =	sst s10  }
0x35: {  	s10 =	sld [smem:$0x3FA7];
	_ =	sdelay $0x3  }
0x36: {  	p1 =	seq.s32 s10, $0x1;
	s10 =	sld [smem:$0x3FA8];
	_ =	sdelay $0x3  }
0x37: {  	[smem:$0x3FA8] =	sst s10  }
0x38: {  	s10 =	sld [smem:$0x3FA9]  }
0x39: {  	_ = 	snop;
	(pc) =	sbr.ind lr, $3  }
0x3a: {  	_ = 	snop  }
0x3b: {  	_ = 	snop  }
0x3c: {  	p2 =	seq.s32 s10, $0x1;
	s10 =	sld [smem:$0x3FA8]  }
0x3d: {  	_ =	shalt  }
0x3e: {  	_ =	shalt  }
0x3f: {  	_ =	shalt  }
0x40: {  	_ =	shalt  }
0x41: {  	_ =	shalt  }
0x42: {  	_ =	shalt  }
0x43: {  	_ =	shalt  }
0x44: {  	_ =	shalt  }
0x45: {  	_ =	shalt  }
0x46: {  	_ =	shalt  }
0x47: {  	_ =	shalt  }
0x48: {  	_ =	shalt  }
0x49: {  	_ =	shalt  }
0x4a: {  	_ =	shalt  }
0x4b: {  	_ =	shalt  }
0x4c: {  	_ =	shalt  }
0x4d: {  	_ =	shalt  }
0x4e: {  	_ =	shalt  }
0x4f: {  	_ =	shalt  }
0x50: {  	_ =	shalt  }
0x51: {  	_ =	shalt  }
0x52: {  	_ =	shalt  }
0x53: {  	_ =	shalt  }
0x54: {  	_ =	shalt  }
0x55: {  	_ =	shalt  }
0x56: {  	_ =	shalt  }
0x57: {  	_ =	shalt  }
0x58: {  	_ =	shalt  }
0x59: {  	_ =	shalt  }
0x5a: {  	_ =	shalt  }
0x5b: {  	_ =	shalt  }
0x5c: {  	_ =	shalt  }
0x5d: {  	_ =	shalt  }
0x5e: {  	_ =	shalt  }
0x5f: {  	_ =	shalt  }
0x60: {  	_ =	shalt  }
0x61: {  	_ =	shalt  }
0x62: {  	_ =	shalt  }
0x63: {  	_ =	shalt  }
0x64: {  	_ =	shalt  }
0x65: {  	_ =	shalt  }
0x66: {  	_ =	shalt  }
0x67: {  	_ =	shalt  }
0x68: {  	_ =	shalt  }
0x69: {  	_ =	shalt  }
0x6a: {  	_ =	shalt  }
0x6b: {  	_ =	shalt  }
0x6c: {  	_ =	shalt  }
0x6d: {  	_ =	shalt  }
0x6e: {  	_ =	shalt  }
0x6f: {  	_ =	shalt  }
0x70: {  	_ =	shalt  }
0x71: {  	_ =	shalt  }
0x72: {  	_ =	shalt  }
0x73: {  	_ =	shalt  }
0x74: {  	_ =	shalt  }
0x75: {  	_ =	shalt  }
0x76: {  	_ =	shalt  }
0x77: {  	_ =	shalt  }
0x78: {  	_ =	shalt  }
0x79: {  	_ =	shalt  }
0x7a: {  	_ =	shalt  }
0x7b: {  	_ =	shalt  }
0x7c: {  	_ =	shalt  }
0x7d: {  	_ =	shalt  }
0x7e: {  	_ =	shalt  }
0x7f: {  	_ =	shalt  }
0x80: {  	_ =	shalt  }
0x81: {  	_ =	shalt  }
0x82: {  	_ =	shalt  }
0x83: {  	_ =	shalt  }
0x84: {  	_ =	shalt  }
0x85: {  	_ =	shalt  }
0x86: {  	_ =	shalt  }
0x87: {  	_ =	shalt  }
.Lfunc_end0:
.L_simem_size_0:
called_computation.1_lowered:
.L_overlay_start_0:
0x88: {  	s2 =	sld [smem:$0x3FD9]  }
0x89: {  	s3 =	sld [smem:$0x3FFE];
	_ =	sdelay $0x1  }
0x8a: {  	s1 =	srdreg.scid  }
0x8b: {  	s0 =	sand.u32 $0x1, s1  }
0x8c: {  	s16 =	sshll.u32 s0, $0xA;
	s2 =	sadd.s32 s3, s2  }
0x8d: {  	s2 =	sadd.s32 s2, s16  }
0x8e: {  	[smem:$0x3FB4] =	sst s2  }
0x8f: {  	_ = 	snop  }
0x90: {  	(tm) =	ssettm $0x1  }
0x91: {  	s17 =	sld [smem:$0x3FFB];
	_ =	sdelay $0x3  }
0x92: {  	_ =	strace s17  }
0x93: {  	s2 =	sld [smem:$0x3FFC];
	_ =	sdelay $0x3  }
0x94: {  	_ =	strace s2  }
0x95: {  	s2 =	sld [smem:$0x3FFD];
	_ =	sdelay $0x3  }
0x96: {  	_ =	strace s2  }
0x97: {  	_ =	strace $0x8FFFFFFF  }
0x98: {  	s18 =	sld [smem:$0x3FDB];
	_ =	sdelay $0x1  }
0x99: {  	s19 =	simm.s32 $_scs_section_size  }
0x9a: {  	s4 =	simm.s32 $_size__tile_overlayer_lowered;
	s5 =	simm.s32 $_tile_overlayer_lowered  }
0x9b: {  	s22 =	simm.s32 $0x1BFF;
	s21 =	sshll.u32 s5, $0x1;
	s2 =	sadd.s32 s19, s18  }
0x9c: {  	s6 =	simm.s32 $0x0;
	s20 =	sshll.u32 s4, $0x1;
	s4 =	sadd.s32 s21, s2  }
0x9d: {  	[timem:s6], [sflag:s22] =	dma.local [hbm:s4], s20  }
0x9e: {  	_ =	swait.ge [sflag:s22], s20  }
0x9f: {  	s3 =	ssub.s32 $0x0, s20;
	[sflag:s22] =	ssyncset.done $0x0  }
0xa0: {  	[sflag:s22] =	ssyncadd.s32 s3;
	_ =	sdelay $0x1  }
0xa1: {  	s23 =	simm.s32 $0x1B8B  }
0xa2: {  	_ =	swait.ge [sflag:s23], $0x1  }
0xa3: {  	[sflag:s23] =	ssyncset.done $0x0  }
0xa4: {  	s25 =	simm.s32 $0x1B8E;
	s24 =	sld [smem:$0x3FFE];
	[sflag:s23] =	ssyncadd.s32 $0xFFFFFFFF  }
0xa5: {  	s26 =	simm.s32 $execute0_lowered;
	[smem:$0x3FD2] =	sst s25  }
0xa6: {  	s4 =	sshll.u32 s26, $0x1;
	_ =	strace $0x80000049;
	[dreg:$0x1] =	wrdreg $0xFFFFFFFF  }
0xa7: {  	s28 =	simm.s32 $_size_execute0_lowered;
	s2 =	sadd.s32 s2, s4;
	[dreg:$0x0] =	wrdreg $0x0  }
0xa8: {  	s4 =	sshll.u32 s28, $0x1;
	[dreg:$0x2] =	wrdreg s2  }
0xa9: {  	[dreg:$0x3] =	wrdreg s4  }
0xaa: {  	[dreg:$0x4] =	wrdreg $0xC0  }
0xab: {  	_ =	task [dreg:s6], $0x5FFFF  }
0xac: {  	[dreg:$0x1] =	wrdreg $0xFFFFFFFF  }
0xad: {  	[dreg:$0x0] =	wrdreg $0x60  }
0xae: {  	[dreg:$0x2] =	wrdreg s24  }
0xaf: {  	[dreg:$0x3] =	wrdreg $0x7B000  }
0xb0: {  	[dreg:$0x4] =	wrdreg $0x9  }
0xb1: {  	_ =	task.clear_ibuf [dreg:s6], $0x5FFFF;
	_ =	strace $0x90000049  }
0xb2: {  	s29 =	simm.s32 $0x9;
	_ =	strace $0x8000004B  }
0xb3: {  	_ =	swait.ge [sflag:s29], $0x1  }
0xb4: {  	[sflag:s29] =	ssyncadd.s32 $0xFFFFFFFF  }
0xb5: {  	_ =	strace $0x9000004B  }
0xb6: {  	_ =	sfence  }
0xb7: {  	s30 =	sld [smem:$0x0];
	_ =	sdelay $0x2  }
0xb8: {  	s31 =	sshll.u32 s1, $0xD;
	s1 =	sshrl.u32 s1, $0x2  }
0xb9: {  	s3 =	sand.u32 $0x4000, s31;
	s1 =	sadd.s32 s1, s30  }
0xba: {  	s0 =	sor.u32 s3, s0;
	s1 =	sshll.u32 s1, $0x11  }
0xbb: {  	s0 =	sor.u32 s1, s0  }
0xbc: {  	s0 =	sadd.s32 $0x8F2B, s0  }
0xbd: {  	[sflag:s0] =	ssyncadd.remote.s32 $0x1  }
0xbe: {  	_ =	sfence.sel $0xFFFF  }
0xbf: {  	[dreg:$0x0] =	wrdreg $0xFFFFFFFF;
	(pc) =	sbr.abs _section_cstart, $3  }
0xc0: {  	[dreg:$0x1] =	wrdreg $0xFFFFFFFF  }
0xc1: {  	_ =	task.clear_ibuf [dreg:s6], $0x2FFFF;
	_ =	strace $0x9FFFFFFF  }
0xc2: {  	(tm) =	ssettm $0x7FFFFFFF  }
0xc3: {  	_ =	shalt  }
tec
execute0_lowered:
.L_overlay_start_1:
0x0: {  	(tag) =	ssettag $0x1  }
0x1: {  	s0 =	rddreg [dreg:$0x0]  }
0x2: {  	s1 =	rddreg [dreg:$0x1];
	s2 =	simm.s32 $0x0;
	s24 =	srdreg.scid  }
0x3: {  	s15 =	stileid.u32;
	[smem:$0x7FF] =	sst s2  }
0x4: {  	s3 =	sadd.s32 $0x10400, s0;
	s5 =	sadd.s32 $0x6600, s0;
	s4 =	smul.u32 $0x4E000, s15  }
0x5: {  	s6 =	sadd.s32 $0x5E9400, s0;
	s7 =	sadd.s32 $0x1A200, s0;
	s9 =	smul.u32 $0x4E20, s15  }
0x6: {  	s8 =	sadd.s32 $0x68400, s0;
	s2 =	sand.u32 $0x1, s24;
	s26 =	smul.u32 $0x271000, s15  }
0x7: {  	s0 =	sadd.s32 $0xDDA00, s0;
	s14 =	smul.u32 $0x13800, s15;
	p0 =	sne.s32 s15, $0xF  }
0x8: {  	s15 =	simm.s32 $0x200;
	_ =	strace $0x8000004A;
	s21 =	smul.u32 $0x2710, s2  }
0x9: {  	s10 =	ssub.s32 $0x2, s2;
	s29 =	smul.u32 $0x138800, s2;
	s13 =	sshrl.u32 s9, $0x3  }
0xa: {  	s11 =	sshrl.u32 s10, $0x1;
	s4 =	sshrl.u32 s4, $0x2;
	s30 =	sadd.s32 s3, s13  }
0xb: {  	s10 =	ssub.s32 s10, s11;
	s13 =	sadd.s32 s5, s13;
	[dreg:$0x9] =	wrdreg s30  }
0xc: {  	s31 =	sadd.s32 s4, s1;
	s11 =	smul.u32 $0x2710000, s2;
	[dreg:$0xa] =	wrdreg s13  }
0xd: {  	s17 =	sadd.s32 s14, s29;
	s4 =	sadd.s32 $0x1800, s31;
	[dreg:$0x3] =	wrdreg s31  }
0xe: {  	s2 =	sshll.u32 s2, $0x6;
	s25 =	sadd.s32 $0x3000, s31;
	[dreg:$0x4] =	wrdreg s4  }
0xf: {  	s14 =	simm.s32 $0x20;
	s12 =	sadd.s32 $0x4800, s31;
	[dreg:$0x5] =	wrdreg s25  }
0x10: {  	v0 =	vmov s21;
	s21 =	simm.s32 $0x180;
	s28 =	sadd.s32 $0x6000, s31;
	[dreg:$0x6] =	wrdreg s12  }
0x11: {  	s16 =	sadd.s32 $0x7800, s31;
	s24 =	sor.u32 $0x2300, s2;
	[dreg:$0x7] =	wrdreg s28  }
0x12: {  	s18 =	smax.u32 s10, $0x1;
	s19 =	sadd.s32 $0x9000, s31;
	[dreg:$0x8] =	wrdreg s16  }
0x13: {  	s20 =	sadd.s32 $0xA800, s31;
	s22 =	sadd.s32 $0xC000, s31;
	[dreg:$0xe] =	wrdreg s18  }
0x14: {  	s23 =	sadd.s32 $0xD800, s31;
	s30 =	sadd.s32 $0x138000, s1;
	[dreg:$0xf] =	wrdreg s19  }
0x15: {  	s13 =	simm.s32 $0x1;
	s4 =	sadd.s32 s26, s11;
	[dreg:$0x10] =	wrdreg s20  }
0x16: {  	s12 =	sshrl.u32 s29, $0x3;
	s25 =	sor.u32 $0x3300, s2;
	[dreg:$0x11] =	wrdreg s22  }
0x17: {  	[dreg:$0x12] =	wrdreg s23;
	s26 =	sadd.s32 $0xF000, s31;
	s28 =	sadd.s32 $0x10800, s31  }
0x18: {  	s29 =	sadd.s32 $0x12000, s31;
	[dreg:$0x16] =	wrdreg s30;
	s2 =	simm.s32 $0x3  }
0x19: {  	s16 =	simm.s32 $0x300;
	s18 =	simm.s32 $0x4300;
	s19 =	simm.s32 $0x2  }
0x1a: {  	s20 =	simm.s32 $0x80;
	s22 =	simm.s32 $0x280;
	[dreg:$0x13] =	wrdreg s26  }
0x1b: {  	s23 =	simm.s32 $0x1300;
	s4 =	sshrl.u32 s4, $0x3;
	[dreg:$0x14] =	wrdreg s28  }
0x1c: {  	v1 =	vmov s24;
	s24 =	simm.s32 $0x3300;
	[dreg:$0x15] =	wrdreg s29;
	s4 =	sadd.s32 s6, s4  }
0x1d: {  	v2 =	vmov s25;
	s25 =	simm.s32 $0x5300;
	[dreg:$0xb] =	wrdreg s4;
	s4 =	sshrl.u32 s17, $0x3  }
0x1e: {  	s26 =	simm.s32 $0x0;
	s4 =	sadd.s32 s0, s4;
	s0 =	sadd.s32 s0, s12  }
0x1f: {  	s17 =	simm.s32 $0x2300;
	[dreg:$0xc] =	wrdreg s4;
	s0 =	sadd.s32 $0x27000, s0  }
0x20: {  	v3 =	vimm.f32 $0.0e+00;
	s12 =	simm.s32 $0x100;
	[dreg:$0xd] =	wrdreg s0;
	s0 =	sadd.s32 $0x40, s9  }
.LBB2_1:
0x21: {  	s4 =	simm.s32 $0x0  }
0x22: {  	s10 =	sand.u32 $0x7E00, s4  }
0x23: {  	s28 =	sand.u32 $0x70, s4;
	s29 =	sshrl.u32 s10, $0x2  }
0x24: {  	s10 =	simm.s32 $0x40;
	s29 =	sor.u32 s28, s29;
	s28 =	simm.s32 $0x0  }
.LBB2_2:
0x25: {  	p1 =	sne.s32 s10, $0x5FC0  }
0x26: {  	[tilespmem:s29+$0x6300] =	vst v3;
	s28 =	sadd.s32 $0x10, s28;
	s29 =	smov.u32 s10;
	s10 =	sadd.s32 $0x40, s10  }
.Ltmp0:
0x27: {  	(pc) =	sbr.rel @p1 .LBB2_2-.Ltmp0, $4  }
0x28: {  	_ = 	snop  }
0x29: {  	s29 =	sand.u32 $0x7E00, s29  }
0x2a: {  	s30 =	sand.u32 $0x70, s28;
	s29 =	sshrl.u32 s29, $0x2  }
0x2b: {  	s29 =	sor.u32 s30, s29  }
0x2c: {  	[tilespmem:s29+$0x6300] =	vst v3;
	s10 =	simm.s32 $0x6300  }
0x2d: {  	[spmem:s31] =	stream.linear.scatter [tilespmem:s10], [sflag:$0x3], $0x1800, $0x38;
	[tilespmem:$0x1B380] =	vst v63  }
0x2e: {  	_ =	swait.ge [sflag:s2], $0x1800  }
0x2f: {  	[sflag:s2] =	ssyncset.done $0x0  }
0x30: {  	s4 =	rddreg [dreg:$0x4];
	[sflag:s2] =	ssyncadd.s32 $0xFFFFE800  }
0x31: {  	[spmem:s4] =	stream.linear.scatter [tilespmem:s10], [sflag:$0x3], $0x1800, $0x38;
	[tilespmem:$0x1B380] =	vst v63  }
0x32: {  	_ =	swait.ge [sflag:s2], $0x1800  }
0x33: {  	[sflag:s2] =	ssyncset.done $0x0  }
0x34: {  	s4 =	rddreg [dreg:$0x5];
	[sflag:s2] =	ssyncadd.s32 $0xFFFFE800  }
0x35: {  	[spmem:s4] =	stream.linear.scatter [tilespmem:s10], [sflag:$0x3], $0x1800, $0x38;
	[tilespmem:$0x1B380] =	vst v63  }
0x36: {  	_ =	swait.ge [sflag:s2], $0x1800  }
0x37: {  	[sflag:s2] =	ssyncset.done $0x0  }
0x38: {  	s4 =	rddreg [dreg:$0x6];
	[sflag:s2] =	ssyncadd.s32 $0xFFFFE800  }
0x39: {  	[spmem:s4] =	stream.linear.scatter [tilespmem:s10], [sflag:$0x3], $0x1800, $0x38;
	[tilespmem:$0x1B380] =	vst v63  }
0x3a: {  	_ =	swait.ge [sflag:s2], $0x1800  }
0x3b: {  	[sflag:s2] =	ssyncset.done $0x0  }
0x3c: {  	s4 =	rddreg [dreg:$0x7];
	[sflag:s2] =	ssyncadd.s32 $0xFFFFE800  }
0x3d: {  	[spmem:s4] =	stream.linear.scatter [tilespmem:s10], [sflag:$0x3], $0x1800, $0x38;
	[tilespmem:$0x1B380] =	vst v63  }
0x3e: {  	_ =	swait.ge [sflag:s2], $0x1800  }
0x3f: {  	[sflag:s2] =	ssyncset.done $0x0  }
0x40: {  	s4 =	rddreg [dreg:$0x8];
	[sflag:s2] =	ssyncadd.s32 $0xFFFFE800  }
0x41: {  	[spmem:s4] =	stream.linear.scatter [tilespmem:s10], [sflag:$0x3], $0x1800, $0x38;
	[tilespmem:$0x1B380] =	vst v63  }
0x42: {  	_ =	swait.ge [sflag:s2], $0x1800  }
0x43: {  	[sflag:s2] =	ssyncset.done $0x0  }
0x44: {  	s4 =	rddreg [dreg:$0xf];
	[sflag:s2] =	ssyncadd.s32 $0xFFFFE800  }
0x45: {  	[spmem:s4] =	stream.linear.scatter [tilespmem:s10], [sflag:$0x3], $0x1800, $0x38;
	[tilespmem:$0x1B380] =	vst v63  }
0x46: {  	_ =	swait.ge [sflag:s2], $0x1800  }
0x47: {  	[sflag:s2] =	ssyncset.done $0x0  }
0x48: {  	s4 =	rddreg [dreg:$0x10];
	[sflag:s2] =	ssyncadd.s32 $0xFFFFE800  }
0x49: {  	[spmem:s4] =	stream.linear.scatter [tilespmem:s10], [sflag:$0x3], $0x1800, $0x38;
	[tilespmem:$0x1B380] =	vst v63  }
0x4a: {  	_ =	swait.ge [sflag:s2], $0x1800  }
0x4b: {  	[sflag:s2] =	ssyncset.done $0x0  }
0x4c: {  	s4 =	rddreg [dreg:$0x11];
	[sflag:s2] =	ssyncadd.s32 $0xFFFFE800  }
0x4d: {  	[spmem:s4] =	stream.linear.scatter [tilespmem:s10], [sflag:$0x3], $0x1800, $0x38;
	[tilespmem:$0x1B380] =	vst v63  }
0x4e: {  	_ =	swait.ge [sflag:s2], $0x1800  }
0x4f: {  	[sflag:s2] =	ssyncset.done $0x0  }
0x50: {  	s4 =	rddreg [dreg:$0x12];
	[sflag:s2] =	ssyncadd.s32 $0xFFFFE800  }
0x51: {  	[spmem:s4] =	stream.linear.scatter [tilespmem:s10], [sflag:$0x3], $0x1800, $0x38;
	[tilespmem:$0x1B380] =	vst v63  }
0x52: {  	_ =	swait.ge [sflag:s2], $0x1800  }
0x53: {  	[sflag:s2] =	ssyncset.done $0x0  }
0x54: {  	s4 =	rddreg [dreg:$0x13];
	[sflag:s2] =	ssyncadd.s32 $0xFFFFE800  }
0x55: {  	[spmem:s4] =	stream.linear.scatter [tilespmem:s10], [sflag:$0x3], $0x1800, $0x38;
	[tilespmem:$0x1B380] =	vst v63  }
0x56: {  	_ =	swait.ge [sflag:s2], $0x1800  }
0x57: {  	[sflag:s2] =	ssyncset.done $0x0  }
0x58: {  	s4 =	rddreg [dreg:$0x14];
	[sflag:s2] =	ssyncadd.s32 $0xFFFFE800  }
0x59: {  	[spmem:s4] =	stream.linear.scatter [tilespmem:s10], [sflag:$0x3], $0x1800, $0x38;
	[tilespmem:$0x1B380] =	vst v63  }
0x5a: {  	_ =	swait.ge [sflag:s2], $0x1800  }
0x5b: {  	[sflag:s2] =	ssyncset.done $0x0  }
0x5c: {  	s4 =	rddreg [dreg:$0x15];
	[sflag:s2] =	ssyncadd.s32 $0xFFFFE800  }
0x5d: {  	[spmem:s4] =	stream.linear.scatter [tilespmem:s10], [sflag:$0x3], $0x1800, $0x38;
	[tilespmem:$0x1B380] =	vst v63  }
0x5e: {  	_ =	swait.ge [sflag:s2], $0x1800  }
0x5f: {  	[sflag:s2] =	ssyncset.done $0x0  }
0x60: {  	s10 =	simm.s32 @!p0 $0x6300;
	s4 =	rddreg [dreg:$0x16];
	[sflag:s2] =	ssyncadd.s32 $0xFFFFE800  }
0x61: {  	[spmem:s4] =	stream.linear.scatter @!p0 [tilespmem:s10], [sflag:$0x3], $0x800, $0x38;
	[tilespmem:$0x1B380] =	vst v63  }
0x62: {  	s10 =	simm.s32 @!p0 $0x3  }
0x63: {  	_ =	swait.ge @!p0 [sflag:s10], $0x800  }
0x64: {  	[sflag:s10] =	ssyncset.done @!p0 $0x0  }
0x65: {  	[sflag:s10] =	ssyncadd.s32 @!p0 $0xFFFFF800  }
0x66: {  	[bflag:$0x0] =	sbarrier.arrive $0xFFFF  }
0x67: {  	s28 =	simm.s32 $0x0;
	s10 =	rddreg [dreg:$0x9]  }
0x68: {  	[tilespmem:s28], [sflag:$0x1] =	stream.linear.gather [hbm4b:s10+s28], $0x20, $0x38;
	[tilespmem:$0x1B380] =	vst v63  }
0x69: {  	s10 =	rddreg [dreg:$0xa]  }
0x6a: {  	[tilespmem:s12], [sflag:$0x1] =	stream.linear.gather [hbm4b:s10+s28], $0x20, $0x38;
	[tilespmem:$0x1B380] =	vst v63  }
0x6b: {  	_ =	swait.ge [sflag:s13], $0x20  }
0x6c: {  	[sflag:s13] =	ssyncset.done $0x0  }
0x6d: {  	[sflag:s13] =	ssyncadd.s32 $0xFFFFFFE0  }
0x6e: {  	_ =	swait.ge [sflag:s13], $0x20  }
0x6f: {  	[sflag:s13] =	ssyncset.done $0x0  }
0x70: {  	[sflag:s13] =	ssyncadd.s32 $0xFFFFFFE0  }
0x71: {  	v4 =	vld [tilespmem:$0x0]  }
0x72: {  	v5 =	vld [tilespmem:$0x10];
	_ =	sdelay $0x3  }
0x73: {  	v4 =	vadd.s32 v0, v4  }
0x74: {  	[tilespmem:$0x200] =	vst v4;
	v4 =	vadd.s32 v0, v5  }
0x75: {  	[tilespmem:$0x210] =	vst v4  }
0x76: {  	[tilespmem:s16], [sflag:$0x2] =	stream.indirect.gather [hbm4b:s7+s14], $0x80, s15, s14, $0xb8;
	[tilespmem:$0x1B380] =	vst v63  }
0x77: {  	_ = 	snop  }
0x78: {  	[tilespmem:s17], [sflag:$0x2] =	stream.indirect.gather [hbm4b:s8+s14], $0x80, s12, s14, $0xb8;
	[tilespmem:$0x1B380] =	vst v63  }
0x79: {  	s10 =	rddreg [dreg:$0xb]  }
0x7a: {  	[tilespmem:s18], [sflag:$0x2] =	stream.linear.gather [hbm4b:s10+s28], $0x1000, $0x38;
	[tilespmem:$0x1B380] =	vst v63  }
0x7b: {  	_ =	swait.ge [sflag:s19], $0x1000  }
0x7c: {  	[sflag:s19] =	ssyncset.done $0x0  }
0x7d: {  	[sflag:s19] =	ssyncadd.s32 $0xFFFFF000  }
0x7e: {  	_ =	swait.ge [sflag:s19], $0x1000  }
0x7f: {  	[sflag:s19] =	ssyncset.done $0x0  }
0x80: {  	[sflag:s19] =	ssyncadd.s32 $0xFFFFF000  }
0x81: {  	_ =	swait.ge [sflag:s19], $0x1000  }
0x82: {  	[sflag:s19] =	ssyncset.done $0x0  }
0x83: {  	s29 =	simm.s32 $0x0;
	[sflag:s19] =	ssyncadd.s32 $0xFFFFF000  }
0x84: {  	v4 =	vld [tilespmem:s29+$0x4300]  }
0x85: {  	v5 =	vld [tilespmem:s29+$0x300];
	_ =	sdelay $0x1  }
0x86: {  	v6 =	vld.idx.msk [tilespmem:v1+s29+$0x0 ss:$0x1], $0xffff;
	_ =	sdelay $0x2  }
0x87: {  	v4 =	vadd.f32 v4, v5;
	_ =	sdelay $0x1  }
0x88: {  	v4 =	vadd.f32 v4, v6;
	_ =	sdelay $0x1  }
0x89: {  	v4 =	vsub.f32 $0.0e+00, v4;
	_ =	sdelay $0x1  }
0x8a: {  	v4 =	vmul.f32 $1.442695020e+00, v4;
	_ =	sdelay $0x1  }
0x8b: {  	(erf) = vpow2.f32 v4;
	_ =	sdelay $0x8  }
0x8c: {  	v4 =	vpop (erf)  }
0x8d: {  	v4 =	vadd.f32 $1.000000000e+00, v4;
	_ =	sdelay $0x1  }
0x8e: {  	(erf) = vrcp.f32 v4;
	_ =	sdelay $0x4  }
0x8f: {  	v4 =	vld [tilespmem:s29+$0x340];
	_ =	sdelay $0x3  }
0x90: {  	v5 =	vpop (erf)  }
0x91: {  	v4 =	vmul.f32 v5, v4  }
0x92: {  	[tilespmem:s29+$0x340] =	vst v5;
	v5 =	vld [tilespmem:s29+$0x4310]  }
0x93: {  	[tilespmem:s29+$0x300] =	vst v4;
	v4 =	vld [tilespmem:s29+$0x310];
	_ =	sdelay $0x1  }
0x94: {  	v6 =	vld.idx.msk [tilespmem:v1+s29+$0x10 ss:$0x1], $0xffff;
	_ =	sdelay $0x2  }
0x95: {  	v4 =	vadd.f32 v5, v4;
	_ =	sdelay $0x1  }
0x96: {  	v4 =	vadd.f32 v4, v6;
	_ =	sdelay $0x1  }
0x97: {  	v4 =	vsub.f32 $0.0e+00, v4;
	_ =	sdelay $0x1  }
0x98: {  	v4 =	vmul.f32 $1.442695020e+00, v4;
	_ =	sdelay $0x1  }
0x99: {  	(erf) = vpow2.f32 v4;
	_ =	sdelay $0x8  }
0x9a: {  	v4 =	vpop (erf)  }
0x9b: {  	v4 =	vadd.f32 $1.000000000e+00, v4;
	_ =	sdelay $0x1  }
0x9c: {  	(erf) = vrcp.f32 v4;
	_ =	sdelay $0x4  }
0x9d: {  	v4 =	vld [tilespmem:s29+$0x350];
	_ =	sdelay $0x3  }
0x9e: {  	v5 =	vpop (erf)  }
0x9f: {  	v4 =	vmul.f32 v5, v4  }
0xa0: {  	[tilespmem:s29+$0x350] =	vst v5;
	v5 =	vld [tilespmem:s29+$0x4320]  }
0xa1: {  	[tilespmem:s29+$0x310] =	vst v4;
	v4 =	vld [tilespmem:s29+$0x320];
	_ =	sdelay $0x1  }
0xa2: {  	v6 =	vld.idx.msk [tilespmem:v1+s29+$0x20 ss:$0x1], $0xffff;
	_ =	sdelay $0x2  }
0xa3: {  	v4 =	vadd.f32 v5, v4;
	_ =	sdelay $0x1  }
0xa4: {  	v4 =	vadd.f32 v4, v6;
	_ =	sdelay $0x1  }
0xa5: {  	v4 =	vsub.f32 $0.0e+00, v4;
	_ =	sdelay $0x1  }
0xa6: {  	v4 =	vmul.f32 $1.442695020e+00, v4;
	_ =	sdelay $0x1  }
0xa7: {  	(erf) = vpow2.f32 v4;
	_ =	sdelay $0x8  }
0xa8: {  	v4 =	vpop (erf)  }
0xa9: {  	v4 =	vadd.f32 $1.000000000e+00, v4;
	_ =	sdelay $0x1  }
0xaa: {  	(erf) = vrcp.f32 v4;
	_ =	sdelay $0x4  }
0xab: {  	v4 =	vld [tilespmem:s29+$0x360];
	_ =	sdelay $0x3  }
0xac: {  	v5 =	vpop (erf)  }
0xad: {  	v4 =	vmul.f32 v5, v4  }
0xae: {  	[tilespmem:s29+$0x360] =	vst v5;
	v5 =	vld [tilespmem:s29+$0x4330]  }
0xaf: {  	[tilespmem:s29+$0x320] =	vst v4;
	v4 =	vld [tilespmem:s29+$0x330];
	_ =	sdelay $0x1  }
0xb0: {  	v6 =	vld.idx.msk [tilespmem:v1+s29+$0x30 ss:$0x1], $0xffff;
	_ =	sdelay $0x2  }
0xb1: {  	v4 =	vadd.f32 v5, v4;
	_ =	sdelay $0x1  }
0xb2: {  	v4 =	vadd.f32 v4, v6;
	_ =	sdelay $0x1  }
0xb3: {  	v4 =	vsub.f32 $0.0e+00, v4;
	_ =	sdelay $0x1  }
0xb4: {  	v4 =	vmul.f32 $1.442695020e+00, v4;
	_ =	sdelay $0x1  }
0xb5: {  	(erf) = vpow2.f32 v4;
	_ =	sdelay $0x8  }
0xb6: {  	v4 =	vpop (erf)  }
0xb7: {  	v4 =	vadd.f32 $1.000000000e+00, v4;
	_ =	sdelay $0x1  }
0xb8: {  	(erf) = vrcp.f32 v4;
	_ =	sdelay $0x4  }
0xb9: {  	v4 =	vld [tilespmem:s29+$0x370];
	_ =	sdelay $0x3  }
0xba: {  	v5 =	vpop (erf)  }
0xbb: {  	s31 =	simm.s32 $0x80;
	[tilespmem:s29+$0x370] =	vst v5;
	v5 =	vmul.f32 v5, v4  }
0xbc: {  	s30 =	simm.s32 $0x400;
	v4 =	vld [tilespmem:s31+$0x4300]  }
.LBB2_4:
0xbd: {  	p1 =	sne.s32 s30, $0x3E00;
	v6 =	vld [tilespmem:s31+$0x300];
	[tilespmem:s29+$0x330] =	vst v5;
	s29 =	smov.u32 s31  }
0xbe: {  	v5 =	vld.idx.msk [tilespmem:v1+s29+$0x0 ss:$0x1], $0xffff;
	_ =	sdelay $0x3  }
0xbf: {  	v4 =	vadd.f32 v4, v6;
	_ =	sdelay $0x1  }
0xc0: {  	v4 =	vadd.f32 v4, v5;
	_ =	sdelay $0x1  }
0xc1: {  	v4 =	vsub.f32 $0.0e+00, v4;
	_ =	sdelay $0x1  }
0xc2: {  	v4 =	vmul.f32 $1.442695020e+00, v4;
	_ =	sdelay $0x1  }
0xc3: {  	(erf) = vpow2.f32 v4;
	_ =	sdelay $0x8  }
0xc4: {  	v4 =	vpop (erf)  }
0xc5: {  	v4 =	vadd.f32 $1.000000000e+00, v4;
	_ =	sdelay $0x1  }
0xc6: {  	(erf) = vrcp.f32 v4;
	_ =	sdelay $0x4  }
0xc7: {  	v4 =	vld [tilespmem:s29+$0x340];
	_ =	sdelay $0x3  }
0xc8: {  	v5 =	vpop (erf)  }
0xc9: {  	v4 =	vmul.f32 v5, v4  }
0xca: {  	[tilespmem:s29+$0x340] =	vst v5;
	v5 =	vld [tilespmem:s29+$0x4310]  }
0xcb: {  	[tilespmem:s29+$0x300] =	vst v4;
	v4 =	vld [tilespmem:s29+$0x310]  }
0xcc: {  	v6 =	vld.idx.msk [tilespmem:v1+s29+$0x10 ss:$0x1], $0xffff;
	_ =	sdelay $0x3  }
0xcd: {  	v4 =	vadd.f32 v5, v4;
	_ =	sdelay $0x1  }
0xce: {  	v4 =	vadd.f32 v4, v6;
	_ =	sdelay $0x1  }
0xcf: {  	v4 =	vsub.f32 $0.0e+00, v4;
	_ =	sdelay $0x1  }
0xd0: {  	v4 =	vmul.f32 $1.442695020e+00, v4;
	_ =	sdelay $0x1  }
0xd1: {  	(erf) = vpow2.f32 v4;
	_ =	sdelay $0x8  }
0xd2: {  	v4 =	vpop (erf)  }
0xd3: {  	v4 =	vadd.f32 $1.000000000e+00, v4;
	_ =	sdelay $0x1  }
0xd4: {  	(erf) = vrcp.f32 v4;
	_ =	sdelay $0x4  }
0xd5: {  	v4 =	vld [tilespmem:s29+$0x350];
	_ =	sdelay $0x3  }
0xd6: {  	v5 =	vpop (erf)  }
0xd7: {  	v4 =	vmul.f32 v5, v4  }
0xd8: {  	[tilespmem:s29+$0x350] =	vst v5;
	v5 =	vld [tilespmem:s29+$0x4320]  }
0xd9: {  	[tilespmem:s29+$0x310] =	vst v4;
	v4 =	vld [tilespmem:s29+$0x320]  }
0xda: {  	v6 =	vld.idx.msk [tilespmem:v1+s29+$0x20 ss:$0x1], $0xffff;
	_ =	sdelay $0x3  }
0xdb: {  	v4 =	vadd.f32 v5, v4;
	_ =	sdelay $0x1  }
0xdc: {  	v4 =	vadd.f32 v4, v6;
	_ =	sdelay $0x1  }
0xdd: {  	v4 =	vsub.f32 $0.0e+00, v4;
	_ =	sdelay $0x1  }
0xde: {  	v4 =	vmul.f32 $1.442695020e+00, v4;
	_ =	sdelay $0x1  }
0xdf: {  	(erf) = vpow2.f32 v4;
	_ =	sdelay $0x8  }
0xe0: {  	v4 =	vpop (erf)  }
0xe1: {  	v4 =	vadd.f32 $1.000000000e+00, v4;
	_ =	sdelay $0x1  }
0xe2: {  	(erf) = vrcp.f32 v4;
	_ =	sdelay $0x4  }
0xe3: {  	v4 =	vld [tilespmem:s29+$0x360];
	_ =	sdelay $0x3  }
0xe4: {  	v5 =	vpop (erf)  }
0xe5: {  	v4 =	vmul.f32 v5, v4  }
0xe6: {  	[tilespmem:s29+$0x360] =	vst v5;
	v5 =	vld [tilespmem:s29+$0x4330]  }
0xe7: {  	[tilespmem:s29+$0x320] =	vst v4;
	v4 =	vld [tilespmem:s29+$0x330]  }
0xe8: {  	v6 =	vld.idx.msk [tilespmem:v1+s29+$0x30 ss:$0x1], $0xffff;
	_ =	sdelay $0x3  }
0xe9: {  	v4 =	vadd.f32 v5, v4;
	_ =	sdelay $0x1  }
0xea: {  	v4 =	vadd.f32 v4, v6;
	_ =	sdelay $0x1  }
0xeb: {  	v4 =	vsub.f32 $0.0e+00, v4;
	_ =	sdelay $0x1  }
0xec: {  	v4 =	vmul.f32 $1.442695020e+00, v4;
	_ =	sdelay $0x1  }
0xed: {  	(erf) = vpow2.f32 v4;
	_ =	sdelay $0x8  }
0xee: {  	v4 =	vpop (erf)  }
0xef: {  	v4 =	vadd.f32 $1.000000000e+00, v4;
	_ =	sdelay $0x1  }
0xf0: {  	(erf) = vrcp.f32 v4;
	_ =	sdelay $0x4  }
0xf1: {  	v4 =	vld [tilespmem:s29+$0x370];
	_ =	sdelay $0x1  }
.Ltmp1:
0xf2: {  	(pc) =	sbr.rel @p1 .LBB2_4-.Ltmp1, $4  }
0xf3: {  	_ = 	snop  }
0xf4: {  	v6 =	vpop (erf)  }
0xf5: {  	s31 =	sshra.s32 s30, $0x2;
	v5 =	vmul.f32 v6, v4;
	[tilespmem:s29+$0x370] =	vst v6  }
0xf6: {  	s30 =	sadd.s32 $0x200, s30;
	v4 =	vld [tilespmem:s31+$0x4300]  }
0xf7: {  	_ =	sdelay $0x1  }
0xf8: {  	v6 =	vld [tilespmem:s31+$0x300]  }
0xf9: {  	[tilespmem:s29+$0x330] =	vst v5  }
0xfa: {  	v5 =	vld.idx.msk [tilespmem:v1+s31+$0x0 ss:$0x1], $0xffff;
	_ =	sdelay $0x2  }
0xfb: {  	v4 =	vadd.f32 v4, v6;
	_ =	sdelay $0x1  }
0xfc: {  	v4 =	vadd.f32 v4, v5;
	_ =	sdelay $0x1  }
0xfd: {  	v4 =	vsub.f32 $0.0e+00, v4;
	_ =	sdelay $0x1  }
0xfe: {  	v4 =	vmul.f32 $1.442695020e+00, v4;
	_ =	sdelay $0x1  }
0xff: {  	(erf) = vpow2.f32 v4;
	_ =	sdelay $0x8  }
0x100: {  	v4 =	vpop (erf)  }
0x101: {  	v4 =	vadd.f32 $1.000000000e+00, v4;
	_ =	sdelay $0x1  }
0x102: {  	(erf) = vrcp.f32 v4;
	_ =	sdelay $0x4  }
0x103: {  	v4 =	vld [tilespmem:s31+$0x340];
	_ =	sdelay $0x3  }
0x104: {  	v5 =	vpop (erf)  }
0x105: {  	v4 =	vmul.f32 v5, v4  }
0x106: {  	[tilespmem:s31+$0x340] =	vst v5;
	v5 =	vld [tilespmem:s31+$0x4310]  }
0x107: {  	[tilespmem:s31+$0x300] =	vst v4;
	v4 =	vld [tilespmem:s31+$0x310];
	_ =	sdelay $0x1  }
0x108: {  	v61 =	vld.idx.msk [tilespmem:v1+s31+$0x10 ss:$0x1], $0xffff;
	_ =	sdelay $0x2  }
0x109: {  	v4 =	vadd.f32 v5, v4;
	_ =	sdelay $0x1  }
0x10a: {  	v4 =	vadd.f32 v4, v61;
	_ =	sdelay $0x1  }
0x10b: {  	v4 =	vsub.f32 $0.0e+00, v4;
	_ =	sdelay $0x1  }
0x10c: {  	v4 =	vmul.f32 $1.442695020e+00, v4;
	_ =	sdelay $0x1  }
0x10d: {  	(erf) = vpow2.f32 v4;
	_ =	sdelay $0x8  }
0x10e: {  	v4 =	vpop (erf)  }
0x10f: {  	v4 =	vadd.f32 $1.000000000e+00, v4;
	_ =	sdelay $0x1  }
0x110: {  	(erf) = vrcp.f32 v4;
	_ =	sdelay $0x4  }
0x111: {  	v4 =	vld [tilespmem:s31+$0x350];
	_ =	sdelay $0x3  }
0x112: {  	v5 =	vpop (erf)  }
0x113: {  	v4 =	vmul.f32 v5, v4  }
0x114: {  	[tilespmem:s31+$0x350] =	vst v5;
	v5 =	vld [tilespmem:s31+$0x4320]  }
0x115: {  	[tilespmem:s31+$0x310] =	vst v4;
	v4 =	vld [tilespmem:s31+$0x320];
	_ =	sdelay $0x1  }
0x116: {  	v62 =	vld.idx.msk [tilespmem:v1+s31+$0x20 ss:$0x1], $0xffff;
	_ =	sdelay $0x2  }
0x117: {  	v4 =	vadd.f32 v5, v4;
	_ =	sdelay $0x1  }
0x118: {  	v4 =	vadd.f32 v4, v62;
	_ =	sdelay $0x1  }
0x119: {  	v4 =	vsub.f32 $0.0e+00, v4;
	_ =	sdelay $0x1  }
0x11a: {  	v4 =	vmul.f32 $1.442695020e+00, v4;
	_ =	sdelay $0x1  }
0x11b: {  	(erf) = vpow2.f32 v4;
	_ =	sdelay $0x8  }
0x11c: {  	v4 =	vpop (erf)  }
0x11d: {  	v4 =	vadd.f32 $1.000000000e+00, v4;
	_ =	sdelay $0x1  }
0x11e: {  	(erf) = vrcp.f32 v4;
	_ =	sdelay $0x4  }
0x11f: {  	v4 =	vld [tilespmem:s31+$0x360];
	_ =	sdelay $0x3  }
0x120: {  	v5 =	vpop (erf)  }
0x121: {  	v4 =	vmul.f32 v5, v4  }
0x122: {  	[tilespmem:s31+$0x360] =	vst v5;
	v5 =	vld [tilespmem:s31+$0x4330]  }
0x123: {  	[tilespmem:s31+$0x320] =	vst v4;
	v4 =	vld [tilespmem:s31+$0x330];
	_ =	sdelay $0x1  }
0x124: {  	v63 =	vld.idx.msk [tilespmem:v1+s31+$0x30 ss:$0x1], $0xffff;
	_ =	sdelay $0x2  }
0x125: {  	v4 =	vadd.f32 v5, v4;
	_ =	sdelay $0x1  }
0x126: {  	v4 =	vadd.f32 v4, v63;
	_ =	sdelay $0x1  }
0x127: {  	v4 =	vsub.f32 $0.0e+00, v4;
	_ =	sdelay $0x1  }
0x128: {  	v4 =	vmul.f32 $1.442695020e+00, v4;
	_ =	sdelay $0x1  }
0x129: {  	(erf) = vpow2.f32 v4;
	_ =	sdelay $0x8  }
0x12a: {  	v4 =	vpop (erf)  }
0x12b: {  	v4 =	vadd.f32 $1.000000000e+00, v4;
	_ =	sdelay $0x1  }
0x12c: {  	(erf) = vrcp.f32 v4;
	_ =	sdelay $0x4  }
0x12d: {  	v4 =	vld [tilespmem:s31+$0x370];
	_ =	sdelay $0x3  }
0x12e: {  	v5 =	vpop (erf)  }
0x12f: {  	v4 =	vmul.f32 v5, v4  }
0x130: {  	[tilespmem:s31+$0x370] =	vst v5  }
0x131: {  	[tilespmem:s31+$0x330] =	vst v4  }
.LBB2_6:
0x132: {  	s10 =	sshll.u32 s28, $0x6  }
0x133: {  	s29 =	sadd.s32 s10, s9  }
0x134: {  	s29 =	sadd.s32 $0x20, s29  }
0x135: {  	s30 =	sshrl.u32 s29, $0x3  }
0x136: {  	s4 =	simm.s32 $0x0;
	s31 =	sadd.s32 s3, s30  }
0x137: {  	[tilespmem:s20], [sflag:$0x1] =	stream.linear.gather [hbm4b:s31+s4], $0x20, $0x38;
	[tilespmem:$0x1B380] =	vst v63  }
0x138: {  	s30 =	sadd.s32 s5, s30  }
0x139: {  	[tilespmem:s21], [sflag:$0x1] =	stream.linear.gather [hbm4b:s30+s4], $0x20, $0x38;
	[tilespmem:$0x1B380] =	vst v63  }
0x13a: {  	_ = 	snop  }
0x13b: {  	[spmem:s1] =	stream.indirect.scatter.add.f32 [tilespmem:s16], [sflag:$0x3], $0x80, s12, s14, $0xb8;
	[tilespmem:$0x1B380] =	vst v63  }
0x13c: {  	_ =	swait.ge [sflag:s2], $0x1000  }
0x13d: {  	[sflag:s2] =	ssyncset.done $0x0  }
0x13e: {  	[sflag:s2] =	ssyncadd.s32 $0xFFFFF000  }
0x13f: {  	_ =	swait.ge [sflag:s13], $0x20  }
0x140: {  	[sflag:s13] =	ssyncset.done $0x0  }
0x141: {  	[sflag:s13] =	ssyncadd.s32 $0xFFFFFFE0  }
0x142: {  	_ =	swait.ge [sflag:s13], $0x20  }
0x143: {  	[sflag:s13] =	ssyncset.done $0x0  }
0x144: {  	[sflag:s13] =	ssyncadd.s32 $0xFFFFFFE0  }
0x145: {  	v4 =	vld [tilespmem:$0x80]  }
0x146: {  	v5 =	vld [tilespmem:$0x90];
	_ =	sdelay $0x3  }
0x147: {  	v4 =	vadd.s32 v0, v4  }
0x148: {  	s29 =	sshll.u32 s29, $0x7;
	[tilespmem:$0x280] =	vst v4;
	v4 =	vadd.s32 v0, v5  }
0x149: {  	s29 =	sadd.s32 s11, s29;
	[tilespmem:$0x290] =	vst v4  }
0x14a: {  	[tilespmem:s23], [sflag:$0x2] =	stream.indirect.gather [hbm4b:s7+s14], $0x80, s22, s14, $0xb8;
	[tilespmem:$0x1B380] =	vst v63  }
0x14b: {  	s29 =	sshrl.u32 s29, $0x3  }
0x14c: {  	[tilespmem:s24], [sflag:$0x2] =	stream.indirect.gather [hbm4b:s8+s14], $0x80, s21, s14, $0xb8;
	[tilespmem:$0x1B380] =	vst v63  }
0x14d: {  	s29 =	sadd.s32 s6, s29  }
0x14e: {  	[tilespmem:s25], [sflag:$0x2] =	stream.linear.gather [hbm4b:s29+s4], $0x1000, $0x38;
	[tilespmem:$0x1B380] =	vst v63  }
0x14f: {  	s29 =	sadd.s32 s10, s0  }
0x150: {  	s10 =	sshrl.u32 s29, $0x3  }
0x151: {  	s30 =	sadd.s32 s3, s10  }
0x152: {  	[tilespmem:s4], [sflag:$0x1] =	stream.linear.gather [hbm4b:s30+s4], $0x20, $0x38;
	[tilespmem:$0x1B380] =	vst v63  }
0x153: {  	s10 =	sadd.s32 s5, s10  }
0x154: {  	[tilespmem:s12], [sflag:$0x1] =	stream.linear.gather [hbm4b:s10+s4], $0x20, $0x38;
	[tilespmem:$0x1B380] =	vst v63  }
0x155: {  	_ =	swait.ge [sflag:s19], $0x1000  }
0x156: {  	[sflag:s19] =	ssyncset.done $0x0  }
0x157: {  	[sflag:s19] =	ssyncadd.s32 $0xFFFFF000  }
0x158: {  	_ =	swait.ge [sflag:s19], $0x1000  }
0x159: {  	[sflag:s19] =	ssyncset.done $0x0  }
0x15a: {  	[sflag:s19] =	ssyncadd.s32 $0xFFFFF000  }
0x15b: {  	_ =	swait.ge [sflag:s19], $0x1000  }
0x15c: {  	[sflag:s19] =	ssyncset.done $0x0  }
0x15d: {  	s30 =	simm.s32 $0x0;
	[sflag:s19] =	ssyncadd.s32 $0xFFFFF000  }
0x15e: {  	v4 =	vld [tilespmem:s30+$0x5300]  }
0x15f: {  	v5 =	vld [tilespmem:s30+$0x1300];
	_ =	sdelay $0x1  }
0x160: {  	v6 =	vld.idx.msk [tilespmem:v2+s30+$0x0 ss:$0x1], $0xffff;
	_ =	sdelay $0x2  }
0x161: {  	v4 =	vadd.f32 v4, v5;
	_ =	sdelay $0x1  }
0x162: {  	v4 =	vadd.f32 v4, v6;
	_ =	sdelay $0x1  }
0x163: {  	v4 =	vsub.f32 $0.0e+00, v4;
	_ =	sdelay $0x1  }
0x164: {  	v4 =	vmul.f32 $1.442695020e+00, v4;
	_ =	sdelay $0x1  }
0x165: {  	(erf) = vpow2.f32 v4;
	_ =	sdelay $0x8  }
0x166: {  	v4 =	vpop (erf)  }
0x167: {  	v4 =	vadd.f32 $1.000000000e+00, v4;
	_ =	sdelay $0x1  }
0x168: {  	(erf) = vrcp.f32 v4;
	_ =	sdelay $0x4  }
0x169: {  	v4 =	vld [tilespmem:s30+$0x1340];
	_ =	sdelay $0x3  }
0x16a: {  	v5 =	vpop (erf)  }
0x16b: {  	v4 =	vmul.f32 v5, v4  }
0x16c: {  	[tilespmem:s30+$0x1340] =	vst v5;
	v5 =	vld [tilespmem:s30+$0x5310]  }
0x16d: {  	[tilespmem:s30+$0x1300] =	vst v4;
	v4 =	vld [tilespmem:s30+$0x1310];
	_ =	sdelay $0x1  }
0x16e: {  	v6 =	vld.idx.msk [tilespmem:v2+s30+$0x10 ss:$0x1], $0xffff;
	_ =	sdelay $0x2  }
0x16f: {  	v4 =	vadd.f32 v5, v4;
	_ =	sdelay $0x1  }
0x170: {  	v4 =	vadd.f32 v4, v6;
	_ =	sdelay $0x1  }
0x171: {  	v4 =	vsub.f32 $0.0e+00, v4;
	_ =	sdelay $0x1  }
0x172: {  	v4 =	vmul.f32 $1.442695020e+00, v4;
	_ =	sdelay $0x1  }
0x173: {  	(erf) = vpow2.f32 v4;
	_ =	sdelay $0x8  }
0x174: {  	v4 =	vpop (erf)  }
0x175: {  	v4 =	vadd.f32 $1.000000000e+00, v4;
	_ =	sdelay $0x1  }
0x176: {  	(erf) = vrcp.f32 v4;
	_ =	sdelay $0x4  }
0x177: {  	v4 =	vld [tilespmem:s30+$0x1350];
	_ =	sdelay $0x3  }
0x178: {  	v5 =	vpop (erf)  }
0x179: {  	v4 =	vmul.f32 v5, v4  }
0x17a: {  	[tilespmem:s30+$0x1350] =	vst v5;
	v5 =	vld [tilespmem:s30+$0x5320]  }
0x17b: {  	[tilespmem:s30+$0x1310] =	vst v4;
	v4 =	vld [tilespmem:s30+$0x1320];
	_ =	sdelay $0x1  }
0x17c: {  	v6 =	vld.idx.msk [tilespmem:v2+s30+$0x20 ss:$0x1], $0xffff;
	_ =	sdelay $0x2  }
0x17d: {  	v4 =	vadd.f32 v5, v4;
	_ =	sdelay $0x1  }
0x17e: {  	v4 =	vadd.f32 v4, v6;
	_ =	sdelay $0x1  }
0x17f: {  	v4 =	vsub.f32 $0.0e+00, v4;
	_ =	sdelay $0x1  }
0x180: {  	v4 =	vmul.f32 $1.442695020e+00, v4;
	_ =	sdelay $0x1  }
0x181: {  	(erf) = vpow2.f32 v4;
	_ =	sdelay $0x8  }
0x182: {  	v4 =	vpop (erf)  }
0x183: {  	v4 =	vadd.f32 $1.000000000e+00, v4;
	_ =	sdelay $0x1  }
0x184: {  	(erf) = vrcp.f32 v4;
	_ =	sdelay $0x4  }
0x185: {  	v4 =	vld [tilespmem:s30+$0x1360];
	_ =	sdelay $0x3  }
0x186: {  	v5 =	vpop (erf)  }
0x187: {  	v4 =	vmul.f32 v5, v4  }
0x188: {  	[tilespmem:s30+$0x1360] =	vst v5;
	v5 =	vld [tilespmem:s30+$0x5330]  }
0x189: {  	[tilespmem:s30+$0x1320] =	vst v4;
	v4 =	vld [tilespmem:s30+$0x1330];
	_ =	sdelay $0x1  }
0x18a: {  	v6 =	vld.idx.msk [tilespmem:v2+s30+$0x30 ss:$0x1], $0xffff;
	_ =	sdelay $0x2  }
0x18b: {  	v4 =	vadd.f32 v5, v4;
	_ =	sdelay $0x1  }
0x18c: {  	v4 =	vadd.f32 v4, v6;
	_ =	sdelay $0x1  }
0x18d: {  	v4 =	vsub.f32 $0.0e+00, v4;
	_ =	sdelay $0x1  }
0x18e: {  	v4 =	vmul.f32 $1.442695020e+00, v4;
	_ =	sdelay $0x1  }
0x18f: {  	(erf) = vpow2.f32 v4;
	_ =	sdelay $0x8  }
0x190: {  	v4 =	vpop (erf)  }
0x191: {  	v4 =	vadd.f32 $1.000000000e+00, v4;
	_ =	sdelay $0x1  }
0x192: {  	(erf) = vrcp.f32 v4;
	_ =	sdelay $0x4  }
0x193: {  	v4 =	vld [tilespmem:s30+$0x1370];
	_ =	sdelay $0x3  }
0x194: {  	v5 =	vpop (erf)  }
0x195: {  	s10 =	simm.s32 $0x80;
	[tilespmem:s30+$0x1370] =	vst v5;
	v5 =	vmul.f32 v5, v4  }
0x196: {  	s31 =	simm.s32 $0x400;
	v4 =	vld [tilespmem:s10+$0x5300]  }
.LBB2_7:
0x197: {  	p1 =	sne.s32 s31, $0x3E00;
	v6 =	vld [tilespmem:s10+$0x1300];
	[tilespmem:s30+$0x1330] =	vst v5;
	s30 =	smov.u32 s10  }
0x198: {  	v5 =	vld.idx.msk [tilespmem:v2+s30+$0x0 ss:$0x1], $0xffff;
	_ =	sdelay $0x3  }
0x199: {  	v4 =	vadd.f32 v4, v6;
	_ =	sdelay $0x1  }
0x19a: {  	v4 =	vadd.f32 v4, v5;
	_ =	sdelay $0x1  }
0x19b: {  	v4 =	vsub.f32 $0.0e+00, v4;
	_ =	sdelay $0x1  }
0x19c: {  	v4 =	vmul.f32 $1.442695020e+00, v4;
	_ =	sdelay $0x1  }
0x19d: {  	(erf) = vpow2.f32 v4;
	_ =	sdelay $0x8  }
0x19e: {  	v4 =	vpop (erf)  }
0x19f: {  	v4 =	vadd.f32 $1.000000000e+00, v4;
	_ =	sdelay $0x1  }
0x1a0: {  	(erf) = vrcp.f32 v4;
	_ =	sdelay $0x4  }
0x1a1: {  	v4 =	vld [tilespmem:s30+$0x1340];
	_ =	sdelay $0x3  }
0x1a2: {  	v5 =	vpop (erf)  }
0x1a3: {  	v4 =	vmul.f32 v5, v4  }
0x1a4: {  	[tilespmem:s30+$0x1340] =	vst v5;
	v5 =	vld [tilespmem:s30+$0x5310]  }
0x1a5: {  	[tilespmem:s30+$0x1300] =	vst v4;
	v4 =	vld [tilespmem:s30+$0x1310]  }
0x1a6: {  	v6 =	vld.idx.msk [tilespmem:v2+s30+$0x10 ss:$0x1], $0xffff;
	_ =	sdelay $0x3  }
0x1a7: {  	v4 =	vadd.f32 v5, v4;
	_ =	sdelay $0x1  }
0x1a8: {  	v4 =	vadd.f32 v4, v6;
	_ =	sdelay $0x1  }
0x1a9: {  	v4 =	vsub.f32 $0.0e+00, v4;
	_ =	sdelay $0x1  }
0x1aa: {  	v4 =	vmul.f32 $1.442695020e+00, v4;
	_ =	sdelay $0x1  }
0x1ab: {  	(erf) = vpow2.f32 v4;
	_ =	sdelay $0x8  }
0x1ac: {  	v4 =	vpop (erf)  }
0x1ad: {  	v4 =	vadd.f32 $1.000000000e+00, v4;
	_ =	sdelay $0x1  }
0x1ae: {  	(erf) = vrcp.f32 v4;
	_ =	sdelay $0x4  }
0x1af: {  	v4 =	vld [tilespmem:s30+$0x1350];
	_ =	sdelay $0x3  }
0x1b0: {  	v5 =	vpop (erf)  }
0x1b1: {  	v4 =	vmul.f32 v5, v4  }
0x1b2: {  	[tilespmem:s30+$0x1350] =	vst v5;
	v5 =	vld [tilespmem:s30+$0x5320]  }
0x1b3: {  	[tilespmem:s30+$0x1310] =	vst v4;
	v4 =	vld [tilespmem:s30+$0x1320]  }
0x1b4: {  	v6 =	vld.idx.msk [tilespmem:v2+s30+$0x20 ss:$0x1], $0xffff;
	_ =	sdelay $0x3  }
0x1b5: {  	v4 =	vadd.f32 v5, v4;
	_ =	sdelay $0x1  }
0x1b6: {  	v4 =	vadd.f32 v4, v6;
	_ =	sdelay $0x1  }
0x1b7: {  	v4 =	vsub.f32 $0.0e+00, v4;
	_ =	sdelay $0x1  }
0x1b8: {  	v4 =	vmul.f32 $1.442695020e+00, v4;
	_ =	sdelay $0x1  }
0x1b9: {  	(erf) = vpow2.f32 v4;
	_ =	sdelay $0x8  }
0x1ba: {  	v4 =	vpop (erf)  }
0x1bb: {  	v4 =	vadd.f32 $1.000000000e+00, v4;
	_ =	sdelay $0x1  }
0x1bc: {  	(erf) = vrcp.f32 v4;
	_ =	sdelay $0x4  }
0x1bd: {  	v4 =	vld [tilespmem:s30+$0x1360];
	_ =	sdelay $0x3  }
0x1be: {  	v5 =	vpop (erf)  }
0x1bf: {  	v4 =	vmul.f32 v5, v4  }
0x1c0: {  	[tilespmem:s30+$0x1360] =	vst v5;
	v5 =	vld [tilespmem:s30+$0x5330]  }
0x1c1: {  	[tilespmem:s30+$0x1320] =	vst v4;
	v4 =	vld [tilespmem:s30+$0x1330]  }
0x1c2: {  	v6 =	vld.idx.msk [tilespmem:v2+s30+$0x30 ss:$0x1], $0xffff;
	_ =	sdelay $0x3  }
0x1c3: {  	v4 =	vadd.f32 v5, v4;
	_ =	sdelay $0x1  }
0x1c4: {  	v4 =	vadd.f32 v4, v6;
	_ =	sdelay $0x1  }
0x1c5: {  	v4 =	vsub.f32 $0.0e+00, v4;
	_ =	sdelay $0x1  }
0x1c6: {  	v4 =	vmul.f32 $1.442695020e+00, v4;
	_ =	sdelay $0x1  }
0x1c7: {  	(erf) = vpow2.f32 v4;
	_ =	sdelay $0x8  }
0x1c8: {  	v4 =	vpop (erf)  }
0x1c9: {  	v4 =	vadd.f32 $1.000000000e+00, v4;
	_ =	sdelay $0x1  }
0x1ca: {  	(erf) = vrcp.f32 v4;
	_ =	sdelay $0x4  }
0x1cb: {  	v4 =	vld [tilespmem:s30+$0x1370];
	_ =	sdelay $0x1  }
.Ltmp2:
0x1cc: {  	(pc) =	sbr.rel @p1 .LBB2_7-.Ltmp2, $4  }
0x1cd: {  	_ = 	snop  }
0x1ce: {  	v6 =	vpop (erf)  }
0x1cf: {  	s10 =	sshra.s32 s31, $0x2;
	v5 =	vmul.f32 v6, v4;
	[tilespmem:s30+$0x1370] =	vst v6  }
0x1d0: {  	s31 =	sadd.s32 $0x200, s31;
	v4 =	vld [tilespmem:s10+$0x5300]  }
0x1d1: {  	_ =	sdelay $0x1  }
0x1d2: {  	v6 =	vld [tilespmem:s10+$0x1300]  }
0x1d3: {  	[tilespmem:s30+$0x1330] =	vst v5  }
0x1d4: {  	v5 =	vld.idx.msk [tilespmem:v2+s10+$0x0 ss:$0x1], $0xffff;
	_ =	sdelay $0x2  }
0x1d5: {  	v4 =	vadd.f32 v4, v6;
	_ =	sdelay $0x1  }
0x1d6: {  	v4 =	vadd.f32 v4, v5;
	_ =	sdelay $0x1  }
0x1d7: {  	v4 =	vsub.f32 $0.0e+00, v4;
	_ =	sdelay $0x1  }
0x1d8: {  	v4 =	vmul.f32 $1.442695020e+00, v4;
	_ =	sdelay $0x1  }
0x1d9: {  	(erf) = vpow2.f32 v4;
	_ =	sdelay $0x8  }
0x1da: {  	v4 =	vpop (erf)  }
0x1db: {  	v4 =	vadd.f32 $1.000000000e+00, v4;
	_ =	sdelay $0x1  }
0x1dc: {  	(erf) = vrcp.f32 v4;
	_ =	sdelay $0x4  }
0x1dd: {  	v4 =	vld [tilespmem:s10+$0x1340];
	_ =	sdelay $0x3  }
0x1de: {  	v5 =	vpop (erf)  }
0x1df: {  	v4 =	vmul.f32 v5, v4  }
0x1e0: {  	[tilespmem:s10+$0x1340] =	vst v5;
	v5 =	vld [tilespmem:s10+$0x5310]  }
0x1e1: {  	[tilespmem:s10+$0x1300] =	vst v4;
	v4 =	vld [tilespmem:s10+$0x1310];
	_ =	sdelay $0x1  }
0x1e2: {  	v6 =	vld.idx.msk [tilespmem:v2+s10+$0x10 ss:$0x1], $0xffff;
	_ =	sdelay $0x2  }
0x1e3: {  	v4 =	vadd.f32 v5, v4;
	_ =	sdelay $0x1  }
0x1e4: {  	v4 =	vadd.f32 v4, v6;
	_ =	sdelay $0x1  }
0x1e5: {  	v4 =	vsub.f32 $0.0e+00, v4;
	_ =	sdelay $0x1  }
0x1e6: {  	v4 =	vmul.f32 $1.442695020e+00, v4;
	_ =	sdelay $0x1  }
0x1e7: {  	(erf) = vpow2.f32 v4;
	_ =	sdelay $0x8  }
0x1e8: {  	v4 =	vpop (erf)  }
0x1e9: {  	v4 =	vadd.f32 $1.000000000e+00, v4;
	_ =	sdelay $0x1  }
0x1ea: {  	(erf) = vrcp.f32 v4;
	_ =	sdelay $0x4  }
0x1eb: {  	v4 =	vld [tilespmem:s10+$0x1350];
	_ =	sdelay $0x3  }
0x1ec: {  	v5 =	vpop (erf)  }
0x1ed: {  	v4 =	vmul.f32 v5, v4  }
0x1ee: {  	[tilespmem:s10+$0x1350] =	vst v5;
	v5 =	vld [tilespmem:s10+$0x5320]  }
0x1ef: {  	[tilespmem:s10+$0x1310] =	vst v4;
	v4 =	vld [tilespmem:s10+$0x1320];
	_ =	sdelay $0x1  }
0x1f0: {  	v6 =	vld.idx.msk [tilespmem:v2+s10+$0x20 ss:$0x1], $0xffff;
	_ =	sdelay $0x2  }
0x1f1: {  	v4 =	vadd.f32 v5, v4;
	_ =	sdelay $0x1  }
0x1f2: {  	v4 =	vadd.f32 v4, v6;
	_ =	sdelay $0x1  }
0x1f3: {  	v4 =	vsub.f32 $0.0e+00, v4;
	_ =	sdelay $0x1  }
0x1f4: {  	v4 =	vmul.f32 $1.442695020e+00, v4;
	_ =	sdelay $0x1  }
0x1f5: {  	(erf) = vpow2.f32 v4;
	_ =	sdelay $0x8  }
0x1f6: {  	v4 =	vpop (erf)  }
0x1f7: {  	v4 =	vadd.f32 $1.000000000e+00, v4;
	_ =	sdelay $0x1  }
0x1f8: {  	(erf) = vrcp.f32 v4;
	_ =	sdelay $0x4  }
0x1f9: {  	v4 =	vld [tilespmem:s10+$0x1360];
	_ =	sdelay $0x3  }
0x1fa: {  	v5 =	vpop (erf)  }
0x1fb: {  	v4 =	vmul.f32 v5, v4  }
0x1fc: {  	[tilespmem:s10+$0x1360] =	vst v5;
	v5 =	vld [tilespmem:s10+$0x5330]  }
0x1fd: {  	[tilespmem:s10+$0x1320] =	vst v4;
	v4 =	vld [tilespmem:s10+$0x1330];
	_ =	sdelay $0x1  }
0x1fe: {  	v6 =	vld.idx.msk [tilespmem:v2+s10+$0x30 ss:$0x1], $0xffff;
	_ =	sdelay $0x2  }
0x1ff: {  	v4 =	vadd.f32 v5, v4;
	_ =	sdelay $0x1  }
0x200: {  	v4 =	vadd.f32 v4, v6;
	_ =	sdelay $0x1  }
0x201: {  	v4 =	vsub.f32 $0.0e+00, v4;
	_ =	sdelay $0x1  }
0x202: {  	v4 =	vmul.f32 $1.442695020e+00, v4;
	_ =	sdelay $0x1  }
0x203: {  	(erf) = vpow2.f32 v4;
	_ =	sdelay $0x8  }
0x204: {  	v4 =	vpop (erf)  }
0x205: {  	v4 =	vadd.f32 $1.000000000e+00, v4;
	_ =	sdelay $0x1  }
0x206: {  	(erf) = vrcp.f32 v4;
	_ =	sdelay $0x4  }
0x207: {  	v4 =	vld [tilespmem:s10+$0x1370];
	_ =	sdelay $0x3  }
0x208: {  	v5 =	vpop (erf)  }
0x209: {  	v4 =	vmul.f32 v5, v4  }
0x20a: {  	[tilespmem:s10+$0x1370] =	vst v5  }
0x20b: {  	[tilespmem:s10+$0x1330] =	vst v4  }
0x20c: {  	_ =	swait.ge [sflag:s13], $0x20  }
0x20d: {  	[sflag:s13] =	ssyncset.done $0x0  }
0x20e: {  	[sflag:s13] =	ssyncadd.s32 $0xFFFFFFE0  }
0x20f: {  	_ =	swait.ge [sflag:s13], $0x20  }
0x210: {  	[sflag:s13] =	ssyncset.done $0x0  }
0x211: {  	[sflag:s13] =	ssyncadd.s32 $0xFFFFFFE0  }
0x212: {  	v4 =	vld [tilespmem:$0x0]  }
0x213: {  	v5 =	vld [tilespmem:$0x10];
	_ =	sdelay $0x3  }
0x214: {  	v4 =	vadd.s32 v0, v4  }
0x215: {  	s4 =	sshll.u32 s29, $0x7;
	[tilespmem:$0x200] =	vst v4;
	v4 =	vadd.s32 v0, v5  }
0x216: {  	s4 =	sadd.s32 s11, s4;
	[tilespmem:$0x210] =	vst v4  }
0x217: {  	[tilespmem:s16], [sflag:$0x2] =	stream.indirect.gather [hbm4b:s7+s14], $0x80, s15, s14, $0xb8;
	[tilespmem:$0x1B380] =	vst v63  }
0x218: {  	s4 =	sshrl.u32 s4, $0x3  }
0x219: {  	[tilespmem:s17], [sflag:$0x2] =	stream.indirect.gather [hbm4b:s8+s14], $0x80, s12, s14, $0xb8;
	[tilespmem:$0x1B380] =	vst v63  }
0x21a: {  	s4 =	sadd.s32 s6, s4;
	s10 =	simm.s32 $0x0  }
0x21b: {  	[tilespmem:s18], [sflag:$0x2] =	stream.linear.gather [hbm4b:s4+s10], $0x1000, $0x38;
	[tilespmem:$0x1B380] =	vst v63  }
0x21c: {  	_ = 	snop  }
0x21d: {  	[spmem:s1] =	stream.indirect.scatter.add.f32 [tilespmem:s23], [sflag:$0x3], $0x80, s21, s14, $0xb8;
	[tilespmem:$0x1B380] =	vst v63  }
0x21e: {  	_ =	swait.ge [sflag:s2], $0x1000  }
0x21f: {  	[sflag:s2] =	ssyncset.done $0x0  }
0x220: {  	[sflag:s2] =	ssyncadd.s32 $0xFFFFF000  }
0x221: {  	_ =	swait.ge [sflag:s19], $0x1000  }
0x222: {  	[sflag:s19] =	ssyncset.done $0x0  }
0x223: {  	[sflag:s19] =	ssyncadd.s32 $0xFFFFF000  }
0x224: {  	_ =	swait.ge [sflag:s19], $0x1000  }
0x225: {  	[sflag:s19] =	ssyncset.done $0x0  }
0x226: {  	[sflag:s19] =	ssyncadd.s32 $0xFFFFF000  }
0x227: {  	_ =	swait.ge [sflag:s19], $0x1000  }
0x228: {  	[sflag:s19] =	ssyncset.done $0x0  }
0x229: {  	s29 =	simm.s32 $0x0;
	[sflag:s19] =	ssyncadd.s32 $0xFFFFF000  }
0x22a: {  	v4 =	vld [tilespmem:s29+$0x4300]  }
0x22b: {  	v5 =	vld [tilespmem:s29+$0x300];
	_ =	sdelay $0x1  }
0x22c: {  	v6 =	vld.idx.msk [tilespmem:v1+s29+$0x0 ss:$0x1], $0xffff;
	_ =	sdelay $0x2  }
0x22d: {  	v4 =	vadd.f32 v4, v5;
	_ =	sdelay $0x1  }
0x22e: {  	v4 =	vadd.f32 v4, v6;
	_ =	sdelay $0x1  }
0x22f: {  	v4 =	vsub.f32 $0.0e+00, v4;
	_ =	sdelay $0x1  }
0x230: {  	v4 =	vmul.f32 $1.442695020e+00, v4;
	_ =	sdelay $0x1  }
0x231: {  	(erf) = vpow2.f32 v4;
	_ =	sdelay $0x8  }
0x232: {  	v4 =	vpop (erf)  }
0x233: {  	v4 =	vadd.f32 $1.000000000e+00, v4;
	_ =	sdelay $0x1  }
0x234: {  	(erf) = vrcp.f32 v4;
	_ =	sdelay $0x4  }
0x235: {  	v4 =	vld [tilespmem:s29+$0x340];
	_ =	sdelay $0x3  }
0x236: {  	v5 =	vpop (erf)  }
0x237: {  	v4 =	vmul.f32 v5, v4  }
0x238: {  	[tilespmem:s29+$0x340] =	vst v5;
	v5 =	vld [tilespmem:s29+$0x4310]  }
0x239: {  	[tilespmem:s29+$0x300] =	vst v4;
	v4 =	vld [tilespmem:s29+$0x310];
	_ =	sdelay $0x1  }
0x23a: {  	v6 =	vld.idx.msk [tilespmem:v1+s29+$0x10 ss:$0x1], $0xffff;
	_ =	sdelay $0x2  }
0x23b: {  	v4 =	vadd.f32 v5, v4;
	_ =	sdelay $0x1  }
0x23c: {  	v4 =	vadd.f32 v4, v6;
	_ =	sdelay $0x1  }
0x23d: {  	v4 =	vsub.f32 $0.0e+00, v4;
	_ =	sdelay $0x1  }
0x23e: {  	v4 =	vmul.f32 $1.442695020e+00, v4;
	_ =	sdelay $0x1  }
0x23f: {  	(erf) = vpow2.f32 v4;
	_ =	sdelay $0x8  }
0x240: {  	v4 =	vpop (erf)  }
0x241: {  	v4 =	vadd.f32 $1.000000000e+00, v4;
	_ =	sdelay $0x1  }
0x242: {  	(erf) = vrcp.f32 v4;
	_ =	sdelay $0x4  }
0x243: {  	v4 =	vld [tilespmem:s29+$0x350];
	_ =	sdelay $0x3  }
0x244: {  	v5 =	vpop (erf)  }
0x245: {  	v4 =	vmul.f32 v5, v4  }
0x246: {  	[tilespmem:s29+$0x350] =	vst v5;
	v5 =	vld [tilespmem:s29+$0x4320]  }
0x247: {  	[tilespmem:s29+$0x310] =	vst v4;
	v4 =	vld [tilespmem:s29+$0x320];
	_ =	sdelay $0x1  }
0x248: {  	v6 =	vld.idx.msk [tilespmem:v1+s29+$0x20 ss:$0x1], $0xffff;
	_ =	sdelay $0x2  }
0x249: {  	v4 =	vadd.f32 v5, v4;
	_ =	sdelay $0x1  }
0x24a: {  	v4 =	vadd.f32 v4, v6;
	_ =	sdelay $0x1  }
0x24b: {  	v4 =	vsub.f32 $0.0e+00, v4;
	_ =	sdelay $0x1  }
0x24c: {  	v4 =	vmul.f32 $1.442695020e+00, v4;
	_ =	sdelay $0x1  }
0x24d: {  	(erf) = vpow2.f32 v4;
	_ =	sdelay $0x8  }
0x24e: {  	v4 =	vpop (erf)  }
0x24f: {  	v4 =	vadd.f32 $1.000000000e+00, v4;
	_ =	sdelay $0x1  }
0x250: {  	(erf) = vrcp.f32 v4;
	_ =	sdelay $0x4  }
0x251: {  	v4 =	vld [tilespmem:s29+$0x360];
	_ =	sdelay $0x3  }
0x252: {  	v5 =	vpop (erf)  }
0x253: {  	v4 =	vmul.f32 v5, v4  }
0x254: {  	[tilespmem:s29+$0x360] =	vst v5;
	v5 =	vld [tilespmem:s29+$0x4330]  }
0x255: {  	[tilespmem:s29+$0x320] =	vst v4;
	v4 =	vld [tilespmem:s29+$0x330];
	_ =	sdelay $0x1  }
0x256: {  	v6 =	vld.idx.msk [tilespmem:v1+s29+$0x30 ss:$0x1], $0xffff;
	_ =	sdelay $0x2  }
0x257: {  	v4 =	vadd.f32 v5, v4;
	_ =	sdelay $0x1  }
0x258: {  	v4 =	vadd.f32 v4, v6;
	_ =	sdelay $0x1  }
0x259: {  	v4 =	vsub.f32 $0.0e+00, v4;
	_ =	sdelay $0x1  }
0x25a: {  	v4 =	vmul.f32 $1.442695020e+00, v4;
	_ =	sdelay $0x1  }
0x25b: {  	(erf) = vpow2.f32 v4;
	_ =	sdelay $0x8  }
0x25c: {  	v4 =	vpop (erf)  }
0x25d: {  	v4 =	vadd.f32 $1.000000000e+00, v4;
	_ =	sdelay $0x1  }
0x25e: {  	(erf) = vrcp.f32 v4;
	_ =	sdelay $0x4  }
0x25f: {  	v4 =	vld [tilespmem:s29+$0x370];
	_ =	sdelay $0x3  }
0x260: {  	v5 =	vpop (erf)  }
0x261: {  	s31 =	simm.s32 $0x80;
	[tilespmem:s29+$0x370] =	vst v5;
	v5 =	vmul.f32 v5, v4  }
0x262: {  	s30 =	simm.s32 $0x400;
	v4 =	vld [tilespmem:s31+$0x4300]  }
.LBB2_9:
0x263: {  	p1 =	sne.s32 s30, $0x3E00;
	v6 =	vld [tilespmem:s31+$0x300];
	[tilespmem:s29+$0x330] =	vst v5;
	s29 =	smov.u32 s31  }
0x264: {  	v5 =	vld.idx.msk [tilespmem:v1+s29+$0x0 ss:$0x1], $0xffff;
	_ =	sdelay $0x3  }
0x265: {  	v4 =	vadd.f32 v4, v6;
	_ =	sdelay $0x1  }
0x266: {  	v4 =	vadd.f32 v4, v5;
	_ =	sdelay $0x1  }
0x267: {  	v4 =	vsub.f32 $0.0e+00, v4;
	_ =	sdelay $0x1  }
0x268: {  	v4 =	vmul.f32 $1.442695020e+00, v4;
	_ =	sdelay $0x1  }
0x269: {  	(erf) = vpow2.f32 v4;
	_ =	sdelay $0x8  }
0x26a: {  	v4 =	vpop (erf)  }
0x26b: {  	v4 =	vadd.f32 $1.000000000e+00, v4;
	_ =	sdelay $0x1  }
0x26c: {  	(erf) = vrcp.f32 v4;
	_ =	sdelay $0x4  }
0x26d: {  	v4 =	vld [tilespmem:s29+$0x340];
	_ =	sdelay $0x3  }
0x26e: {  	v5 =	vpop (erf)  }
0x26f: {  	v4 =	vmul.f32 v5, v4  }
0x270: {  	[tilespmem:s29+$0x340] =	vst v5;
	v5 =	vld [tilespmem:s29+$0x4310]  }
0x271: {  	[tilespmem:s29+$0x300] =	vst v4;
	v4 =	vld [tilespmem:s29+$0x310]  }
0x272: {  	v6 =	vld.idx.msk [tilespmem:v1+s29+$0x10 ss:$0x1], $0xffff;
	_ =	sdelay $0x3  }
0x273: {  	v4 =	vadd.f32 v5, v4;
	_ =	sdelay $0x1  }
0x274: {  	v4 =	vadd.f32 v4, v6;
	_ =	sdelay $0x1  }
0x275: {  	v4 =	vsub.f32 $0.0e+00, v4;
	_ =	sdelay $0x1  }
0x276: {  	v4 =	vmul.f32 $1.442695020e+00, v4;
	_ =	sdelay $0x1  }
0x277: {  	(erf) = vpow2.f32 v4;
	_ =	sdelay $0x8  }
0x278: {  	v4 =	vpop (erf)  }
0x279: {  	v4 =	vadd.f32 $1.000000000e+00, v4;
	_ =	sdelay $0x1  }
0x27a: {  	(erf) = vrcp.f32 v4;
	_ =	sdelay $0x4  }
0x27b: {  	v4 =	vld [tilespmem:s29+$0x350];
	_ =	sdelay $0x3  }
0x27c: {  	v5 =	vpop (erf)  }
0x27d: {  	v4 =	vmul.f32 v5, v4  }
0x27e: {  	[tilespmem:s29+$0x350] =	vst v5;
	v5 =	vld [tilespmem:s29+$0x4320]  }
0x27f: {  	[tilespmem:s29+$0x310] =	vst v4;
	v4 =	vld [tilespmem:s29+$0x320]  }
0x280: {  	v6 =	vld.idx.msk [tilespmem:v1+s29+$0x20 ss:$0x1], $0xffff;
	_ =	sdelay $0x3  }
0x281: {  	v4 =	vadd.f32 v5, v4;
	_ =	sdelay $0x1  }
0x282: {  	v4 =	vadd.f32 v4, v6;
	_ =	sdelay $0x1  }
0x283: {  	v4 =	vsub.f32 $0.0e+00, v4;
	_ =	sdelay $0x1  }
0x284: {  	v4 =	vmul.f32 $1.442695020e+00, v4;
	_ =	sdelay $0x1  }
0x285: {  	(erf) = vpow2.f32 v4;
	_ =	sdelay $0x8  }
0x286: {  	v4 =	vpop (erf)  }
0x287: {  	v4 =	vadd.f32 $1.000000000e+00, v4;
	_ =	sdelay $0x1  }
0x288: {  	(erf) = vrcp.f32 v4;
	_ =	sdelay $0x4  }
0x289: {  	v4 =	vld [tilespmem:s29+$0x360];
	_ =	sdelay $0x3  }
0x28a: {  	v5 =	vpop (erf)  }
0x28b: {  	v4 =	vmul.f32 v5, v4  }
0x28c: {  	[tilespmem:s29+$0x360] =	vst v5;
	v5 =	vld [tilespmem:s29+$0x4330]  }
0x28d: {  	[tilespmem:s29+$0x320] =	vst v4;
	v4 =	vld [tilespmem:s29+$0x330]  }
0x28e: {  	v6 =	vld.idx.msk [tilespmem:v1+s29+$0x30 ss:$0x1], $0xffff;
	_ =	sdelay $0x3  }
0x28f: {  	v4 =	vadd.f32 v5, v4;
	_ =	sdelay $0x1  }
0x290: {  	v4 =	vadd.f32 v4, v6;
	_ =	sdelay $0x1  }
0x291: {  	v4 =	vsub.f32 $0.0e+00, v4;
	_ =	sdelay $0x1  }
0x292: {  	v4 =	vmul.f32 $1.442695020e+00, v4;
	_ =	sdelay $0x1  }
0x293: {  	(erf) = vpow2.f32 v4;
	_ =	sdelay $0x8  }
0x294: {  	v4 =	vpop (erf)  }
0x295: {  	v4 =	vadd.f32 $1.000000000e+00, v4;
	_ =	sdelay $0x1  }
0x296: {  	(erf) = vrcp.f32 v4;
	_ =	sdelay $0x4  }
0x297: {  	v4 =	vld [tilespmem:s29+$0x370];
	_ =	sdelay $0x1  }
.Ltmp3:
0x298: {  	(pc) =	sbr.rel @p1 .LBB2_9-.Ltmp3, $4  }
0x299: {  	_ = 	snop  }
0x29a: {  	v6 =	vpop (erf)  }
0x29b: {  	s31 =	sshra.s32 s30, $0x2;
	v5 =	vmul.f32 v6, v4;
	[tilespmem:s29+$0x370] =	vst v6  }
0x29c: {  	s30 =	sadd.s32 $0x200, s30;
	v4 =	vld [tilespmem:s31+$0x4300]  }
0x29d: {  	_ =	sdelay $0x1  }
0x29e: {  	v6 =	vld [tilespmem:s31+$0x300]  }
0x29f: {  	[tilespmem:s29+$0x330] =	vst v5  }
0x2a0: {  	v5 =	vld.idx.msk [tilespmem:v1+s31+$0x0 ss:$0x1], $0xffff;
	_ =	sdelay $0x2  }
0x2a1: {  	v4 =	vadd.f32 v4, v6;
	_ =	sdelay $0x1  }
0x2a2: {  	v4 =	vadd.f32 v4, v5;
	_ =	sdelay $0x1  }
0x2a3: {  	v4 =	vsub.f32 $0.0e+00, v4;
	_ =	sdelay $0x1  }
0x2a4: {  	v4 =	vmul.f32 $1.442695020e+00, v4;
	_ =	sdelay $0x1  }
0x2a5: {  	(erf) = vpow2.f32 v4;
	_ =	sdelay $0x8  }
0x2a6: {  	v4 =	vpop (erf)  }
0x2a7: {  	v4 =	vadd.f32 $1.000000000e+00, v4;
	_ =	sdelay $0x1  }
0x2a8: {  	(erf) = vrcp.f32 v4;
	_ =	sdelay $0x4  }
0x2a9: {  	v4 =	vld [tilespmem:s31+$0x340];
	_ =	sdelay $0x3  }
0x2aa: {  	v5 =	vpop (erf)  }
0x2ab: {  	v4 =	vmul.f32 v5, v4  }
0x2ac: {  	[tilespmem:s31+$0x340] =	vst v5;
	v5 =	vld [tilespmem:s31+$0x4310]  }
0x2ad: {  	[tilespmem:s31+$0x300] =	vst v4;
	v4 =	vld [tilespmem:s31+$0x310];
	_ =	sdelay $0x1  }
0x2ae: {  	v61 =	vld.idx.msk [tilespmem:v1+s31+$0x10 ss:$0x1], $0xffff;
	_ =	sdelay $0x2  }
0x2af: {  	v4 =	vadd.f32 v5, v4;
	_ =	sdelay $0x1  }
0x2b0: {  	v4 =	vadd.f32 v4, v61;
	_ =	sdelay $0x1  }
0x2b1: {  	v4 =	vsub.f32 $0.0e+00, v4;
	_ =	sdelay $0x1  }
0x2b2: {  	v4 =	vmul.f32 $1.442695020e+00, v4;
	_ =	sdelay $0x1  }
0x2b3: {  	(erf) = vpow2.f32 v4;
	_ =	sdelay $0x8  }
0x2b4: {  	v4 =	vpop (erf)  }
0x2b5: {  	v4 =	vadd.f32 $1.000000000e+00, v4;
	_ =	sdelay $0x1  }
0x2b6: {  	(erf) = vrcp.f32 v4;
	_ =	sdelay $0x4  }
0x2b7: {  	v4 =	vld [tilespmem:s31+$0x350];
	_ =	sdelay $0x3  }
0x2b8: {  	v5 =	vpop (erf)  }
0x2b9: {  	v4 =	vmul.f32 v5, v4  }
0x2ba: {  	[tilespmem:s31+$0x350] =	vst v5;
	v5 =	vld [tilespmem:s31+$0x4320]  }
0x2bb: {  	[tilespmem:s31+$0x310] =	vst v4;
	v4 =	vld [tilespmem:s31+$0x320];
	_ =	sdelay $0x1  }
0x2bc: {  	v62 =	vld.idx.msk [tilespmem:v1+s31+$0x20 ss:$0x1], $0xffff;
	_ =	sdelay $0x2  }
0x2bd: {  	v4 =	vadd.f32 v5, v4;
	_ =	sdelay $0x1  }
0x2be: {  	v4 =	vadd.f32 v4, v62;
	_ =	sdelay $0x1  }
0x2bf: {  	v4 =	vsub.f32 $0.0e+00, v4;
	_ =	sdelay $0x1  }
0x2c0: {  	v4 =	vmul.f32 $1.442695020e+00, v4;
	_ =	sdelay $0x1  }
0x2c1: {  	(erf) = vpow2.f32 v4;
	_ =	sdelay $0x8  }
0x2c2: {  	v4 =	vpop (erf)  }
0x2c3: {  	v4 =	vadd.f32 $1.000000000e+00, v4;
	_ =	sdelay $0x1  }
0x2c4: {  	(erf) = vrcp.f32 v4;
	_ =	sdelay $0x4  }
0x2c5: {  	v4 =	vld [tilespmem:s31+$0x360];
	_ =	sdelay $0x3  }
0x2c6: {  	v5 =	vpop (erf)  }
0x2c7: {  	v4 =	vmul.f32 v5, v4  }
0x2c8: {  	[tilespmem:s31+$0x360] =	vst v5;
	v5 =	vld [tilespmem:s31+$0x4330]  }
0x2c9: {  	[tilespmem:s31+$0x320] =	vst v4;
	v4 =	vld [tilespmem:s31+$0x330];
	_ =	sdelay $0x1  }
0x2ca: {  	v63 =	vld.idx.msk [tilespmem:v1+s31+$0x30 ss:$0x1], $0xffff;
	_ =	sdelay $0x2  }
0x2cb: {  	v4 =	vadd.f32 v5, v4;
	_ =	sdelay $0x1  }
0x2cc: {  	v4 =	vadd.f32 v4, v63;
	_ =	sdelay $0x1  }
0x2cd: {  	v4 =	vsub.f32 $0.0e+00, v4;
	_ =	sdelay $0x1  }
0x2ce: {  	v4 =	vmul.f32 $1.442695020e+00, v4;
	_ =	sdelay $0x1  }
0x2cf: {  	(erf) = vpow2.f32 v4;
	_ =	sdelay $0x8  }
0x2d0: {  	v4 =	vpop (erf)  }
0x2d1: {  	v4 =	vadd.f32 $1.000000000e+00, v4;
	_ =	sdelay $0x1  }
0x2d2: {  	(erf) = vrcp.f32 v4;
	_ =	sdelay $0x4  }
0x2d3: {  	v4 =	vld [tilespmem:s31+$0x370]  }
0x2d4: {  	s28 =	sadd.s32 $0x1, s28  }
0x2d5: {  	p1 =	sne.s32 s28, $0x138  }
.Ltmp4:
0x2d6: {  	_ = 	snop;
	(pc) =	sbr.rel @p1 .LBB2_6-.Ltmp4, $4  }
0x2d7: {  	v5 =	vpop (erf)  }
0x2d8: {  	v4 =	vmul.f32 v5, v4  }
0x2d9: {  	[tilespmem:s31+$0x370] =	vst v5  }
0x2da: {  	[tilespmem:s31+$0x330] =	vst v4  }
0x2db: {  	[spmem:s1] =	stream.indirect.scatter.add.f32 [tilespmem:s16], [sflag:$0x3], $0x80, s12, s14, $0xb8;
	[tilespmem:$0x1B380] =	vst v63  }
0x2dc: {  	_ =	swait.ge [sflag:s2], $0x1000  }
0x2dd: {  	[sflag:s2] =	ssyncset.done $0x0  }
0x2de: {  	[sflag:s2] =	ssyncadd.s32 $0xFFFFF000  }
0x2df: {  	s4 =	stileid.u32;
	[bflag:$0x0] =	sbarrier.arrive $0xFFFF  }
0x2e0: {  	s4 =	sshll.u32 s4, $0x6;
	s31 =	rddreg [dreg:$0x3]  }
0x2e1: {  	s4 =	sor.u32 $0x1C03, s4;
	s28 =	rddreg [dreg:$0xc];
	s10 =	sshrl.u32 s31, $0x3  }
0x2e2: {  	[hbm:s28], [sflag:s4] =	dma.local [spmem:s10], $0x2700  }
0x2e3: {  	_ =	swait.ge [sflag:s2], $0x2700  }
0x2e4: {  	[sflag:s2] =	ssyncset.done $0x0;
	s10 =	rddreg [dreg:$0x16]  }
0x2e5: {  	s28 =	rddreg [dreg:$0xd];
	[sflag:s2] =	ssyncadd.s32 $0xFFFFD900;
	s10 =	sshrl.u32 @!p0 s10, $0x3  }
0x2e6: {  	[hbm:s28], [sflag:s4] =	dma.local @!p0 [spmem:s10], $0x100  }
0x2e7: {  	s4 =	simm.s32 @!p0 $0x3  }
0x2e8: {  	_ =	swait.ge @!p0 [sflag:s4], $0x100  }
0x2e9: {  	s26 =	sadd.s32 $0x1, s26;
	s30 =	rddreg [dreg:$0xe]  }
0x2ea: {  	p1 =	sne.s32 s26, s30  }
.Ltmp5:
0x2eb: {  	_ = 	snop;
	(pc) =	sbr.rel @p1 .LBB2_1-.Ltmp5, $3  }
0x2ec: {  	_ =	sdelay $0x1  }
0x2ed: {  	[sflag:s4] =	ssyncset.done @!p0 $0x0  }
0x2ee: {  	[sflag:s4] =	ssyncadd.s32 @!p0 $0xFFFFFF00  }
0x2ef: {  	_ =	sfence.sel $0x180000  }
0x2f0: {  	[bflag:$0x0] =	sbarrier.arrive $0xFFFF  }
0x2f1: {  	_ =	strace $0x9000004A  }
0x2f2: {  	s0 =	stileid.u32;
	[bflag:$0x2] =	sbarrier.arrive $0xFFFF  }
0x2f3: {  	p0 =	sne.s32 s0, $0x0;
	s0 =	rddreg [dreg:$0x2]  }
0x2f4: {  	s0 =	sadd.s32 @!p0 $0x100000, s0  }
0x2f5: {  	[sflag:s0] =	ssyncadd.tile.s32 @!p0 $0x1;
	_ =	shalt  }
.Lfunc_end2:
_tile_overlayer_lowered:
.L_overlay_start_2:
0x2f6: {  	(tag) =	ssettag $0x2  }
0x2f7: {  	s0 =	rddreg [dreg:$0x0];
	s2 =	stileid.u32  }
0x2f8: {  	s1 =	rddreg [dreg:$0x1];
	p0 =	sne.s32 s2, $0x0  }
0x2f9: {  	s3 =	rddreg [dreg:$0x2];
	[bflag:$0x3] =	sbarrier.arrive $0xFFFF;
	s2 =	simm.s32 @!p0 $0x1C03  }
0x2fa: {  	[timem:s3], [sflag:s2] =	dma.local @!p0 [hbm:s0], s1  }
0x2fb: {  	s0 =	simm.s32 @!p0 $0x3  }
0x2fc: {  	_ =	swait.ge @!p0 [sflag:s0], s1  }
0x2fd: {  	s1 =	ssub.s32 @!p0 $0x0, s1;
	[sflag:s0] =	ssyncset.done @!p0 $0x0  }
0x2fe: {  	[sflag:s0] =	ssyncadd.s32 @!p0 s1  }
0x2ff: {  	[bflag:$0x3] =	sbarrier.arrive $0xFFFF  }
0x300: {  	_ =	shalt  }

// kernel: kernel.9.cloned.1.call-start
scs
__scs_entry_jumppad:
0x0: {  	(pc) =	sbr.rel $0x88, $3  }
0x1: {  	(tag) =	ssettag $0x0;
	lr =	simm.s32 $0x1  }
0x2: {  	[smem:$0x3F8D] =	sst lr;
	_ =	strace $0xD0000000  }
0x3: {  	_ = 	snop  }
0x4: {  	_ = 	snop  }
0x5: {  	_ = 	snop  }
0x6: {  	_ = 	snop  }
0x7: {  	_ = 	snop  }
__scs_overlays_trampoline_lowered:
0x8: {  	[smem:$0x3F9C] =	sst s0  }
0x9: {  	[smem:$0x3F9D] =	sst s1  }
0xa: {  	[smem:$0x3F9E] =	sst s2  }
0xb: {  	[smem:$0x3F9F] =	sst s3  }
0xc: {  	[smem:$0x3FA0] =	sst s4  }
0xd: {  	[smem:$0x3FA1] =	sst s5  }
0xe: {  	[smem:$0x3FA2] =	sst s6  }
0xf: {  	[smem:$0x3FA3] =	sst s7  }
0x10: {  	[smem:$0x3FA4] =	sst s8  }
0x11: {  	[smem:$0x3FA5] =	sst s9;
	s0 =	simm.s32 @!p0 $0x0  }
0x12: {  	s1 =	sld [smem:$0x3F8B];
	s0 =	simm.s32 @p0 $0x1  }
0x13: {  	[smem:$0x3FA6] =	sst s0;
	s0 =	simm.s32 @!p1 $0x0  }
0x14: {  	s2 =	sld [smem:$0x3F8A];
	s0 =	simm.s32 @p1 $0x1  }
0x15: {  	[smem:$0x3FA7] =	sst s0;
	s0 =	simm.s32 @!p2 $0x0  }
0x16: {  	s3 =	sld [smem:$0x3FDB];
	s0 =	simm.s32 @p2 $0x1  }
0x17: {  	s4 =	simm.s32 $0x1BF5;
	[smem:$0x3FA9] =	sst s0  }
0x18: {  	s0 =	sld [smem:$0x3F8C];
	_ =	swait.ge [sflag:s4], $0x0  }
0x19: {  	s7 =	sld [smem:$0x3F8D]  }
0x1a: {  	s8 =	sadd.s32 $0xFFFFE003, lr  }
0x1b: {  	s9 =	sadd.s32 $0xFFFFFEF7, lr;
	s5 =	simm.s32 $0xFFFFFFFF;
	p2 =	slt.u32 s8, $0xFFFFF086  }
0x1c: {  	p1 =	slt.u32 s9, $0xF7A;
	s5 =	simm.s32 @!p2 $0x0  }
0x1d: {  	s5 =	simm.s32 @p1 $0x1;
	p0 =	seq.s32 s7, s2  }
0x1e: {  	s7 =	smul.u32 @!p0 $0xF7A, s2;
	p2 =	seq.s32 @!p0 s5, $0x0  }
0x1f: {  	s9 =	smul.u32 $0xF7A, s1;
	s8 =	simm.s32 @!p0 $0x1BF5;
	p2 =	por !p2, p0  }
0x20: {  	[sflag:s8] =	ssyncset.s32 @!p0 $0xFFFFF086;
	s6 =	sadd.s32 @!p0 s3, s7;
	s7 =	simm.s32 @!p0 $0x108  }
0x21: {  	s3 =	sadd.s32 s3, s9;
	s6 =	sadd.s32 @!p0 $0x88, s6;
	s7 =	simm.s32 @p2 $0x1082  }
0x22: {  	[simem:s7], [sflag:s8] =	dma.local @!p0 [hbm:s6], $0xF7A  }
0x23: {  	s9 =	sor.u32 $0xD0000000, s2;
	s6 =	simm.s32 $0x108;
	_ =	swait.ge @!p0 [sflag:s8], $0x0  }
0x24: {  	s3 =	sadd.s32 $0x88, s3;
	s6 =	simm.s32 @!p1 $0x1082;
	[sflag:s4] =	ssyncset.s32 $0xFFFFF086  }
0x25: {  	[simem:s6], [sflag:s4] =	dma.local [hbm:s3], $0xF7A  }
0x26: {  	[smem:$0x3F8D] =	sst s1;
	(tag) =	ssettag s2;
	_ =	strace s9  }
0x27: {  	s1 =	sld [smem:$0x3F9D]  }
0x28: {  	s2 =	sld [smem:$0x3F9E]  }
0x29: {  	s4 =	sld [smem:$0x3FA0]  }
0x2a: {  	p0 =	seq.s32 s5, $0x0;
	s5 =	sld [smem:$0x3FA1]  }
0x2b: {  	s6 =	sld [smem:$0x3FA2]  }
0x2c: {  	s7 =	sld [smem:$0x3FA3]  }
0x2d: {  	s3 =	simm.s32 $0x108;
	s8 =	sld [smem:$0x3FA4]  }
0x2e: {  	s3 =	simm.s32 @!p0 $0x1082;
	s9 =	sld [smem:$0x3FA5]  }
0x2f: {  	lr =	sadd.s32 s0, s3;
	s0 =	sld [smem:$0x3F9C]  }
0x30: {  	s3 =	sld [smem:$0x3F9F]  }
0x31: {  	[smem:$0x3FA8] =	sst s10  }
0x32: {  	s10 =	sld [smem:$0x3FA6];
	_ =	sdelay $0x3  }
0x33: {  	p0 =	seq.s32 s10, $0x1;
	s10 =	sld [smem:$0x3FA8];
	_ =	sdelay $0x3  }
0x34: {  	[smem:$0x3FA8] =	sst s10  }
0x35: {  	s10 =	sld [smem:$0x3FA7];
	_ =	sdelay $0x3  }
0x36: {  	p1 =	seq.s32 s10, $0x1;
	s10 =	sld [smem:$0x3FA8];
	_ =	sdelay $0x3  }
0x37: {  	[smem:$0x3FA8] =	sst s10  }
0x38: {  	s10 =	sld [smem:$0x3FA9]  }
0x39: {  	_ = 	snop;
	(pc) =	sbr.ind lr, $3  }
0x3a: {  	_ = 	snop  }
0x3b: {  	_ = 	snop  }
0x3c: {  	p2 =	seq.s32 s10, $0x1;
	s10 =	sld [smem:$0x3FA8]  }
0x3d: {  	_ =	shalt  }
0x3e: {  	_ =	shalt  }
0x3f: {  	_ =	shalt  }
0x40: {  	_ =	shalt  }
0x41: {  	_ =	shalt  }
0x42: {  	_ =	shalt  }
0x43: {  	_ =	shalt  }
0x44: {  	_ =	shalt  }
0x45: {  	_ =	shalt  }
0x46: {  	_ =	shalt  }
0x47: {  	_ =	shalt  }
0x48: {  	_ =	shalt  }
0x49: {  	_ =	shalt  }
0x4a: {  	_ =	shalt  }
0x4b: {  	_ =	shalt  }
0x4c: {  	_ =	shalt  }
0x4d: {  	_ =	shalt  }
0x4e: {  	_ =	shalt  }
0x4f: {  	_ =	shalt  }
0x50: {  	_ =	shalt  }
0x51: {  	_ =	shalt  }
0x52: {  	_ =	shalt  }
0x53: {  	_ =	shalt  }
0x54: {  	_ =	shalt  }
0x55: {  	_ =	shalt  }
0x56: {  	_ =	shalt  }
0x57: {  	_ =	shalt  }
0x58: {  	_ =	shalt  }
0x59: {  	_ =	shalt  }
0x5a: {  	_ =	shalt  }
0x5b: {  	_ =	shalt  }
0x5c: {  	_ =	shalt  }
0x5d: {  	_ =	shalt  }
0x5e: {  	_ =	shalt  }
0x5f: {  	_ =	shalt  }
0x60: {  	_ =	shalt  }
0x61: {  	_ =	shalt  }
0x62: {  	_ =	shalt  }
0x63: {  	_ =	shalt  }
0x64: {  	_ =	shalt  }
0x65: {  	_ =	shalt  }
0x66: {  	_ =	shalt  }
0x67: {  	_ =	shalt  }
0x68: {  	_ =	shalt  }
0x69: {  	_ =	shalt  }
0x6a: {  	_ =	shalt  }
0x6b: {  	_ =	shalt  }
0x6c: {  	_ =	shalt  }
0x6d: {  	_ =	shalt  }
0x6e: {  	_ =	shalt  }
0x6f: {  	_ =	shalt  }
0x70: {  	_ =	shalt  }
0x71: {  	_ =	shalt  }
0x72: {  	_ =	shalt  }
0x73: {  	_ =	shalt  }
0x74: {  	_ =	shalt  }
0x75: {  	_ =	shalt  }
0x76: {  	_ =	shalt  }
0x77: {  	_ =	shalt  }
0x78: {  	_ =	shalt  }
0x79: {  	_ =	shalt  }
0x7a: {  	_ =	shalt  }
0x7b: {  	_ =	shalt  }
0x7c: {  	_ =	shalt  }
0x7d: {  	_ =	shalt  }
0x7e: {  	_ =	shalt  }
0x7f: {  	_ =	shalt  }
0x80: {  	_ =	shalt  }
0x81: {  	_ =	shalt  }
0x82: {  	_ =	shalt  }
0x83: {  	_ =	shalt  }
0x84: {  	_ =	shalt  }
0x85: {  	_ =	shalt  }
0x86: {  	_ =	shalt  }
0x87: {  	_ =	shalt  }
.Lfunc_end0:
.L_simem_size_0:
called_computation_lowered:
.L_overlay_start_0:
0x88: {  	s2 =	sld [smem:$0x3FD9]  }
0x89: {  	s3 =	sld [smem:$0x3FFE];
	_ =	sdelay $0x1  }
0x8a: {  	s1 =	srdreg.scid  }
0x8b: {  	s0 =	sand.u32 $0x1, s1  }
0x8c: {  	s16 =	sshll.u32 s0, $0xA;
	s2 =	sadd.s32 s3, s2  }
0x8d: {  	s2 =	sadd.s32 s2, s16  }
0x8e: {  	[smem:$0x3FB4] =	sst s2  }
0x8f: {  	_ = 	snop  }
0x90: {  	(tm) =	ssettm $0x1  }
0x91: {  	s17 =	sld [smem:$0x3FFB];
	_ =	sdelay $0x3  }
0x92: {  	_ =	strace s17  }
0x93: {  	s2 =	sld [smem:$0x3FFC];
	_ =	sdelay $0x3  }
0x94: {  	_ =	strace s2  }
0x95: {  	s2 =	sld [smem:$0x3FFD];
	_ =	sdelay $0x3  }
0x96: {  	_ =	strace s2  }
0x97: {  	_ =	strace $0x8FFFFFFF  }
0x98: {  	s18 =	sld [smem:$0x3FDB];
	_ =	sdelay $0x1  }
0x99: {  	s19 =	simm.s32 $_scs_section_size  }
0x9a: {  	s4 =	simm.s32 $_size__tile_overlayer_lowered;
	s5 =	simm.s32 $_tile_overlayer_lowered  }
0x9b: {  	s22 =	simm.s32 $0x1BFF;
	s21 =	sshll.u32 s5, $0x1;
	s2 =	sadd.s32 s19, s18  }
0x9c: {  	s6 =	simm.s32 $0x0;
	s20 =	sshll.u32 s4, $0x1;
	s4 =	sadd.s32 s21, s2  }
0x9d: {  	[timem:s6], [sflag:s22] =	dma.local [hbm:s4], s20  }
0x9e: {  	_ =	swait.ge [sflag:s22], s20  }
0x9f: {  	s3 =	ssub.s32 $0x0, s20;
	[sflag:s22] =	ssyncset.done $0x0  }
0xa0: {  	[sflag:s22] =	ssyncadd.s32 s3;
	_ =	sdelay $0x1  }
0xa1: {  	s23 =	simm.s32 $0x1B8B  }
0xa2: {  	_ =	swait.ge [sflag:s23], $0x1  }
0xa3: {  	[sflag:s23] =	ssyncset.done $0x0  }
0xa4: {  	s25 =	simm.s32 $0x1B8E;
	s24 =	sld [smem:$0x3FFE];
	[sflag:s23] =	ssyncadd.s32 $0xFFFFFFFF  }
0xa5: {  	s26 =	simm.s32 $execute0_lowered;
	[smem:$0x3FD2] =	sst s25  }
0xa6: {  	s4 =	sshll.u32 s26, $0x1;
	_ =	strace $0x80000046;
	[dreg:$0x1] =	wrdreg $0xFFFFFFFF  }
0xa7: {  	s28 =	simm.s32 $_size_execute0_lowered;
	s2 =	sadd.s32 s2, s4;
	[dreg:$0x0] =	wrdreg $0x0  }
0xa8: {  	s4 =	sshll.u32 s28, $0x1;
	[dreg:$0x2] =	wrdreg s2  }
0xa9: {  	[dreg:$0x3] =	wrdreg s4  }
0xaa: {  	[dreg:$0x4] =	wrdreg $0xC0  }
0xab: {  	_ =	task [dreg:s6], $0x5FFFF  }
0xac: {  	[dreg:$0x1] =	wrdreg $0xFFFFFFFF  }
0xad: {  	[dreg:$0x0] =	wrdreg $0x60  }
0xae: {  	[dreg:$0x2] =	wrdreg s24  }
0xaf: {  	[dreg:$0x3] =	wrdreg $0x7B000  }
0xb0: {  	[dreg:$0x4] =	wrdreg $0x9  }
0xb1: {  	_ =	task.clear_ibuf [dreg:s6], $0x5FFFF;
	_ =	strace $0x90000046  }
0xb2: {  	s29 =	simm.s32 $0x9;
	_ =	strace $0x80000048  }
0xb3: {  	_ =	swait.ge [sflag:s29], $0x1  }
0xb4: {  	[sflag:s29] =	ssyncadd.s32 $0xFFFFFFFF  }
0xb5: {  	_ =	strace $0x90000048  }
0xb6: {  	_ =	sfence  }
0xb7: {  	s30 =	sld [smem:$0x0];
	_ =	sdelay $0x2  }
0xb8: {  	s31 =	sshll.u32 s1, $0xD;
	s1 =	sshrl.u32 s1, $0x2  }
0xb9: {  	s3 =	sand.u32 $0x4000, s31;
	s1 =	sadd.s32 s1, s30  }
0xba: {  	s0 =	sor.u32 s3, s0;
	s1 =	sshll.u32 s1, $0x11  }
0xbb: {  	s0 =	sor.u32 s1, s0  }
0xbc: {  	s0 =	sadd.s32 $0x8F2B, s0  }
0xbd: {  	[sflag:s0] =	ssyncadd.remote.s32 $0x1  }
0xbe: {  	_ =	sfence.sel $0xFFFF  }
0xbf: {  	[dreg:$0x0] =	wrdreg $0xFFFFFFFF;
	(pc) =	sbr.abs _section_cstart, $3  }
0xc0: {  	[dreg:$0x1] =	wrdreg $0xFFFFFFFF  }
0xc1: {  	_ =	task.clear_ibuf [dreg:s6], $0x2FFFF;
	_ =	strace $0x9FFFFFFF  }
0xc2: {  	(tm) =	ssettm $0x7FFFFFFF  }
0xc3: {  	_ =	shalt  }
tec
execute0_lowered:
.L_overlay_start_1:
0x0: {  	(tag) =	ssettag $0x1  }
0x1: {  	s0 =	rddreg [dreg:$0x0]  }
0x2: {  	s1 =	rddreg [dreg:$0x1]  }
0x3: {  	s26 =	simm.s32 $0x0;
	s2 =	srdreg.scid;
	s18 =	stileid.u32  }
0x4: {  	s28 =	simm.s32 $0x180;
	s29 =	simm.s32 $0x3;
	s31 =	simm.s32 $0x1300  }
0x5: {  	[smem:$0x7FF] =	sst s26;
	s4 =	sadd.s32 $0x5E9400, s0;
	s11 =	smul.u32 $0x4E000, s18  }
0x6: {  	s5 =	sadd.s32 $0x54CE00, s0;
	s2 =	sand.u32 $0x1, s2;
	s10 =	smul.u32 $0x4E20, s18  }
0x7: {  	s6 =	sadd.s32 $0x4FCC00, s0;
	s7 =	sadd.s32 $0x10400, s0;
	s17 =	smul.u32 $0x271000, s18  }
0x8: {  	s12 =	sadd.s32 $0x1971400, s0;
	s8 =	sadd.s32 $0x6600, s0;
	s20 =	smul.u32 $0x13800, s18  }
0x9: {  	s9 =	sadd.s32 $0xFAD400, s0;
	p0 =	sne.s32 s18, $0xF;
	s3 =	smul.u32 $0x2710, s2  }
0xa: {  	_ =	strace $0x80000047;
	s16 =	ssub.s32 $0x2, s2;
	s15 =	smul.u32 $0x138800, s2  }
0xb: {  	s13 =	sshrl.u32 s11, $0x2;
	s11 =	smul.u32 $0x2710000, s2;
	s14 =	sshrl.u32 s16, $0x1  }
0xc: {  	s2 =	sshll.u32 s2, $0x6;
	s30 =	sadd.s32 s13, s1;
	s0 =	ssub.s32 s16, s14  }
0xd: {  	s16 =	sshrl.u32 s10, $0x3;
	s19 =	sadd.s32 $0x1800, s30;
	[dreg:$0x3] =	wrdreg s30  }
0xe: {  	s14 =	sadd.s32 s17, s11;
	s17 =	sadd.s32 $0x3000, s30;
	[dreg:$0x4] =	wrdreg s19  }
0xf: {  	s13 =	sadd.s32 s20, s15;
	s21 =	sadd.s32 s7, s16;
	[dreg:$0x5] =	wrdreg s17  }
0x10: {  	s15 =	sshrl.u32 s15, $0x3;
	s16 =	sadd.s32 s8, s16;
	[dreg:$0x6] =	wrdreg s21  }
0x11: {  	v0 =	vmov s3;
	s3 =	simm.s32 $0x5300;
	s0 =	smax.u32 s0, $0x1;
	[dreg:$0x7] =	wrdreg s16  }
0x12: {  	s13 =	sshrl.u32 s13, $0x3;
	s18 =	sadd.s32 $0x7800, s30;
	[dreg:$0xc] =	wrdreg s0  }
0x13: {  	s20 =	sadd.s32 $0xA800, s30;
	s22 =	sshrl.u32 s14, $0x3;
	[dreg:$0xf] =	wrdreg s18  }
0x14: {  	s13 =	sadd.s32 s12, s13;
	s12 =	sadd.s32 s12, s15;
	[dreg:$0x11] =	wrdreg s20  }
0x15: {  	s16 =	sadd.s32 $0x4800, s30;
	s17 =	sadd.s32 $0x6000, s30;
	[dreg:$0x9] =	wrdreg s13  }
0x16: {  	s19 =	sadd.s32 $0x9000, s30;
	s21 =	sadd.s32 $0xC000, s30;
	[dreg:$0xd] =	wrdreg s16  }
0x17: {  	s15 =	sadd.s32 $0x40, s10;
	s18 =	simm.s32 $0x100;
	[dreg:$0xe] =	wrdreg s17  }
0x18: {  	s20 =	simm.s32 $0x20;
	s23 =	sadd.s32 s4, s22;
	[dreg:$0x10] =	wrdreg s19  }
0x19: {  	s24 =	sadd.s32 s9, s22;
	s13 =	sor.u32 $0x2300, s2;
	[dreg:$0x12] =	wrdreg s21  }
0x1a: {  	s2 =	sor.u32 $0x3300, s2;
	s12 =	sadd.s32 $0x27000, s12;
	[dreg:$0x8] =	wrdreg s23  }
0x1b: {  	s22 =	sadd.s32 $0xD800, s30;
	s16 =	sadd.s32 $0x138000, s1;
	[dreg:$0xb] =	wrdreg s12  }
0x1c: {  	s17 =	simm.s32 $0x4;
	s19 =	simm.s32 $0x1;
	[dreg:$0x13] =	wrdreg s22  }
0x1d: {  	s21 =	simm.s32 $0x200;
	s25 =	sadd.s32 $0x4E000, s24;
	[dreg:$0x17] =	wrdreg s16  }
0x1e: {  	s23 =	sadd.s32 $0xF000, s30;
	s24 =	sadd.s32 $0x10800, s30;
	[dreg:$0xa] =	wrdreg s25  }
0x1f: {  	s22 =	simm.s32 $0x300;
	v1 =	vmov s13;
	v2 =	vmov s2;
	s12 =	simm.s32 $0x0;
	[dreg:$0x14] =	wrdreg s23  }
0x20: {  	[dreg:$0x15] =	wrdreg s24;
	s25 =	sadd.s32 $0x12000, s30;
	s23 =	simm.s32 $0x2300  }
0x21: {  	v3 =	vimm.f32 $0.0e+00;
	s24 =	simm.s32 $0x4300;
	[dreg:$0x16] =	wrdreg s25;
	s25 =	simm.s32 $0x2  }
.LBB2_1:
0x22: {  	s0 =	sand.u32 $0x7E00, s26  }
0x23: {  	[dreg:$0x18] =	wrdreg s12;
	s2 =	sand.u32 $0x70, s26;
	s26 =	sshrl.u32 s0, $0x2  }
0x24: {  	s0 =	simm.s32 $0x40;
	s12 =	sor.u32 s2, s26;
	s2 =	simm.s32 $0x0  }
.LBB2_2:
0x25: {  	p1 =	sne.s32 s0, $0x5FC0  }
0x26: {  	[tilespmem:s12+$0x6300] =	vst v3;
	s2 =	sadd.s32 $0x10, s2;
	s12 =	smov.u32 s0;
	s0 =	sadd.s32 $0x40, s0  }
.Ltmp0:
0x27: {  	(pc) =	sbr.rel @p1 .LBB2_2-.Ltmp0, $4  }
0x28: {  	_ = 	snop  }
0x29: {  	s12 =	sand.u32 $0x7E00, s12  }
0x2a: {  	s13 =	sand.u32 $0x70, s2;
	s12 =	sshrl.u32 s12, $0x2  }
0x2b: {  	s12 =	sor.u32 s13, s12  }
0x2c: {  	[tilespmem:s12+$0x6300] =	vst v3;
	s2 =	simm.s32 $0x6300  }
0x2d: {  	[spmem:s30] =	stream.linear.scatter [tilespmem:s2], [sflag:$0x4], $0x1800, $0x38;
	[tilespmem:$0x1B380] =	vst v63  }
0x2e: {  	_ =	swait.ge [sflag:s17], $0x1800  }
0x2f: {  	[sflag:s17] =	ssyncset.done $0x0  }
0x30: {  	s0 =	rddreg [dreg:$0x4];
	[sflag:s17] =	ssyncadd.s32 $0xFFFFE800  }
0x31: {  	[spmem:s0] =	stream.linear.scatter [tilespmem:s2], [sflag:$0x4], $0x1800, $0x38;
	[tilespmem:$0x1B380] =	vst v63  }
0x32: {  	_ =	swait.ge [sflag:s17], $0x1800  }
0x33: {  	[sflag:s17] =	ssyncset.done $0x0  }
0x34: {  	s30 =	rddreg [dreg:$0x5];
	[sflag:s17] =	ssyncadd.s32 $0xFFFFE800  }
0x35: {  	[spmem:s30] =	stream.linear.scatter [tilespmem:s2], [sflag:$0x4], $0x1800, $0x38;
	[tilespmem:$0x1B380] =	vst v63  }
0x36: {  	_ =	swait.ge [sflag:s17], $0x1800  }
0x37: {  	[sflag:s17] =	ssyncset.done $0x0  }
0x38: {  	s12 =	rddreg [dreg:$0xd];
	[sflag:s17] =	ssyncadd.s32 $0xFFFFE800  }
0x39: {  	[spmem:s12] =	stream.linear.scatter [tilespmem:s2], [sflag:$0x4], $0x1800, $0x38;
	[tilespmem:$0x1B380] =	vst v63  }
0x3a: {  	_ =	swait.ge [sflag:s17], $0x1800  }
0x3b: {  	[sflag:s17] =	ssyncset.done $0x0  }
0x3c: {  	s13 =	rddreg [dreg:$0xe];
	[sflag:s17] =	ssyncadd.s32 $0xFFFFE800  }
0x3d: {  	[spmem:s13] =	stream.linear.scatter [tilespmem:s2], [sflag:$0x4], $0x1800, $0x38;
	[tilespmem:$0x1B380] =	vst v63  }
0x3e: {  	_ =	swait.ge [sflag:s17], $0x1800  }
0x3f: {  	[sflag:s17] =	ssyncset.done $0x0  }
0x40: {  	s26 =	rddreg [dreg:$0xf];
	[sflag:s17] =	ssyncadd.s32 $0xFFFFE800  }
0x41: {  	[spmem:s26] =	stream.linear.scatter [tilespmem:s2], [sflag:$0x4], $0x1800, $0x38;
	[tilespmem:$0x1B380] =	vst v63  }
0x42: {  	_ =	swait.ge [sflag:s17], $0x1800  }
0x43: {  	[sflag:s17] =	ssyncset.done $0x0  }
0x44: {  	s30 =	rddreg [dreg:$0x10];
	[sflag:s17] =	ssyncadd.s32 $0xFFFFE800  }
0x45: {  	[spmem:s30] =	stream.linear.scatter [tilespmem:s2], [sflag:$0x4], $0x1800, $0x38;
	[tilespmem:$0x1B380] =	vst v63  }
0x46: {  	_ =	swait.ge [sflag:s17], $0x1800  }
0x47: {  	[sflag:s17] =	ssyncset.done $0x0  }
0x48: {  	s12 =	rddreg [dreg:$0x11];
	[sflag:s17] =	ssyncadd.s32 $0xFFFFE800  }
0x49: {  	[spmem:s12] =	stream.linear.scatter [tilespmem:s2], [sflag:$0x4], $0x1800, $0x38;
	[tilespmem:$0x1B380] =	vst v63  }
0x4a: {  	_ =	swait.ge [sflag:s17], $0x1800  }
0x4b: {  	[sflag:s17] =	ssyncset.done $0x0  }
0x4c: {  	s13 =	rddreg [dreg:$0x12];
	[sflag:s17] =	ssyncadd.s32 $0xFFFFE800  }
0x4d: {  	[spmem:s13] =	stream.linear.scatter [tilespmem:s2], [sflag:$0x4], $0x1800, $0x38;
	[tilespmem:$0x1B380] =	vst v63  }
0x4e: {  	_ =	swait.ge [sflag:s17], $0x1800  }
0x4f: {  	[sflag:s17] =	ssyncset.done $0x0  }
0x50: {  	s26 =	rddreg [dreg:$0x13];
	[sflag:s17] =	ssyncadd.s32 $0xFFFFE800  }
0x51: {  	[spmem:s26] =	stream.linear.scatter [tilespmem:s2], [sflag:$0x4], $0x1800, $0x38;
	[tilespmem:$0x1B380] =	vst v63  }
0x52: {  	_ =	swait.ge [sflag:s17], $0x1800  }
0x53: {  	[sflag:s17] =	ssyncset.done $0x0  }
0x54: {  	s30 =	rddreg [dreg:$0x14];
	[sflag:s17] =	ssyncadd.s32 $0xFFFFE800  }
0x55: {  	[spmem:s30] =	stream.linear.scatter [tilespmem:s2], [sflag:$0x4], $0x1800, $0x38;
	[tilespmem:$0x1B380] =	vst v63  }
0x56: {  	_ =	swait.ge [sflag:s17], $0x1800  }
0x57: {  	[sflag:s17] =	ssyncset.done $0x0  }
0x58: {  	s12 =	rddreg [dreg:$0x15];
	[sflag:s17] =	ssyncadd.s32 $0xFFFFE800  }
0x59: {  	[spmem:s12] =	stream.linear.scatter [tilespmem:s2], [sflag:$0x4], $0x1800, $0x38;
	[tilespmem:$0x1B380] =	vst v63  }
0x5a: {  	_ =	swait.ge [sflag:s17], $0x1800  }
0x5b: {  	[sflag:s17] =	ssyncset.done $0x0  }
0x5c: {  	s13 =	rddreg [dreg:$0x16];
	[sflag:s17] =	ssyncadd.s32 $0xFFFFE800  }
0x5d: {  	[spmem:s13] =	stream.linear.scatter [tilespmem:s2], [sflag:$0x4], $0x1800, $0x38;
	[tilespmem:$0x1B380] =	vst v63  }
0x5e: {  	_ =	swait.ge [sflag:s17], $0x1800  }
0x5f: {  	[sflag:s17] =	ssyncset.done $0x0  }
0x60: {  	s0 =	simm.s32 @!p0 $0x6300;
	[sflag:s17] =	ssyncadd.s32 $0xFFFFE800  }
0x61: {  	[spmem:s16] =	stream.linear.scatter @!p0 [tilespmem:s0], [sflag:$0x4], $0x800, $0x38;
	[tilespmem:$0x1B380] =	vst v63  }
0x62: {  	s0 =	simm.s32 @!p0 $0x4  }
0x63: {  	_ =	swait.ge @!p0 [sflag:s0], $0x800  }
0x64: {  	[sflag:s0] =	ssyncset.done @!p0 $0x0  }
0x65: {  	[sflag:s0] =	ssyncadd.s32 @!p0 $0xFFFFF800  }
0x66: {  	[bflag:$0x0] =	sbarrier.arrive $0xFFFF  }
0x67: {  	s13 =	simm.s32 $0x0;
	s16 =	rddreg [dreg:$0x6]  }
0x68: {  	[tilespmem:s13], [sflag:$0x1] =	stream.linear.gather [hbm4b:s16+s13], $0x20, $0x38;
	[tilespmem:$0x1B380] =	vst v63  }
0x69: {  	s26 =	rddreg [dreg:$0x7]  }
0x6a: {  	[tilespmem:s18], [sflag:$0x1] =	stream.linear.gather [hbm4b:s26+s13], $0x20, $0x38;
	[tilespmem:$0x1B380] =	vst v63  }
0x6b: {  	_ =	swait.ge [sflag:s19], $0x20  }
0x6c: {  	[sflag:s19] =	ssyncset.done $0x0  }
0x6d: {  	[sflag:s19] =	ssyncadd.s32 $0xFFFFFFE0  }
0x6e: {  	_ =	swait.ge [sflag:s19], $0x20  }
0x6f: {  	[sflag:s19] =	ssyncset.done $0x0  }
0x70: {  	[sflag:s19] =	ssyncadd.s32 $0xFFFFFFE0  }
0x71: {  	v4 =	vld [tilespmem:$0x0]  }
0x72: {  	v5 =	vld [tilespmem:$0x10];
	_ =	sdelay $0x3  }
0x73: {  	v4 =	vadd.s32 v0, v4  }
0x74: {  	[tilespmem:$0x200] =	vst v4;
	v4 =	vadd.s32 v0, v5  }
0x75: {  	[tilespmem:$0x210] =	vst v4  }
0x76: {  	[tilespmem:s22], [sflag:$0x2] =	stream.indirect.gather [hbm4b:s5+s20], $0x80, s21, s20, $0xb8;
	[tilespmem:$0x1B380] =	vst v63  }
0x77: {  	_ = 	snop  }
0x78: {  	[tilespmem:s23], [sflag:$0x2] =	stream.indirect.gather [hbm4b:s6+s20], $0x80, s18, s20, $0xb8;
	[tilespmem:$0x1B380] =	vst v63  }
0x79: {  	s30 =	rddreg [dreg:$0x8]  }
0x7a: {  	[tilespmem:s24], [sflag:$0x2] =	stream.linear.gather [hbm4b:s30+s13], $0x1000, $0x38;
	[tilespmem:$0x1B380] =	vst v63  }
0x7b: {  	_ =	swait.ge [sflag:s25], $0x1000  }
0x7c: {  	[sflag:s25] =	ssyncset.done $0x0  }
0x7d: {  	[sflag:s25] =	ssyncadd.s32 $0xFFFFF000  }
0x7e: {  	_ =	swait.ge [sflag:s25], $0x1000  }
0x7f: {  	[sflag:s25] =	ssyncset.done $0x0  }
0x80: {  	[sflag:s25] =	ssyncadd.s32 $0xFFFFF000  }
0x81: {  	_ =	swait.ge [sflag:s25], $0x1000  }
0x82: {  	[sflag:s25] =	ssyncset.done $0x0  }
0x83: {  	s12 =	simm.s32 $0x0;
	[sflag:s25] =	ssyncadd.s32 $0xFFFFF000  }
0x84: {  	v4 =	vld [tilespmem:s12+$0x300]  }
0x85: {  	v5 =	vld [tilespmem:s12+$0x4300];
	_ =	sdelay $0x1  }
0x86: {  	v6 =	vld.idx.msk [tilespmem:v1+s12+$0x0 ss:$0x1], $0xffff;
	_ =	sdelay $0x2  }
0x87: {  	v4 =	vadd.f32 v5, v4;
	_ =	sdelay $0x1  }
0x88: {  	v4 =	vadd.f32 v4, v6;
	_ =	sdelay $0x1  }
0x89: {  	v5 =	vsub.f32 $0.0e+00, v4;
	_ =	sdelay $0x1  }
0x8a: {  	v5 =	vmul.f32 $1.442695020e+00, v5;
	_ =	sdelay $0x1  }
0x8b: {  	(erf) = vpow2.f32 v5;
	_ =	sdelay $0x8  }
0x8c: {  	v5 =	vpop (erf)  }
0x8d: {  	v5 =	vadd.f32 $1.000000000e+00, v5;
	_ =	sdelay $0x1  }
0x8e: {  	(erf) = vrcp.f32 v5;
	_ =	sdelay $0x3  }
0x8f: {  	v4 =	vmax.f32 v4, $0.0e+00  }
0x90: {  	[tilespmem:s12+$0x4300] =	vst v4;
	v4 =	vld [tilespmem:s12+$0x340];
	_ =	sdelay $0x3  }
0x91: {  	v5 =	vpop (erf)  }
0x92: {  	v6 =	vld [tilespmem:s12+$0x4310];
	v4 =	vmul.f32 v5, v4  }
0x93: {  	[tilespmem:s12+$0x340] =	vst v5;
	v5 =	vld [tilespmem:s12+$0x310]  }
0x94: {  	[tilespmem:s12+$0x300] =	vst v4  }
0x95: {  	v4 =	vld.idx.msk [tilespmem:v1+s12+$0x10 ss:$0x1], $0xffff;
	_ =	sdelay $0x2  }
0x96: {  	v5 =	vadd.f32 v6, v5;
	_ =	sdelay $0x1  }
0x97: {  	v4 =	vadd.f32 v5, v4;
	_ =	sdelay $0x1  }
0x98: {  	v5 =	vsub.f32 $0.0e+00, v4;
	_ =	sdelay $0x1  }
0x99: {  	v5 =	vmul.f32 $1.442695020e+00, v5;
	_ =	sdelay $0x1  }
0x9a: {  	(erf) = vpow2.f32 v5;
	_ =	sdelay $0x8  }
0x9b: {  	v5 =	vpop (erf)  }
0x9c: {  	v5 =	vadd.f32 $1.000000000e+00, v5;
	_ =	sdelay $0x1  }
0x9d: {  	(erf) = vrcp.f32 v5;
	_ =	sdelay $0x3  }
0x9e: {  	v4 =	vmax.f32 v4, $0.0e+00  }
0x9f: {  	[tilespmem:s12+$0x4310] =	vst v4;
	v4 =	vld [tilespmem:s12+$0x350];
	_ =	sdelay $0x3  }
0xa0: {  	v5 =	vpop (erf)  }
0xa1: {  	v6 =	vld [tilespmem:s12+$0x320];
	v4 =	vmul.f32 v5, v4  }
0xa2: {  	[tilespmem:s12+$0x350] =	vst v5;
	v5 =	vld [tilespmem:s12+$0x4320]  }
0xa3: {  	[tilespmem:s12+$0x310] =	vst v4  }
0xa4: {  	v4 =	vld.idx.msk [tilespmem:v1+s12+$0x20 ss:$0x1], $0xffff;
	_ =	sdelay $0x2  }
0xa5: {  	v5 =	vadd.f32 v5, v6;
	_ =	sdelay $0x1  }
0xa6: {  	v4 =	vadd.f32 v5, v4;
	_ =	sdelay $0x1  }
0xa7: {  	v5 =	vsub.f32 $0.0e+00, v4;
	_ =	sdelay $0x1  }
0xa8: {  	v5 =	vmul.f32 $1.442695020e+00, v5;
	_ =	sdelay $0x1  }
0xa9: {  	(erf) = vpow2.f32 v5;
	_ =	sdelay $0x8  }
0xaa: {  	v5 =	vpop (erf)  }
0xab: {  	v5 =	vadd.f32 $1.000000000e+00, v5;
	_ =	sdelay $0x1  }
0xac: {  	(erf) = vrcp.f32 v5;
	_ =	sdelay $0x3  }
0xad: {  	v4 =	vmax.f32 v4, $0.0e+00  }
0xae: {  	[tilespmem:s12+$0x4320] =	vst v4;
	v4 =	vld [tilespmem:s12+$0x360];
	_ =	sdelay $0x3  }
0xaf: {  	v5 =	vpop (erf)  }
0xb0: {  	v6 =	vld [tilespmem:s12+$0x330];
	v4 =	vmul.f32 v5, v4  }
0xb1: {  	[tilespmem:s12+$0x360] =	vst v5;
	v5 =	vld [tilespmem:s12+$0x4330]  }
0xb2: {  	[tilespmem:s12+$0x320] =	vst v4  }
0xb3: {  	v4 =	vld.idx.msk [tilespmem:v1+s12+$0x30 ss:$0x1], $0xffff;
	_ =	sdelay $0x2  }
0xb4: {  	v5 =	vadd.f32 v5, v6;
	_ =	sdelay $0x1  }
0xb5: {  	v4 =	vadd.f32 v5, v4;
	_ =	sdelay $0x1  }
0xb6: {  	v5 =	vsub.f32 $0.0e+00, v4;
	_ =	sdelay $0x1  }
0xb7: {  	v5 =	vmul.f32 $1.442695020e+00, v5;
	_ =	sdelay $0x1  }
0xb8: {  	(erf) = vpow2.f32 v5;
	_ =	sdelay $0x8  }
0xb9: {  	v5 =	vpop (erf)  }
0xba: {  	v5 =	vadd.f32 $1.000000000e+00, v5;
	_ =	sdelay $0x1  }
0xbb: {  	(erf) = vrcp.f32 v5;
	_ =	sdelay $0x3  }
0xbc: {  	v4 =	vmax.f32 v4, $0.0e+00  }
0xbd: {  	[tilespmem:s12+$0x4330] =	vst v4;
	v4 =	vld [tilespmem:s12+$0x370];
	_ =	sdelay $0x3  }
0xbe: {  	v5 =	vpop (erf)  }
0xbf: {  	s2 =	simm.s32 $0x400;
	s26 =	simm.s32 $0x80;
	v4 =	vmul.f32 v5, v4;
	[tilespmem:s12+$0x370] =	vst v5  }
.LBB2_4:
0xc0: {  	p1 =	sne.s32 s2, $0x3E00;
	v5 =	vld [tilespmem:s26+$0x300];
	s16 =	smov.u32 s2;
	s2 =	sadd.s32 $0x200, s2  }
0xc1: {  	v6 =	vld [tilespmem:s26+$0x4300];
	[tilespmem:s12+$0x330] =	vst v4;
	s12 =	smov.u32 s26  }
0xc2: {  	v4 =	vld.idx.msk [tilespmem:v1+s12+$0x0 ss:$0x1], $0xffff;
	_ =	sdelay $0x3  }
0xc3: {  	v5 =	vadd.f32 v6, v5;
	_ =	sdelay $0x1  }
0xc4: {  	v4 =	vadd.f32 v5, v4;
	_ =	sdelay $0x1  }
0xc5: {  	v5 =	vsub.f32 $0.0e+00, v4;
	v4 =	vmax.f32 v4, $0.0e+00  }
0xc6: {  	[tilespmem:s12+$0x4300] =	vst v4  }
0xc7: {  	v4 =	vmul.f32 $1.442695020e+00, v5;
	_ =	sdelay $0x1  }
0xc8: {  	(erf) = vpow2.f32 v4;
	_ =	sdelay $0x8  }
0xc9: {  	v4 =	vpop (erf)  }
0xca: {  	v4 =	vadd.f32 $1.000000000e+00, v4;
	_ =	sdelay $0x1  }
0xcb: {  	(erf) = vrcp.f32 v4;
	_ =	sdelay $0x3  }
0xcc: {  	v4 =	vld [tilespmem:s12+$0x340];
	_ =	sdelay $0x4  }
0xcd: {  	v5 =	vpop (erf)  }
0xce: {  	v4 =	vmul.f32 v5, v4;
	v6 =	vld [tilespmem:s12+$0x4310]  }
0xcf: {  	[tilespmem:s12+$0x340] =	vst v5;
	v5 =	vld [tilespmem:s12+$0x310]  }
0xd0: {  	[tilespmem:s12+$0x300] =	vst v4  }
0xd1: {  	v4 =	vld.idx.msk [tilespmem:v1+s12+$0x10 ss:$0x1], $0xffff;
	_ =	sdelay $0x2  }
0xd2: {  	v5 =	vadd.f32 v6, v5;
	_ =	sdelay $0x2  }
0xd3: {  	v4 =	vadd.f32 v5, v4;
	_ =	sdelay $0x1  }
0xd4: {  	v5 =	vsub.f32 $0.0e+00, v4;
	v4 =	vmax.f32 v4, $0.0e+00  }
0xd5: {  	[tilespmem:s12+$0x4310] =	vst v4  }
0xd6: {  	v4 =	vmul.f32 $1.442695020e+00, v5;
	_ =	sdelay $0x1  }
0xd7: {  	(erf) = vpow2.f32 v4;
	_ =	sdelay $0x8  }
0xd8: {  	v4 =	vpop (erf)  }
0xd9: {  	v4 =	vadd.f32 $1.000000000e+00, v4;
	_ =	sdelay $0x1  }
0xda: {  	(erf) = vrcp.f32 v4;
	_ =	sdelay $0x3  }
0xdb: {  	v4 =	vld [tilespmem:s12+$0x350];
	_ =	sdelay $0x4  }
0xdc: {  	v5 =	vpop (erf)  }
0xdd: {  	v4 =	vmul.f32 v5, v4;
	[tilespmem:s12+$0x350] =	vst v5;
	v5 =	vld [tilespmem:s12+$0x4320]  }
0xde: {  	v6 =	vld [tilespmem:s12+$0x320]  }
0xdf: {  	[tilespmem:s12+$0x310] =	vst v4  }
0xe0: {  	v4 =	vld.idx.msk [tilespmem:v1+s12+$0x20 ss:$0x1], $0xffff;
	_ =	sdelay $0x2  }
0xe1: {  	v5 =	vadd.f32 v5, v6;
	_ =	sdelay $0x2  }
0xe2: {  	v4 =	vadd.f32 v5, v4;
	_ =	sdelay $0x1  }
0xe3: {  	v5 =	vsub.f32 $0.0e+00, v4;
	v4 =	vmax.f32 v4, $0.0e+00  }
0xe4: {  	[tilespmem:s12+$0x4320] =	vst v4  }
0xe5: {  	v4 =	vmul.f32 $1.442695020e+00, v5;
	_ =	sdelay $0x1  }
0xe6: {  	(erf) = vpow2.f32 v4;
	_ =	sdelay $0x8  }
0xe7: {  	v4 =	vpop (erf)  }
0xe8: {  	v4 =	vadd.f32 $1.000000000e+00, v4;
	_ =	sdelay $0x1  }
0xe9: {  	(erf) = vrcp.f32 v4;
	_ =	sdelay $0x3  }
0xea: {  	v4 =	vld [tilespmem:s12+$0x360];
	_ =	sdelay $0x4  }
0xeb: {  	v5 =	vpop (erf)  }
0xec: {  	v4 =	vmul.f32 v5, v4;
	[tilespmem:s12+$0x360] =	vst v5;
	v5 =	vld [tilespmem:s12+$0x4330]  }
0xed: {  	v6 =	vld [tilespmem:s12+$0x330]  }
0xee: {  	[tilespmem:s12+$0x320] =	vst v4  }
0xef: {  	v4 =	vld.idx.msk [tilespmem:v1+s12+$0x30 ss:$0x1], $0xffff;
	_ =	sdelay $0x2  }
0xf0: {  	v5 =	vadd.f32 v5, v6;
	_ =	sdelay $0x2  }
0xf1: {  	v4 =	vadd.f32 v5, v4;
	_ =	sdelay $0x1  }
0xf2: {  	v5 =	vsub.f32 $0.0e+00, v4;
	v4 =	vmax.f32 v4, $0.0e+00  }
0xf3: {  	[tilespmem:s12+$0x4330] =	vst v4  }
0xf4: {  	v4 =	vmul.f32 $1.442695020e+00, v5;
	_ =	sdelay $0x1  }
0xf5: {  	(erf) = vpow2.f32 v4;
	_ =	sdelay $0x8  }
0xf6: {  	v4 =	vpop (erf)  }
0xf7: {  	v4 =	vadd.f32 $1.000000000e+00, v4;
	_ =	sdelay $0x1  }
0xf8: {  	(erf) = vrcp.f32 v4;
	_ =	sdelay $0x3  }
0xf9: {  	v4 =	vld [tilespmem:s12+$0x370];
	_ =	sdelay $0x1  }
.Ltmp1:
0xfa: {  	(pc) =	sbr.rel @p1 .LBB2_4-.Ltmp1, $3  }
0xfb: {  	_ =	sdelay $0x1  }
0xfc: {  	v5 =	vpop (erf)  }
0xfd: {  	s26 =	sshra.s32 s16, $0x2;
	v4 =	vmul.f32 v5, v4;
	[tilespmem:s12+$0x370] =	vst v5  }
0xfe: {  	_ = 	snop  }
0xff: {  	v5 =	vld [tilespmem:s26+$0x300]  }
0x100: {  	v6 =	vld [tilespmem:s26+$0x4300]  }
0x101: {  	[tilespmem:s12+$0x330] =	vst v4  }
0x102: {  	v4 =	vld.idx.msk [tilespmem:v1+s26+$0x0 ss:$0x1], $0xffff;
	_ =	sdelay $0x2  }
0x103: {  	v5 =	vadd.f32 v6, v5;
	_ =	sdelay $0x1  }
0x104: {  	v4 =	vadd.f32 v5, v4;
	_ =	sdelay $0x1  }
0x105: {  	v5 =	vsub.f32 $0.0e+00, v4;
	_ =	sdelay $0x1  }
0x106: {  	v5 =	vmul.f32 $1.442695020e+00, v5;
	_ =	sdelay $0x1  }
0x107: {  	(erf) = vpow2.f32 v5;
	_ =	sdelay $0x8  }
0x108: {  	v5 =	vpop (erf)  }
0x109: {  	v5 =	vadd.f32 $1.000000000e+00, v5;
	_ =	sdelay $0x1  }
0x10a: {  	(erf) = vrcp.f32 v5;
	_ =	sdelay $0x3  }
0x10b: {  	v4 =	vmax.f32 v4, $0.0e+00  }
0x10c: {  	[tilespmem:s26+$0x4300] =	vst v4;
	v4 =	vld [tilespmem:s26+$0x340];
	_ =	sdelay $0x3  }
0x10d: {  	v5 =	vpop (erf)  }
0x10e: {  	v61 =	vld [tilespmem:s26+$0x4310];
	v4 =	vmul.f32 v5, v4  }
0x10f: {  	[tilespmem:s26+$0x340] =	vst v5;
	v5 =	vld [tilespmem:s26+$0x310]  }
0x110: {  	[tilespmem:s26+$0x300] =	vst v4  }
0x111: {  	v4 =	vld.idx.msk [tilespmem:v1+s26+$0x10 ss:$0x1], $0xffff;
	_ =	sdelay $0x2  }
0x112: {  	v5 =	vadd.f32 v61, v5;
	_ =	sdelay $0x1  }
0x113: {  	v4 =	vadd.f32 v5, v4;
	_ =	sdelay $0x1  }
0x114: {  	v5 =	vsub.f32 $0.0e+00, v4;
	_ =	sdelay $0x1  }
0x115: {  	v5 =	vmul.f32 $1.442695020e+00, v5;
	_ =	sdelay $0x1  }
0x116: {  	(erf) = vpow2.f32 v5;
	_ =	sdelay $0x8  }
0x117: {  	v5 =	vpop (erf)  }
0x118: {  	v5 =	vadd.f32 $1.000000000e+00, v5;
	_ =	sdelay $0x1  }
0x119: {  	(erf) = vrcp.f32 v5;
	_ =	sdelay $0x3  }
0x11a: {  	v4 =	vmax.f32 v4, $0.0e+00  }
0x11b: {  	[tilespmem:s26+$0x4310] =	vst v4;
	v4 =	vld [tilespmem:s26+$0x350];
	_ =	sdelay $0x3  }
0x11c: {  	v5 =	vpop (erf)  }
0x11d: {  	v62 =	vld [tilespmem:s26+$0x320];
	v4 =	vmul.f32 v5, v4  }
0x11e: {  	[tilespmem:s26+$0x350] =	vst v5;
	v5 =	vld [tilespmem:s26+$0x4320]  }
0x11f: {  	[tilespmem:s26+$0x310] =	vst v4  }
0x120: {  	v4 =	vld.idx.msk [tilespmem:v1+s26+$0x20 ss:$0x1], $0xffff;
	_ =	sdelay $0x2  }
0x121: {  	v5 =	vadd.f32 v5, v62;
	_ =	sdelay $0x1  }
0x122: {  	v4 =	vadd.f32 v5, v4;
	_ =	sdelay $0x1  }
0x123: {  	v5 =	vsub.f32 $0.0e+00, v4;
	_ =	sdelay $0x1  }
0x124: {  	v5 =	vmul.f32 $1.442695020e+00, v5;
	_ =	sdelay $0x1  }
0x125: {  	(erf) = vpow2.f32 v5;
	_ =	sdelay $0x8  }
0x126: {  	v5 =	vpop (erf)  }
0x127: {  	v5 =	vadd.f32 $1.000000000e+00, v5;
	_ =	sdelay $0x1  }
0x128: {  	(erf) = vrcp.f32 v5;
	_ =	sdelay $0x3  }
0x129: {  	v4 =	vmax.f32 v4, $0.0e+00  }
0x12a: {  	[tilespmem:s26+$0x4320] =	vst v4;
	v4 =	vld [tilespmem:s26+$0x360];
	_ =	sdelay $0x3  }
0x12b: {  	v5 =	vpop (erf)  }
0x12c: {  	v63 =	vld [tilespmem:s26+$0x330];
	v4 =	vmul.f32 v5, v4  }
0x12d: {  	[tilespmem:s26+$0x360] =	vst v5;
	v5 =	vld [tilespmem:s26+$0x4330]  }
0x12e: {  	[tilespmem:s26+$0x320] =	vst v4  }
0x12f: {  	v4 =	vld.idx.msk [tilespmem:v1+s26+$0x30 ss:$0x1], $0xffff;
	_ =	sdelay $0x2  }
0x130: {  	v5 =	vadd.f32 v5, v63;
	_ =	sdelay $0x1  }
0x131: {  	v4 =	vadd.f32 v5, v4;
	_ =	sdelay $0x1  }
0x132: {  	v5 =	vsub.f32 $0.0e+00, v4;
	_ =	sdelay $0x1  }
0x133: {  	v5 =	vmul.f32 $1.442695020e+00, v5;
	_ =	sdelay $0x1  }
0x134: {  	(erf) = vpow2.f32 v5;
	_ =	sdelay $0x8  }
0x135: {  	v5 =	vpop (erf)  }
0x136: {  	v5 =	vadd.f32 $1.000000000e+00, v5;
	_ =	sdelay $0x1  }
0x137: {  	(erf) = vrcp.f32 v5;
	_ =	sdelay $0x3  }
0x138: {  	v4 =	vmax.f32 v4, $0.0e+00  }
0x139: {  	[tilespmem:s26+$0x4330] =	vst v4;
	v4 =	vld [tilespmem:s26+$0x370];
	_ =	sdelay $0x3  }
0x13a: {  	v5 =	vpop (erf)  }
0x13b: {  	v4 =	vmul.f32 v5, v4  }
0x13c: {  	[tilespmem:s26+$0x370] =	vst v5  }
0x13d: {  	[tilespmem:s26+$0x330] =	vst v4  }
.LBB2_6:
0x13e: {  	s0 =	sshll.u32 s13, $0x6  }
0x13f: {  	s2 =	sadd.s32 s0, s10  }
0x140: {  	s2 =	sadd.s32 $0x20, s2  }
0x141: {  	s12 =	sshrl.u32 s2, $0x3  }
0x142: {  	s26 =	simm.s32 $0x0;
	s30 =	simm.s32 $0x80;
	s16 =	sadd.s32 s7, s12  }
0x143: {  	[tilespmem:s30], [sflag:$0x1] =	stream.linear.gather [hbm4b:s16+s26], $0x20, $0x38;
	[tilespmem:$0x1B380] =	vst v63  }
0x144: {  	s12 =	sadd.s32 s8, s12;
	s16 =	sshll.u32 s13, $0xD  }
0x145: {  	[tilespmem:s28], [sflag:$0x1] =	stream.linear.gather [hbm4b:s12+s26], $0x20, $0x38;
	[tilespmem:$0x1B380] =	vst v63  }
0x146: {  	s12 =	sadd.s32 s16, s14  }
0x147: {  	s12 =	sshrl.u32 s12, $0x3  }
0x148: {  	s12 =	sadd.s32 s9, s12  }
0x149: {  	[hbm4b:s12+s26] =	stream.linear.scatter [tilespmem:s24], [sflag:$0x3], $0x1000, $0x38;
	[tilespmem:$0x1B380] =	vst v63  }
0x14a: {  	_ = 	snop  }
0x14b: {  	[spmem:s1] =	stream.indirect.scatter.add.f32 [tilespmem:s22], [sflag:$0x4], $0x80, s18, s20, $0xb8;
	[tilespmem:$0x1B380] =	vst v63  }
0x14c: {  	_ =	swait.ge [sflag:s17], $0x1000  }
0x14d: {  	[sflag:s17] =	ssyncset.done $0x0  }
0x14e: {  	[sflag:s17] =	ssyncadd.s32 $0xFFFFF000  }
0x14f: {  	_ =	swait.ge [sflag:s29], $0x1000  }
0x150: {  	[sflag:s29] =	ssyncset.done $0x0  }
0x151: {  	[sflag:s29] =	ssyncadd.s32 $0xFFFFF000  }
0x152: {  	_ =	swait.ge [sflag:s19], $0x20  }
0x153: {  	[sflag:s19] =	ssyncset.done $0x0  }
0x154: {  	[sflag:s19] =	ssyncadd.s32 $0xFFFFFFE0  }
0x155: {  	_ =	swait.ge [sflag:s19], $0x20  }
0x156: {  	[sflag:s19] =	ssyncset.done $0x0  }
0x157: {  	[sflag:s19] =	ssyncadd.s32 $0xFFFFFFE0  }
0x158: {  	v4 =	vld [tilespmem:$0x80]  }
0x159: {  	v5 =	vld [tilespmem:$0x90];
	_ =	sdelay $0x3  }
0x15a: {  	v4 =	vadd.s32 v0, v4  }
0x15b: {  	[tilespmem:$0x280] =	vst v4;
	v4 =	vadd.s32 v0, v5  }
0x15c: {  	s2 =	sshll.u32 s2, $0x7;
	s30 =	simm.s32 $0x280;
	[tilespmem:$0x290] =	vst v4  }
0x15d: {  	[tilespmem:s31], [sflag:$0x2] =	stream.indirect.gather [hbm4b:s5+s20], $0x80, s30, s20, $0xb8;
	[tilespmem:$0x1B380] =	vst v63  }
0x15e: {  	s2 =	sadd.s32 s11, s2;
	s16 =	simm.s32 $0x3300  }
0x15f: {  	[tilespmem:s16], [sflag:$0x2] =	stream.indirect.gather [hbm4b:s6+s20], $0x80, s28, s20, $0xb8;
	[tilespmem:$0x1B380] =	vst v63  }
0x160: {  	s12 =	sshrl.u32 s2, $0x3;
	s16 =	sadd.s32 s0, s15  }
0x161: {  	s2 =	sadd.s32 s4, s12;
	s0 =	sshrl.u32 s16, $0x3  }
0x162: {  	[tilespmem:s3], [sflag:$0x2] =	stream.linear.gather [hbm4b:s2+s26], $0x1000, $0x38;
	[tilespmem:$0x1B380] =	vst v63  }
0x163: {  	s30 =	sadd.s32 s7, s0  }
0x164: {  	[tilespmem:s26], [sflag:$0x1] =	stream.linear.gather [hbm4b:s30+s26], $0x20, $0x38;
	[tilespmem:$0x1B380] =	vst v63  }
0x165: {  	s0 =	sadd.s32 s8, s0  }
0x166: {  	[tilespmem:s18], [sflag:$0x1] =	stream.linear.gather [hbm4b:s0+s26], $0x20, $0x38;
	[tilespmem:$0x1B380] =	vst v63  }
0x167: {  	_ =	swait.ge [sflag:s25], $0x1000  }
0x168: {  	[sflag:s25] =	ssyncset.done $0x0  }
0x169: {  	[sflag:s25] =	ssyncadd.s32 $0xFFFFF000  }
0x16a: {  	_ =	swait.ge [sflag:s25], $0x1000  }
0x16b: {  	[sflag:s25] =	ssyncset.done $0x0  }
0x16c: {  	[sflag:s25] =	ssyncadd.s32 $0xFFFFF000  }
0x16d: {  	_ =	swait.ge [sflag:s25], $0x1000  }
0x16e: {  	[sflag:s25] =	ssyncset.done $0x0  }
0x16f: {  	s2 =	simm.s32 $0x0;
	[sflag:s25] =	ssyncadd.s32 $0xFFFFF000  }
0x170: {  	v4 =	vld [tilespmem:s2+$0x1300]  }
0x171: {  	v5 =	vld [tilespmem:s2+$0x5300];
	_ =	sdelay $0x1  }
0x172: {  	v6 =	vld.idx.msk [tilespmem:v2+s2+$0x0 ss:$0x1], $0xffff;
	_ =	sdelay $0x2  }
0x173: {  	v4 =	vadd.f32 v5, v4;
	_ =	sdelay $0x1  }
0x174: {  	v4 =	vadd.f32 v4, v6;
	_ =	sdelay $0x1  }
0x175: {  	v5 =	vsub.f32 $0.0e+00, v4;
	_ =	sdelay $0x1  }
0x176: {  	v5 =	vmul.f32 $1.442695020e+00, v5;
	_ =	sdelay $0x1  }
0x177: {  	(erf) = vpow2.f32 v5;
	_ =	sdelay $0x8  }
0x178: {  	v5 =	vpop (erf)  }
0x179: {  	v5 =	vadd.f32 $1.000000000e+00, v5;
	_ =	sdelay $0x1  }
0x17a: {  	(erf) = vrcp.f32 v5;
	_ =	sdelay $0x3  }
0x17b: {  	v4 =	vmax.f32 v4, $0.0e+00  }
0x17c: {  	[tilespmem:s2+$0x5300] =	vst v4;
	v4 =	vld [tilespmem:s2+$0x1340];
	_ =	sdelay $0x3  }
0x17d: {  	v5 =	vpop (erf)  }
0x17e: {  	v6 =	vld [tilespmem:s2+$0x5310];
	v4 =	vmul.f32 v5, v4  }
0x17f: {  	[tilespmem:s2+$0x1340] =	vst v5;
	v5 =	vld [tilespmem:s2+$0x1310]  }
0x180: {  	[tilespmem:s2+$0x1300] =	vst v4  }
0x181: {  	v4 =	vld.idx.msk [tilespmem:v2+s2+$0x10 ss:$0x1], $0xffff;
	_ =	sdelay $0x2  }
0x182: {  	v5 =	vadd.f32 v6, v5;
	_ =	sdelay $0x1  }
0x183: {  	v4 =	vadd.f32 v5, v4;
	_ =	sdelay $0x1  }
0x184: {  	v5 =	vsub.f32 $0.0e+00, v4;
	_ =	sdelay $0x1  }
0x185: {  	v5 =	vmul.f32 $1.442695020e+00, v5;
	_ =	sdelay $0x1  }
0x186: {  	(erf) = vpow2.f32 v5;
	_ =	sdelay $0x8  }
0x187: {  	v5 =	vpop (erf)  }
0x188: {  	v5 =	vadd.f32 $1.000000000e+00, v5;
	_ =	sdelay $0x1  }
0x189: {  	(erf) = vrcp.f32 v5;
	_ =	sdelay $0x3  }
0x18a: {  	v4 =	vmax.f32 v4, $0.0e+00  }
0x18b: {  	[tilespmem:s2+$0x5310] =	vst v4;
	v4 =	vld [tilespmem:s2+$0x1350];
	_ =	sdelay $0x3  }
0x18c: {  	v5 =	vpop (erf)  }
0x18d: {  	v6 =	vld [tilespmem:s2+$0x1320];
	v4 =	vmul.f32 v5, v4  }
0x18e: {  	[tilespmem:s2+$0x1350] =	vst v5;
	v5 =	vld [tilespmem:s2+$0x5320]  }
0x18f: {  	[tilespmem:s2+$0x1310] =	vst v4  }
0x190: {  	v4 =	vld.idx.msk [tilespmem:v2+s2+$0x20 ss:$0x1], $0xffff;
	_ =	sdelay $0x2  }
0x191: {  	v5 =	vadd.f32 v5, v6;
	_ =	sdelay $0x1  }
0x192: {  	v4 =	vadd.f32 v5, v4;
	_ =	sdelay $0x1  }
0x193: {  	v5 =	vsub.f32 $0.0e+00, v4;
	_ =	sdelay $0x1  }
0x194: {  	v5 =	vmul.f32 $1.442695020e+00, v5;
	_ =	sdelay $0x1  }
0x195: {  	(erf) = vpow2.f32 v5;
	_ =	sdelay $0x8  }
0x196: {  	v5 =	vpop (erf)  }
0x197: {  	v5 =	vadd.f32 $1.000000000e+00, v5;
	_ =	sdelay $0x1  }
0x198: {  	(erf) = vrcp.f32 v5;
	_ =	sdelay $0x3  }
0x199: {  	v4 =	vmax.f32 v4, $0.0e+00  }
0x19a: {  	[tilespmem:s2+$0x5320] =	vst v4;
	v4 =	vld [tilespmem:s2+$0x1360];
	_ =	sdelay $0x3  }
0x19b: {  	v5 =	vpop (erf)  }
0x19c: {  	v6 =	vld [tilespmem:s2+$0x1330];
	v4 =	vmul.f32 v5, v4  }
0x19d: {  	[tilespmem:s2+$0x1360] =	vst v5;
	v5 =	vld [tilespmem:s2+$0x5330]  }
0x19e: {  	[tilespmem:s2+$0x1320] =	vst v4  }
0x19f: {  	v4 =	vld.idx.msk [tilespmem:v2+s2+$0x30 ss:$0x1], $0xffff;
	_ =	sdelay $0x2  }
0x1a0: {  	v5 =	vadd.f32 v5, v6;
	_ =	sdelay $0x1  }
0x1a1: {  	v4 =	vadd.f32 v5, v4;
	_ =	sdelay $0x1  }
0x1a2: {  	v5 =	vsub.f32 $0.0e+00, v4;
	_ =	sdelay $0x1  }
0x1a3: {  	v5 =	vmul.f32 $1.442695020e+00, v5;
	_ =	sdelay $0x1  }
0x1a4: {  	(erf) = vpow2.f32 v5;
	_ =	sdelay $0x8  }
0x1a5: {  	v5 =	vpop (erf)  }
0x1a6: {  	v5 =	vadd.f32 $1.000000000e+00, v5;
	_ =	sdelay $0x1  }
0x1a7: {  	(erf) = vrcp.f32 v5;
	_ =	sdelay $0x3  }
0x1a8: {  	v4 =	vmax.f32 v4, $0.0e+00  }
0x1a9: {  	[tilespmem:s2+$0x5330] =	vst v4;
	v4 =	vld [tilespmem:s2+$0x1370];
	_ =	sdelay $0x3  }
0x1aa: {  	v5 =	vpop (erf)  }
0x1ab: {  	s26 =	simm.s32 $0x400;
	s0 =	simm.s32 $0x80;
	v4 =	vmul.f32 v5, v4;
	[tilespmem:s2+$0x1370] =	vst v5  }
.LBB2_7:
0x1ac: {  	p1 =	sne.s32 s26, $0x3E00;
	v5 =	vld [tilespmem:s0+$0x1300];
	s30 =	smov.u32 s26;
	s26 =	sadd.s32 $0x200, s26  }
0x1ad: {  	v6 =	vld [tilespmem:s0+$0x5300];
	[tilespmem:s2+$0x1330] =	vst v4;
	s2 =	smov.u32 s0  }
0x1ae: {  	v4 =	vld.idx.msk [tilespmem:v2+s2+$0x0 ss:$0x1], $0xffff;
	_ =	sdelay $0x3  }
0x1af: {  	v5 =	vadd.f32 v6, v5;
	_ =	sdelay $0x1  }
0x1b0: {  	v4 =	vadd.f32 v5, v4;
	_ =	sdelay $0x1  }
0x1b1: {  	v5 =	vsub.f32 $0.0e+00, v4;
	v4 =	vmax.f32 v4, $0.0e+00  }
0x1b2: {  	[tilespmem:s2+$0x5300] =	vst v4  }
0x1b3: {  	v4 =	vmul.f32 $1.442695020e+00, v5;
	_ =	sdelay $0x1  }
0x1b4: {  	(erf) = vpow2.f32 v4;
	_ =	sdelay $0x8  }
0x1b5: {  	v4 =	vpop (erf)  }
0x1b6: {  	v4 =	vadd.f32 $1.000000000e+00, v4;
	_ =	sdelay $0x1  }
0x1b7: {  	(erf) = vrcp.f32 v4;
	_ =	sdelay $0x3  }
0x1b8: {  	v4 =	vld [tilespmem:s2+$0x1340];
	_ =	sdelay $0x4  }
0x1b9: {  	v5 =	vpop (erf)  }
0x1ba: {  	v4 =	vmul.f32 v5, v4;
	v6 =	vld [tilespmem:s2+$0x5310]  }
0x1bb: {  	[tilespmem:s2+$0x1340] =	vst v5;
	v5 =	vld [tilespmem:s2+$0x1310]  }
0x1bc: {  	[tilespmem:s2+$0x1300] =	vst v4  }
0x1bd: {  	v4 =	vld.idx.msk [tilespmem:v2+s2+$0x10 ss:$0x1], $0xffff;
	_ =	sdelay $0x2  }
0x1be: {  	v5 =	vadd.f32 v6, v5;
	_ =	sdelay $0x2  }
0x1bf: {  	v4 =	vadd.f32 v5, v4;
	_ =	sdelay $0x1  }
0x1c0: {  	v5 =	vsub.f32 $0.0e+00, v4;
	v4 =	vmax.f32 v4, $0.0e+00  }
0x1c1: {  	[tilespmem:s2+$0x5310] =	vst v4  }
0x1c2: {  	v4 =	vmul.f32 $1.442695020e+00, v5;
	_ =	sdelay $0x1  }
0x1c3: {  	(erf) = vpow2.f32 v4;
	_ =	sdelay $0x8  }
0x1c4: {  	v4 =	vpop (erf)  }
0x1c5: {  	v4 =	vadd.f32 $1.000000000e+00, v4;
	_ =	sdelay $0x1  }
0x1c6: {  	(erf) = vrcp.f32 v4;
	_ =	sdelay $0x3  }
0x1c7: {  	v4 =	vld [tilespmem:s2+$0x1350];
	_ =	sdelay $0x4  }
0x1c8: {  	v5 =	vpop (erf)  }
0x1c9: {  	v4 =	vmul.f32 v5, v4;
	[tilespmem:s2+$0x1350] =	vst v5;
	v5 =	vld [tilespmem:s2+$0x5320]  }
0x1ca: {  	v6 =	vld [tilespmem:s2+$0x1320]  }
0x1cb: {  	[tilespmem:s2+$0x1310] =	vst v4  }
0x1cc: {  	v4 =	vld.idx.msk [tilespmem:v2+s2+$0x20 ss:$0x1], $0xffff;
	_ =	sdelay $0x2  }
0x1cd: {  	v5 =	vadd.f32 v5, v6;
	_ =	sdelay $0x2  }
0x1ce: {  	v4 =	vadd.f32 v5, v4;
	_ =	sdelay $0x1  }
0x1cf: {  	v5 =	vsub.f32 $0.0e+00, v4;
	v4 =	vmax.f32 v4, $0.0e+00  }
0x1d0: {  	[tilespmem:s2+$0x5320] =	vst v4  }
0x1d1: {  	v4 =	vmul.f32 $1.442695020e+00, v5;
	_ =	sdelay $0x1  }
0x1d2: {  	(erf) = vpow2.f32 v4;
	_ =	sdelay $0x8  }
0x1d3: {  	v4 =	vpop (erf)  }
0x1d4: {  	v4 =	vadd.f32 $1.000000000e+00, v4;
	_ =	sdelay $0x1  }
0x1d5: {  	(erf) = vrcp.f32 v4;
	_ =	sdelay $0x3  }
0x1d6: {  	v4 =	vld [tilespmem:s2+$0x1360];
	_ =	sdelay $0x4  }
0x1d7: {  	v5 =	vpop (erf)  }
0x1d8: {  	v4 =	vmul.f32 v5, v4;
	[tilespmem:s2+$0x1360] =	vst v5;
	v5 =	vld [tilespmem:s2+$0x5330]  }
0x1d9: {  	v6 =	vld [tilespmem:s2+$0x1330]  }
0x1da: {  	[tilespmem:s2+$0x1320] =	vst v4  }
0x1db: {  	v4 =	vld.idx.msk [tilespmem:v2+s2+$0x30 ss:$0x1], $0xffff;
	_ =	sdelay $0x2  }
0x1dc: {  	v5 =	vadd.f32 v5, v6;
	_ =	sdelay $0x2  }
0x1dd: {  	v4 =	vadd.f32 v5, v4;
	_ =	sdelay $0x1  }
0x1de: {  	v5 =	vsub.f32 $0.0e+00, v4;
	v4 =	vmax.f32 v4, $0.0e+00  }
0x1df: {  	[tilespmem:s2+$0x5330] =	vst v4  }
0x1e0: {  	v4 =	vmul.f32 $1.442695020e+00, v5;
	_ =	sdelay $0x1  }
0x1e1: {  	(erf) = vpow2.f32 v4;
	_ =	sdelay $0x8  }
0x1e2: {  	v4 =	vpop (erf)  }
0x1e3: {  	v4 =	vadd.f32 $1.000000000e+00, v4;
	_ =	sdelay $0x1  }
0x1e4: {  	(erf) = vrcp.f32 v4;
	_ =	sdelay $0x3  }
0x1e5: {  	v4 =	vld [tilespmem:s2+$0x1370];
	_ =	sdelay $0x1  }
.Ltmp2:
0x1e6: {  	(pc) =	sbr.rel @p1 .LBB2_7-.Ltmp2, $3  }
0x1e7: {  	_ =	sdelay $0x1  }
0x1e8: {  	v5 =	vpop (erf)  }
0x1e9: {  	s0 =	sshra.s32 s30, $0x2;
	v4 =	vmul.f32 v5, v4;
	[tilespmem:s2+$0x1370] =	vst v5  }
0x1ea: {  	_ = 	snop  }
0x1eb: {  	v5 =	vld [tilespmem:s0+$0x1300]  }
0x1ec: {  	v6 =	vld [tilespmem:s0+$0x5300]  }
0x1ed: {  	[tilespmem:s2+$0x1330] =	vst v4  }
0x1ee: {  	v4 =	vld.idx.msk [tilespmem:v2+s0+$0x0 ss:$0x1], $0xffff;
	_ =	sdelay $0x2  }
0x1ef: {  	v5 =	vadd.f32 v6, v5;
	_ =	sdelay $0x1  }
0x1f0: {  	v4 =	vadd.f32 v5, v4;
	_ =	sdelay $0x1  }
0x1f1: {  	v5 =	vsub.f32 $0.0e+00, v4;
	_ =	sdelay $0x1  }
0x1f2: {  	v5 =	vmul.f32 $1.442695020e+00, v5;
	_ =	sdelay $0x1  }
0x1f3: {  	(erf) = vpow2.f32 v5;
	_ =	sdelay $0x8  }
0x1f4: {  	v5 =	vpop (erf)  }
0x1f5: {  	v5 =	vadd.f32 $1.000000000e+00, v5;
	_ =	sdelay $0x1  }
0x1f6: {  	(erf) = vrcp.f32 v5;
	_ =	sdelay $0x3  }
0x1f7: {  	v4 =	vmax.f32 v4, $0.0e+00  }
0x1f8: {  	[tilespmem:s0+$0x5300] =	vst v4;
	v4 =	vld [tilespmem:s0+$0x1340];
	_ =	sdelay $0x3  }
0x1f9: {  	v5 =	vpop (erf)  }
0x1fa: {  	v6 =	vld [tilespmem:s0+$0x5310];
	v4 =	vmul.f32 v5, v4  }
0x1fb: {  	[tilespmem:s0+$0x1340] =	vst v5;
	v5 =	vld [tilespmem:s0+$0x1310]  }
0x1fc: {  	[tilespmem:s0+$0x1300] =	vst v4  }
0x1fd: {  	v4 =	vld.idx.msk [tilespmem:v2+s0+$0x10 ss:$0x1], $0xffff;
	_ =	sdelay $0x2  }
0x1fe: {  	v5 =	vadd.f32 v6, v5;
	_ =	sdelay $0x1  }
0x1ff: {  	v4 =	vadd.f32 v5, v4;
	_ =	sdelay $0x1  }
0x200: {  	v5 =	vsub.f32 $0.0e+00, v4;
	_ =	sdelay $0x1  }
0x201: {  	v5 =	vmul.f32 $1.442695020e+00, v5;
	_ =	sdelay $0x1  }
0x202: {  	(erf) = vpow2.f32 v5;
	_ =	sdelay $0x8  }
0x203: {  	v5 =	vpop (erf)  }
0x204: {  	v5 =	vadd.f32 $1.000000000e+00, v5;
	_ =	sdelay $0x1  }
0x205: {  	(erf) = vrcp.f32 v5;
	_ =	sdelay $0x3  }
0x206: {  	v4 =	vmax.f32 v4, $0.0e+00  }
0x207: {  	[tilespmem:s0+$0x5310] =	vst v4;
	v4 =	vld [tilespmem:s0+$0x1350];
	_ =	sdelay $0x3  }
0x208: {  	v5 =	vpop (erf)  }
0x209: {  	v6 =	vld [tilespmem:s0+$0x1320];
	v4 =	vmul.f32 v5, v4  }
0x20a: {  	[tilespmem:s0+$0x1350] =	vst v5;
	v5 =	vld [tilespmem:s0+$0x5320]  }
0x20b: {  	[tilespmem:s0+$0x1310] =	vst v4  }
0x20c: {  	v4 =	vld.idx.msk [tilespmem:v2+s0+$0x20 ss:$0x1], $0xffff;
	_ =	sdelay $0x2  }
0x20d: {  	v5 =	vadd.f32 v5, v6;
	_ =	sdelay $0x1  }
0x20e: {  	v4 =	vadd.f32 v5, v4;
	_ =	sdelay $0x1  }
0x20f: {  	v5 =	vsub.f32 $0.0e+00, v4;
	_ =	sdelay $0x1  }
0x210: {  	v5 =	vmul.f32 $1.442695020e+00, v5;
	_ =	sdelay $0x1  }
0x211: {  	(erf) = vpow2.f32 v5;
	_ =	sdelay $0x8  }
0x212: {  	v5 =	vpop (erf)  }
0x213: {  	v5 =	vadd.f32 $1.000000000e+00, v5;
	_ =	sdelay $0x1  }
0x214: {  	(erf) = vrcp.f32 v5;
	_ =	sdelay $0x3  }
0x215: {  	v4 =	vmax.f32 v4, $0.0e+00  }
0x216: {  	[tilespmem:s0+$0x5320] =	vst v4;
	v4 =	vld [tilespmem:s0+$0x1360];
	_ =	sdelay $0x3  }
0x217: {  	v5 =	vpop (erf)  }
0x218: {  	v6 =	vld [tilespmem:s0+$0x1330];
	v4 =	vmul.f32 v5, v4  }
0x219: {  	[tilespmem:s0+$0x1360] =	vst v5;
	v5 =	vld [tilespmem:s0+$0x5330]  }
0x21a: {  	[tilespmem:s0+$0x1320] =	vst v4  }
0x21b: {  	v4 =	vld.idx.msk [tilespmem:v2+s0+$0x30 ss:$0x1], $0xffff;
	_ =	sdelay $0x2  }
0x21c: {  	v5 =	vadd.f32 v5, v6;
	_ =	sdelay $0x1  }
0x21d: {  	v4 =	vadd.f32 v5, v4;
	_ =	sdelay $0x1  }
0x21e: {  	v5 =	vsub.f32 $0.0e+00, v4;
	_ =	sdelay $0x1  }
0x21f: {  	v5 =	vmul.f32 $1.442695020e+00, v5;
	_ =	sdelay $0x1  }
0x220: {  	(erf) = vpow2.f32 v5;
	_ =	sdelay $0x8  }
0x221: {  	v5 =	vpop (erf)  }
0x222: {  	v5 =	vadd.f32 $1.000000000e+00, v5;
	_ =	sdelay $0x1  }
0x223: {  	(erf) = vrcp.f32 v5;
	_ =	sdelay $0x3  }
0x224: {  	v4 =	vmax.f32 v4, $0.0e+00  }
0x225: {  	[tilespmem:s0+$0x5330] =	vst v4;
	v4 =	vld [tilespmem:s0+$0x1370];
	_ =	sdelay $0x3  }
0x226: {  	v5 =	vpop (erf)  }
0x227: {  	v4 =	vmul.f32 v5, v4  }
0x228: {  	[tilespmem:s0+$0x1370] =	vst v5  }
0x229: {  	[tilespmem:s0+$0x1330] =	vst v4  }
0x22a: {  	_ =	swait.ge [sflag:s19], $0x20  }
0x22b: {  	[sflag:s19] =	ssyncset.done $0x0  }
0x22c: {  	[sflag:s19] =	ssyncadd.s32 $0xFFFFFFE0  }
0x22d: {  	_ =	swait.ge [sflag:s19], $0x20  }
0x22e: {  	[sflag:s19] =	ssyncset.done $0x0  }
0x22f: {  	[sflag:s19] =	ssyncadd.s32 $0xFFFFFFE0  }
0x230: {  	v4 =	vld [tilespmem:$0x0]  }
0x231: {  	v5 =	vld [tilespmem:$0x10];
	_ =	sdelay $0x3  }
0x232: {  	v4 =	vadd.s32 v0, v4  }
0x233: {  	s16 =	sshll.u32 s16, $0x7;
	[tilespmem:$0x200] =	vst v4;
	v4 =	vadd.s32 v0, v5  }
0x234: {  	s0 =	sadd.s32 s11, s16;
	[tilespmem:$0x210] =	vst v4  }
0x235: {  	[tilespmem:s22], [sflag:$0x2] =	stream.indirect.gather [hbm4b:s5+s20], $0x80, s21, s20, $0xb8;
	[tilespmem:$0x1B380] =	vst v63  }
0x236: {  	s0 =	sshrl.u32 s0, $0x3  }
0x237: {  	[tilespmem:s23], [sflag:$0x2] =	stream.indirect.gather [hbm4b:s6+s20], $0x80, s18, s20, $0xb8;
	[tilespmem:$0x1B380] =	vst v63  }
0x238: {  	s26 =	simm.s32 $0x0;
	s0 =	sadd.s32 s4, s0  }
0x239: {  	[tilespmem:s24], [sflag:$0x2] =	stream.linear.gather [hbm4b:s0+s26], $0x1000, $0x38;
	[tilespmem:$0x1B380] =	vst v63  }
0x23a: {  	s30 =	sadd.s32 s9, s12  }
0x23b: {  	[hbm4b:s30+s26] =	stream.linear.scatter [tilespmem:s3], [sflag:$0x3], $0x1000, $0x38;
	[tilespmem:$0x1B380] =	vst v63  }
0x23c: {  	_ = 	snop  }
0x23d: {  	[spmem:s1] =	stream.indirect.scatter.add.f32 [tilespmem:s31], [sflag:$0x4], $0x80, s28, s20, $0xb8;
	[tilespmem:$0x1B380] =	vst v63  }
0x23e: {  	_ =	swait.ge [sflag:s17], $0x1000  }
0x23f: {  	[sflag:s17] =	ssyncset.done $0x0  }
0x240: {  	[sflag:s17] =	ssyncadd.s32 $0xFFFFF000  }
0x241: {  	_ =	swait.ge [sflag:s29], $0x1000  }
0x242: {  	[sflag:s29] =	ssyncset.done $0x0  }
0x243: {  	[sflag:s29] =	ssyncadd.s32 $0xFFFFF000  }
0x244: {  	_ =	swait.ge [sflag:s25], $0x1000  }
0x245: {  	[sflag:s25] =	ssyncset.done $0x0  }
0x246: {  	[sflag:s25] =	ssyncadd.s32 $0xFFFFF000  }
0x247: {  	_ =	swait.ge [sflag:s25], $0x1000  }
0x248: {  	[sflag:s25] =	ssyncset.done $0x0  }
0x249: {  	[sflag:s25] =	ssyncadd.s32 $0xFFFFF000  }
0x24a: {  	_ =	swait.ge [sflag:s25], $0x1000  }
0x24b: {  	[sflag:s25] =	ssyncset.done $0x0  }
0x24c: {  	s2 =	simm.s32 $0x0;
	[sflag:s25] =	ssyncadd.s32 $0xFFFFF000  }
0x24d: {  	v4 =	vld [tilespmem:s2+$0x300]  }
0x24e: {  	v5 =	vld [tilespmem:s2+$0x4300];
	_ =	sdelay $0x1  }
0x24f: {  	v6 =	vld.idx.msk [tilespmem:v1+s2+$0x0 ss:$0x1], $0xffff;
	_ =	sdelay $0x2  }
0x250: {  	v4 =	vadd.f32 v5, v4;
	_ =	sdelay $0x1  }
0x251: {  	v4 =	vadd.f32 v4, v6;
	_ =	sdelay $0x1  }
0x252: {  	v5 =	vsub.f32 $0.0e+00, v4;
	_ =	sdelay $0x1  }
0x253: {  	v5 =	vmul.f32 $1.442695020e+00, v5;
	_ =	sdelay $0x1  }
0x254: {  	(erf) = vpow2.f32 v5;
	_ =	sdelay $0x8  }
0x255: {  	v5 =	vpop (erf)  }
0x256: {  	v5 =	vadd.f32 $1.000000000e+00, v5;
	_ =	sdelay $0x1  }
0x257: {  	(erf) = vrcp.f32 v5;
	_ =	sdelay $0x3  }
0x258: {  	v4 =	vmax.f32 v4, $0.0e+00  }
0x259: {  	[tilespmem:s2+$0x4300] =	vst v4;
	v4 =	vld [tilespmem:s2+$0x340];
	_ =	sdelay $0x3  }
0x25a: {  	v5 =	vpop (erf)  }
0x25b: {  	v6 =	vld [tilespmem:s2+$0x4310];
	v4 =	vmul.f32 v5, v4  }
0x25c: {  	[tilespmem:s2+$0x340] =	vst v5;
	v5 =	vld [tilespmem:s2+$0x310]  }
0x25d: {  	[tilespmem:s2+$0x300] =	vst v4  }
0x25e: {  	v4 =	vld.idx.msk [tilespmem:v1+s2+$0x10 ss:$0x1], $0xffff;
	_ =	sdelay $0x2  }
0x25f: {  	v5 =	vadd.f32 v6, v5;
	_ =	sdelay $0x1  }
0x260: {  	v4 =	vadd.f32 v5, v4;
	_ =	sdelay $0x1  }
0x261: {  	v5 =	vsub.f32 $0.0e+00, v4;
	_ =	sdelay $0x1  }
0x262: {  	v5 =	vmul.f32 $1.442695020e+00, v5;
	_ =	sdelay $0x1  }
0x263: {  	(erf) = vpow2.f32 v5;
	_ =	sdelay $0x8  }
0x264: {  	v5 =	vpop (erf)  }
0x265: {  	v5 =	vadd.f32 $1.000000000e+00, v5;
	_ =	sdelay $0x1  }
0x266: {  	(erf) = vrcp.f32 v5;
	_ =	sdelay $0x3  }
0x267: {  	v4 =	vmax.f32 v4, $0.0e+00  }
0x268: {  	[tilespmem:s2+$0x4310] =	vst v4;
	v4 =	vld [tilespmem:s2+$0x350];
	_ =	sdelay $0x3  }
0x269: {  	v5 =	vpop (erf)  }
0x26a: {  	v6 =	vld [tilespmem:s2+$0x320];
	v4 =	vmul.f32 v5, v4  }
0x26b: {  	[tilespmem:s2+$0x350] =	vst v5;
	v5 =	vld [tilespmem:s2+$0x4320]  }
0x26c: {  	[tilespmem:s2+$0x310] =	vst v4  }
0x26d: {  	v4 =	vld.idx.msk [tilespmem:v1+s2+$0x20 ss:$0x1], $0xffff;
	_ =	sdelay $0x2  }
0x26e: {  	v5 =	vadd.f32 v5, v6;
	_ =	sdelay $0x1  }
0x26f: {  	v4 =	vadd.f32 v5, v4;
	_ =	sdelay $0x1  }
0x270: {  	v5 =	vsub.f32 $0.0e+00, v4;
	_ =	sdelay $0x1  }
0x271: {  	v5 =	vmul.f32 $1.442695020e+00, v5;
	_ =	sdelay $0x1  }
0x272: {  	(erf) = vpow2.f32 v5;
	_ =	sdelay $0x8  }
0x273: {  	v5 =	vpop (erf)  }
0x274: {  	v5 =	vadd.f32 $1.000000000e+00, v5;
	_ =	sdelay $0x1  }
0x275: {  	(erf) = vrcp.f32 v5;
	_ =	sdelay $0x3  }
0x276: {  	v4 =	vmax.f32 v4, $0.0e+00  }
0x277: {  	[tilespmem:s2+$0x4320] =	vst v4;
	v4 =	vld [tilespmem:s2+$0x360];
	_ =	sdelay $0x3  }
0x278: {  	v5 =	vpop (erf)  }
0x279: {  	v6 =	vld [tilespmem:s2+$0x330];
	v4 =	vmul.f32 v5, v4  }
0x27a: {  	[tilespmem:s2+$0x360] =	vst v5;
	v5 =	vld [tilespmem:s2+$0x4330]  }
0x27b: {  	[tilespmem:s2+$0x320] =	vst v4  }
0x27c: {  	v4 =	vld.idx.msk [tilespmem:v1+s2+$0x30 ss:$0x1], $0xffff;
	_ =	sdelay $0x2  }
0x27d: {  	v5 =	vadd.f32 v5, v6;
	_ =	sdelay $0x1  }
0x27e: {  	v4 =	vadd.f32 v5, v4;
	_ =	sdelay $0x1  }
0x27f: {  	v5 =	vsub.f32 $0.0e+00, v4;
	_ =	sdelay $0x1  }
0x280: {  	v5 =	vmul.f32 $1.442695020e+00, v5;
	_ =	sdelay $0x1  }
0x281: {  	(erf) = vpow2.f32 v5;
	_ =	sdelay $0x8  }
0x282: {  	v5 =	vpop (erf)  }
0x283: {  	v5 =	vadd.f32 $1.000000000e+00, v5;
	_ =	sdelay $0x1  }
0x284: {  	(erf) = vrcp.f32 v5;
	_ =	sdelay $0x3  }
0x285: {  	v4 =	vmax.f32 v4, $0.0e+00  }
0x286: {  	[tilespmem:s2+$0x4330] =	vst v4;
	v4 =	vld [tilespmem:s2+$0x370];
	_ =	sdelay $0x3  }
0x287: {  	v5 =	vpop (erf)  }
0x288: {  	s12 =	simm.s32 $0x400;
	s26 =	simm.s32 $0x80;
	v4 =	vmul.f32 v5, v4;
	[tilespmem:s2+$0x370] =	vst v5  }
.LBB2_9:
0x289: {  	p1 =	sne.s32 s12, $0x3E00;
	v5 =	vld [tilespmem:s26+$0x300];
	s16 =	smov.u32 s12;
	s12 =	sadd.s32 $0x200, s12  }
0x28a: {  	v6 =	vld [tilespmem:s26+$0x4300];
	[tilespmem:s2+$0x330] =	vst v4;
	s2 =	smov.u32 s26  }
0x28b: {  	v4 =	vld.idx.msk [tilespmem:v1+s2+$0x0 ss:$0x1], $0xffff;
	_ =	sdelay $0x3  }
0x28c: {  	v5 =	vadd.f32 v6, v5;
	_ =	sdelay $0x1  }
0x28d: {  	v4 =	vadd.f32 v5, v4;
	_ =	sdelay $0x1  }
0x28e: {  	v5 =	vsub.f32 $0.0e+00, v4;
	v4 =	vmax.f32 v4, $0.0e+00  }
0x28f: {  	[tilespmem:s2+$0x4300] =	vst v4  }
0x290: {  	v4 =	vmul.f32 $1.442695020e+00, v5;
	_ =	sdelay $0x1  }
0x291: {  	(erf) = vpow2.f32 v4;
	_ =	sdelay $0x8  }
0x292: {  	v4 =	vpop (erf)  }
0x293: {  	v4 =	vadd.f32 $1.000000000e+00, v4;
	_ =	sdelay $0x1  }
0x294: {  	(erf) = vrcp.f32 v4;
	_ =	sdelay $0x3  }
0x295: {  	v4 =	vld [tilespmem:s2+$0x340];
	_ =	sdelay $0x4  }
0x296: {  	v5 =	vpop (erf)  }
0x297: {  	v4 =	vmul.f32 v5, v4;
	v6 =	vld [tilespmem:s2+$0x4310]  }
0x298: {  	[tilespmem:s2+$0x340] =	vst v5;
	v5 =	vld [tilespmem:s2+$0x310]  }
0x299: {  	[tilespmem:s2+$0x300] =	vst v4  }
0x29a: {  	v4 =	vld.idx.msk [tilespmem:v1+s2+$0x10 ss:$0x1], $0xffff;
	_ =	sdelay $0x2  }
0x29b: {  	v5 =	vadd.f32 v6, v5;
	_ =	sdelay $0x2  }
0x29c: {  	v4 =	vadd.f32 v5, v4;
	_ =	sdelay $0x1  }
0x29d: {  	v5 =	vsub.f32 $0.0e+00, v4;
	v4 =	vmax.f32 v4, $0.0e+00  }
0x29e: {  	[tilespmem:s2+$0x4310] =	vst v4  }
0x29f: {  	v4 =	vmul.f32 $1.442695020e+00, v5;
	_ =	sdelay $0x1  }
0x2a0: {  	(erf) = vpow2.f32 v4;
	_ =	sdelay $0x8  }
0x2a1: {  	v4 =	vpop (erf)  }
0x2a2: {  	v4 =	vadd.f32 $1.000000000e+00, v4;
	_ =	sdelay $0x1  }
0x2a3: {  	(erf) = vrcp.f32 v4;
	_ =	sdelay $0x3  }
0x2a4: {  	v4 =	vld [tilespmem:s2+$0x350];
	_ =	sdelay $0x4  }
0x2a5: {  	v5 =	vpop (erf)  }
0x2a6: {  	v4 =	vmul.f32 v5, v4;
	[tilespmem:s2+$0x350] =	vst v5;
	v5 =	vld [tilespmem:s2+$0x4320]  }
0x2a7: {  	v6 =	vld [tilespmem:s2+$0x320]  }
0x2a8: {  	[tilespmem:s2+$0x310] =	vst v4  }
0x2a9: {  	v4 =	vld.idx.msk [tilespmem:v1+s2+$0x20 ss:$0x1], $0xffff;
	_ =	sdelay $0x2  }
0x2aa: {  	v5 =	vadd.f32 v5, v6;
	_ =	sdelay $0x2  }
0x2ab: {  	v4 =	vadd.f32 v5, v4;
	_ =	sdelay $0x1  }
0x2ac: {  	v5 =	vsub.f32 $0.0e+00, v4;
	v4 =	vmax.f32 v4, $0.0e+00  }
0x2ad: {  	[tilespmem:s2+$0x4320] =	vst v4  }
0x2ae: {  	v4 =	vmul.f32 $1.442695020e+00, v5;
	_ =	sdelay $0x1  }
0x2af: {  	(erf) = vpow2.f32 v4;
	_ =	sdelay $0x8  }
0x2b0: {  	v4 =	vpop (erf)  }
0x2b1: {  	v4 =	vadd.f32 $1.000000000e+00, v4;
	_ =	sdelay $0x1  }
0x2b2: {  	(erf) = vrcp.f32 v4;
	_ =	sdelay $0x3  }
0x2b3: {  	v4 =	vld [tilespmem:s2+$0x360];
	_ =	sdelay $0x4  }
0x2b4: {  	v5 =	vpop (erf)  }
0x2b5: {  	v4 =	vmul.f32 v5, v4;
	[tilespmem:s2+$0x360] =	vst v5;
	v5 =	vld [tilespmem:s2+$0x4330]  }
0x2b6: {  	v6 =	vld [tilespmem:s2+$0x330]  }
0x2b7: {  	[tilespmem:s2+$0x320] =	vst v4  }
0x2b8: {  	v4 =	vld.idx.msk [tilespmem:v1+s2+$0x30 ss:$0x1], $0xffff;
	_ =	sdelay $0x2  }
0x2b9: {  	v5 =	vadd.f32 v5, v6;
	_ =	sdelay $0x2  }
0x2ba: {  	v4 =	vadd.f32 v5, v4;
	_ =	sdelay $0x1  }
0x2bb: {  	v5 =	vsub.f32 $0.0e+00, v4;
	v4 =	vmax.f32 v4, $0.0e+00  }
0x2bc: {  	[tilespmem:s2+$0x4330] =	vst v4  }
0x2bd: {  	v4 =	vmul.f32 $1.442695020e+00, v5;
	_ =	sdelay $0x1  }
0x2be: {  	(erf) = vpow2.f32 v4;
	_ =	sdelay $0x8  }
0x2bf: {  	v4 =	vpop (erf)  }
0x2c0: {  	v4 =	vadd.f32 $1.000000000e+00, v4;
	_ =	sdelay $0x1  }
0x2c1: {  	(erf) = vrcp.f32 v4;
	_ =	sdelay $0x3  }
0x2c2: {  	v4 =	vld [tilespmem:s2+$0x370];
	_ =	sdelay $0x1  }
.Ltmp3:
0x2c3: {  	(pc) =	sbr.rel @p1 .LBB2_9-.Ltmp3, $3  }
0x2c4: {  	_ =	sdelay $0x1  }
0x2c5: {  	v5 =	vpop (erf)  }
0x2c6: {  	s26 =	sshra.s32 s16, $0x2;
	v4 =	vmul.f32 v5, v4;
	[tilespmem:s2+$0x370] =	vst v5  }
0x2c7: {  	_ = 	snop  }
0x2c8: {  	v5 =	vld [tilespmem:s26+$0x300]  }
0x2c9: {  	v6 =	vld [tilespmem:s26+$0x4300]  }
0x2ca: {  	[tilespmem:s2+$0x330] =	vst v4  }
0x2cb: {  	v4 =	vld.idx.msk [tilespmem:v1+s26+$0x0 ss:$0x1], $0xffff;
	_ =	sdelay $0x2  }
0x2cc: {  	v5 =	vadd.f32 v6, v5;
	_ =	sdelay $0x1  }
0x2cd: {  	v4 =	vadd.f32 v5, v4;
	_ =	sdelay $0x1  }
0x2ce: {  	v5 =	vsub.f32 $0.0e+00, v4;
	_ =	sdelay $0x1  }
0x2cf: {  	v5 =	vmul.f32 $1.442695020e+00, v5;
	_ =	sdelay $0x1  }
0x2d0: {  	(erf) = vpow2.f32 v5;
	_ =	sdelay $0x8  }
0x2d1: {  	v5 =	vpop (erf)  }
0x2d2: {  	v5 =	vadd.f32 $1.000000000e+00, v5;
	_ =	sdelay $0x1  }
0x2d3: {  	(erf) = vrcp.f32 v5;
	_ =	sdelay $0x3  }
0x2d4: {  	v4 =	vmax.f32 v4, $0.0e+00  }
0x2d5: {  	[tilespmem:s26+$0x4300] =	vst v4;
	v4 =	vld [tilespmem:s26+$0x340];
	_ =	sdelay $0x3  }
0x2d6: {  	v5 =	vpop (erf)  }
0x2d7: {  	v61 =	vld [tilespmem:s26+$0x4310];
	v4 =	vmul.f32 v5, v4  }
0x2d8: {  	[tilespmem:s26+$0x340] =	vst v5;
	v5 =	vld [tilespmem:s26+$0x310]  }
0x2d9: {  	[tilespmem:s26+$0x300] =	vst v4  }
0x2da: {  	v4 =	vld.idx.msk [tilespmem:v1+s26+$0x10 ss:$0x1], $0xffff;
	_ =	sdelay $0x2  }
0x2db: {  	v5 =	vadd.f32 v61, v5;
	_ =	sdelay $0x1  }
0x2dc: {  	v4 =	vadd.f32 v5, v4;
	_ =	sdelay $0x1  }
0x2dd: {  	v5 =	vsub.f32 $0.0e+00, v4;
	_ =	sdelay $0x1  }
0x2de: {  	v5 =	vmul.f32 $1.442695020e+00, v5;
	_ =	sdelay $0x1  }
0x2df: {  	(erf) = vpow2.f32 v5;
	_ =	sdelay $0x8  }
0x2e0: {  	v5 =	vpop (erf)  }
0x2e1: {  	v5 =	vadd.f32 $1.000000000e+00, v5;
	_ =	sdelay $0x1  }
0x2e2: {  	(erf) = vrcp.f32 v5;
	_ =	sdelay $0x3  }
0x2e3: {  	v4 =	vmax.f32 v4, $0.0e+00  }
0x2e4: {  	[tilespmem:s26+$0x4310] =	vst v4;
	v4 =	vld [tilespmem:s26+$0x350];
	_ =	sdelay $0x3  }
0x2e5: {  	v5 =	vpop (erf)  }
0x2e6: {  	v62 =	vld [tilespmem:s26+$0x320];
	v4 =	vmul.f32 v5, v4  }
0x2e7: {  	[tilespmem:s26+$0x350] =	vst v5;
	v5 =	vld [tilespmem:s26+$0x4320]  }
0x2e8: {  	[tilespmem:s26+$0x310] =	vst v4  }
0x2e9: {  	v4 =	vld.idx.msk [tilespmem:v1+s26+$0x20 ss:$0x1], $0xffff;
	_ =	sdelay $0x2  }
0x2ea: {  	v5 =	vadd.f32 v5, v62;
	_ =	sdelay $0x1  }
0x2eb: {  	v4 =	vadd.f32 v5, v4;
	_ =	sdelay $0x1  }
0x2ec: {  	v5 =	vsub.f32 $0.0e+00, v4;
	_ =	sdelay $0x1  }
0x2ed: {  	v5 =	vmul.f32 $1.442695020e+00, v5;
	_ =	sdelay $0x1  }
0x2ee: {  	(erf) = vpow2.f32 v5;
	_ =	sdelay $0x8  }
0x2ef: {  	v5 =	vpop (erf)  }
0x2f0: {  	v5 =	vadd.f32 $1.000000000e+00, v5;
	_ =	sdelay $0x1  }
0x2f1: {  	(erf) = vrcp.f32 v5;
	_ =	sdelay $0x3  }
0x2f2: {  	v4 =	vmax.f32 v4, $0.0e+00  }
0x2f3: {  	[tilespmem:s26+$0x4320] =	vst v4;
	v4 =	vld [tilespmem:s26+$0x360];
	_ =	sdelay $0x3  }
0x2f4: {  	v5 =	vpop (erf)  }
0x2f5: {  	v63 =	vld [tilespmem:s26+$0x330];
	v4 =	vmul.f32 v5, v4  }
0x2f6: {  	[tilespmem:s26+$0x360] =	vst v5;
	v5 =	vld [tilespmem:s26+$0x4330]  }
0x2f7: {  	[tilespmem:s26+$0x320] =	vst v4  }
0x2f8: {  	v4 =	vld.idx.msk [tilespmem:v1+s26+$0x30 ss:$0x1], $0xffff;
	_ =	sdelay $0x2  }
0x2f9: {  	v5 =	vadd.f32 v5, v63;
	_ =	sdelay $0x1  }
0x2fa: {  	v4 =	vadd.f32 v5, v4;
	_ =	sdelay $0x1  }
0x2fb: {  	v5 =	vsub.f32 $0.0e+00, v4;
	_ =	sdelay $0x1  }
0x2fc: {  	v5 =	vmul.f32 $1.442695020e+00, v5;
	_ =	sdelay $0x1  }
0x2fd: {  	(erf) = vpow2.f32 v5;
	_ =	sdelay $0x8  }
0x2fe: {  	v5 =	vpop (erf)  }
0x2ff: {  	v5 =	vadd.f32 $1.000000000e+00, v5;
	_ =	sdelay $0x1  }
0x300: {  	(erf) = vrcp.f32 v5;
	_ =	sdelay $0x3  }
0x301: {  	v4 =	vmax.f32 v4, $0.0e+00  }
0x302: {  	[tilespmem:s26+$0x4330] =	vst v4;
	v4 =	vld [tilespmem:s26+$0x370]  }
0x303: {  	s13 =	sadd.s32 $0x1, s13  }
0x304: {  	p1 =	sne.s32 s13, $0x138  }
.Ltmp4:
0x305: {  	_ = 	snop;
	(pc) =	sbr.rel @p1 .LBB2_6-.Ltmp4, $4  }
0x306: {  	v5 =	vpop (erf)  }
0x307: {  	v4 =	vmul.f32 v5, v4  }
0x308: {  	[tilespmem:s26+$0x370] =	vst v5  }
0x309: {  	[tilespmem:s26+$0x330] =	vst v4  }
0x30a: {  	s26 =	simm.s32 $0x0;
	s0 =	rddreg [dreg:$0xa]  }
0x30b: {  	[hbm4b:s0+s26] =	stream.linear.scatter [tilespmem:s24], [sflag:$0x3], $0x1000, $0x38;
	[tilespmem:$0x1B380] =	vst v63  }
0x30c: {  	_ = 	snop  }
0x30d: {  	[spmem:s1] =	stream.indirect.scatter.add.f32 [tilespmem:s22], [sflag:$0x4], $0x80, s18, s20, $0xb8;
	[tilespmem:$0x1B380] =	vst v63  }
0x30e: {  	_ =	swait.ge [sflag:s17], $0x1000  }
0x30f: {  	[sflag:s17] =	ssyncset.done $0x0  }
0x310: {  	[sflag:s17] =	ssyncadd.s32 $0xFFFFF000  }
0x311: {  	_ =	swait.ge [sflag:s29], $0x1000  }
0x312: {  	[sflag:s29] =	ssyncset.done $0x0  }
0x313: {  	[sflag:s29] =	ssyncadd.s32 $0xFFFFF000  }
0x314: {  	s16 =	stileid.u32;
	[bflag:$0x0] =	sbarrier.arrive $0xFFFF  }
0x315: {  	s0 =	sshll.u32 s16, $0x6;
	s30 =	rddreg [dreg:$0x3]  }
0x316: {  	s0 =	sor.u32 $0x1C04, s0;
	s12 =	rddreg [dreg:$0x9];
	s2 =	sshrl.u32 s30, $0x3  }
0x317: {  	[hbm:s12], [sflag:s0] =	dma.local [spmem:s2], $0x2700  }
0x318: {  	_ =	swait.ge [sflag:s17], $0x2700  }
0x319: {  	[sflag:s17] =	ssyncset.done $0x0;
	s16 =	rddreg [dreg:$0x17]  }
0x31a: {  	s12 =	rddreg [dreg:$0xb];
	[sflag:s17] =	ssyncadd.s32 $0xFFFFD900;
	s2 =	sshrl.u32 @!p0 s16, $0x3  }
0x31b: {  	[hbm:s12], [sflag:s0] =	dma.local @!p0 [spmem:s2], $0x100  }
0x31c: {  	s0 =	simm.s32 @!p0 $0x4  }
0x31d: {  	_ =	swait.ge @!p0 [sflag:s0], $0x100  }
0x31e: {  	s2 =	rddreg [dreg:$0x18]  }
0x31f: {  	s13 =	rddreg [dreg:$0xc];
	s12 =	sadd.s32 $0x1, s2  }
0x320: {  	p1 =	sne.s32 s12, s13  }
.Ltmp5:
0x321: {  	_ = 	snop;
	(pc) =	sbr.rel @p1 .LBB2_1-.Ltmp5, $3  }
0x322: {  	_ =	sdelay $0x1  }
0x323: {  	[sflag:s0] =	ssyncset.done @!p0 $0x0  }
0x324: {  	[sflag:s0] =	ssyncadd.s32 @!p0 $0xFFFFFF00  }
0x325: {  	_ =	sfence.sel $0x180000  }
0x326: {  	[bflag:$0x0] =	sbarrier.arrive $0xFFFF  }
0x327: {  	_ =	strace $0x90000047  }
0x328: {  	s0 =	stileid.u32;
	[bflag:$0x2] =	sbarrier.arrive $0xFFFF  }
0x329: {  	p0 =	sne.s32 s0, $0x0;
	s0 =	rddreg [dreg:$0x2]  }
0x32a: {  	s0 =	sadd.s32 @!p0 $0x100000, s0  }
0x32b: {  	[sflag:s0] =	ssyncadd.tile.s32 @!p0 $0x1;
	_ =	shalt  }
.Lfunc_end2:
_tile_overlayer_lowered:
.L_overlay_start_2:
0x32c: {  	(tag) =	ssettag $0x2  }
0x32d: {  	s0 =	rddreg [dreg:$0x0];
	s2 =	stileid.u32  }
0x32e: {  	s1 =	rddreg [dreg:$0x1];
	p0 =	sne.s32 s2, $0x0  }
0x32f: {  	s3 =	rddreg [dreg:$0x2];
	[bflag:$0x3] =	sbarrier.arrive $0xFFFF;
	s2 =	simm.s32 @!p0 $0x1C04  }
0x330: {  	[timem:s3], [sflag:s2] =	dma.local @!p0 [hbm:s0], s1  }
0x331: {  	s0 =	simm.s32 @!p0 $0x4  }
0x332: {  	_ =	swait.ge @!p0 [sflag:s0], s1  }
0x333: {  	s1 =	ssub.s32 @!p0 $0x0, s1;
	[sflag:s0] =	ssyncset.done @!p0 $0x0  }
0x334: {  	[sflag:s0] =	ssyncadd.s32 @!p0 s1  }
0x335: {  	[bflag:$0x3] =	sbarrier.arrive $0xFFFF  }
0x336: {  	_ =	shalt  }

</sc_bundles>
